<compile_context>
chip_gen: v7x
topology: tpu7x:2x2x1
jax: 0.10.2.dev20260603
libtpu: 0.0.44.dev20260713+nightly
codegen_flags: <defaults>
</compile_context>

<pallas_src>
import functools

import jax
import jax.numpy as jnp
from jax import lax
from jax.experimental import pallas as pl
from jax.experimental.pallas import tpu as pltpu
from jax.experimental.pallas import tpu_sc as plsc

N = 10000
E = 320000
H = 128
NF = 9
V = 64
G = 256

NC = 2
NS = 16
NW = NC * NS

CHUNK = 128
CH_PER_W = 80
SLAB = 40
EPW = CHUNK * CH_PER_W
E_PAD = NW * EPW
NP = 10240
RPT = NP // NS
IC = 128
GPT = G // NS
PC = 80
PNCH = N // PC

_mesh = plsc.VectorSubcoreMesh(core_axis_name="c", subcore_axis_name="s")


def _zero_rows(buf, nrows, ncol16):
    z16 = jnp.zeros((16,), jnp.float32)
    def body(r, _):
        for k in range(ncol16):
            buf[r, pl.ds(k * 16, 16)] = z16
        return 0
    lax.fori_loop(0, nrows, body, 0)


def _fill_ones(buf, nrows, ncol16):
    o16 = jnp.ones((16,), jnp.float32)
    def body(r, _):
        for k in range(ncol16):
            buf[r, pl.ds(k * 16, 16)] = o16
        return 0
    lax.fori_loop(0, nrows, body, 0)


@functools.partial(
    pl.kernel,
    out_type=jax.ShapeDtypeStruct((NC, NP, H), jnp.float32),
    mesh=_mesh,
    scratch_types=[
        pltpu.VMEM((CHUNK,), jnp.int32),
        pltpu.VMEM((CHUNK, H), jnp.float32),
        pltpu.VMEM_SHARED((NP, H), jnp.float32),
    ],
)
def _deg_pass(dst_hbm, deg_hbm, didx, obuf, deg2d):
    c = lax.axis_index("c")
    s = lax.axis_index("s")
    wid = c * NS + s

    _zero_rows(obuf, IC, H // 16)
    for j in range(RPT // IC):
        pltpu.sync_copy(obuf.at[pl.ds(0, IC)],
                        deg2d.at[pl.ds(s * RPT + j * IC, IC)])
    _fill_ones(obuf, CHUNK, H // 16)
    plsc.subcore_barrier()

    base0 = wid * EPW

    def chunk(i, _):
        eb = pl.multiple_of(base0 + i * CHUNK, CHUNK)
        pltpu.sync_copy(dst_hbm.at[pl.ds(eb, CHUNK)], didx)
        pltpu.sync_copy(obuf, deg2d.at[didx], add=True)
        return 0

    lax.fori_loop(0, CH_PER_W, chunk, 0)
    plsc.subcore_barrier()

    rb = s * RPT
    pltpu.sync_copy(deg2d.at[pl.ds(rb, RPT)], deg_hbm.at[c, pl.ds(rb, RPT)])


@functools.partial(
    pl.kernel,
    out_type=jax.ShapeDtypeStruct((NC, NP, H), jnp.float32),
    mesh=_mesh,
    scratch_types=[
        pltpu.VMEM((SLAB, CHUNK), jnp.int32),
        pltpu.VMEM((SLAB, CHUNK), jnp.int32),
        pltpu.VMEM((CHUNK, H), jnp.float32),
        pltpu.VMEM((CHUNK, H), jnp.float32),
        pltpu.VMEM_SHARED((NP, H), jnp.float32),
        pltpu.SemaphoreType.DMA,
        pltpu.SemaphoreType.DMA,
    ],
)
def _conv_pass(src_hbm, dst_hbm, hs_hbm, out_hbm, sidx2, didx2, rows_a, rows_b,
               acc, sem0, sem1):
    c = lax.axis_index("c")
    s = lax.axis_index("s")
    wid = c * NS + s

    pltpu.async_copy(src_hbm.at[wid, pl.ds(0, SLAB)], sidx2, sem0)
    pltpu.async_copy(dst_hbm.at[wid, pl.ds(0, SLAB)], didx2, sem1)

    _zero_rows(rows_a, CHUNK, H // 16)
    pltpu.make_async_copy(src_hbm.at[wid, pl.ds(0, SLAB)], sidx2, sem0).wait()
    pltpu.async_copy(hs_hbm.at[sidx2.at[0]], rows_b, sem0)
    for j in range(RPT // IC):
        pltpu.sync_copy(rows_a,
                        acc.at[pl.ds(s * RPT + j * IC, IC)])
    pltpu.make_async_copy(dst_hbm.at[wid, pl.ds(0, SLAB)], didx2, sem1).wait()
    plsc.subcore_barrier()

    sems = (sem0, sem1)
    bufs = (rows_b, rows_a)

    for half in range(CH_PER_W // SLAB):
        if half > 0:
            hb = pl.multiple_of(half * SLAB, 8)
            pltpu.sync_copy(src_hbm.at[wid, pl.ds(hb, SLAB)], sidx2)
            pltpu.sync_copy(dst_hbm.at[wid, pl.ds(hb, SLAB)], didx2)
            pltpu.async_copy(hs_hbm.at[sidx2.at[0]], bufs[0], sems[0])

        def outer(j, _):
            for b in range(2):
                ch = 2 * j + b
                @pl.when(ch < SLAB - 1)
                def _():
                    pltpu.async_copy(hs_hbm.at[sidx2.at[ch + 1]],
                                     bufs[1 - b], sems[1 - b])
                pltpu.make_async_copy(hs_hbm.at[sidx2.at[ch]],
                                      bufs[b], sems[b]).wait()
                pltpu.sync_copy(bufs[b], acc.at[didx2.at[ch]], add=True)
            return 0

        lax.fori_loop(0, SLAB // 2, outer, 0)

    plsc.subcore_barrier()

    rb = s * RPT
    pltpu.sync_copy(acc.at[pl.ds(rb, RPT)], out_hbm.at[c, pl.ds(rb, RPT)])


@functools.partial(
    pl.kernel,
    out_type=(jax.ShapeDtypeStruct((G, H), jnp.float32),
              jax.ShapeDtypeStruct((G, H), jnp.float32)),
    mesh=_mesh,
    scratch_types=[
        pltpu.VMEM((PC,), jnp.int32),
        pltpu.VMEM((PC, H), jnp.float32),
        pltpu.VMEM((PC, H), jnp.float32),
        pltpu.VMEM_SHARED((G, H), jnp.float32),
        pltpu.VMEM_SHARED((G, H), jnp.float32),
    ],
)
def _pool_pass(h_hbm, batch_hbm, pooled_hbm, counts_hbm,
               bidx, prow, cbuf, pooled2d, counts2d):
    c = lax.axis_index("c")
    s = lax.axis_index("s")
    nch = (PNCH - s + NS - 1) // NS

    @pl.when(c == 0)
    def _():
        _zero_rows(prow, GPT, H // 16)
        pltpu.sync_copy(prow.at[pl.ds(0, GPT)],
                        pooled2d.at[pl.ds(s * GPT, GPT)])
        plsc.subcore_barrier()

        def chunk(j, _):
            eb = pl.multiple_of((s + j * NS) * PC, PC)
            pltpu.sync_copy(batch_hbm.at[pl.ds(eb, PC)], bidx)
            pltpu.sync_copy(h_hbm.at[pl.ds(eb, PC)], prow)
            pltpu.sync_copy(prow, pooled2d.at[bidx], add=True)
            return 0

        lax.fori_loop(0, nch, chunk, 0)
        plsc.subcore_barrier()
        pltpu.sync_copy(pooled2d.at[pl.ds(s * GPT, GPT)],
                        pooled_hbm.at[pl.ds(s * GPT, GPT)])

    @pl.when(c == 1)
    def _():
        _zero_rows(cbuf, GPT, H // 16)
        pltpu.sync_copy(cbuf.at[pl.ds(0, GPT)],
                        counts2d.at[pl.ds(s * GPT, GPT)])
        _fill_ones(cbuf, PC, H // 16)
        plsc.subcore_barrier()

        def chunk(j, _):
            eb = pl.multiple_of((s + j * NS) * PC, PC)
            pltpu.sync_copy(batch_hbm.at[pl.ds(eb, PC)], bidx)
            pltpu.sync_copy(cbuf, counts2d.at[bidx], add=True)
            return 0

        lax.fori_loop(0, nch, chunk, 0)
        plsc.subcore_barrier()
        pltpu.sync_copy(counts2d.at[pl.ds(s * GPT, GPT)],
                        counts_hbm.at[pl.ds(s * GPT, GPT)])


BLK = 2000


def _dinv_blk(d0_ref, d1_ref):
    deg = d0_ref[0, :, 0:1] + d1_ref[0, :, 0:1] + 1.0
    return lax.rsqrt(deg)


def _embed_body(x_ref, tab_ref, w_ref, out_ref):
    h = jnp.zeros((BLK, H), jnp.float32)
    for f in range(NF):
        xf = x_ref[:, f:f + 1]
        oh = (xf == lax.broadcasted_iota(jnp.int32, (BLK, V), 1))
        h = h + jnp.dot(oh.astype(jnp.float32), tab_ref[f],
                        preferred_element_type=jnp.float32)
    out_ref[...] = jnp.dot(h, w_ref[...],
                           preferred_element_type=jnp.float32)


def _scale_body(hw_ref, d0_ref, d1_ref, out_ref):
    out_ref[...] = hw_ref[...] * _dinv_blk(d0_ref, d1_ref)


def _tcl_body(p0_ref, p1_ref, hs_ref, d0_ref, d1_ref, b_ref, w_ref, out_ref,
              *, relu):
    dinv = _dinv_blk(d0_ref, d1_ref)
    t = (p0_ref[0] + p1_ref[0] + hs_ref[...]) * dinv + b_ref[...]
    if relu:
        t = jnp.maximum(t, 0.0)
    out_ref[...] = jnp.dot(t, w_ref[...],
                           preferred_element_type=jnp.float32) * dinv


def _tc3_body(p0_ref, p1_ref, hs_ref, d0_ref, d1_ref, b_ref, out_ref):
    dinv = _dinv_blk(d0_ref, d1_ref)
    out_ref[...] = (p0_ref[0] + p1_ref[0] + hs_ref[...]) * dinv + b_ref[...]


def _tc4_body(pp_ref, cc_ref, lw_ref, lb_ref, out_ref):
    cnt = jnp.maximum(cc_ref[:, 0:1], 1.0)
    pooled = pp_ref[...] / cnt
    logit = jnp.sum(pooled * lw_ref[...], axis=1, keepdims=True) + lb_ref[0, 0]
    out_ref[...] = jax.nn.sigmoid(logit)


_row_spec = pl.BlockSpec((BLK, H), lambda i: (i, 0))
_part0_spec = pl.BlockSpec((1, BLK, H), lambda i: (0, i, 0))
_part1_spec = pl.BlockSpec((1, BLK, H), lambda i: (1, i, 0))
_deg0_spec = pl.BlockSpec((1, BLK, H), lambda i: (0, i, 0))
_deg1_spec = pl.BlockSpec((1, BLK, H), lambda i: (1, i, 0))
_w_spec = pl.BlockSpec((H, H), lambda i: (0, 0))
_b_spec = pl.BlockSpec((1, H), lambda i: (0, 0))
_node_out = jax.ShapeDtypeStruct((N, H), jnp.float32)


def _tc_embed(x, tables, W1):
    return pl.pallas_call(
        _embed_body,
        grid=(N // BLK,),
        in_specs=[
            pl.BlockSpec((BLK, NF), lambda i: (i, 0)),
            pl.BlockSpec((NF, V, H), lambda i: (0, 0, 0)),
            _w_spec,
        ],
        out_specs=_row_spec,
        out_shape=_node_out,
    )(x, tables, W1)


def _tc_scale(hw, deg):
    return pl.pallas_call(
        _scale_body,
        grid=(N // BLK,),
        in_specs=[_row_spec, _deg0_spec, _deg1_spec],
        out_specs=_row_spec,
        out_shape=_node_out,
    )(hw, deg, deg)


def _tcl(parts, hs, deg, b, Wn, relu):
    return pl.pallas_call(
        functools.partial(_tcl_body, relu=relu),
        grid=(N // BLK,),
        in_specs=[_part0_spec, _part1_spec, _row_spec, _deg0_spec, _deg1_spec,
                  _b_spec, _w_spec],
        out_specs=_row_spec,
        out_shape=_node_out,
    )(parts, parts, hs, deg, deg, b.reshape(1, H), Wn)


def _tc3(parts, hs, deg, b):
    return pl.pallas_call(
        _tc3_body,
        grid=(N // BLK,),
        in_specs=[_part0_spec, _part1_spec, _row_spec, _deg0_spec, _deg1_spec,
                  _b_spec],
        out_specs=_row_spec,
        out_shape=_node_out,
    )(parts, parts, hs, deg, deg, b.reshape(1, H))


def _tc4(pooled, counts, lin_w, lin_b):
    return pl.pallas_call(
        _tc4_body,
        in_specs=[
            pl.BlockSpec((G, H), lambda: (0, 0)),
            pl.BlockSpec((G, H), lambda: (0, 0)),
            pl.BlockSpec((1, H), lambda: (0, 0)),
            pl.BlockSpec((1, 1), lambda: (0, 0)),
        ],
        out_specs=pl.BlockSpec((G, 1), lambda: (0, 0)),
        out_shape=jax.ShapeDtypeStruct((G, 1), jnp.float32),
    )(pooled, counts, lin_w.reshape(1, H), lin_b.reshape(1, 1))


def kernel(x, edge_index, batch, tables, W1, b1, W2, b2, W3, b3, lin_w, lin_b):
    src = edge_index[0].astype(jnp.int32)
    dst = edge_index[1].astype(jnp.int32)
    npad = E_PAD - E
    src_pad = jnp.concatenate(
        [src, jnp.arange(npad, dtype=jnp.int32) * 37 % N])
    dst_pad = jnp.concatenate(
        [dst, N + jnp.arange(npad, dtype=jnp.int32) % (NP - N)])
    src3 = src_pad.reshape(NW, CH_PER_W, CHUNK)
    dst3 = dst_pad.reshape(NW, CH_PER_W, CHUNK)

    deg = _deg_pass(dst_pad)
    hw1 = _tc_embed(x.astype(jnp.int32), tables, W1)

    hs1 = _tc_scale(hw1, deg)
    parts = _conv_pass(src3, dst3, hs1)
    hs2 = _tcl(parts, hs1, deg, b1, W2, relu=True)
    parts = _conv_pass(src3, dst3, hs2)
    hs3 = _tcl(parts, hs2, deg, b2, W3, relu=True)
    parts = _conv_pass(src3, dst3, hs3)
    h_out = _tc3(parts, hs3, deg, b3)

    pooled, counts = _pool_pass(h_out, batch.astype(jnp.int32))
    return _tc4(pooled, counts, lin_w, lin_b)

# --- scband reference (transcript-rebuilt; emitter-appended) ---
"""Pipeline reference for scband-gnn-25305947308618 (READ-ONLY COPY).

The authoritative reference and input builder live on the scoring server;
editing this copy changes nothing except your own understanding.
"""

import jax, jax.numpy as jnp
import numpy as np

N = 10000   # nodes
E = 320000  # edges
H = 128     # hidden_size
NF = 9      # atom feature columns (OGB AtomEncoder style)
V = 64      # per-feature vocab
G = 256     # graphs in batch


def setup_inputs(seed: int = 0) -> dict:
    key = jax.random.key(seed)
    ks = jax.random.split(key, 12)
    x = jax.random.randint(ks[0], (N, NF), 0, V)
    edge_index = jax.random.randint(ks[1], (2, E), 0, N)
    batch = jnp.sort(jax.random.randint(ks[2], (N,), 0, G))
    tables = jax.random.normal(ks[3], (NF, V, H), dtype=jnp.float32) * 0.02
    s = 1.0 / np.sqrt(H)
    W1 = jax.random.normal(ks[4], (H, H), dtype=jnp.float32) * s
    b1 = jnp.zeros((H,), jnp.float32)
    W2 = jax.random.normal(ks[5], (H, H), dtype=jnp.float32) * s
    b2 = jnp.zeros((H,), jnp.float32)
    W3 = jax.random.normal(ks[6], (H, H), dtype=jnp.float32) * s
    b3 = jnp.zeros((H,), jnp.float32)
    lin_w = jax.random.normal(ks[7], (H, 1), dtype=jnp.float32) * s
    lin_b = jnp.zeros((1,), jnp.float32)
    return {"x": x, "edge_index": edge_index, "batch": batch,
            "tables": tables, "W1": W1, "b1": b1, "W2": W2, "b2": b2,
            "W3": W3, "b3": b3, "lin_w": lin_w, "lin_b": lin_b}


def _gcn_conv(h, edge_index, W, b):
    # PyG GCNConv: linear transform, add self-loops, symmetric normalization, scatter-add
    h = h @ W
    loop = jnp.arange(N)
    src = jnp.concatenate([edge_index[0], loop])
    dst = jnp.concatenate([edge_index[1], loop])
    w = jnp.ones(src.shape[0], jnp.float32)  # edge_weight=None -> ones
    deg = jax.ops.segment_sum(w, dst, num_segments=N)
    dinv = jnp.where(deg > 0, jax.lax.rsqrt(deg), 0.0)
    norm = dinv[src] * w * dinv[dst]
    msg = h[src] * norm[:, None]
    out = jax.ops.segment_sum(msg, dst, num_segments=N)
    return out + b


def reference(x, edge_index, batch, tables, W1, b1, W2, b2, W3, b3, lin_w, lin_b):
    # AtomEncoder: sum of per-feature embedding lookups
    h = jnp.sum(tables[jnp.arange(NF)[None, :], x], axis=1)  # [N, H]
    h = jax.nn.relu(_gcn_conv(h, edge_index, W1, b1))
    h = jax.nn.relu(_gcn_conv(h, edge_index, W2, b2))
    h = _gcn_conv(h, edge_index, W3, b3)
    # dropout(p=0.2) is identity in eval mode
    counts = jax.ops.segment_sum(jnp.ones((N,), jnp.float32), batch, num_segments=G)
    summed = jax.ops.segment_sum(h, batch, num_segments=G)
    pooled = summed / jnp.maximum(counts, 1.0)[:, None]
    return jax.nn.sigmoid(pooled @ lin_w + lin_b)

if __name__ == "__main__":
    import jax
    _d = setup_inputs()
    print(jax.jit(kernel)(*tuple(_d.values())))

</pallas_src>

<mosaic_0001>
#map = affine_map<(d0, d1) -> (0, 0, 0)>
#map1 = affine_map<(d0, d1) -> (0, 0)>
module attributes {stable_mosaic.version = 14 : i64} {
  func.func @_conv_pass(%arg0: i32, %arg1: i32, %arg2: memref<32x80x128xi32, #tpu.memory_space<hbm>>, %arg3: memref<32x80x128xi32, #tpu.memory_space<hbm>>, %arg4: memref<10000x128xf32, #tpu.memory_space<hbm>>, %arg5: memref<2x10240x128xf32, #tpu.memory_space<hbm>>, %arg6: memref<40x128xi32, #tpu.memory_space<vmem>>, %arg7: memref<40x128xi32, #tpu.memory_space<vmem>>, %arg8: memref<128x128xf32, #tpu.memory_space<vmem>>, %arg9: memref<128x128xf32, #tpu.memory_space<vmem>>, %arg10: memref<10240x128xf32, #tpu.memory_space<vmem_shared>>, %arg11: memref<!tpu.dma_semaphore, #tpu.memory_space<semaphore_mem>>, %arg12: memref<!tpu.dma_semaphore, #tpu.memory_space<semaphore_mem>>) attributes {dimension_semantics = [#tpu.dimension_semantics<core_parallel>, #tpu.dimension_semantics<subcore_parallel>], iteration_bounds = array<i64: 2, 16>, scalar_prefetch = 0 : i64, scratch_operands = 7 : i64, tpu.core_type = #tpu.core_type<sc_vector_subcore>, window_params = [{transform_indices = #map}, {transform_indices = #map}, {transform_indices = #map1}, {transform_indices = #map}]} {
    %mul3A = arith.constant 16 : i32
    %mul3A_0 = arith.muli %arg0, %mul3A : i32
    %add3A = arith.addi %mul3A_0, %arg1 : i32
    %dma_start3A = arith.constant 0 : i32
    %dma_start3A_1 = arith.constant 0 : i32
    %dma_start3A_2 = tpu.memref_slice %arg2[%add3A, %dma_start3A, %dma_start3A_1] : memref<32x80x128xi32, #tpu.memory_space<hbm>> -> memref<1x40x128xi32, #tpu.memory_space<hbm>>
    %dma_start3A_3 = tpu.memref_squeeze %dma_start3A_2 : memref<1x40x128xi32, #tpu.memory_space<hbm>> -> memref<40x128xi32, #tpu.memory_space<hbm>>
    %dma_start3A_4 = arith.constant 0 : i32
    %dma_start3A_5 = arith.constant 0 : i32
    %dma_start3A_6 = tpu.memref_slice %arg2[%add3A, %dma_start3A_4, %dma_start3A_5] : memref<32x80x128xi32, #tpu.memory_space<hbm>> -> memref<1x40x128xi32, #tpu.memory_space<hbm>>
    %dma_start3A_7 = tpu.memref_squeeze %dma_start3A_6 : memref<1x40x128xi32, #tpu.memory_space<hbm>> -> memref<40x128xi32, #tpu.memory_space<hbm>>
    tpu.enqueue_dma source(%dma_start3A_7 : memref<40x128xi32, #tpu.memory_space<hbm>>) target(%arg6 : memref<40x128xi32, #tpu.memory_space<vmem>>) target_semaphore(%arg11 : memref<!tpu.dma_semaphore, #tpu.memory_space<semaphore_mem>>)
    %dma_start3A_8 = arith.constant 0 : i32
    %dma_start3A_9 = arith.constant 0 : i32
    %dma_start3A_10 = tpu.memref_slice %arg3[%add3A, %dma_start3A_8, %dma_start3A_9] : memref<32x80x128xi32, #tpu.memory_space<hbm>> -> memref<1x40x128xi32, #tpu.memory_space<hbm>>
    %dma_start3A_11 = tpu.memref_squeeze %dma_start3A_10 : memref<1x40x128xi32, #tpu.memory_space<hbm>> -> memref<40x128xi32, #tpu.memory_space<hbm>>
    %dma_start3A_12 = arith.constant 0 : i32
    %dma_start3A_13 = arith.constant 0 : i32
    %dma_start3A_14 = tpu.memref_slice %arg3[%add3A, %dma_start3A_12, %dma_start3A_13] : memref<32x80x128xi32, #tpu.memory_space<hbm>> -> memref<1x40x128xi32, #tpu.memory_space<hbm>>
    %dma_start3A_15 = tpu.memref_squeeze %dma_start3A_14 : memref<1x40x128xi32, #tpu.memory_space<hbm>> -> memref<40x128xi32, #tpu.memory_space<hbm>>
    tpu.enqueue_dma source(%dma_start3A_15 : memref<40x128xi32, #tpu.memory_space<hbm>>) target(%arg7 : memref<40x128xi32, #tpu.memory_space<vmem>>) target_semaphore(%arg12 : memref<!tpu.dma_semaphore, #tpu.memory_space<semaphore_mem>>)
    %broadcast_in_dim3A = arith.constant 0.000000e+00 : f32
    %broadcast_in_dim3A_16 = vector.broadcast %broadcast_in_dim3A : f32 to vector<16xf32>
    %scan3A = arith.constant 0 : i32
    %scan3A_17 = arith.constant 0 : i32
    %scan3A_18 = arith.constant 128 : i32
    %scan3A_19 = arith.addi %scan3A_17, %scan3A_18 : i32
    %scan3A_20 = arith.constant 1 : i32
    %scan3A_21 = scf.for %scan3A_90 = %scan3A_17 to %scan3A_19 step %scan3A_20 iter_args(%scan3A_91 = %scan3A) -> (i32)  : i32 {
      %swap3A = arith.index_cast %scan3A_90 : i32 to index
      %swap3A_92 = arith.constant 0 : index
      %swap3A_93 = tpu.vector_load %arg8[%swap3A, %swap3A_92] {strides = array<i32>} : memref<128x128xf32, #tpu.memory_space<vmem>>, vector<1x16xf32>,
      %swap3A_94 = vector.shape_cast %swap3A_93 : vector<1x16xf32> to vector<16xf32>
      %swap3A_95 = vector.shape_cast %broadcast_in_dim3A_16 : vector<16xf32> to vector<1x16xf32>
      tpu.vector_store %arg8[%swap3A, %swap3A_92], %swap3A_95 {strides = array<i32>} : memref<128x128xf32, #tpu.memory_space<vmem>>, vector<1x16xf32>,
      %swap3A_96 = arith.index_cast %scan3A_90 : i32 to index
      %swap3A_97 = arith.constant 16 : index
      %swap3A_98 = tpu.vector_load %arg8[%swap3A_96, %swap3A_97] {strides = array<i32>} : memref<128x128xf32, #tpu.memory_space<vmem>>, vector<1x16xf32>,
      %swap3A_99 = vector.shape_cast %swap3A_98 : vector<1x16xf32> to vector<16xf32>
      %swap3A_100 = vector.shape_cast %broadcast_in_dim3A_16 : vector<16xf32> to vector<1x16xf32>
      tpu.vector_store %arg8[%swap3A_96, %swap3A_97], %swap3A_100 {strides = array<i32>} : memref<128x128xf32, #tpu.memory_space<vmem>>, vector<1x16xf32>,
      %swap3A_101 = arith.index_cast %scan3A_90 : i32 to index
      %swap3A_102 = arith.constant 32 : index
      %swap3A_103 = tpu.vector_load %arg8[%swap3A_101, %swap3A_102] {strides = array<i32>} : memref<128x128xf32, #tpu.memory_space<vmem>>, vector<1x16xf32>,
      %swap3A_104 = vector.shape_cast %swap3A_103 : vector<1x16xf32> to vector<16xf32>
      %swap3A_105 = vector.shape_cast %broadcast_in_dim3A_16 : vector<16xf32> to vector<1x16xf32>
      tpu.vector_store %arg8[%swap3A_101, %swap3A_102], %swap3A_105 {strides = array<i32>} : memref<128x128xf32, #tpu.memory_space<vmem>>, vector<1x16xf32>,
      %swap3A_106 = arith.index_cast %scan3A_90 : i32 to index
      %swap3A_107 = arith.constant 48 : index
      %swap3A_108 = tpu.vector_load %arg8[%swap3A_106, %swap3A_107] {strides = array<i32>} : memref<128x128xf32, #tpu.memory_space<vmem>>, vector<1x16xf32>,
      %swap3A_109 = vector.shape_cast %swap3A_108 : vector<1x16xf32> to vector<16xf32>
      %swap3A_110 = vector.shape_cast %broadcast_in_dim3A_16 : vector<16xf32> to vector<1x16xf32>
      tpu.vector_store %arg8[%swap3A_106, %swap3A_107], %swap3A_110 {strides = array<i32>} : memref<128x128xf32, #tpu.memory_space<vmem>>, vector<1x16xf32>,
      %swap3A_111 = arith.index_cast %scan3A_90 : i32 to index
      %swap3A_112 = arith.constant 64 : index
      %swap3A_113 = tpu.vector_load %arg8[%swap3A_111, %swap3A_112] {strides = array<i32>} : memref<128x128xf32, #tpu.memory_space<vmem>>, vector<1x16xf32>,
      %swap3A_114 = vector.shape_cast %swap3A_113 : vector<1x16xf32> to vector<16xf32>
      %swap3A_115 = vector.shape_cast %broadcast_in_dim3A_16 : vector<16xf32> to vector<1x16xf32>
      tpu.vector_store %arg8[%swap3A_111, %swap3A_112], %swap3A_115 {strides = array<i32>} : memref<128x128xf32, #tpu.memory_space<vmem>>, vector<1x16xf32>,
      %swap3A_116 = arith.index_cast %scan3A_90 : i32 to index
      %swap3A_117 = arith.constant 80 : index
      %swap3A_118 = tpu.vector_load %arg8[%swap3A_116, %swap3A_117] {strides = array<i32>} : memref<128x128xf32, #tpu.memory_space<vmem>>, vector<1x16xf32>,
      %swap3A_119 = vector.shape_cast %swap3A_118 : vector<1x16xf32> to vector<16xf32>
      %swap3A_120 = vector.shape_cast %broadcast_in_dim3A_16 : vector<16xf32> to vector<1x16xf32>
      tpu.vector_store %arg8[%swap3A_116, %swap3A_117], %swap3A_120 {strides = array<i32>} : memref<128x128xf32, #tpu.memory_space<vmem>>, vector<1x16xf32>,
      %swap3A_121 = arith.index_cast %scan3A_90 : i32 to index
      %swap3A_122 = arith.constant 96 : index
      %swap3A_123 = tpu.vector_load %arg8[%swap3A_121, %swap3A_122] {strides = array<i32>} : memref<128x128xf32, #tpu.memory_space<vmem>>, vector<1x16xf32>,
      %swap3A_124 = vector.shape_cast %swap3A_123 : vector<1x16xf32> to vector<16xf32>
      %swap3A_125 = vector.shape_cast %broadcast_in_dim3A_16 : vector<16xf32> to vector<1x16xf32>
      tpu.vector_store %arg8[%swap3A_121, %swap3A_122], %swap3A_125 {strides = array<i32>} : memref<128x128xf32, #tpu.memory_space<vmem>>, vector<1x16xf32>,
      %swap3A_126 = arith.index_cast %scan3A_90 : i32 to index
      %swap3A_127 = arith.constant 112 : index
      %swap3A_128 = tpu.vector_load %arg8[%swap3A_126, %swap3A_127] {strides = array<i32>} : memref<128x128xf32, #tpu.memory_space<vmem>>, vector<1x16xf32>,
      %swap3A_129 = vector.shape_cast %swap3A_128 : vector<1x16xf32> to vector<16xf32>
      %swap3A_130 = vector.shape_cast %broadcast_in_dim3A_16 : vector<16xf32> to vector<1x16xf32>
      tpu.vector_store %arg8[%swap3A_126, %swap3A_127], %swap3A_130 {strides = array<i32>} : memref<128x128xf32, #tpu.memory_space<vmem>>, vector<1x16xf32>,
      %scan3A_131 = arith.constant 0 : i32
      scf.yield %scan3A_131 : i32
    }
    %scan3A_22 = arith.constant 128 : i32
    %dma_wait3A = arith.constant 0 : i32
    %dma_wait3A_23 = arith.constant 0 : i32
    %dma_wait3A_24 = tpu.memref_slice %arg2[%add3A, %dma_wait3A, %dma_wait3A_23] : memref<32x80x128xi32, #tpu.memory_space<hbm>> -> memref<1x40x128xi32, #tpu.memory_space<hbm>>
    %dma_wait3A_25 = tpu.memref_squeeze %dma_wait3A_24 : memref<1x40x128xi32, #tpu.memory_space<hbm>> -> memref<40x128xi32, #tpu.memory_space<hbm>>
    %dma_wait3A_26 = arith.constant 0 : i32
    %dma_wait3A_27 = arith.constant 0 : i32
    %dma_wait3A_28 = tpu.memref_slice %arg2[%add3A, %dma_wait3A_26, %dma_wait3A_27] : memref<32x80x128xi32, #tpu.memory_space<hbm>> -> memref<1x40x128xi32, #tpu.memory_space<hbm>>
    %dma_wait3A_29 = tpu.memref_squeeze %dma_wait3A_28 : memref<1x40x128xi32, #tpu.memory_space<hbm>> -> memref<40x128xi32, #tpu.memory_space<hbm>>
    tpu.wait_dma2 semaphore(%arg11 : memref<!tpu.dma_semaphore, #tpu.memory_space<semaphore_mem>>) src(%dma_wait3A_29 : memref<40x128xi32, #tpu.memory_space<hbm>>) dst(%arg6 : memref<40x128xi32, #tpu.memory_space<vmem>>)
    %dma_start3A_30 = arith.constant 0 : i32
    %dma_start3A_31 = arith.constant 0 : i32
    %dma_start3A_32 = tpu.memref_slice %arg6[%dma_start3A_30, %dma_start3A_31] : memref<40x128xi32, #tpu.memory_space<vmem>> -> memref<1x128xi32, #tpu.memory_space<vmem>>
    %dma_start3A_33 = tpu.memref_squeeze %dma_start3A_32 : memref<1x128xi32, #tpu.memory_space<vmem>> -> memref<128xi32, #tpu.memory_space<vmem>>
    %dma_start3A_34 = arith.constant 0 : i32
    %dma_start3A_35 = arith.constant 0 : i32
    %dma_start3A_36 = tpu.memref_slice %arg4[%dma_start3A_34, %dma_start3A_35] : memref<10000x128xf32, #tpu.memory_space<hbm>> -> memref<10000x128xf32, #tpu.memory_space<hbm>>
    tpu.enqueue_indirect_dma source(%dma_start3A_36 : memref<10000x128xf32, #tpu.memory_space<hbm>>) target(%arg9 : memref<128x128xf32, #tpu.memory_space<vmem>>) offsets(%dma_start3A_33 : memref<128xi32, #tpu.memory_space<vmem>>) semaphore(%arg11 : memref<!tpu.dma_semaphore, #tpu.memory_space<semaphore_mem>>)
    %mul3A_37 = arith.constant 640 : i32
    %mul3A_38 = arith.muli %arg1, %mul3A_37 : i32
    %add3A_39 = arith.constant 0 : i32
    %add3A_40 = arith.addi %mul3A_38, %add3A_39 : i32
    "tpu.region"() ({
      %run_scoped3A = tpu.sem_alloc : memref<!tpu.dma_semaphore, #tpu.memory_space<semaphore_mem>>
      %dma_start3A_90 = arith.constant 0 : i32
      %dma_start3A_91 = tpu.memref_slice %arg10[%add3A_40, %dma_start3A_90] : memref<10240x128xf32, #tpu.memory_space<vmem_shared>> -> memref<128x128xf32, #tpu.memory_space<vmem_shared>>
      %dma_start3A_92 = arith.constant 0 : i32
      %dma_start3A_93 = tpu.memref_slice %arg10[%add3A_40, %dma_start3A_92] : memref<10240x128xf32, #tpu.memory_space<vmem_shared>> -> memref<128x128xf32, #tpu.memory_space<vmem_shared>>
      tpu.enqueue_dma source(%arg8 : memref<128x128xf32, #tpu.memory_space<vmem>>) target(%dma_start3A_93 : memref<128x128xf32, #tpu.memory_space<vmem_shared>>) target_semaphore(%run_scoped3A : memref<!tpu.dma_semaphore, #tpu.memory_space<semaphore_mem>>)
      %dma_wait3A_94 = arith.constant 0 : i32
      %dma_wait3A_95 = tpu.memref_slice %arg10[%add3A_40, %dma_wait3A_94] : memref<10240x128xf32, #tpu.memory_space<vmem_shared>> -> memref<128x128xf32, #tpu.memory_space<vmem_shared>>
      %dma_wait3A_96 = arith.constant 0 : i32
      %dma_wait3A_97 = tpu.memref_slice %arg10[%add3A_40, %dma_wait3A_96] : memref<10240x128xf32, #tpu.memory_space<vmem_shared>> -> memref<128x128xf32, #tpu.memory_space<vmem_shared>>
      tpu.wait_dma2 semaphore(%run_scoped3A : memref<!tpu.dma_semaphore, #tpu.memory_space<semaphore_mem>>) src(%arg8 : memref<128x128xf32, #tpu.memory_space<vmem>>) dst(%dma_wait3A_97 : memref<128x128xf32, #tpu.memory_space<vmem_shared>>)
      tpu.yield
    }) : () -> ()
    %mul3A_41 = arith.constant 640 : i32
    %mul3A_42 = arith.muli %arg1, %mul3A_41 : i32
    %add3A_43 = arith.constant 128 : i32
    %add3A_44 = arith.addi %mul3A_42, %add3A_43 : i32
    "tpu.region"() ({
      %run_scoped3A = tpu.sem_alloc : memref<!tpu.dma_semaphore, #tpu.memory_space<semaphore_mem>>
      %dma_start3A_90 = arith.constant 0 : i32
      %dma_start3A_91 = tpu.memref_slice %arg10[%add3A_44, %dma_start3A_90] : memref<10240x128xf32, #tpu.memory_space<vmem_shared>> -> memref<128x128xf32, #tpu.memory_space<vmem_shared>>
      %dma_start3A_92 = arith.constant 0 : i32
      %dma_start3A_93 = tpu.memref_slice %arg10[%add3A_44, %dma_start3A_92] : memref<10240x128xf32, #tpu.memory_space<vmem_shared>> -> memref<128x128xf32, #tpu.memory_space<vmem_shared>>
      tpu.enqueue_dma source(%arg8 : memref<128x128xf32, #tpu.memory_space<vmem>>) target(%dma_start3A_93 : memref<128x128xf32, #tpu.memory_space<vmem_shared>>) target_semaphore(%run_scoped3A : memref<!tpu.dma_semaphore, #tpu.memory_space<semaphore_mem>>)
      %dma_wait3A_94 = arith.constant 0 : i32
      %dma_wait3A_95 = tpu.memref_slice %arg10[%add3A_44, %dma_wait3A_94] : memref<10240x128xf32, #tpu.memory_space<vmem_shared>> -> memref<128x128xf32, #tpu.memory_space<vmem_shared>>
      %dma_wait3A_96 = arith.constant 0 : i32
      %dma_wait3A_97 = tpu.memref_slice %arg10[%add3A_44, %dma_wait3A_96] : memref<10240x128xf32, #tpu.memory_space<vmem_shared>> -> memref<128x128xf32, #tpu.memory_space<vmem_shared>>
      tpu.wait_dma2 semaphore(%run_scoped3A : memref<!tpu.dma_semaphore, #tpu.memory_space<semaphore_mem>>) src(%arg8 : memref<128x128xf32, #tpu.memory_space<vmem>>) dst(%dma_wait3A_97 : memref<128x128xf32, #tpu.memory_space<vmem_shared>>)
      tpu.yield
    }) : () -> ()
    %mul3A_45 = arith.constant 640 : i32
    %mul3A_46 = arith.muli %arg1, %mul3A_45 : i32
    %add3A_47 = arith.constant 256 : i32
    %add3A_48 = arith.addi %mul3A_46, %add3A_47 : i32
    "tpu.region"() ({
      %run_scoped3A = tpu.sem_alloc : memref<!tpu.dma_semaphore, #tpu.memory_space<semaphore_mem>>
      %dma_start3A_90 = arith.constant 0 : i32
      %dma_start3A_91 = tpu.memref_slice %arg10[%add3A_48, %dma_start3A_90] : memref<10240x128xf32, #tpu.memory_space<vmem_shared>> -> memref<128x128xf32, #tpu.memory_space<vmem_shared>>
      %dma_start3A_92 = arith.constant 0 : i32
      %dma_start3A_93 = tpu.memref_slice %arg10[%add3A_48, %dma_start3A_92] : memref<10240x128xf32, #tpu.memory_space<vmem_shared>> -> memref<128x128xf32, #tpu.memory_space<vmem_shared>>
      tpu.enqueue_dma source(%arg8 : memref<128x128xf32, #tpu.memory_space<vmem>>) target(%dma_start3A_93 : memref<128x128xf32, #tpu.memory_space<vmem_shared>>) target_semaphore(%run_scoped3A : memref<!tpu.dma_semaphore, #tpu.memory_space<semaphore_mem>>)
      %dma_wait3A_94 = arith.constant 0 : i32
      %dma_wait3A_95 = tpu.memref_slice %arg10[%add3A_48, %dma_wait3A_94] : memref<10240x128xf32, #tpu.memory_space<vmem_shared>> -> memref<128x128xf32, #tpu.memory_space<vmem_shared>>
      %dma_wait3A_96 = arith.constant 0 : i32
      %dma_wait3A_97 = tpu.memref_slice %arg10[%add3A_48, %dma_wait3A_96] : memref<10240x128xf32, #tpu.memory_space<vmem_shared>> -> memref<128x128xf32, #tpu.memory_space<vmem_shared>>
      tpu.wait_dma2 semaphore(%run_scoped3A : memref<!tpu.dma_semaphore, #tpu.memory_space<semaphore_mem>>) src(%arg8 : memref<128x128xf32, #tpu.memory_space<vmem>>) dst(%dma_wait3A_97 : memref<128x128xf32, #tpu.memory_space<vmem_shared>>)
      tpu.yield
    }) : () -> ()
    %mul3A_49 = arith.constant 640 : i32
    %mul3A_50 = arith.muli %arg1, %mul3A_49 : i32
    %add3A_51 = arith.constant 384 : i32
    %add3A_52 = arith.addi %mul3A_50, %add3A_51 : i32
    "tpu.region"() ({
      %run_scoped3A = tpu.sem_alloc : memref<!tpu.dma_semaphore, #tpu.memory_space<semaphore_mem>>
      %dma_start3A_90 = arith.constant 0 : i32
      %dma_start3A_91 = tpu.memref_slice %arg10[%add3A_52, %dma_start3A_90] : memref<10240x128xf32, #tpu.memory_space<vmem_shared>> -> memref<128x128xf32, #tpu.memory_space<vmem_shared>>
      %dma_start3A_92 = arith.constant 0 : i32
      %dma_start3A_93 = tpu.memref_slice %arg10[%add3A_52, %dma_start3A_92] : memref<10240x128xf32, #tpu.memory_space<vmem_shared>> -> memref<128x128xf32, #tpu.memory_space<vmem_shared>>
      tpu.enqueue_dma source(%arg8 : memref<128x128xf32, #tpu.memory_space<vmem>>) target(%dma_start3A_93 : memref<128x128xf32, #tpu.memory_space<vmem_shared>>) target_semaphore(%run_scoped3A : memref<!tpu.dma_semaphore, #tpu.memory_space<semaphore_mem>>)
      %dma_wait3A_94 = arith.constant 0 : i32
      %dma_wait3A_95 = tpu.memref_slice %arg10[%add3A_52, %dma_wait3A_94] : memref<10240x128xf32, #tpu.memory_space<vmem_shared>> -> memref<128x128xf32, #tpu.memory_space<vmem_shared>>
      %dma_wait3A_96 = arith.constant 0 : i32
      %dma_wait3A_97 = tpu.memref_slice %arg10[%add3A_52, %dma_wait3A_96] : memref<10240x128xf32, #tpu.memory_space<vmem_shared>> -> memref<128x128xf32, #tpu.memory_space<vmem_shared>>
      tpu.wait_dma2 semaphore(%run_scoped3A : memref<!tpu.dma_semaphore, #tpu.memory_space<semaphore_mem>>) src(%arg8 : memref<128x128xf32, #tpu.memory_space<vmem>>) dst(%dma_wait3A_97 : memref<128x128xf32, #tpu.memory_space<vmem_shared>>)
      tpu.yield
    }) : () -> ()
    %mul3A_53 = arith.constant 640 : i32
    %mul3A_54 = arith.muli %arg1, %mul3A_53 : i32
    %add3A_55 = arith.constant 512 : i32
    %add3A_56 = arith.addi %mul3A_54, %add3A_55 : i32
    "tpu.region"() ({
      %run_scoped3A = tpu.sem_alloc : memref<!tpu.dma_semaphore, #tpu.memory_space<semaphore_mem>>
      %dma_start3A_90 = arith.constant 0 : i32
      %dma_start3A_91 = tpu.memref_slice %arg10[%add3A_56, %dma_start3A_90] : memref<10240x128xf32, #tpu.memory_space<vmem_shared>> -> memref<128x128xf32, #tpu.memory_space<vmem_shared>>
      %dma_start3A_92 = arith.constant 0 : i32
      %dma_start3A_93 = tpu.memref_slice %arg10[%add3A_56, %dma_start3A_92] : memref<10240x128xf32, #tpu.memory_space<vmem_shared>> -> memref<128x128xf32, #tpu.memory_space<vmem_shared>>
      tpu.enqueue_dma source(%arg8 : memref<128x128xf32, #tpu.memory_space<vmem>>) target(%dma_start3A_93 : memref<128x128xf32, #tpu.memory_space<vmem_shared>>) target_semaphore(%run_scoped3A : memref<!tpu.dma_semaphore, #tpu.memory_space<semaphore_mem>>)
      %dma_wait3A_94 = arith.constant 0 : i32
      %dma_wait3A_95 = tpu.memref_slice %arg10[%add3A_56, %dma_wait3A_94] : memref<10240x128xf32, #tpu.memory_space<vmem_shared>> -> memref<128x128xf32, #tpu.memory_space<vmem_shared>>
      %dma_wait3A_96 = arith.constant 0 : i32
      %dma_wait3A_97 = tpu.memref_slice %arg10[%add3A_56, %dma_wait3A_96] : memref<10240x128xf32, #tpu.memory_space<vmem_shared>> -> memref<128x128xf32, #tpu.memory_space<vmem_shared>>
      tpu.wait_dma2 semaphore(%run_scoped3A : memref<!tpu.dma_semaphore, #tpu.memory_space<semaphore_mem>>) src(%arg8 : memref<128x128xf32, #tpu.memory_space<vmem>>) dst(%dma_wait3A_97 : memref<128x128xf32, #tpu.memory_space<vmem_shared>>)
      tpu.yield
    }) : () -> ()
    %dma_wait3A_57 = arith.constant 0 : i32
    %dma_wait3A_58 = arith.constant 0 : i32
    %dma_wait3A_59 = tpu.memref_slice %arg3[%add3A, %dma_wait3A_57, %dma_wait3A_58] : memref<32x80x128xi32, #tpu.memory_space<hbm>> -> memref<1x40x128xi32, #tpu.memory_space<hbm>>
    %dma_wait3A_60 = tpu.memref_squeeze %dma_wait3A_59 : memref<1x40x128xi32, #tpu.memory_space<hbm>> -> memref<40x128xi32, #tpu.memory_space<hbm>>
    %dma_wait3A_61 = arith.constant 0 : i32
    %dma_wait3A_62 = arith.constant 0 : i32
    %dma_wait3A_63 = tpu.memref_slice %arg3[%add3A, %dma_wait3A_61, %dma_wait3A_62] : memref<32x80x128xi32, #tpu.memory_space<hbm>> -> memref<1x40x128xi32, #tpu.memory_space<hbm>>
    %dma_wait3A_64 = tpu.memref_squeeze %dma_wait3A_63 : memref<1x40x128xi32, #tpu.memory_space<hbm>> -> memref<40x128xi32, #tpu.memory_space<hbm>>
    tpu.wait_dma2 semaphore(%arg12 : memref<!tpu.dma_semaphore, #tpu.memory_space<semaphore_mem>>) src(%dma_wait3A_64 : memref<40x128xi32, #tpu.memory_space<hbm>>) dst(%arg7 : memref<40x128xi32, #tpu.memory_space<vmem>>)
    %barrier3A = arith.constant 0 : index
    tpu.barrier barrier_id(%barrier3A)
    %scan3A_65 = arith.constant 0 : i32
    %scan3A_66 = arith.constant 0 : i32
    %scan3A_67 = arith.constant 20 : i32
    %scan3A_68 = arith.addi %scan3A_66, %scan3A_67 : i32
    %scan3A_69 = arith.constant 1 : i32
    %scan3A_70 = scf.for %scan3A_90 = %scan3A_66 to %scan3A_68 step %scan3A_69 iter_args(%scan3A_91 = %scan3A_65) -> (i32)  : i32 {
      %mul3A_92 = arith.constant 2 : i32
      %mul3A_93 = arith.muli %mul3A_92, %scan3A_90 : i32
      %add3A_94 = arith.constant 0 : i32
      %add3A_95 = arith.addi %mul3A_93, %add3A_94 : i32
      %lt3A = arith.constant 39 : i32
      %lt3A_96 = arith.cmpi slt, %add3A_95, %lt3A : i32
      %convert_element_type3A = arith.extui %lt3A_96 : i1 to i32
      %cond3A = arith.constant 0 : i32
      %cond3A_97 = arith.cmpi ne, %convert_element_type3A, %cond3A : i32
      scf.if %cond3A_97 {
        %add3A_120 = arith.constant 1 : i32
        %add3A_121 = arith.addi %add3A_95, %add3A_120 : i32
        %dma_start3A_122 = arith.constant 0 : i32
        %dma_start3A_123 = tpu.memref_slice %arg6[%add3A_121, %dma_start3A_122] : memref<40x128xi32, #tpu.memory_space<vmem>> -> memref<1x128xi32, #tpu.memory_space<vmem>>
        %dma_start3A_124 = tpu.memref_squeeze %dma_start3A_123 : memref<1x128xi32, #tpu.memory_space<vmem>> -> memref<128xi32, #tpu.memory_space<vmem>>
        %dma_start3A_125 = arith.constant 0 : i32
        %dma_start3A_126 = arith.constant 0 : i32
        %dma_start3A_127 = tpu.memref_slice %arg4[%dma_start3A_125, %dma_start3A_126] : memref<10000x128xf32, #tpu.memory_space<hbm>> -> memref<10000x128xf32, #tpu.memory_space<hbm>>
        tpu.enqueue_indirect_dma source(%dma_start3A_127 : memref<10000x128xf32, #tpu.memory_space<hbm>>) target(%arg8 : memref<128x128xf32, #tpu.memory_space<vmem>>) offsets(%dma_start3A_124 : memref<128xi32, #tpu.memory_space<vmem>>) semaphore(%arg12 : memref<!tpu.dma_semaphore, #tpu.memory_space<semaphore_mem>>)
      } else {
      }
      %dma_wait3A_98 = arith.constant 0 : i32
      %dma_wait3A_99 = tpu.memref_slice %arg6[%add3A_95, %dma_wait3A_98] : memref<40x128xi32, #tpu.memory_space<vmem>> -> memref<1x128xi32, #tpu.memory_space<vmem>>
      %dma_wait3A_100 = tpu.memref_squeeze %dma_wait3A_99 : memref<1x128xi32, #tpu.memory_space<vmem>> -> memref<128xi32, #tpu.memory_space<vmem>>
      %dma_wait3A_101 = arith.constant 0 : i32
      %dma_wait3A_102 = arith.constant 0 : i32
      %dma_wait3A_103 = tpu.memref_slice %arg4[%dma_wait3A_101, %dma_wait3A_102] : memref<10000x128xf32, #tpu.memory_space<hbm>> -> memref<10000x128xf32, #tpu.memory_space<hbm>>
      tpu.wait_indirect_dma semaphore(%arg11 : memref<!tpu.dma_semaphore, #tpu.memory_space<semaphore_mem>>) src(%dma_wait3A_103 : memref<10000x128xf32, #tpu.memory_space<hbm>>) dst(%arg9 : memref<128x128xf32, #tpu.memory_space<vmem>>)
      "tpu.region"() ({
        %run_scoped3A = tpu.sem_alloc : memref<!tpu.dma_semaphore, #tpu.memory_space<semaphore_mem>>
        %dma_start3A_120 = arith.constant 0 : i32
        %dma_start3A_121 = tpu.memref_slice %arg7[%add3A_95, %dma_start3A_120] : memref<40x128xi32, #tpu.memory_space<vmem>> -> memref<1x128xi32, #tpu.memory_space<vmem>>
        %dma_start3A_122 = tpu.memref_squeeze %dma_start3A_121 : memref<1x128xi32, #tpu.memory_space<vmem>> -> memref<128xi32, #tpu.memory_space<vmem>>
        %dma_start3A_123 = arith.constant 0 : i32
        %dma_start3A_124 = arith.constant 0 : i32
        %dma_start3A_125 = tpu.memref_slice %arg10[%dma_start3A_123, %dma_start3A_124] : memref<10240x128xf32, #tpu.memory_space<vmem_shared>> -> memref<10240x128xf32, #tpu.memory_space<vmem_shared>>
        tpu.enqueue_indirect_dma source(%arg9 : memref<128x128xf32, #tpu.memory_space<vmem>>) target(%dma_start3A_125 : memref<10240x128xf32, #tpu.memory_space<vmem_shared>>) offsets(%dma_start3A_122 : memref<128xi32, #tpu.memory_space<vmem>>) semaphore(%run_scoped3A : memref<!tpu.dma_semaphore, #tpu.memory_space<semaphore_mem>>) {add = true}
        %dma_wait3A_126 = arith.constant 0 : i32
        %dma_wait3A_127 = tpu.memref_slice %arg7[%add3A_95, %dma_wait3A_126] : memref<40x128xi32, #tpu.memory_space<vmem>> -> memref<1x128xi32, #tpu.memory_space<vmem>>
        %dma_wait3A_128 = tpu.memref_squeeze %dma_wait3A_127 : memref<1x128xi32, #tpu.memory_space<vmem>> -> memref<128xi32, #tpu.memory_space<vmem>>
        %dma_wait3A_129 = arith.constant 0 : i32
        %dma_wait3A_130 = arith.constant 0 : i32
        %dma_wait3A_131 = tpu.memref_slice %arg10[%dma_wait3A_129, %dma_wait3A_130] : memref<10240x128xf32, #tpu.memory_space<vmem_shared>> -> memref<10240x128xf32, #tpu.memory_space<vmem_shared>>
        tpu.wait_indirect_dma semaphore(%run_scoped3A : memref<!tpu.dma_semaphore, #tpu.memory_space<semaphore_mem>>) src(%arg9 : memref<128x128xf32, #tpu.memory_space<vmem>>) dst(%dma_wait3A_131 : memref<10240x128xf32, #tpu.memory_space<vmem_shared>>)
        tpu.yield
      }) : () -> ()
      %mul3A_104 = arith.constant 2 : i32
      %mul3A_105 = arith.muli %mul3A_104, %scan3A_90 : i32
      %add3A_106 = arith.constant 1 : i32
      %add3A_107 = arith.addi %mul3A_105, %add3A_106 : i32
      %lt3A_108 = arith.constant 39 : i32
      %lt3A_109 = arith.cmpi slt, %add3A_107, %lt3A_108 : i32
      %convert_element_type3A_110 = arith.extui %lt3A_109 : i1 to i32
      %cond3A_111 = arith.constant 0 : i32
      %cond3A_112 = arith.cmpi ne, %convert_element_type3A_110, %cond3A_111 : i32
      scf.if %cond3A_112 {
        %add3A_120 = arith.constant 1 : i32
        %add3A_121 = arith.addi %add3A_107, %add3A_120 : i32
        %dma_start3A_122 = arith.constant 0 : i32
        %dma_start3A_123 = tpu.memref_slice %arg6[%add3A_121, %dma_start3A_122] : memref<40x128xi32, #tpu.memory_space<vmem>> -> memref<1x128xi32, #tpu.memory_space<vmem>>
        %dma_start3A_124 = tpu.memref_squeeze %dma_start3A_123 : memref<1x128xi32, #tpu.memory_space<vmem>> -> memref<128xi32, #tpu.memory_space<vmem>>
        %dma_start3A_125 = arith.constant 0 : i32
        %dma_start3A_126 = arith.constant 0 : i32
        %dma_start3A_127 = tpu.memref_slice %arg4[%dma_start3A_125, %dma_start3A_126] : memref<10000x128xf32, #tpu.memory_space<hbm>> -> memref<10000x128xf32, #tpu.memory_space<hbm>>
        tpu.enqueue_indirect_dma source(%dma_start3A_127 : memref<10000x128xf32, #tpu.memory_space<hbm>>) target(%arg9 : memref<128x128xf32, #tpu.memory_space<vmem>>) offsets(%dma_start3A_124 : memref<128xi32, #tpu.memory_space<vmem>>) semaphore(%arg11 : memref<!tpu.dma_semaphore, #tpu.memory_space<semaphore_mem>>)
      } else {
      }
      %dma_wait3A_113 = arith.constant 0 : i32
      %dma_wait3A_114 = tpu.memref_slice %arg6[%add3A_107, %dma_wait3A_113] : memref<40x128xi32, #tpu.memory_space<vmem>> -> memref<1x128xi32, #tpu.memory_space<vmem>>
      %dma_wait3A_115 = tpu.memref_squeeze %dma_wait3A_114 : memref<1x128xi32, #tpu.memory_space<vmem>> -> memref<128xi32, #tpu.memory_space<vmem>>
      %dma_wait3A_116 = arith.constant 0 : i32
      %dma_wait3A_117 = arith.constant 0 : i32
      %dma_wait3A_118 = tpu.memref_slice %arg4[%dma_wait3A_116, %dma_wait3A_117] : memref<10000x128xf32, #tpu.memory_space<hbm>> -> memref<10000x128xf32, #tpu.memory_space<hbm>>
      tpu.wait_indirect_dma semaphore(%arg12 : memref<!tpu.dma_semaphore, #tpu.memory_space<semaphore_mem>>) src(%dma_wait3A_118 : memref<10000x128xf32, #tpu.memory_space<hbm>>) dst(%arg8 : memref<128x128xf32, #tpu.memory_space<vmem>>)
      "tpu.region"() ({
        %run_scoped3A = tpu.sem_alloc : memref<!tpu.dma_semaphore, #tpu.memory_space<semaphore_mem>>
        %dma_start3A_120 = arith.constant 0 : i32
        %dma_start3A_121 = tpu.memref_slice %arg7[%add3A_107, %dma_start3A_120] : memref<40x128xi32, #tpu.memory_space<vmem>> -> memref<1x128xi32, #tpu.memory_space<vmem>>
        %dma_start3A_122 = tpu.memref_squeeze %dma_start3A_121 : memref<1x128xi32, #tpu.memory_space<vmem>> -> memref<128xi32, #tpu.memory_space<vmem>>
        %dma_start3A_123 = arith.constant 0 : i32
        %dma_start3A_124 = arith.constant 0 : i32
        %dma_start3A_125 = tpu.memref_slice %arg10[%dma_start3A_123, %dma_start3A_124] : memref<10240x128xf32, #tpu.memory_space<vmem_shared>> -> memref<10240x128xf32, #tpu.memory_space<vmem_shared>>
        tpu.enqueue_indirect_dma source(%arg8 : memref<128x128xf32, #tpu.memory_space<vmem>>) target(%dma_start3A_125 : memref<10240x128xf32, #tpu.memory_space<vmem_shared>>) offsets(%dma_start3A_122 : memref<128xi32, #tpu.memory_space<vmem>>) semaphore(%run_scoped3A : memref<!tpu.dma_semaphore, #tpu.memory_space<semaphore_mem>>) {add = true}
        %dma_wait3A_126 = arith.constant 0 : i32
        %dma_wait3A_127 = tpu.memref_slice %arg7[%add3A_107, %dma_wait3A_126] : memref<40x128xi32, #tpu.memory_space<vmem>> -> memref<1x128xi32, #tpu.memory_space<vmem>>
        %dma_wait3A_128 = tpu.memref_squeeze %dma_wait3A_127 : memref<1x128xi32, #tpu.memory_space<vmem>> -> memref<128xi32, #tpu.memory_space<vmem>>
        %dma_wait3A_129 = arith.constant 0 : i32
        %dma_wait3A_130 = arith.constant 0 : i32
        %dma_wait3A_131 = tpu.memref_slice %arg10[%dma_wait3A_129, %dma_wait3A_130] : memref<10240x128xf32, #tpu.memory_space<vmem_shared>> -> memref<10240x128xf32, #tpu.memory_space<vmem_shared>>
        tpu.wait_indirect_dma semaphore(%run_scoped3A : memref<!tpu.dma_semaphore, #tpu.memory_space<semaphore_mem>>) src(%arg8 : memref<128x128xf32, #tpu.memory_space<vmem>>) dst(%dma_wait3A_131 : memref<10240x128xf32, #tpu.memory_space<vmem_shared>>)
        tpu.yield
      }) : () -> ()
      %scan3A_119 = arith.constant 0 : i32
      scf.yield %scan3A_119 : i32
    }
    %scan3A_71 = arith.constant 20 : i32
    %multiple_of3A = arith.constant 40 : i32
    %multiple_of3A_72 = tpu.assume_multiple %multiple_of3A, 8 : i32
    "tpu.region"() ({
      %run_scoped3A = tpu.sem_alloc : memref<!tpu.dma_semaphore, #tpu.memory_space<semaphore_mem>>
      %dma_start3A_90 = arith.constant 0 : i32
      %dma_start3A_91 = tpu.memref_slice %arg2[%add3A, %multiple_of3A_72, %dma_start3A_90] : memref<32x80x128xi32, #tpu.memory_space<hbm>> -> memref<1x40x128xi32, #tpu.memory_space<hbm>>
      %dma_start3A_92 = tpu.memref_squeeze %dma_start3A_91 : memref<1x40x128xi32, #tpu.memory_space<hbm>> -> memref<40x128xi32, #tpu.memory_space<hbm>>
      %dma_start3A_93 = arith.constant 0 : i32
      %dma_start3A_94 = tpu.memref_slice %arg2[%add3A, %multiple_of3A_72, %dma_start3A_93] : memref<32x80x128xi32, #tpu.memory_space<hbm>> -> memref<1x40x128xi32, #tpu.memory_space<hbm>>
      %dma_start3A_95 = tpu.memref_squeeze %dma_start3A_94 : memref<1x40x128xi32, #tpu.memory_space<hbm>> -> memref<40x128xi32, #tpu.memory_space<hbm>>
      tpu.enqueue_dma source(%dma_start3A_95 : memref<40x128xi32, #tpu.memory_space<hbm>>) target(%arg6 : memref<40x128xi32, #tpu.memory_space<vmem>>) target_semaphore(%run_scoped3A : memref<!tpu.dma_semaphore, #tpu.memory_space<semaphore_mem>>)
      %dma_wait3A_96 = arith.constant 0 : i32
      %dma_wait3A_97 = tpu.memref_slice %arg2[%add3A, %multiple_of3A_72, %dma_wait3A_96] : memref<32x80x128xi32, #tpu.memory_space<hbm>> -> memref<1x40x128xi32, #tpu.memory_space<hbm>>
      %dma_wait3A_98 = tpu.memref_squeeze %dma_wait3A_97 : memref<1x40x128xi32, #tpu.memory_space<hbm>> -> memref<40x128xi32, #tpu.memory_space<hbm>>
      %dma_wait3A_99 = arith.constant 0 : i32
      %dma_wait3A_100 = tpu.memref_slice %arg2[%add3A, %multiple_of3A_72, %dma_wait3A_99] : memref<32x80x128xi32, #tpu.memory_space<hbm>> -> memref<1x40x128xi32, #tpu.memory_space<hbm>>
      %dma_wait3A_101 = tpu.memref_squeeze %dma_wait3A_100 : memref<1x40x128xi32, #tpu.memory_space<hbm>> -> memref<40x128xi32, #tpu.memory_space<hbm>>
      tpu.wait_dma2 semaphore(%run_scoped3A : memref<!tpu.dma_semaphore, #tpu.memory_space<semaphore_mem>>) src(%dma_wait3A_101 : memref<40x128xi32, #tpu.memory_space<hbm>>) dst(%arg6 : memref<40x128xi32, #tpu.memory_space<vmem>>)
      tpu.yield
    }) : () -> ()
    "tpu.region"() ({
      %run_scoped3A = tpu.sem_alloc : memref<!tpu.dma_semaphore, #tpu.memory_space<semaphore_mem>>
      %dma_start3A_90 = arith.constant 0 : i32
      %dma_start3A_91 = tpu.memref_slice %arg3[%add3A, %multiple_of3A_72, %dma_start3A_90] : memref<32x80x128xi32, #tpu.memory_space<hbm>> -> memref<1x40x128xi32, #tpu.memory_space<hbm>>
      %dma_start3A_92 = tpu.memref_squeeze %dma_start3A_91 : memref<1x40x128xi32, #tpu.memory_space<hbm>> -> memref<40x128xi32, #tpu.memory_space<hbm>>
      %dma_start3A_93 = arith.constant 0 : i32
      %dma_start3A_94 = tpu.memref_slice %arg3[%add3A, %multiple_of3A_72, %dma_start3A_93] : memref<32x80x128xi32, #tpu.memory_space<hbm>> -> memref<1x40x128xi32, #tpu.memory_space<hbm>>
      %dma_start3A_95 = tpu.memref_squeeze %dma_start3A_94 : memref<1x40x128xi32, #tpu.memory_space<hbm>> -> memref<40x128xi32, #tpu.memory_space<hbm>>
      tpu.enqueue_dma source(%dma_start3A_95 : memref<40x128xi32, #tpu.memory_space<hbm>>) target(%arg7 : memref<40x128xi32, #tpu.memory_space<vmem>>) target_semaphore(%run_scoped3A : memref<!tpu.dma_semaphore, #tpu.memory_space<semaphore_mem>>)
      %dma_wait3A_96 = arith.constant 0 : i32
      %dma_wait3A_97 = tpu.memref_slice %arg3[%add3A, %multiple_of3A_72, %dma_wait3A_96] : memref<32x80x128xi32, #tpu.memory_space<hbm>> -> memref<1x40x128xi32, #tpu.memory_space<hbm>>
      %dma_wait3A_98 = tpu.memref_squeeze %dma_wait3A_97 : memref<1x40x128xi32, #tpu.memory_space<hbm>> -> memref<40x128xi32, #tpu.memory_space<hbm>>
      %dma_wait3A_99 = arith.constant 0 : i32
      %dma_wait3A_100 = tpu.memref_slice %arg3[%add3A, %multiple_of3A_72, %dma_wait3A_99] : memref<32x80x128xi32, #tpu.memory_space<hbm>> -> memref<1x40x128xi32, #tpu.memory_space<hbm>>
      %dma_wait3A_101 = tpu.memref_squeeze %dma_wait3A_100 : memref<1x40x128xi32, #tpu.memory_space<hbm>> -> memref<40x128xi32, #tpu.memory_space<hbm>>
      tpu.wait_dma2 semaphore(%run_scoped3A : memref<!tpu.dma_semaphore, #tpu.memory_space<semaphore_mem>>) src(%dma_wait3A_101 : memref<40x128xi32, #tpu.memory_space<hbm>>) dst(%arg7 : memref<40x128xi32, #tpu.memory_space<vmem>>)
      tpu.yield
    }) : () -> ()
    %dma_start3A_73 = arith.constant 0 : i32
    %dma_start3A_74 = arith.constant 0 : i32
    %dma_start3A_75 = tpu.memref_slice %arg6[%dma_start3A_73, %dma_start3A_74] : memref<40x128xi32, #tpu.memory_space<vmem>> -> memref<1x128xi32, #tpu.memory_space<vmem>>
    %dma_start3A_76 = tpu.memref_squeeze %dma_start3A_75 : memref<1x128xi32, #tpu.memory_space<vmem>> -> memref<128xi32, #tpu.memory_space<vmem>>
    %dma_start3A_77 = arith.constant 0 : i32
    %dma_start3A_78 = arith.constant 0 : i32
    %dma_start3A_79 = tpu.memref_slice %arg4[%dma_start3A_77, %dma_start3A_78] : memref<10000x128xf32, #tpu.memory_space<hbm>> -> memref<10000x128xf32, #tpu.memory_space<hbm>>
    tpu.enqueue_indirect_dma source(%dma_start3A_79 : memref<10000x128xf32, #tpu.memory_space<hbm>>) target(%arg9 : memref<128x128xf32, #tpu.memory_space<vmem>>) offsets(%dma_start3A_76 : memref<128xi32, #tpu.memory_space<vmem>>) semaphore(%arg11 : memref<!tpu.dma_semaphore, #tpu.memory_space<semaphore_mem>>)
    %scan3A_80 = arith.constant 0 : i32
    %scan3A_81 = arith.constant 0 : i32
    %scan3A_82 = arith.constant 20 : i32
    %scan3A_83 = arith.addi %scan3A_81, %scan3A_82 : i32
    %scan3A_84 = arith.constant 1 : i32
    %scan3A_85 = scf.for %scan3A_90 = %scan3A_81 to %scan3A_83 step %scan3A_84 iter_args(%scan3A_91 = %scan3A_80) -> (i32)  : i32 {
      %mul3A_92 = arith.constant 2 : i32
      %mul3A_93 = arith.muli %mul3A_92, %scan3A_90 : i32
      %add3A_94 = arith.constant 0 : i32
      %add3A_95 = arith.addi %mul3A_93, %add3A_94 : i32
      %lt3A = arith.constant 39 : i32
      %lt3A_96 = arith.cmpi slt, %add3A_95, %lt3A : i32
      %convert_element_type3A = arith.extui %lt3A_96 : i1 to i32
      %cond3A = arith.constant 0 : i32
      %cond3A_97 = arith.cmpi ne, %convert_element_type3A, %cond3A : i32
      scf.if %cond3A_97 {
        %add3A_120 = arith.constant 1 : i32
        %add3A_121 = arith.addi %add3A_95, %add3A_120 : i32
        %dma_start3A_122 = arith.constant 0 : i32
        %dma_start3A_123 = tpu.memref_slice %arg6[%add3A_121, %dma_start3A_122] : memref<40x128xi32, #tpu.memory_space<vmem>> -> memref<1x128xi32, #tpu.memory_space<vmem>>
        %dma_start3A_124 = tpu.memref_squeeze %dma_start3A_123 : memref<1x128xi32, #tpu.memory_space<vmem>> -> memref<128xi32, #tpu.memory_space<vmem>>
        %dma_start3A_125 = arith.constant 0 : i32
        %dma_start3A_126 = arith.constant 0 : i32
        %dma_start3A_127 = tpu.memref_slice %arg4[%dma_start3A_125, %dma_start3A_126] : memref<10000x128xf32, #tpu.memory_space<hbm>> -> memref<10000x128xf32, #tpu.memory_space<hbm>>
        tpu.enqueue_indirect_dma source(%dma_start3A_127 : memref<10000x128xf32, #tpu.memory_space<hbm>>) target(%arg8 : memref<128x128xf32, #tpu.memory_space<vmem>>) offsets(%dma_start3A_124 : memref<128xi32, #tpu.memory_space<vmem>>) semaphore(%arg12 : memref<!tpu.dma_semaphore, #tpu.memory_space<semaphore_mem>>)
      } else {
      }
      %dma_wait3A_98 = arith.constant 0 : i32
      %dma_wait3A_99 = tpu.memref_slice %arg6[%add3A_95, %dma_wait3A_98] : memref<40x128xi32, #tpu.memory_space<vmem>> -> memref<1x128xi32, #tpu.memory_space<vmem>>
      %dma_wait3A_100 = tpu.memref_squeeze %dma_wait3A_99 : memref<1x128xi32, #tpu.memory_space<vmem>> -> memref<128xi32, #tpu.memory_space<vmem>>
      %dma_wait3A_101 = arith.constant 0 : i32
      %dma_wait3A_102 = arith.constant 0 : i32
      %dma_wait3A_103 = tpu.memref_slice %arg4[%dma_wait3A_101, %dma_wait3A_102] : memref<10000x128xf32, #tpu.memory_space<hbm>> -> memref<10000x128xf32, #tpu.memory_space<hbm>>
      tpu.wait_indirect_dma semaphore(%arg11 : memref<!tpu.dma_semaphore, #tpu.memory_space<semaphore_mem>>) src(%dma_wait3A_103 : memref<10000x128xf32, #tpu.memory_space<hbm>>) dst(%arg9 : memref<128x128xf32, #tpu.memory_space<vmem>>)
      "tpu.region"() ({
        %run_scoped3A = tpu.sem_alloc : memref<!tpu.dma_semaphore, #tpu.memory_space<semaphore_mem>>
        %dma_start3A_120 = arith.constant 0 : i32
        %dma_start3A_121 = tpu.memref_slice %arg7[%add3A_95, %dma_start3A_120] : memref<40x128xi32, #tpu.memory_space<vmem>> -> memref<1x128xi32, #tpu.memory_space<vmem>>
        %dma_start3A_122 = tpu.memref_squeeze %dma_start3A_121 : memref<1x128xi32, #tpu.memory_space<vmem>> -> memref<128xi32, #tpu.memory_space<vmem>>
        %dma_start3A_123 = arith.constant 0 : i32
        %dma_start3A_124 = arith.constant 0 : i32
        %dma_start3A_125 = tpu.memref_slice %arg10[%dma_start3A_123, %dma_start3A_124] : memref<10240x128xf32, #tpu.memory_space<vmem_shared>> -> memref<10240x128xf32, #tpu.memory_space<vmem_shared>>
        tpu.enqueue_indirect_dma source(%arg9 : memref<128x128xf32, #tpu.memory_space<vmem>>) target(%dma_start3A_125 : memref<10240x128xf32, #tpu.memory_space<vmem_shared>>) offsets(%dma_start3A_122 : memref<128xi32, #tpu.memory_space<vmem>>) semaphore(%run_scoped3A : memref<!tpu.dma_semaphore, #tpu.memory_space<semaphore_mem>>) {add = true}
        %dma_wait3A_126 = arith.constant 0 : i32
        %dma_wait3A_127 = tpu.memref_slice %arg7[%add3A_95, %dma_wait3A_126] : memref<40x128xi32, #tpu.memory_space<vmem>> -> memref<1x128xi32, #tpu.memory_space<vmem>>
        %dma_wait3A_128 = tpu.memref_squeeze %dma_wait3A_127 : memref<1x128xi32, #tpu.memory_space<vmem>> -> memref<128xi32, #tpu.memory_space<vmem>>
        %dma_wait3A_129 = arith.constant 0 : i32
        %dma_wait3A_130 = arith.constant 0 : i32
        %dma_wait3A_131 = tpu.memref_slice %arg10[%dma_wait3A_129, %dma_wait3A_130] : memref<10240x128xf32, #tpu.memory_space<vmem_shared>> -> memref<10240x128xf32, #tpu.memory_space<vmem_shared>>
        tpu.wait_indirect_dma semaphore(%run_scoped3A : memref<!tpu.dma_semaphore, #tpu.memory_space<semaphore_mem>>) src(%arg9 : memref<128x128xf32, #tpu.memory_space<vmem>>) dst(%dma_wait3A_131 : memref<10240x128xf32, #tpu.memory_space<vmem_shared>>)
        tpu.yield
      }) : () -> ()
      %mul3A_104 = arith.constant 2 : i32
      %mul3A_105 = arith.muli %mul3A_104, %scan3A_90 : i32
      %add3A_106 = arith.constant 1 : i32
      %add3A_107 = arith.addi %mul3A_105, %add3A_106 : i32
      %lt3A_108 = arith.constant 39 : i32
      %lt3A_109 = arith.cmpi slt, %add3A_107, %lt3A_108 : i32
      %convert_element_type3A_110 = arith.extui %lt3A_109 : i1 to i32
      %cond3A_111 = arith.constant 0 : i32
      %cond3A_112 = arith.cmpi ne, %convert_element_type3A_110, %cond3A_111 : i32
      scf.if %cond3A_112 {
        %add3A_120 = arith.constant 1 : i32
        %add3A_121 = arith.addi %add3A_107, %add3A_120 : i32
        %dma_start3A_122 = arith.constant 0 : i32
        %dma_start3A_123 = tpu.memref_slice %arg6[%add3A_121, %dma_start3A_122] : memref<40x128xi32, #tpu.memory_space<vmem>> -> memref<1x128xi32, #tpu.memory_space<vmem>>
        %dma_start3A_124 = tpu.memref_squeeze %dma_start3A_123 : memref<1x128xi32, #tpu.memory_space<vmem>> -> memref<128xi32, #tpu.memory_space<vmem>>
        %dma_start3A_125 = arith.constant 0 : i32
        %dma_start3A_126 = arith.constant 0 : i32
        %dma_start3A_127 = tpu.memref_slice %arg4[%dma_start3A_125, %dma_start3A_126] : memref<10000x128xf32, #tpu.memory_space<hbm>> -> memref<10000x128xf32, #tpu.memory_space<hbm>>
        tpu.enqueue_indirect_dma source(%dma_start3A_127 : memref<10000x128xf32, #tpu.memory_space<hbm>>) target(%arg9 : memref<128x128xf32, #tpu.memory_space<vmem>>) offsets(%dma_start3A_124 : memref<128xi32, #tpu.memory_space<vmem>>) semaphore(%arg11 : memref<!tpu.dma_semaphore, #tpu.memory_space<semaphore_mem>>)
      } else {
      }
      %dma_wait3A_113 = arith.constant 0 : i32
      %dma_wait3A_114 = tpu.memref_slice %arg6[%add3A_107, %dma_wait3A_113] : memref<40x128xi32, #tpu.memory_space<vmem>> -> memref<1x128xi32, #tpu.memory_space<vmem>>
      %dma_wait3A_115 = tpu.memref_squeeze %dma_wait3A_114 : memref<1x128xi32, #tpu.memory_space<vmem>> -> memref<128xi32, #tpu.memory_space<vmem>>
      %dma_wait3A_116 = arith.constant 0 : i32
      %dma_wait3A_117 = arith.constant 0 : i32
      %dma_wait3A_118 = tpu.memref_slice %arg4[%dma_wait3A_116, %dma_wait3A_117] : memref<10000x128xf32, #tpu.memory_space<hbm>> -> memref<10000x128xf32, #tpu.memory_space<hbm>>
      tpu.wait_indirect_dma semaphore(%arg12 : memref<!tpu.dma_semaphore, #tpu.memory_space<semaphore_mem>>) src(%dma_wait3A_118 : memref<10000x128xf32, #tpu.memory_space<hbm>>) dst(%arg8 : memref<128x128xf32, #tpu.memory_space<vmem>>)
      "tpu.region"() ({
        %run_scoped3A = tpu.sem_alloc : memref<!tpu.dma_semaphore, #tpu.memory_space<semaphore_mem>>
        %dma_start3A_120 = arith.constant 0 : i32
        %dma_start3A_121 = tpu.memref_slice %arg7[%add3A_107, %dma_start3A_120] : memref<40x128xi32, #tpu.memory_space<vmem>> -> memref<1x128xi32, #tpu.memory_space<vmem>>
        %dma_start3A_122 = tpu.memref_squeeze %dma_start3A_121 : memref<1x128xi32, #tpu.memory_space<vmem>> -> memref<128xi32, #tpu.memory_space<vmem>>
        %dma_start3A_123 = arith.constant 0 : i32
        %dma_start3A_124 = arith.constant 0 : i32
        %dma_start3A_125 = tpu.memref_slice %arg10[%dma_start3A_123, %dma_start3A_124] : memref<10240x128xf32, #tpu.memory_space<vmem_shared>> -> memref<10240x128xf32, #tpu.memory_space<vmem_shared>>
        tpu.enqueue_indirect_dma source(%arg8 : memref<128x128xf32, #tpu.memory_space<vmem>>) target(%dma_start3A_125 : memref<10240x128xf32, #tpu.memory_space<vmem_shared>>) offsets(%dma_start3A_122 : memref<128xi32, #tpu.memory_space<vmem>>) semaphore(%run_scoped3A : memref<!tpu.dma_semaphore, #tpu.memory_space<semaphore_mem>>) {add = true}
        %dma_wait3A_126 = arith.constant 0 : i32
        %dma_wait3A_127 = tpu.memref_slice %arg7[%add3A_107, %dma_wait3A_126] : memref<40x128xi32, #tpu.memory_space<vmem>> -> memref<1x128xi32, #tpu.memory_space<vmem>>
        %dma_wait3A_128 = tpu.memref_squeeze %dma_wait3A_127 : memref<1x128xi32, #tpu.memory_space<vmem>> -> memref<128xi32, #tpu.memory_space<vmem>>
        %dma_wait3A_129 = arith.constant 0 : i32
        %dma_wait3A_130 = arith.constant 0 : i32
        %dma_wait3A_131 = tpu.memref_slice %arg10[%dma_wait3A_129, %dma_wait3A_130] : memref<10240x128xf32, #tpu.memory_space<vmem_shared>> -> memref<10240x128xf32, #tpu.memory_space<vmem_shared>>
        tpu.wait_indirect_dma semaphore(%run_scoped3A : memref<!tpu.dma_semaphore, #tpu.memory_space<semaphore_mem>>) src(%arg8 : memref<128x128xf32, #tpu.memory_space<vmem>>) dst(%dma_wait3A_131 : memref<10240x128xf32, #tpu.memory_space<vmem_shared>>)
        tpu.yield
      }) : () -> ()
      %scan3A_119 = arith.constant 0 : i32
      scf.yield %scan3A_119 : i32
    }
    %scan3A_86 = arith.constant 20 : i32
    %barrier3A_87 = arith.constant 0 : index
    tpu.barrier barrier_id(%barrier3A_87)
    %mul3A_88 = arith.constant 640 : i32
    %mul3A_89 = arith.muli %arg1, %mul3A_88 : i32
    "tpu.region"() ({
      %run_scoped3A = tpu.sem_alloc : memref<!tpu.dma_semaphore, #tpu.memory_space<semaphore_mem>>
      %dma_start3A_90 = arith.constant 0 : i32
      %dma_start3A_91 = tpu.memref_slice %arg5[%arg0, %mul3A_89, %dma_start3A_90] : memref<2x10240x128xf32, #tpu.memory_space<hbm>> -> memref<1x640x128xf32, #tpu.memory_space<hbm>>
      %dma_start3A_92 = tpu.memref_squeeze %dma_start3A_91 : memref<1x640x128xf32, #tpu.memory_space<hbm>> -> memref<640x128xf32, #tpu.memory_space<hbm>>
      %dma_start3A_93 = arith.constant 0 : i32
      %dma_start3A_94 = tpu.memref_slice %arg10[%mul3A_89, %dma_start3A_93] : memref<10240x128xf32, #tpu.memory_space<vmem_shared>> -> memref<640x128xf32, #tpu.memory_space<vmem_shared>>
      tpu.enqueue_dma source(%dma_start3A_94 : memref<640x128xf32, #tpu.memory_space<vmem_shared>>) target(%dma_start3A_92 : memref<640x128xf32, #tpu.memory_space<hbm>>) target_semaphore(%run_scoped3A : memref<!tpu.dma_semaphore, #tpu.memory_space<semaphore_mem>>)
      %dma_wait3A_95 = arith.constant 0 : i32
      %dma_wait3A_96 = tpu.memref_slice %arg5[%arg0, %mul3A_89, %dma_wait3A_95] : memref<2x10240x128xf32, #tpu.memory_space<hbm>> -> memref<1x640x128xf32, #tpu.memory_space<hbm>>
      %dma_wait3A_97 = tpu.memref_squeeze %dma_wait3A_96 : memref<1x640x128xf32, #tpu.memory_space<hbm>> -> memref<640x128xf32, #tpu.memory_space<hbm>>
      %dma_wait3A_98 = arith.constant 0 : i32
      %dma_wait3A_99 = tpu.memref_slice %arg10[%mul3A_89, %dma_wait3A_98] : memref<10240x128xf32, #tpu.memory_space<vmem_shared>> -> memref<640x128xf32, #tpu.memory_space<vmem_shared>>
      tpu.wait_dma2 semaphore(%run_scoped3A : memref<!tpu.dma_semaphore, #tpu.memory_space<semaphore_mem>>) src(%dma_wait3A_99 : memref<640x128xf32, #tpu.memory_space<vmem_shared>>) dst(%dma_wait3A_97 : memref<640x128xf32, #tpu.memory_space<hbm>>)
      tpu.yield
    }) : () -> ()
    return
  }
}

#map = affine_map<(d0, d1) -> (0)>
#map1 = affine_map<(d0, d1) -> (0, 0, 0)>
module attributes {stable_mosaic.version = 14 : i64} {
  func.func @_deg_pass(%arg0: i32, %arg1: i32, %arg2: memref<327680xi32, #tpu.memory_space<hbm>>, %arg3: memref<2x10240x128xf32, #tpu.memory_space<hbm>>, %arg4: memref<128xi32, #tpu.memory_space<vmem>>, %arg5: memref<128x128xf32, #tpu.memory_space<vmem>>, %arg6: memref<10240x128xf32, #tpu.memory_space<vmem_shared>>) attributes {dimension_semantics = [#tpu.dimension_semantics<core_parallel>, #tpu.dimension_semantics<subcore_parallel>], iteration_bounds = array<i64: 2, 16>, scalar_prefetch = 0 : i64, scratch_operands = 3 : i64, tpu.core_type = #tpu.core_type<sc_vector_subcore>, window_params = [{transform_indices = #map}, {transform_indices = #map1}]} {
    %mul3A = arith.constant 16 : i32
    %mul3A_0 = arith.muli %arg0, %mul3A : i32
    %add3A = arith.addi %mul3A_0, %arg1 : i32
    %broadcast_in_dim3A = arith.constant 0.000000e+00 : f32
    %broadcast_in_dim3A_1 = vector.broadcast %broadcast_in_dim3A : f32 to vector<16xf32>
    %scan3A = arith.constant 0 : i32
    %scan3A_2 = arith.constant 0 : i32
    %scan3A_3 = arith.constant 128 : i32
    %scan3A_4 = arith.addi %scan3A_2, %scan3A_3 : i32
    %scan3A_5 = arith.constant 1 : i32
    %scan3A_6 = scf.for %scan3A_49 = %scan3A_2 to %scan3A_4 step %scan3A_5 iter_args(%scan3A_50 = %scan3A) -> (i32)  : i32 {
      %swap3A = arith.index_cast %scan3A_49 : i32 to index
      %swap3A_51 = arith.constant 0 : index
      %swap3A_52 = tpu.vector_load %arg5[%swap3A, %swap3A_51] {strides = array<i32>} : memref<128x128xf32, #tpu.memory_space<vmem>>, vector<1x16xf32>,
      %swap3A_53 = vector.shape_cast %swap3A_52 : vector<1x16xf32> to vector<16xf32>
      %swap3A_54 = vector.shape_cast %broadcast_in_dim3A_1 : vector<16xf32> to vector<1x16xf32>
      tpu.vector_store %arg5[%swap3A, %swap3A_51], %swap3A_54 {strides = array<i32>} : memref<128x128xf32, #tpu.memory_space<vmem>>, vector<1x16xf32>,
      %swap3A_55 = arith.index_cast %scan3A_49 : i32 to index
      %swap3A_56 = arith.constant 16 : index
      %swap3A_57 = tpu.vector_load %arg5[%swap3A_55, %swap3A_56] {strides = array<i32>} : memref<128x128xf32, #tpu.memory_space<vmem>>, vector<1x16xf32>,
      %swap3A_58 = vector.shape_cast %swap3A_57 : vector<1x16xf32> to vector<16xf32>
      %swap3A_59 = vector.shape_cast %broadcast_in_dim3A_1 : vector<16xf32> to vector<1x16xf32>
      tpu.vector_store %arg5[%swap3A_55, %swap3A_56], %swap3A_59 {strides = array<i32>} : memref<128x128xf32, #tpu.memory_space<vmem>>, vector<1x16xf32>,
      %swap3A_60 = arith.index_cast %scan3A_49 : i32 to index
      %swap3A_61 = arith.constant 32 : index
      %swap3A_62 = tpu.vector_load %arg5[%swap3A_60, %swap3A_61] {strides = array<i32>} : memref<128x128xf32, #tpu.memory_space<vmem>>, vector<1x16xf32>,
      %swap3A_63 = vector.shape_cast %swap3A_62 : vector<1x16xf32> to vector<16xf32>
      %swap3A_64 = vector.shape_cast %broadcast_in_dim3A_1 : vector<16xf32> to vector<1x16xf32>
      tpu.vector_store %arg5[%swap3A_60, %swap3A_61], %swap3A_64 {strides = array<i32>} : memref<128x128xf32, #tpu.memory_space<vmem>>, vector<1x16xf32>,
      %swap3A_65 = arith.index_cast %scan3A_49 : i32 to index
      %swap3A_66 = arith.constant 48 : index
      %swap3A_67 = tpu.vector_load %arg5[%swap3A_65, %swap3A_66] {strides = array<i32>} : memref<128x128xf32, #tpu.memory_space<vmem>>, vector<1x16xf32>,
      %swap3A_68 = vector.shape_cast %swap3A_67 : vector<1x16xf32> to vector<16xf32>
      %swap3A_69 = vector.shape_cast %broadcast_in_dim3A_1 : vector<16xf32> to vector<1x16xf32>
      tpu.vector_store %arg5[%swap3A_65, %swap3A_66], %swap3A_69 {strides = array<i32>} : memref<128x128xf32, #tpu.memory_space<vmem>>, vector<1x16xf32>,
      %swap3A_70 = arith.index_cast %scan3A_49 : i32 to index
      %swap3A_71 = arith.constant 64 : index
      %swap3A_72 = tpu.vector_load %arg5[%swap3A_70, %swap3A_71] {strides = array<i32>} : memref<128x128xf32, #tpu.memory_space<vmem>>, vector<1x16xf32>,
      %swap3A_73 = vector.shape_cast %swap3A_72 : vector<1x16xf32> to vector<16xf32>
      %swap3A_74 = vector.shape_cast %broadcast_in_dim3A_1 : vector<16xf32> to vector<1x16xf32>
      tpu.vector_store %arg5[%swap3A_70, %swap3A_71], %swap3A_74 {strides = array<i32>} : memref<128x128xf32, #tpu.memory_space<vmem>>, vector<1x16xf32>,
      %swap3A_75 = arith.index_cast %scan3A_49 : i32 to index
      %swap3A_76 = arith.constant 80 : index
      %swap3A_77 = tpu.vector_load %arg5[%swap3A_75, %swap3A_76] {strides = array<i32>} : memref<128x128xf32, #tpu.memory_space<vmem>>, vector<1x16xf32>,
      %swap3A_78 = vector.shape_cast %swap3A_77 : vector<1x16xf32> to vector<16xf32>
      %swap3A_79 = vector.shape_cast %broadcast_in_dim3A_1 : vector<16xf32> to vector<1x16xf32>
      tpu.vector_store %arg5[%swap3A_75, %swap3A_76], %swap3A_79 {strides = array<i32>} : memref<128x128xf32, #tpu.memory_space<vmem>>, vector<1x16xf32>,
      %swap3A_80 = arith.index_cast %scan3A_49 : i32 to index
      %swap3A_81 = arith.constant 96 : index
      %swap3A_82 = tpu.vector_load %arg5[%swap3A_80, %swap3A_81] {strides = array<i32>} : memref<128x128xf32, #tpu.memory_space<vmem>>, vector<1x16xf32>,
      %swap3A_83 = vector.shape_cast %swap3A_82 : vector<1x16xf32> to vector<16xf32>
      %swap3A_84 = vector.shape_cast %broadcast_in_dim3A_1 : vector<16xf32> to vector<1x16xf32>
      tpu.vector_store %arg5[%swap3A_80, %swap3A_81], %swap3A_84 {strides = array<i32>} : memref<128x128xf32, #tpu.memory_space<vmem>>, vector<1x16xf32>,
      %swap3A_85 = arith.index_cast %scan3A_49 : i32 to index
      %swap3A_86 = arith.constant 112 : index
      %swap3A_87 = tpu.vector_load %arg5[%swap3A_85, %swap3A_86] {strides = array<i32>} : memref<128x128xf32, #tpu.memory_space<vmem>>, vector<1x16xf32>,
      %swap3A_88 = vector.shape_cast %swap3A_87 : vector<1x16xf32> to vector<16xf32>
      %swap3A_89 = vector.shape_cast %broadcast_in_dim3A_1 : vector<16xf32> to vector<1x16xf32>
      tpu.vector_store %arg5[%swap3A_85, %swap3A_86], %swap3A_89 {strides = array<i32>} : memref<128x128xf32, #tpu.memory_space<vmem>>, vector<1x16xf32>,
      %scan3A_90 = arith.constant 0 : i32
      scf.yield %scan3A_90 : i32
    }
    %scan3A_7 = arith.constant 128 : i32
    %mul3A_8 = arith.constant 640 : i32
    %mul3A_9 = arith.muli %arg1, %mul3A_8 : i32
    %add3A_10 = arith.constant 0 : i32
    %add3A_11 = arith.addi %mul3A_9, %add3A_10 : i32
    "tpu.region"() ({
      %run_scoped3A = tpu.sem_alloc : memref<!tpu.dma_semaphore, #tpu.memory_space<semaphore_mem>>
      %dma_start3A = arith.constant 0 : i32
      %dma_start3A_49 = arith.constant 0 : i32
      %dma_start3A_50 = tpu.memref_slice %arg5[%dma_start3A, %dma_start3A_49] : memref<128x128xf32, #tpu.memory_space<vmem>> -> memref<128x128xf32, #tpu.memory_space<vmem>>
      %dma_start3A_51 = arith.constant 0 : i32
      %dma_start3A_52 = tpu.memref_slice %arg6[%add3A_11, %dma_start3A_51] : memref<10240x128xf32, #tpu.memory_space<vmem_shared>> -> memref<128x128xf32, #tpu.memory_space<vmem_shared>>
      %dma_start3A_53 = arith.constant 0 : i32
      %dma_start3A_54 = tpu.memref_slice %arg6[%add3A_11, %dma_start3A_53] : memref<10240x128xf32, #tpu.memory_space<vmem_shared>> -> memref<128x128xf32, #tpu.memory_space<vmem_shared>>
      %dma_start3A_55 = arith.constant 0 : i32
      %dma_start3A_56 = arith.constant 0 : i32
      %dma_start3A_57 = tpu.memref_slice %arg5[%dma_start3A_55, %dma_start3A_56] : memref<128x128xf32, #tpu.memory_space<vmem>> -> memref<128x128xf32, #tpu.memory_space<vmem>>
      tpu.enqueue_dma source(%dma_start3A_57 : memref<128x128xf32, #tpu.memory_space<vmem>>) target(%dma_start3A_54 : memref<128x128xf32, #tpu.memory_space<vmem_shared>>) target_semaphore(%run_scoped3A : memref<!tpu.dma_semaphore, #tpu.memory_space<semaphore_mem>>)
      %dma_wait3A = arith.constant 0 : i32
      %dma_wait3A_58 = arith.constant 0 : i32
      %dma_wait3A_59 = tpu.memref_slice %arg5[%dma_wait3A, %dma_wait3A_58] : memref<128x128xf32, #tpu.memory_space<vmem>> -> memref<128x128xf32, #tpu.memory_space<vmem>>
      %dma_wait3A_60 = arith.constant 0 : i32
      %dma_wait3A_61 = tpu.memref_slice %arg6[%add3A_11, %dma_wait3A_60] : memref<10240x128xf32, #tpu.memory_space<vmem_shared>> -> memref<128x128xf32, #tpu.memory_space<vmem_shared>>
      %dma_wait3A_62 = arith.constant 0 : i32
      %dma_wait3A_63 = tpu.memref_slice %arg6[%add3A_11, %dma_wait3A_62] : memref<10240x128xf32, #tpu.memory_space<vmem_shared>> -> memref<128x128xf32, #tpu.memory_space<vmem_shared>>
      %dma_wait3A_64 = arith.constant 0 : i32
      %dma_wait3A_65 = arith.constant 0 : i32
      %dma_wait3A_66 = tpu.memref_slice %arg5[%dma_wait3A_64, %dma_wait3A_65] : memref<128x128xf32, #tpu.memory_space<vmem>> -> memref<128x128xf32, #tpu.memory_space<vmem>>
      tpu.wait_dma2 semaphore(%run_scoped3A : memref<!tpu.dma_semaphore, #tpu.memory_space<semaphore_mem>>) src(%dma_wait3A_66 : memref<128x128xf32, #tpu.memory_space<vmem>>) dst(%dma_wait3A_63 : memref<128x128xf32, #tpu.memory_space<vmem_shared>>)
      tpu.yield
    }) : () -> ()
    %mul3A_12 = arith.constant 640 : i32
    %mul3A_13 = arith.muli %arg1, %mul3A_12 : i32
    %add3A_14 = arith.constant 128 : i32
    %add3A_15 = arith.addi %mul3A_13, %add3A_14 : i32
    "tpu.region"() ({
      %run_scoped3A = tpu.sem_alloc : memref<!tpu.dma_semaphore, #tpu.memory_space<semaphore_mem>>
      %dma_start3A = arith.constant 0 : i32
      %dma_start3A_49 = arith.constant 0 : i32
      %dma_start3A_50 = tpu.memref_slice %arg5[%dma_start3A, %dma_start3A_49] : memref<128x128xf32, #tpu.memory_space<vmem>> -> memref<128x128xf32, #tpu.memory_space<vmem>>
      %dma_start3A_51 = arith.constant 0 : i32
      %dma_start3A_52 = tpu.memref_slice %arg6[%add3A_15, %dma_start3A_51] : memref<10240x128xf32, #tpu.memory_space<vmem_shared>> -> memref<128x128xf32, #tpu.memory_space<vmem_shared>>
      %dma_start3A_53 = arith.constant 0 : i32
      %dma_start3A_54 = tpu.memref_slice %arg6[%add3A_15, %dma_start3A_53] : memref<10240x128xf32, #tpu.memory_space<vmem_shared>> -> memref<128x128xf32, #tpu.memory_space<vmem_shared>>
      %dma_start3A_55 = arith.constant 0 : i32
      %dma_start3A_56 = arith.constant 0 : i32
      %dma_start3A_57 = tpu.memref_slice %arg5[%dma_start3A_55, %dma_start3A_56] : memref<128x128xf32, #tpu.memory_space<vmem>> -> memref<128x128xf32, #tpu.memory_space<vmem>>
      tpu.enqueue_dma source(%dma_start3A_57 : memref<128x128xf32, #tpu.memory_space<vmem>>) target(%dma_start3A_54 : memref<128x128xf32, #tpu.memory_space<vmem_shared>>) target_semaphore(%run_scoped3A : memref<!tpu.dma_semaphore, #tpu.memory_space<semaphore_mem>>)
      %dma_wait3A = arith.constant 0 : i32
      %dma_wait3A_58 = arith.constant 0 : i32
      %dma_wait3A_59 = tpu.memref_slice %arg5[%dma_wait3A, %dma_wait3A_58] : memref<128x128xf32, #tpu.memory_space<vmem>> -> memref<128x128xf32, #tpu.memory_space<vmem>>
      %dma_wait3A_60 = arith.constant 0 : i32
      %dma_wait3A_61 = tpu.memref_slice %arg6[%add3A_15, %dma_wait3A_60] : memref<10240x128xf32, #tpu.memory_space<vmem_shared>> -> memref<128x128xf32, #tpu.memory_space<vmem_shared>>
      %dma_wait3A_62 = arith.constant 0 : i32
      %dma_wait3A_63 = tpu.memref_slice %arg6[%add3A_15, %dma_wait3A_62] : memref<10240x128xf32, #tpu.memory_space<vmem_shared>> -> memref<128x128xf32, #tpu.memory_space<vmem_shared>>
      %dma_wait3A_64 = arith.constant 0 : i32
      %dma_wait3A_65 = arith.constant 0 : i32
      %dma_wait3A_66 = tpu.memref_slice %arg5[%dma_wait3A_64, %dma_wait3A_65] : memref<128x128xf32, #tpu.memory_space<vmem>> -> memref<128x128xf32, #tpu.memory_space<vmem>>
      tpu.wait_dma2 semaphore(%run_scoped3A : memref<!tpu.dma_semaphore, #tpu.memory_space<semaphore_mem>>) src(%dma_wait3A_66 : memref<128x128xf32, #tpu.memory_space<vmem>>) dst(%dma_wait3A_63 : memref<128x128xf32, #tpu.memory_space<vmem_shared>>)
      tpu.yield
    }) : () -> ()
    %mul3A_16 = arith.constant 640 : i32
    %mul3A_17 = arith.muli %arg1, %mul3A_16 : i32
    %add3A_18 = arith.constant 256 : i32
    %add3A_19 = arith.addi %mul3A_17, %add3A_18 : i32
    "tpu.region"() ({
      %run_scoped3A = tpu.sem_alloc : memref<!tpu.dma_semaphore, #tpu.memory_space<semaphore_mem>>
      %dma_start3A = arith.constant 0 : i32
      %dma_start3A_49 = arith.constant 0 : i32
      %dma_start3A_50 = tpu.memref_slice %arg5[%dma_start3A, %dma_start3A_49] : memref<128x128xf32, #tpu.memory_space<vmem>> -> memref<128x128xf32, #tpu.memory_space<vmem>>
      %dma_start3A_51 = arith.constant 0 : i32
      %dma_start3A_52 = tpu.memref_slice %arg6[%add3A_19, %dma_start3A_51] : memref<10240x128xf32, #tpu.memory_space<vmem_shared>> -> memref<128x128xf32, #tpu.memory_space<vmem_shared>>
      %dma_start3A_53 = arith.constant 0 : i32
      %dma_start3A_54 = tpu.memref_slice %arg6[%add3A_19, %dma_start3A_53] : memref<10240x128xf32, #tpu.memory_space<vmem_shared>> -> memref<128x128xf32, #tpu.memory_space<vmem_shared>>
      %dma_start3A_55 = arith.constant 0 : i32
      %dma_start3A_56 = arith.constant 0 : i32
      %dma_start3A_57 = tpu.memref_slice %arg5[%dma_start3A_55, %dma_start3A_56] : memref<128x128xf32, #tpu.memory_space<vmem>> -> memref<128x128xf32, #tpu.memory_space<vmem>>
      tpu.enqueue_dma source(%dma_start3A_57 : memref<128x128xf32, #tpu.memory_space<vmem>>) target(%dma_start3A_54 : memref<128x128xf32, #tpu.memory_space<vmem_shared>>) target_semaphore(%run_scoped3A : memref<!tpu.dma_semaphore, #tpu.memory_space<semaphore_mem>>)
      %dma_wait3A = arith.constant 0 : i32
      %dma_wait3A_58 = arith.constant 0 : i32
      %dma_wait3A_59 = tpu.memref_slice %arg5[%dma_wait3A, %dma_wait3A_58] : memref<128x128xf32, #tpu.memory_space<vmem>> -> memref<128x128xf32, #tpu.memory_space<vmem>>
      %dma_wait3A_60 = arith.constant 0 : i32
      %dma_wait3A_61 = tpu.memref_slice %arg6[%add3A_19, %dma_wait3A_60] : memref<10240x128xf32, #tpu.memory_space<vmem_shared>> -> memref<128x128xf32, #tpu.memory_space<vmem_shared>>
      %dma_wait3A_62 = arith.constant 0 : i32
      %dma_wait3A_63 = tpu.memref_slice %arg6[%add3A_19, %dma_wait3A_62] : memref<10240x128xf32, #tpu.memory_space<vmem_shared>> -> memref<128x128xf32, #tpu.memory_space<vmem_shared>>
      %dma_wait3A_64 = arith.constant 0 : i32
      %dma_wait3A_65 = arith.constant 0 : i32
      %dma_wait3A_66 = tpu.memref_slice %arg5[%dma_wait3A_64, %dma_wait3A_65] : memref<128x128xf32, #tpu.memory_space<vmem>> -> memref<128x128xf32, #tpu.memory_space<vmem>>
      tpu.wait_dma2 semaphore(%run_scoped3A : memref<!tpu.dma_semaphore, #tpu.memory_space<semaphore_mem>>) src(%dma_wait3A_66 : memref<128x128xf32, #tpu.memory_space<vmem>>) dst(%dma_wait3A_63 : memref<128x128xf32, #tpu.memory_space<vmem_shared>>)
      tpu.yield
    }) : () -> ()
    %mul3A_20 = arith.constant 640 : i32
    %mul3A_21 = arith.muli %arg1, %mul3A_20 : i32
    %add3A_22 = arith.constant 384 : i32
    %add3A_23 = arith.addi %mul3A_21, %add3A_22 : i32
    "tpu.region"() ({
      %run_scoped3A = tpu.sem_alloc : memref<!tpu.dma_semaphore, #tpu.memory_space<semaphore_mem>>
      %dma_start3A = arith.constant 0 : i32
      %dma_start3A_49 = arith.constant 0 : i32
      %dma_start3A_50 = tpu.memref_slice %arg5[%dma_start3A, %dma_start3A_49] : memref<128x128xf32, #tpu.memory_space<vmem>> -> memref<128x128xf32, #tpu.memory_space<vmem>>
      %dma_start3A_51 = arith.constant 0 : i32
      %dma_start3A_52 = tpu.memref_slice %arg6[%add3A_23, %dma_start3A_51] : memref<10240x128xf32, #tpu.memory_space<vmem_shared>> -> memref<128x128xf32, #tpu.memory_space<vmem_shared>>
      %dma_start3A_53 = arith.constant 0 : i32
      %dma_start3A_54 = tpu.memref_slice %arg6[%add3A_23, %dma_start3A_53] : memref<10240x128xf32, #tpu.memory_space<vmem_shared>> -> memref<128x128xf32, #tpu.memory_space<vmem_shared>>
      %dma_start3A_55 = arith.constant 0 : i32
      %dma_start3A_56 = arith.constant 0 : i32
      %dma_start3A_57 = tpu.memref_slice %arg5[%dma_start3A_55, %dma_start3A_56] : memref<128x128xf32, #tpu.memory_space<vmem>> -> memref<128x128xf32, #tpu.memory_space<vmem>>
      tpu.enqueue_dma source(%dma_start3A_57 : memref<128x128xf32, #tpu.memory_space<vmem>>) target(%dma_start3A_54 : memref<128x128xf32, #tpu.memory_space<vmem_shared>>) target_semaphore(%run_scoped3A : memref<!tpu.dma_semaphore, #tpu.memory_space<semaphore_mem>>)
      %dma_wait3A = arith.constant 0 : i32
      %dma_wait3A_58 = arith.constant 0 : i32
      %dma_wait3A_59 = tpu.memref_slice %arg5[%dma_wait3A, %dma_wait3A_58] : memref<128x128xf32, #tpu.memory_space<vmem>> -> memref<128x128xf32, #tpu.memory_space<vmem>>
      %dma_wait3A_60 = arith.constant 0 : i32
      %dma_wait3A_61 = tpu.memref_slice %arg6[%add3A_23, %dma_wait3A_60] : memref<10240x128xf32, #tpu.memory_space<vmem_shared>> -> memref<128x128xf32, #tpu.memory_space<vmem_shared>>
      %dma_wait3A_62 = arith.constant 0 : i32
      %dma_wait3A_63 = tpu.memref_slice %arg6[%add3A_23, %dma_wait3A_62] : memref<10240x128xf32, #tpu.memory_space<vmem_shared>> -> memref<128x128xf32, #tpu.memory_space<vmem_shared>>
      %dma_wait3A_64 = arith.constant 0 : i32
      %dma_wait3A_65 = arith.constant 0 : i32
      %dma_wait3A_66 = tpu.memref_slice %arg5[%dma_wait3A_64, %dma_wait3A_65] : memref<128x128xf32, #tpu.memory_space<vmem>> -> memref<128x128xf32, #tpu.memory_space<vmem>>
      tpu.wait_dma2 semaphore(%run_scoped3A : memref<!tpu.dma_semaphore, #tpu.memory_space<semaphore_mem>>) src(%dma_wait3A_66 : memref<128x128xf32, #tpu.memory_space<vmem>>) dst(%dma_wait3A_63 : memref<128x128xf32, #tpu.memory_space<vmem_shared>>)
      tpu.yield
    }) : () -> ()
    %mul3A_24 = arith.constant 640 : i32
    %mul3A_25 = arith.muli %arg1, %mul3A_24 : i32
    %add3A_26 = arith.constant 512 : i32
    %add3A_27 = arith.addi %mul3A_25, %add3A_26 : i32
    "tpu.region"() ({
      %run_scoped3A = tpu.sem_alloc : memref<!tpu.dma_semaphore, #tpu.memory_space<semaphore_mem>>
      %dma_start3A = arith.constant 0 : i32
      %dma_start3A_49 = arith.constant 0 : i32
      %dma_start3A_50 = tpu.memref_slice %arg5[%dma_start3A, %dma_start3A_49] : memref<128x128xf32, #tpu.memory_space<vmem>> -> memref<128x128xf32, #tpu.memory_space<vmem>>
      %dma_start3A_51 = arith.constant 0 : i32
      %dma_start3A_52 = tpu.memref_slice %arg6[%add3A_27, %dma_start3A_51] : memref<10240x128xf32, #tpu.memory_space<vmem_shared>> -> memref<128x128xf32, #tpu.memory_space<vmem_shared>>
      %dma_start3A_53 = arith.constant 0 : i32
      %dma_start3A_54 = tpu.memref_slice %arg6[%add3A_27, %dma_start3A_53] : memref<10240x128xf32, #tpu.memory_space<vmem_shared>> -> memref<128x128xf32, #tpu.memory_space<vmem_shared>>
      %dma_start3A_55 = arith.constant 0 : i32
      %dma_start3A_56 = arith.constant 0 : i32
      %dma_start3A_57 = tpu.memref_slice %arg5[%dma_start3A_55, %dma_start3A_56] : memref<128x128xf32, #tpu.memory_space<vmem>> -> memref<128x128xf32, #tpu.memory_space<vmem>>
      tpu.enqueue_dma source(%dma_start3A_57 : memref<128x128xf32, #tpu.memory_space<vmem>>) target(%dma_start3A_54 : memref<128x128xf32, #tpu.memory_space<vmem_shared>>) target_semaphore(%run_scoped3A : memref<!tpu.dma_semaphore, #tpu.memory_space<semaphore_mem>>)
      %dma_wait3A = arith.constant 0 : i32
      %dma_wait3A_58 = arith.constant 0 : i32
      %dma_wait3A_59 = tpu.memref_slice %arg5[%dma_wait3A, %dma_wait3A_58] : memref<128x128xf32, #tpu.memory_space<vmem>> -> memref<128x128xf32, #tpu.memory_space<vmem>>
      %dma_wait3A_60 = arith.constant 0 : i32
      %dma_wait3A_61 = tpu.memref_slice %arg6[%add3A_27, %dma_wait3A_60] : memref<10240x128xf32, #tpu.memory_space<vmem_shared>> -> memref<128x128xf32, #tpu.memory_space<vmem_shared>>
      %dma_wait3A_62 = arith.constant 0 : i32
      %dma_wait3A_63 = tpu.memref_slice %arg6[%add3A_27, %dma_wait3A_62] : memref<10240x128xf32, #tpu.memory_space<vmem_shared>> -> memref<128x128xf32, #tpu.memory_space<vmem_shared>>
      %dma_wait3A_64 = arith.constant 0 : i32
      %dma_wait3A_65 = arith.constant 0 : i32
      %dma_wait3A_66 = tpu.memref_slice %arg5[%dma_wait3A_64, %dma_wait3A_65] : memref<128x128xf32, #tpu.memory_space<vmem>> -> memref<128x128xf32, #tpu.memory_space<vmem>>
      tpu.wait_dma2 semaphore(%run_scoped3A : memref<!tpu.dma_semaphore, #tpu.memory_space<semaphore_mem>>) src(%dma_wait3A_66 : memref<128x128xf32, #tpu.memory_space<vmem>>) dst(%dma_wait3A_63 : memref<128x128xf32, #tpu.memory_space<vmem_shared>>)
      tpu.yield
    }) : () -> ()
    %broadcast_in_dim3A_28 = arith.constant 1.000000e+00 : f32
    %broadcast_in_dim3A_29 = vector.broadcast %broadcast_in_dim3A_28 : f32 to vector<16xf32>
    %scan3A_30 = arith.constant 0 : i32
    %scan3A_31 = arith.constant 0 : i32
    %scan3A_32 = arith.constant 128 : i32
    %scan3A_33 = arith.addi %scan3A_31, %scan3A_32 : i32
    %scan3A_34 = arith.constant 1 : i32
    %scan3A_35 = scf.for %scan3A_49 = %scan3A_31 to %scan3A_33 step %scan3A_34 iter_args(%scan3A_50 = %scan3A_30) -> (i32)  : i32 {
      %swap3A = arith.index_cast %scan3A_49 : i32 to index
      %swap3A_51 = arith.constant 0 : index
      %swap3A_52 = tpu.vector_load %arg5[%swap3A, %swap3A_51] {strides = array<i32>} : memref<128x128xf32, #tpu.memory_space<vmem>>, vector<1x16xf32>,
      %swap3A_53 = vector.shape_cast %swap3A_52 : vector<1x16xf32> to vector<16xf32>
      %swap3A_54 = vector.shape_cast %broadcast_in_dim3A_29 : vector<16xf32> to vector<1x16xf32>
      tpu.vector_store %arg5[%swap3A, %swap3A_51], %swap3A_54 {strides = array<i32>} : memref<128x128xf32, #tpu.memory_space<vmem>>, vector<1x16xf32>,
      %swap3A_55 = arith.index_cast %scan3A_49 : i32 to index
      %swap3A_56 = arith.constant 16 : index
      %swap3A_57 = tpu.vector_load %arg5[%swap3A_55, %swap3A_56] {strides = array<i32>} : memref<128x128xf32, #tpu.memory_space<vmem>>, vector<1x16xf32>,
      %swap3A_58 = vector.shape_cast %swap3A_57 : vector<1x16xf32> to vector<16xf32>
      %swap3A_59 = vector.shape_cast %broadcast_in_dim3A_29 : vector<16xf32> to vector<1x16xf32>
      tpu.vector_store %arg5[%swap3A_55, %swap3A_56], %swap3A_59 {strides = array<i32>} : memref<128x128xf32, #tpu.memory_space<vmem>>, vector<1x16xf32>,
      %swap3A_60 = arith.index_cast %scan3A_49 : i32 to index
      %swap3A_61 = arith.constant 32 : index
      %swap3A_62 = tpu.vector_load %arg5[%swap3A_60, %swap3A_61] {strides = array<i32>} : memref<128x128xf32, #tpu.memory_space<vmem>>, vector<1x16xf32>,
      %swap3A_63 = vector.shape_cast %swap3A_62 : vector<1x16xf32> to vector<16xf32>
      %swap3A_64 = vector.shape_cast %broadcast_in_dim3A_29 : vector<16xf32> to vector<1x16xf32>
      tpu.vector_store %arg5[%swap3A_60, %swap3A_61], %swap3A_64 {strides = array<i32>} : memref<128x128xf32, #tpu.memory_space<vmem>>, vector<1x16xf32>,
      %swap3A_65 = arith.index_cast %scan3A_49 : i32 to index
      %swap3A_66 = arith.constant 48 : index
      %swap3A_67 = tpu.vector_load %arg5[%swap3A_65, %swap3A_66] {strides = array<i32>} : memref<128x128xf32, #tpu.memory_space<vmem>>, vector<1x16xf32>,
      %swap3A_68 = vector.shape_cast %swap3A_67 : vector<1x16xf32> to vector<16xf32>
      %swap3A_69 = vector.shape_cast %broadcast_in_dim3A_29 : vector<16xf32> to vector<1x16xf32>
      tpu.vector_store %arg5[%swap3A_65, %swap3A_66], %swap3A_69 {strides = array<i32>} : memref<128x128xf32, #tpu.memory_space<vmem>>, vector<1x16xf32>,
      %swap3A_70 = arith.index_cast %scan3A_49 : i32 to index
      %swap3A_71 = arith.constant 64 : index
      %swap3A_72 = tpu.vector_load %arg5[%swap3A_70, %swap3A_71] {strides = array<i32>} : memref<128x128xf32, #tpu.memory_space<vmem>>, vector<1x16xf32>,
      %swap3A_73 = vector.shape_cast %swap3A_72 : vector<1x16xf32> to vector<16xf32>
      %swap3A_74 = vector.shape_cast %broadcast_in_dim3A_29 : vector<16xf32> to vector<1x16xf32>
      tpu.vector_store %arg5[%swap3A_70, %swap3A_71], %swap3A_74 {strides = array<i32>} : memref<128x128xf32, #tpu.memory_space<vmem>>, vector<1x16xf32>,
      %swap3A_75 = arith.index_cast %scan3A_49 : i32 to index
      %swap3A_76 = arith.constant 80 : index
      %swap3A_77 = tpu.vector_load %arg5[%swap3A_75, %swap3A_76] {strides = array<i32>} : memref<128x128xf32, #tpu.memory_space<vmem>>, vector<1x16xf32>,
      %swap3A_78 = vector.shape_cast %swap3A_77 : vector<1x16xf32> to vector<16xf32>
      %swap3A_79 = vector.shape_cast %broadcast_in_dim3A_29 : vector<16xf32> to vector<1x16xf32>
      tpu.vector_store %arg5[%swap3A_75, %swap3A_76], %swap3A_79 {strides = array<i32>} : memref<128x128xf32, #tpu.memory_space<vmem>>, vector<1x16xf32>,
      %swap3A_80 = arith.index_cast %scan3A_49 : i32 to index
      %swap3A_81 = arith.constant 96 : index
      %swap3A_82 = tpu.vector_load %arg5[%swap3A_80, %swap3A_81] {strides = array<i32>} : memref<128x128xf32, #tpu.memory_space<vmem>>, vector<1x16xf32>,
      %swap3A_83 = vector.shape_cast %swap3A_82 : vector<1x16xf32> to vector<16xf32>
      %swap3A_84 = vector.shape_cast %broadcast_in_dim3A_29 : vector<16xf32> to vector<1x16xf32>
      tpu.vector_store %arg5[%swap3A_80, %swap3A_81], %swap3A_84 {strides = array<i32>} : memref<128x128xf32, #tpu.memory_space<vmem>>, vector<1x16xf32>,
      %swap3A_85 = arith.index_cast %scan3A_49 : i32 to index
      %swap3A_86 = arith.constant 112 : index
      %swap3A_87 = tpu.vector_load %arg5[%swap3A_85, %swap3A_86] {strides = array<i32>} : memref<128x128xf32, #tpu.memory_space<vmem>>, vector<1x16xf32>,
      %swap3A_88 = vector.shape_cast %swap3A_87 : vector<1x16xf32> to vector<16xf32>
      %swap3A_89 = vector.shape_cast %broadcast_in_dim3A_29 : vector<16xf32> to vector<1x16xf32>
      tpu.vector_store %arg5[%swap3A_85, %swap3A_86], %swap3A_89 {strides = array<i32>} : memref<128x128xf32, #tpu.memory_space<vmem>>, vector<1x16xf32>,
      %scan3A_90 = arith.constant 0 : i32
      scf.yield %scan3A_90 : i32
    }
    %scan3A_36 = arith.constant 128 : i32
    %barrier3A = arith.constant 0 : index
    tpu.barrier barrier_id(%barrier3A)
    %mul3A_37 = arith.constant 10240 : i32
    %mul3A_38 = arith.muli %add3A, %mul3A_37 : i32
    %scan3A_39 = arith.constant 0 : i32
    %scan3A_40 = arith.constant 0 : i32
    %scan3A_41 = arith.constant 80 : i32
    %scan3A_42 = arith.addi %scan3A_40, %scan3A_41 : i32
    %scan3A_43 = arith.constant 1 : i32
    %scan3A_44 = scf.for %scan3A_49 = %scan3A_40 to %scan3A_42 step %scan3A_43 iter_args(%scan3A_50 = %scan3A_39) -> (i32)  : i32 {
      %mul3A_51 = arith.constant 128 : i32
      %mul3A_52 = arith.muli %scan3A_49, %mul3A_51 : i32
      %add3A_53 = arith.addi %mul3A_38, %mul3A_52 : i32
      %multiple_of3A = tpu.assume_multiple %add3A_53, 128 : i32
      "tpu.region"() ({
        %run_scoped3A = tpu.sem_alloc : memref<!tpu.dma_semaphore, #tpu.memory_space<semaphore_mem>>
        %dma_start3A = tpu.memref_slice %arg2[%multiple_of3A] : memref<327680xi32, #tpu.memory_space<hbm>> -> memref<128xi32, #tpu.memory_space<hbm>>
        %dma_start3A_55 = tpu.memref_slice %arg2[%multiple_of3A] : memref<327680xi32, #tpu.memory_space<hbm>> -> memref<128xi32, #tpu.memory_space<hbm>>
        tpu.enqueue_dma source(%dma_start3A_55 : memref<128xi32, #tpu.memory_space<hbm>>) target(%arg4 : memref<128xi32, #tpu.memory_space<vmem>>) target_semaphore(%run_scoped3A : memref<!tpu.dma_semaphore, #tpu.memory_space<semaphore_mem>>)
        %dma_wait3A = tpu.memref_slice %arg2[%multiple_of3A] : memref<327680xi32, #tpu.memory_space<hbm>> -> memref<128xi32, #tpu.memory_space<hbm>>
        %dma_wait3A_56 = tpu.memref_slice %arg2[%multiple_of3A] : memref<327680xi32, #tpu.memory_space<hbm>> -> memref<128xi32, #tpu.memory_space<hbm>>
        tpu.wait_dma2 semaphore(%run_scoped3A : memref<!tpu.dma_semaphore, #tpu.memory_space<semaphore_mem>>) src(%dma_wait3A_56 : memref<128xi32, #tpu.memory_space<hbm>>) dst(%arg4 : memref<128xi32, #tpu.memory_space<vmem>>)
        tpu.yield
      }) : () -> ()
      "tpu.region"() ({
        %run_scoped3A = tpu.sem_alloc : memref<!tpu.dma_semaphore, #tpu.memory_space<semaphore_mem>>
        %dma_start3A = arith.constant 0 : i32
        %dma_start3A_55 = arith.constant 0 : i32
        %dma_start3A_56 = tpu.memref_slice %arg6[%dma_start3A, %dma_start3A_55] : memref<10240x128xf32, #tpu.memory_space<vmem_shared>> -> memref<10240x128xf32, #tpu.memory_space<vmem_shared>>
        tpu.enqueue_indirect_dma source(%arg5 : memref<128x128xf32, #tpu.memory_space<vmem>>) target(%dma_start3A_56 : memref<10240x128xf32, #tpu.memory_space<vmem_shared>>) offsets(%arg4 : memref<128xi32, #tpu.memory_space<vmem>>) semaphore(%run_scoped3A : memref<!tpu.dma_semaphore, #tpu.memory_space<semaphore_mem>>) {add = true}
        %dma_wait3A = arith.constant 0 : i32
        %dma_wait3A_57 = arith.constant 0 : i32
        %dma_wait3A_58 = tpu.memref_slice %arg6[%dma_wait3A, %dma_wait3A_57] : memref<10240x128xf32, #tpu.memory_space<vmem_shared>> -> memref<10240x128xf32, #tpu.memory_space<vmem_shared>>
        tpu.wait_indirect_dma semaphore(%run_scoped3A : memref<!tpu.dma_semaphore, #tpu.memory_space<semaphore_mem>>) src(%arg5 : memref<128x128xf32, #tpu.memory_space<vmem>>) dst(%dma_wait3A_58 : memref<10240x128xf32, #tpu.memory_space<vmem_shared>>)
        tpu.yield
      }) : () -> ()
      %scan3A_54 = arith.constant 0 : i32
      scf.yield %scan3A_54 : i32
    }
    %scan3A_45 = arith.constant 80 : i32
    %barrier3A_46 = arith.constant 0 : index
    tpu.barrier barrier_id(%barrier3A_46)
    %mul3A_47 = arith.constant 640 : i32
    %mul3A_48 = arith.muli %arg1, %mul3A_47 : i32
    "tpu.region"() ({
      %run_scoped3A = tpu.sem_alloc : memref<!tpu.dma_semaphore, #tpu.memory_space<semaphore_mem>>
      %dma_start3A = arith.constant 0 : i32
      %dma_start3A_49 = tpu.memref_slice %arg3[%arg0, %mul3A_48, %dma_start3A] : memref<2x10240x128xf32, #tpu.memory_space<hbm>> -> memref<1x640x128xf32, #tpu.memory_space<hbm>>
      %dma_start3A_50 = tpu.memref_squeeze %dma_start3A_49 : memref<1x640x128xf32, #tpu.memory_space<hbm>> -> memref<640x128xf32, #tpu.memory_space<hbm>>
      %dma_start3A_51 = arith.constant 0 : i32
      %dma_start3A_52 = tpu.memref_slice %arg6[%mul3A_48, %dma_start3A_51] : memref<10240x128xf32, #tpu.memory_space<vmem_shared>> -> memref<640x128xf32, #tpu.memory_space<vmem_shared>>
      tpu.enqueue_dma source(%dma_start3A_52 : memref<640x128xf32, #tpu.memory_space<vmem_shared>>) target(%dma_start3A_50 : memref<640x128xf32, #tpu.memory_space<hbm>>) target_semaphore(%run_scoped3A : memref<!tpu.dma_semaphore, #tpu.memory_space<semaphore_mem>>)
      %dma_wait3A = arith.constant 0 : i32
      %dma_wait3A_53 = tpu.memref_slice %arg3[%arg0, %mul3A_48, %dma_wait3A] : memref<2x10240x128xf32, #tpu.memory_space<hbm>> -> memref<1x640x128xf32, #tpu.memory_space<hbm>>
      %dma_wait3A_54 = tpu.memref_squeeze %dma_wait3A_53 : memref<1x640x128xf32, #tpu.memory_space<hbm>> -> memref<640x128xf32, #tpu.memory_space<hbm>>
      %dma_wait3A_55 = arith.constant 0 : i32
      %dma_wait3A_56 = tpu.memref_slice %arg6[%mul3A_48, %dma_wait3A_55] : memref<10240x128xf32, #tpu.memory_space<vmem_shared>> -> memref<640x128xf32, #tpu.memory_space<vmem_shared>>
      tpu.wait_dma2 semaphore(%run_scoped3A : memref<!tpu.dma_semaphore, #tpu.memory_space<semaphore_mem>>) src(%dma_wait3A_56 : memref<640x128xf32, #tpu.memory_space<vmem_shared>>) dst(%dma_wait3A_54 : memref<640x128xf32, #tpu.memory_space<hbm>>)
      tpu.yield
    }) : () -> ()
    return
  }
}

#map = affine_map<(d0, d1) -> (0, 0, 0)>
#map1 = affine_map<(d0, d1) -> (0, 0)>
module attributes {stable_mosaic.version = 14 : i64} {
  func.func @_conv_pass(%arg0: i32, %arg1: i32, %arg2: memref<32x80x128xi32, #tpu.memory_space<hbm>>, %arg3: memref<32x80x128xi32, #tpu.memory_space<hbm>>, %arg4: memref<10000x128xf32, #tpu.memory_space<hbm>>, %arg5: memref<2x10240x128xf32, #tpu.memory_space<hbm>>, %arg6: memref<40x128xi32, #tpu.memory_space<vmem>>, %arg7: memref<40x128xi32, #tpu.memory_space<vmem>>, %arg8: memref<128x128xf32, #tpu.memory_space<vmem>>, %arg9: memref<128x128xf32, #tpu.memory_space<vmem>>, %arg10: memref<10240x128xf32, #tpu.memory_space<vmem_shared>>, %arg11: memref<!tpu.dma_semaphore, #tpu.memory_space<semaphore_mem>>, %arg12: memref<!tpu.dma_semaphore, #tpu.memory_space<semaphore_mem>>) attributes {dimension_semantics = [#tpu.dimension_semantics<core_parallel>, #tpu.dimension_semantics<subcore_parallel>], iteration_bounds = array<i64: 2, 16>, scalar_prefetch = 0 : i64, scratch_operands = 7 : i64, tpu.core_type = #tpu.core_type<sc_vector_subcore>, window_params = [{transform_indices = #map}, {transform_indices = #map}, {transform_indices = #map1}, {transform_indices = #map}]} {
    %mul3A = arith.constant 16 : i32
    %mul3A_0 = arith.muli %arg0, %mul3A : i32
    %add3A = arith.addi %mul3A_0, %arg1 : i32
    %dma_start3A = arith.constant 0 : i32
    %dma_start3A_1 = arith.constant 0 : i32
    %dma_start3A_2 = tpu.memref_slice %arg2[%add3A, %dma_start3A, %dma_start3A_1] : memref<32x80x128xi32, #tpu.memory_space<hbm>> -> memref<1x40x128xi32, #tpu.memory_space<hbm>>
    %dma_start3A_3 = tpu.memref_squeeze %dma_start3A_2 : memref<1x40x128xi32, #tpu.memory_space<hbm>> -> memref<40x128xi32, #tpu.memory_space<hbm>>
    %dma_start3A_4 = arith.constant 0 : i32
    %dma_start3A_5 = arith.constant 0 : i32
    %dma_start3A_6 = tpu.memref_slice %arg2[%add3A, %dma_start3A_4, %dma_start3A_5] : memref<32x80x128xi32, #tpu.memory_space<hbm>> -> memref<1x40x128xi32, #tpu.memory_space<hbm>>
    %dma_start3A_7 = tpu.memref_squeeze %dma_start3A_6 : memref<1x40x128xi32, #tpu.memory_space<hbm>> -> memref<40x128xi32, #tpu.memory_space<hbm>>
    tpu.enqueue_dma source(%dma_start3A_7 : memref<40x128xi32, #tpu.memory_space<hbm>>) target(%arg6 : memref<40x128xi32, #tpu.memory_space<vmem>>) target_semaphore(%arg11 : memref<!tpu.dma_semaphore, #tpu.memory_space<semaphore_mem>>)
    %dma_start3A_8 = arith.constant 0 : i32
    %dma_start3A_9 = arith.constant 0 : i32
    %dma_start3A_10 = tpu.memref_slice %arg3[%add3A, %dma_start3A_8, %dma_start3A_9] : memref<32x80x128xi32, #tpu.memory_space<hbm>> -> memref<1x40x128xi32, #tpu.memory_space<hbm>>
    %dma_start3A_11 = tpu.memref_squeeze %dma_start3A_10 : memref<1x40x128xi32, #tpu.memory_space<hbm>> -> memref<40x128xi32, #tpu.memory_space<hbm>>
    %dma_start3A_12 = arith.constant 0 : i32
    %dma_start3A_13 = arith.constant 0 : i32
    %dma_start3A_14 = tpu.memref_slice %arg3[%add3A, %dma_start3A_12, %dma_start3A_13] : memref<32x80x128xi32, #tpu.memory_space<hbm>> -> memref<1x40x128xi32, #tpu.memory_space<hbm>>
    %dma_start3A_15 = tpu.memref_squeeze %dma_start3A_14 : memref<1x40x128xi32, #tpu.memory_space<hbm>> -> memref<40x128xi32, #tpu.memory_space<hbm>>
    tpu.enqueue_dma source(%dma_start3A_15 : memref<40x128xi32, #tpu.memory_space<hbm>>) target(%arg7 : memref<40x128xi32, #tpu.memory_space<vmem>>) target_semaphore(%arg12 : memref<!tpu.dma_semaphore, #tpu.memory_space<semaphore_mem>>)
    %broadcast_in_dim3A = arith.constant 0.000000e+00 : f32
    %broadcast_in_dim3A_16 = vector.broadcast %broadcast_in_dim3A : f32 to vector<16xf32>
    %scan3A = arith.constant 0 : i32
    %scan3A_17 = arith.constant 0 : i32
    %scan3A_18 = arith.constant 128 : i32
    %scan3A_19 = arith.addi %scan3A_17, %scan3A_18 : i32
    %scan3A_20 = arith.constant 1 : i32
    %scan3A_21 = scf.for %scan3A_90 = %scan3A_17 to %scan3A_19 step %scan3A_20 iter_args(%scan3A_91 = %scan3A) -> (i32)  : i32 {
      %swap3A = arith.index_cast %scan3A_90 : i32 to index
      %swap3A_92 = arith.constant 0 : index
      %swap3A_93 = tpu.vector_load %arg8[%swap3A, %swap3A_92] {strides = array<i32>} : memref<128x128xf32, #tpu.memory_space<vmem>>, vector<1x16xf32>,
      %swap3A_94 = vector.shape_cast %swap3A_93 : vector<1x16xf32> to vector<16xf32>
      %swap3A_95 = vector.shape_cast %broadcast_in_dim3A_16 : vector<16xf32> to vector<1x16xf32>
      tpu.vector_store %arg8[%swap3A, %swap3A_92], %swap3A_95 {strides = array<i32>} : memref<128x128xf32, #tpu.memory_space<vmem>>, vector<1x16xf32>,
      %swap3A_96 = arith.index_cast %scan3A_90 : i32 to index
      %swap3A_97 = arith.constant 16 : index
      %swap3A_98 = tpu.vector_load %arg8[%swap3A_96, %swap3A_97] {strides = array<i32>} : memref<128x128xf32, #tpu.memory_space<vmem>>, vector<1x16xf32>,
      %swap3A_99 = vector.shape_cast %swap3A_98 : vector<1x16xf32> to vector<16xf32>
      %swap3A_100 = vector.shape_cast %broadcast_in_dim3A_16 : vector<16xf32> to vector<1x16xf32>
      tpu.vector_store %arg8[%swap3A_96, %swap3A_97], %swap3A_100 {strides = array<i32>} : memref<128x128xf32, #tpu.memory_space<vmem>>, vector<1x16xf32>,
      %swap3A_101 = arith.index_cast %scan3A_90 : i32 to index
      %swap3A_102 = arith.constant 32 : index
      %swap3A_103 = tpu.vector_load %arg8[%swap3A_101, %swap3A_102] {strides = array<i32>} : memref<128x128xf32, #tpu.memory_space<vmem>>, vector<1x16xf32>,
      %swap3A_104 = vector.shape_cast %swap3A_103 : vector<1x16xf32> to vector<16xf32>
      %swap3A_105 = vector.shape_cast %broadcast_in_dim3A_16 : vector<16xf32> to vector<1x16xf32>
      tpu.vector_store %arg8[%swap3A_101, %swap3A_102], %swap3A_105 {strides = array<i32>} : memref<128x128xf32, #tpu.memory_space<vmem>>, vector<1x16xf32>,
      %swap3A_106 = arith.index_cast %scan3A_90 : i32 to index
      %swap3A_107 = arith.constant 48 : index
      %swap3A_108 = tpu.vector_load %arg8[%swap3A_106, %swap3A_107] {strides = array<i32>} : memref<128x128xf32, #tpu.memory_space<vmem>>, vector<1x16xf32>,
      %swap3A_109 = vector.shape_cast %swap3A_108 : vector<1x16xf32> to vector<16xf32>
      %swap3A_110 = vector.shape_cast %broadcast_in_dim3A_16 : vector<16xf32> to vector<1x16xf32>
      tpu.vector_store %arg8[%swap3A_106, %swap3A_107], %swap3A_110 {strides = array<i32>} : memref<128x128xf32, #tpu.memory_space<vmem>>, vector<1x16xf32>,
      %swap3A_111 = arith.index_cast %scan3A_90 : i32 to index
      %swap3A_112 = arith.constant 64 : index
      %swap3A_113 = tpu.vector_load %arg8[%swap3A_111, %swap3A_112] {strides = array<i32>} : memref<128x128xf32, #tpu.memory_space<vmem>>, vector<1x16xf32>,
      %swap3A_114 = vector.shape_cast %swap3A_113 : vector<1x16xf32> to vector<16xf32>
      %swap3A_115 = vector.shape_cast %broadcast_in_dim3A_16 : vector<16xf32> to vector<1x16xf32>
      tpu.vector_store %arg8[%swap3A_111, %swap3A_112], %swap3A_115 {strides = array<i32>} : memref<128x128xf32, #tpu.memory_space<vmem>>, vector<1x16xf32>,
      %swap3A_116 = arith.index_cast %scan3A_90 : i32 to index
      %swap3A_117 = arith.constant 80 : index
      %swap3A_118 = tpu.vector_load %arg8[%swap3A_116, %swap3A_117] {strides = array<i32>} : memref<128x128xf32, #tpu.memory_space<vmem>>, vector<1x16xf32>,
      %swap3A_119 = vector.shape_cast %swap3A_118 : vector<1x16xf32> to vector<16xf32>
      %swap3A_120 = vector.shape_cast %broadcast_in_dim3A_16 : vector<16xf32> to vector<1x16xf32>
      tpu.vector_store %arg8[%swap3A_116, %swap3A_117], %swap3A_120 {strides = array<i32>} : memref<128x128xf32, #tpu.memory_space<vmem>>, vector<1x16xf32>,
      %swap3A_121 = arith.index_cast %scan3A_90 : i32 to index
      %swap3A_122 = arith.constant 96 : index
      %swap3A_123 = tpu.vector_load %arg8[%swap3A_121, %swap3A_122] {strides = array<i32>} : memref<128x128xf32, #tpu.memory_space<vmem>>, vector<1x16xf32>,
      %swap3A_124 = vector.shape_cast %swap3A_123 : vector<1x16xf32> to vector<16xf32>
      %swap3A_125 = vector.shape_cast %broadcast_in_dim3A_16 : vector<16xf32> to vector<1x16xf32>
      tpu.vector_store %arg8[%swap3A_121, %swap3A_122], %swap3A_125 {strides = array<i32>} : memref<128x128xf32, #tpu.memory_space<vmem>>, vector<1x16xf32>,
      %swap3A_126 = arith.index_cast %scan3A_90 : i32 to index
      %swap3A_127 = arith.constant 112 : index
      %swap3A_128 = tpu.vector_load %arg8[%swap3A_126, %swap3A_127] {strides = array<i32>} : memref<128x128xf32, #tpu.memory_space<vmem>>, vector<1x16xf32>,
      %swap3A_129 = vector.shape_cast %swap3A_128 : vector<1x16xf32> to vector<16xf32>
      %swap3A_130 = vector.shape_cast %broadcast_in_dim3A_16 : vector<16xf32> to vector<1x16xf32>
      tpu.vector_store %arg8[%swap3A_126, %swap3A_127], %swap3A_130 {strides = array<i32>} : memref<128x128xf32, #tpu.memory_space<vmem>>, vector<1x16xf32>,
      %scan3A_131 = arith.constant 0 : i32
      scf.yield %scan3A_131 : i32
    }
    %scan3A_22 = arith.constant 128 : i32
    %dma_wait3A = arith.constant 0 : i32
    %dma_wait3A_23 = arith.constant 0 : i32
    %dma_wait3A_24 = tpu.memref_slice %arg2[%add3A, %dma_wait3A, %dma_wait3A_23] : memref<32x80x128xi32, #tpu.memory_space<hbm>> -> memref<1x40x128xi32, #tpu.memory_space<hbm>>
    %dma_wait3A_25 = tpu.memref_squeeze %dma_wait3A_24 : memref<1x40x128xi32, #tpu.memory_space<hbm>> -> memref<40x128xi32, #tpu.memory_space<hbm>>
    %dma_wait3A_26 = arith.constant 0 : i32
    %dma_wait3A_27 = arith.constant 0 : i32
    %dma_wait3A_28 = tpu.memref_slice %arg2[%add3A, %dma_wait3A_26, %dma_wait3A_27] : memref<32x80x128xi32, #tpu.memory_space<hbm>> -> memref<1x40x128xi32, #tpu.memory_space<hbm>>
    %dma_wait3A_29 = tpu.memref_squeeze %dma_wait3A_28 : memref<1x40x128xi32, #tpu.memory_space<hbm>> -> memref<40x128xi32, #tpu.memory_space<hbm>>
    tpu.wait_dma2 semaphore(%arg11 : memref<!tpu.dma_semaphore, #tpu.memory_space<semaphore_mem>>) src(%dma_wait3A_29 : memref<40x128xi32, #tpu.memory_space<hbm>>) dst(%arg6 : memref<40x128xi32, #tpu.memory_space<vmem>>)
    %dma_start3A_30 = arith.constant 0 : i32
    %dma_start3A_31 = arith.constant 0 : i32
    %dma_start3A_32 = tpu.memref_slice %arg6[%dma_start3A_30, %dma_start3A_31] : memref<40x128xi32, #tpu.memory_space<vmem>> -> memref<1x128xi32, #tpu.memory_space<vmem>>
    %dma_start3A_33 = tpu.memref_squeeze %dma_start3A_32 : memref<1x128xi32, #tpu.memory_space<vmem>> -> memref<128xi32, #tpu.memory_space<vmem>>
    %dma_start3A_34 = arith.constant 0 : i32
    %dma_start3A_35 = arith.constant 0 : i32
    %dma_start3A_36 = tpu.memref_slice %arg4[%dma_start3A_34, %dma_start3A_35] : memref<10000x128xf32, #tpu.memory_space<hbm>> -> memref<10000x128xf32, #tpu.memory_space<hbm>>
    tpu.enqueue_indirect_dma source(%dma_start3A_36 : memref<10000x128xf32, #tpu.memory_space<hbm>>) target(%arg9 : memref<128x128xf32, #tpu.memory_space<vmem>>) offsets(%dma_start3A_33 : memref<128xi32, #tpu.memory_space<vmem>>) semaphore(%arg11 : memref<!tpu.dma_semaphore, #tpu.memory_space<semaphore_mem>>)
    %mul3A_37 = arith.constant 640 : i32
    %mul3A_38 = arith.muli %arg1, %mul3A_37 : i32
    %add3A_39 = arith.constant 0 : i32
    %add3A_40 = arith.addi %mul3A_38, %add3A_39 : i32
    "tpu.region"() ({
      %run_scoped3A = tpu.sem_alloc : memref<!tpu.dma_semaphore, #tpu.memory_space<semaphore_mem>>
      %dma_start3A_90 = arith.constant 0 : i32
      %dma_start3A_91 = tpu.memref_slice %arg10[%add3A_40, %dma_start3A_90] : memref<10240x128xf32, #tpu.memory_space<vmem_shared>> -> memref<128x128xf32, #tpu.memory_space<vmem_shared>>
      %dma_start3A_92 = arith.constant 0 : i32
      %dma_start3A_93 = tpu.memref_slice %arg10[%add3A_40, %dma_start3A_92] : memref<10240x128xf32, #tpu.memory_space<vmem_shared>> -> memref<128x128xf32, #tpu.memory_space<vmem_shared>>
      tpu.enqueue_dma source(%arg8 : memref<128x128xf32, #tpu.memory_space<vmem>>) target(%dma_start3A_93 : memref<128x128xf32, #tpu.memory_space<vmem_shared>>) target_semaphore(%run_scoped3A : memref<!tpu.dma_semaphore, #tpu.memory_space<semaphore_mem>>)
      %dma_wait3A_94 = arith.constant 0 : i32
      %dma_wait3A_95 = tpu.memref_slice %arg10[%add3A_40, %dma_wait3A_94] : memref<10240x128xf32, #tpu.memory_space<vmem_shared>> -> memref<128x128xf32, #tpu.memory_space<vmem_shared>>
      %dma_wait3A_96 = arith.constant 0 : i32
      %dma_wait3A_97 = tpu.memref_slice %arg10[%add3A_40, %dma_wait3A_96] : memref<10240x128xf32, #tpu.memory_space<vmem_shared>> -> memref<128x128xf32, #tpu.memory_space<vmem_shared>>
      tpu.wait_dma2 semaphore(%run_scoped3A : memref<!tpu.dma_semaphore, #tpu.memory_space<semaphore_mem>>) src(%arg8 : memref<128x128xf32, #tpu.memory_space<vmem>>) dst(%dma_wait3A_97 : memref<128x128xf32, #tpu.memory_space<vmem_shared>>)
      tpu.yield
    }) : () -> ()
    %mul3A_41 = arith.constant 640 : i32
    %mul3A_42 = arith.muli %arg1, %mul3A_41 : i32
    %add3A_43 = arith.constant 128 : i32
    %add3A_44 = arith.addi %mul3A_42, %add3A_43 : i32
    "tpu.region"() ({
      %run_scoped3A = tpu.sem_alloc : memref<!tpu.dma_semaphore, #tpu.memory_space<semaphore_mem>>
      %dma_start3A_90 = arith.constant 0 : i32
      %dma_start3A_91 = tpu.memref_slice %arg10[%add3A_44, %dma_start3A_90] : memref<10240x128xf32, #tpu.memory_space<vmem_shared>> -> memref<128x128xf32, #tpu.memory_space<vmem_shared>>
      %dma_start3A_92 = arith.constant 0 : i32
      %dma_start3A_93 = tpu.memref_slice %arg10[%add3A_44, %dma_start3A_92] : memref<10240x128xf32, #tpu.memory_space<vmem_shared>> -> memref<128x128xf32, #tpu.memory_space<vmem_shared>>
      tpu.enqueue_dma source(%arg8 : memref<128x128xf32, #tpu.memory_space<vmem>>) target(%dma_start3A_93 : memref<128x128xf32, #tpu.memory_space<vmem_shared>>) target_semaphore(%run_scoped3A : memref<!tpu.dma_semaphore, #tpu.memory_space<semaphore_mem>>)
      %dma_wait3A_94 = arith.constant 0 : i32
      %dma_wait3A_95 = tpu.memref_slice %arg10[%add3A_44, %dma_wait3A_94] : memref<10240x128xf32, #tpu.memory_space<vmem_shared>> -> memref<128x128xf32, #tpu.memory_space<vmem_shared>>
      %dma_wait3A_96 = arith.constant 0 : i32
      %dma_wait3A_97 = tpu.memref_slice %arg10[%add3A_44, %dma_wait3A_96] : memref<10240x128xf32, #tpu.memory_space<vmem_shared>> -> memref<128x128xf32, #tpu.memory_space<vmem_shared>>
      tpu.wait_dma2 semaphore(%run_scoped3A : memref<!tpu.dma_semaphore, #tpu.memory_space<semaphore_mem>>) src(%arg8 : memref<128x128xf32, #tpu.memory_space<vmem>>) dst(%dma_wait3A_97 : memref<128x128xf32, #tpu.memory_space<vmem_shared>>)
      tpu.yield
    }) : () -> ()
    %mul3A_45 = arith.constant 640 : i32
    %mul3A_46 = arith.muli %arg1, %mul3A_45 : i32
    %add3A_47 = arith.constant 256 : i32
    %add3A_48 = arith.addi %mul3A_46, %add3A_47 : i32
    "tpu.region"() ({
      %run_scoped3A = tpu.sem_alloc : memref<!tpu.dma_semaphore, #tpu.memory_space<semaphore_mem>>
      %dma_start3A_90 = arith.constant 0 : i32
      %dma_start3A_91 = tpu.memref_slice %arg10[%add3A_48, %dma_start3A_90] : memref<10240x128xf32, #tpu.memory_space<vmem_shared>> -> memref<128x128xf32, #tpu.memory_space<vmem_shared>>
      %dma_start3A_92 = arith.constant 0 : i32
      %dma_start3A_93 = tpu.memref_slice %arg10[%add3A_48, %dma_start3A_92] : memref<10240x128xf32, #tpu.memory_space<vmem_shared>> -> memref<128x128xf32, #tpu.memory_space<vmem_shared>>
      tpu.enqueue_dma source(%arg8 : memref<128x128xf32, #tpu.memory_space<vmem>>) target(%dma_start3A_93 : memref<128x128xf32, #tpu.memory_space<vmem_shared>>) target_semaphore(%run_scoped3A : memref<!tpu.dma_semaphore, #tpu.memory_space<semaphore_mem>>)
      %dma_wait3A_94 = arith.constant 0 : i32
      %dma_wait3A_95 = tpu.memref_slice %arg10[%add3A_48, %dma_wait3A_94] : memref<10240x128xf32, #tpu.memory_space<vmem_shared>> -> memref<128x128xf32, #tpu.memory_space<vmem_shared>>
      %dma_wait3A_96 = arith.constant 0 : i32
      %dma_wait3A_97 = tpu.memref_slice %arg10[%add3A_48, %dma_wait3A_96] : memref<10240x128xf32, #tpu.memory_space<vmem_shared>> -> memref<128x128xf32, #tpu.memory_space<vmem_shared>>
      tpu.wait_dma2 semaphore(%run_scoped3A : memref<!tpu.dma_semaphore, #tpu.memory_space<semaphore_mem>>) src(%arg8 : memref<128x128xf32, #tpu.memory_space<vmem>>) dst(%dma_wait3A_97 : memref<128x128xf32, #tpu.memory_space<vmem_shared>>)
      tpu.yield
    }) : () -> ()
    %mul3A_49 = arith.constant 640 : i32
    %mul3A_50 = arith.muli %arg1, %mul3A_49 : i32
    %add3A_51 = arith.constant 384 : i32
    %add3A_52 = arith.addi %mul3A_50, %add3A_51 : i32
    "tpu.region"() ({
      %run_scoped3A = tpu.sem_alloc : memref<!tpu.dma_semaphore, #tpu.memory_space<semaphore_mem>>
      %dma_start3A_90 = arith.constant 0 : i32
      %dma_start3A_91 = tpu.memref_slice %arg10[%add3A_52, %dma_start3A_90] : memref<10240x128xf32, #tpu.memory_space<vmem_shared>> -> memref<128x128xf32, #tpu.memory_space<vmem_shared>>
      %dma_start3A_92 = arith.constant 0 : i32
      %dma_start3A_93 = tpu.memref_slice %arg10[%add3A_52, %dma_start3A_92] : memref<10240x128xf32, #tpu.memory_space<vmem_shared>> -> memref<128x128xf32, #tpu.memory_space<vmem_shared>>
      tpu.enqueue_dma source(%arg8 : memref<128x128xf32, #tpu.memory_space<vmem>>) target(%dma_start3A_93 : memref<128x128xf32, #tpu.memory_space<vmem_shared>>) target_semaphore(%run_scoped3A : memref<!tpu.dma_semaphore, #tpu.memory_space<semaphore_mem>>)
      %dma_wait3A_94 = arith.constant 0 : i32
      %dma_wait3A_95 = tpu.memref_slice %arg10[%add3A_52, %dma_wait3A_94] : memref<10240x128xf32, #tpu.memory_space<vmem_shared>> -> memref<128x128xf32, #tpu.memory_space<vmem_shared>>
      %dma_wait3A_96 = arith.constant 0 : i32
      %dma_wait3A_97 = tpu.memref_slice %arg10[%add3A_52, %dma_wait3A_96] : memref<10240x128xf32, #tpu.memory_space<vmem_shared>> -> memref<128x128xf32, #tpu.memory_space<vmem_shared>>
      tpu.wait_dma2 semaphore(%run_scoped3A : memref<!tpu.dma_semaphore, #tpu.memory_space<semaphore_mem>>) src(%arg8 : memref<128x128xf32, #tpu.memory_space<vmem>>) dst(%dma_wait3A_97 : memref<128x128xf32, #tpu.memory_space<vmem_shared>>)
      tpu.yield
    }) : () -> ()
    %mul3A_53 = arith.constant 640 : i32
    %mul3A_54 = arith.muli %arg1, %mul3A_53 : i32
    %add3A_55 = arith.constant 512 : i32
    %add3A_56 = arith.addi %mul3A_54, %add3A_55 : i32
    "tpu.region"() ({
      %run_scoped3A = tpu.sem_alloc : memref<!tpu.dma_semaphore, #tpu.memory_space<semaphore_mem>>
      %dma_start3A_90 = arith.constant 0 : i32
      %dma_start3A_91 = tpu.memref_slice %arg10[%add3A_56, %dma_start3A_90] : memref<10240x128xf32, #tpu.memory_space<vmem_shared>> -> memref<128x128xf32, #tpu.memory_space<vmem_shared>>
      %dma_start3A_92 = arith.constant 0 : i32
      %dma_start3A_93 = tpu.memref_slice %arg10[%add3A_56, %dma_start3A_92] : memref<10240x128xf32, #tpu.memory_space<vmem_shared>> -> memref<128x128xf32, #tpu.memory_space<vmem_shared>>
      tpu.enqueue_dma source(%arg8 : memref<128x128xf32, #tpu.memory_space<vmem>>) target(%dma_start3A_93 : memref<128x128xf32, #tpu.memory_space<vmem_shared>>) target_semaphore(%run_scoped3A : memref<!tpu.dma_semaphore, #tpu.memory_space<semaphore_mem>>)
      %dma_wait3A_94 = arith.constant 0 : i32
      %dma_wait3A_95 = tpu.memref_slice %arg10[%add3A_56, %dma_wait3A_94] : memref<10240x128xf32, #tpu.memory_space<vmem_shared>> -> memref<128x128xf32, #tpu.memory_space<vmem_shared>>
      %dma_wait3A_96 = arith.constant 0 : i32
      %dma_wait3A_97 = tpu.memref_slice %arg10[%add3A_56, %dma_wait3A_96] : memref<10240x128xf32, #tpu.memory_space<vmem_shared>> -> memref<128x128xf32, #tpu.memory_space<vmem_shared>>
      tpu.wait_dma2 semaphore(%run_scoped3A : memref<!tpu.dma_semaphore, #tpu.memory_space<semaphore_mem>>) src(%arg8 : memref<128x128xf32, #tpu.memory_space<vmem>>) dst(%dma_wait3A_97 : memref<128x128xf32, #tpu.memory_space<vmem_shared>>)
      tpu.yield
    }) : () -> ()
    %dma_wait3A_57 = arith.constant 0 : i32
    %dma_wait3A_58 = arith.constant 0 : i32
    %dma_wait3A_59 = tpu.memref_slice %arg3[%add3A, %dma_wait3A_57, %dma_wait3A_58] : memref<32x80x128xi32, #tpu.memory_space<hbm>> -> memref<1x40x128xi32, #tpu.memory_space<hbm>>
    %dma_wait3A_60 = tpu.memref_squeeze %dma_wait3A_59 : memref<1x40x128xi32, #tpu.memory_space<hbm>> -> memref<40x128xi32, #tpu.memory_space<hbm>>
    %dma_wait3A_61 = arith.constant 0 : i32
    %dma_wait3A_62 = arith.constant 0 : i32
    %dma_wait3A_63 = tpu.memref_slice %arg3[%add3A, %dma_wait3A_61, %dma_wait3A_62] : memref<32x80x128xi32, #tpu.memory_space<hbm>> -> memref<1x40x128xi32, #tpu.memory_space<hbm>>
    %dma_wait3A_64 = tpu.memref_squeeze %dma_wait3A_63 : memref<1x40x128xi32, #tpu.memory_space<hbm>> -> memref<40x128xi32, #tpu.memory_space<hbm>>
    tpu.wait_dma2 semaphore(%arg12 : memref<!tpu.dma_semaphore, #tpu.memory_space<semaphore_mem>>) src(%dma_wait3A_64 : memref<40x128xi32, #tpu.memory_space<hbm>>) dst(%arg7 : memref<40x128xi32, #tpu.memory_space<vmem>>)
    %barrier3A = arith.constant 0 : index
    tpu.barrier barrier_id(%barrier3A)
    %scan3A_65 = arith.constant 0 : i32
    %scan3A_66 = arith.constant 0 : i32
    %scan3A_67 = arith.constant 20 : i32
    %scan3A_68 = arith.addi %scan3A_66, %scan3A_67 : i32
    %scan3A_69 = arith.constant 1 : i32
    %scan3A_70 = scf.for %scan3A_90 = %scan3A_66 to %scan3A_68 step %scan3A_69 iter_args(%scan3A_91 = %scan3A_65) -> (i32)  : i32 {
      %mul3A_92 = arith.constant 2 : i32
      %mul3A_93 = arith.muli %mul3A_92, %scan3A_90 : i32
      %add3A_94 = arith.constant 0 : i32
      %add3A_95 = arith.addi %mul3A_93, %add3A_94 : i32
      %lt3A = arith.constant 39 : i32
      %lt3A_96 = arith.cmpi slt, %add3A_95, %lt3A : i32
      %convert_element_type3A = arith.extui %lt3A_96 : i1 to i32
      %cond3A = arith.constant 0 : i32
      %cond3A_97 = arith.cmpi ne, %convert_element_type3A, %cond3A : i32
      scf.if %cond3A_97 {
        %add3A_120 = arith.constant 1 : i32
        %add3A_121 = arith.addi %add3A_95, %add3A_120 : i32
        %dma_start3A_122 = arith.constant 0 : i32
        %dma_start3A_123 = tpu.memref_slice %arg6[%add3A_121, %dma_start3A_122] : memref<40x128xi32, #tpu.memory_space<vmem>> -> memref<1x128xi32, #tpu.memory_space<vmem>>
        %dma_start3A_124 = tpu.memref_squeeze %dma_start3A_123 : memref<1x128xi32, #tpu.memory_space<vmem>> -> memref<128xi32, #tpu.memory_space<vmem>>
        %dma_start3A_125 = arith.constant 0 : i32
        %dma_start3A_126 = arith.constant 0 : i32
        %dma_start3A_127 = tpu.memref_slice %arg4[%dma_start3A_125, %dma_start3A_126] : memref<10000x128xf32, #tpu.memory_space<hbm>> -> memref<10000x128xf32, #tpu.memory_space<hbm>>
        tpu.enqueue_indirect_dma source(%dma_start3A_127 : memref<10000x128xf32, #tpu.memory_space<hbm>>) target(%arg8 : memref<128x128xf32, #tpu.memory_space<vmem>>) offsets(%dma_start3A_124 : memref<128xi32, #tpu.memory_space<vmem>>) semaphore(%arg12 : memref<!tpu.dma_semaphore, #tpu.memory_space<semaphore_mem>>)
      } else {
      }
      %dma_wait3A_98 = arith.constant 0 : i32
      %dma_wait3A_99 = tpu.memref_slice %arg6[%add3A_95, %dma_wait3A_98] : memref<40x128xi32, #tpu.memory_space<vmem>> -> memref<1x128xi32, #tpu.memory_space<vmem>>
      %dma_wait3A_100 = tpu.memref_squeeze %dma_wait3A_99 : memref<1x128xi32, #tpu.memory_space<vmem>> -> memref<128xi32, #tpu.memory_space<vmem>>
      %dma_wait3A_101 = arith.constant 0 : i32
      %dma_wait3A_102 = arith.constant 0 : i32
      %dma_wait3A_103 = tpu.memref_slice %arg4[%dma_wait3A_101, %dma_wait3A_102] : memref<10000x128xf32, #tpu.memory_space<hbm>> -> memref<10000x128xf32, #tpu.memory_space<hbm>>
      tpu.wait_indirect_dma semaphore(%arg11 : memref<!tpu.dma_semaphore, #tpu.memory_space<semaphore_mem>>) src(%dma_wait3A_103 : memref<10000x128xf32, #tpu.memory_space<hbm>>) dst(%arg9 : memref<128x128xf32, #tpu.memory_space<vmem>>)
      "tpu.region"() ({
        %run_scoped3A = tpu.sem_alloc : memref<!tpu.dma_semaphore, #tpu.memory_space<semaphore_mem>>
        %dma_start3A_120 = arith.constant 0 : i32
        %dma_start3A_121 = tpu.memref_slice %arg7[%add3A_95, %dma_start3A_120] : memref<40x128xi32, #tpu.memory_space<vmem>> -> memref<1x128xi32, #tpu.memory_space<vmem>>
        %dma_start3A_122 = tpu.memref_squeeze %dma_start3A_121 : memref<1x128xi32, #tpu.memory_space<vmem>> -> memref<128xi32, #tpu.memory_space<vmem>>
        %dma_start3A_123 = arith.constant 0 : i32
        %dma_start3A_124 = arith.constant 0 : i32
        %dma_start3A_125 = tpu.memref_slice %arg10[%dma_start3A_123, %dma_start3A_124] : memref<10240x128xf32, #tpu.memory_space<vmem_shared>> -> memref<10240x128xf32, #tpu.memory_space<vmem_shared>>
        tpu.enqueue_indirect_dma source(%arg9 : memref<128x128xf32, #tpu.memory_space<vmem>>) target(%dma_start3A_125 : memref<10240x128xf32, #tpu.memory_space<vmem_shared>>) offsets(%dma_start3A_122 : memref<128xi32, #tpu.memory_space<vmem>>) semaphore(%run_scoped3A : memref<!tpu.dma_semaphore, #tpu.memory_space<semaphore_mem>>) {add = true}
        %dma_wait3A_126 = arith.constant 0 : i32
        %dma_wait3A_127 = tpu.memref_slice %arg7[%add3A_95, %dma_wait3A_126] : memref<40x128xi32, #tpu.memory_space<vmem>> -> memref<1x128xi32, #tpu.memory_space<vmem>>
        %dma_wait3A_128 = tpu.memref_squeeze %dma_wait3A_127 : memref<1x128xi32, #tpu.memory_space<vmem>> -> memref<128xi32, #tpu.memory_space<vmem>>
        %dma_wait3A_129 = arith.constant 0 : i32
        %dma_wait3A_130 = arith.constant 0 : i32
        %dma_wait3A_131 = tpu.memref_slice %arg10[%dma_wait3A_129, %dma_wait3A_130] : memref<10240x128xf32, #tpu.memory_space<vmem_shared>> -> memref<10240x128xf32, #tpu.memory_space<vmem_shared>>
        tpu.wait_indirect_dma semaphore(%run_scoped3A : memref<!tpu.dma_semaphore, #tpu.memory_space<semaphore_mem>>) src(%arg9 : memref<128x128xf32, #tpu.memory_space<vmem>>) dst(%dma_wait3A_131 : memref<10240x128xf32, #tpu.memory_space<vmem_shared>>)
        tpu.yield
      }) : () -> ()
      %mul3A_104 = arith.constant 2 : i32
      %mul3A_105 = arith.muli %mul3A_104, %scan3A_90 : i32
      %add3A_106 = arith.constant 1 : i32
      %add3A_107 = arith.addi %mul3A_105, %add3A_106 : i32
      %lt3A_108 = arith.constant 39 : i32
      %lt3A_109 = arith.cmpi slt, %add3A_107, %lt3A_108 : i32
      %convert_element_type3A_110 = arith.extui %lt3A_109 : i1 to i32
      %cond3A_111 = arith.constant 0 : i32
      %cond3A_112 = arith.cmpi ne, %convert_element_type3A_110, %cond3A_111 : i32
      scf.if %cond3A_112 {
        %add3A_120 = arith.constant 1 : i32
        %add3A_121 = arith.addi %add3A_107, %add3A_120 : i32
        %dma_start3A_122 = arith.constant 0 : i32
        %dma_start3A_123 = tpu.memref_slice %arg6[%add3A_121, %dma_start3A_122] : memref<40x128xi32, #tpu.memory_space<vmem>> -> memref<1x128xi32, #tpu.memory_space<vmem>>
        %dma_start3A_124 = tpu.memref_squeeze %dma_start3A_123 : memref<1x128xi32, #tpu.memory_space<vmem>> -> memref<128xi32, #tpu.memory_space<vmem>>
        %dma_start3A_125 = arith.constant 0 : i32
        %dma_start3A_126 = arith.constant 0 : i32
        %dma_start3A_127 = tpu.memref_slice %arg4[%dma_start3A_125, %dma_start3A_126] : memref<10000x128xf32, #tpu.memory_space<hbm>> -> memref<10000x128xf32, #tpu.memory_space<hbm>>
        tpu.enqueue_indirect_dma source(%dma_start3A_127 : memref<10000x128xf32, #tpu.memory_space<hbm>>) target(%arg9 : memref<128x128xf32, #tpu.memory_space<vmem>>) offsets(%dma_start3A_124 : memref<128xi32, #tpu.memory_space<vmem>>) semaphore(%arg11 : memref<!tpu.dma_semaphore, #tpu.memory_space<semaphore_mem>>)
      } else {
      }
      %dma_wait3A_113 = arith.constant 0 : i32
      %dma_wait3A_114 = tpu.memref_slice %arg6[%add3A_107, %dma_wait3A_113] : memref<40x128xi32, #tpu.memory_space<vmem>> -> memref<1x128xi32, #tpu.memory_space<vmem>>
      %dma_wait3A_115 = tpu.memref_squeeze %dma_wait3A_114 : memref<1x128xi32, #tpu.memory_space<vmem>> -> memref<128xi32, #tpu.memory_space<vmem>>
      %dma_wait3A_116 = arith.constant 0 : i32
      %dma_wait3A_117 = arith.constant 0 : i32
      %dma_wait3A_118 = tpu.memref_slice %arg4[%dma_wait3A_116, %dma_wait3A_117] : memref<10000x128xf32, #tpu.memory_space<hbm>> -> memref<10000x128xf32, #tpu.memory_space<hbm>>
      tpu.wait_indirect_dma semaphore(%arg12 : memref<!tpu.dma_semaphore, #tpu.memory_space<semaphore_mem>>) src(%dma_wait3A_118 : memref<10000x128xf32, #tpu.memory_space<hbm>>) dst(%arg8 : memref<128x128xf32, #tpu.memory_space<vmem>>)
      "tpu.region"() ({
        %run_scoped3A = tpu.sem_alloc : memref<!tpu.dma_semaphore, #tpu.memory_space<semaphore_mem>>
        %dma_start3A_120 = arith.constant 0 : i32
        %dma_start3A_121 = tpu.memref_slice %arg7[%add3A_107, %dma_start3A_120] : memref<40x128xi32, #tpu.memory_space<vmem>> -> memref<1x128xi32, #tpu.memory_space<vmem>>
        %dma_start3A_122 = tpu.memref_squeeze %dma_start3A_121 : memref<1x128xi32, #tpu.memory_space<vmem>> -> memref<128xi32, #tpu.memory_space<vmem>>
        %dma_start3A_123 = arith.constant 0 : i32
        %dma_start3A_124 = arith.constant 0 : i32
        %dma_start3A_125 = tpu.memref_slice %arg10[%dma_start3A_123, %dma_start3A_124] : memref<10240x128xf32, #tpu.memory_space<vmem_shared>> -> memref<10240x128xf32, #tpu.memory_space<vmem_shared>>
        tpu.enqueue_indirect_dma source(%arg8 : memref<128x128xf32, #tpu.memory_space<vmem>>) target(%dma_start3A_125 : memref<10240x128xf32, #tpu.memory_space<vmem_shared>>) offsets(%dma_start3A_122 : memref<128xi32, #tpu.memory_space<vmem>>) semaphore(%run_scoped3A : memref<!tpu.dma_semaphore, #tpu.memory_space<semaphore_mem>>) {add = true}
        %dma_wait3A_126 = arith.constant 0 : i32
        %dma_wait3A_127 = tpu.memref_slice %arg7[%add3A_107, %dma_wait3A_126] : memref<40x128xi32, #tpu.memory_space<vmem>> -> memref<1x128xi32, #tpu.memory_space<vmem>>
        %dma_wait3A_128 = tpu.memref_squeeze %dma_wait3A_127 : memref<1x128xi32, #tpu.memory_space<vmem>> -> memref<128xi32, #tpu.memory_space<vmem>>
        %dma_wait3A_129 = arith.constant 0 : i32
        %dma_wait3A_130 = arith.constant 0 : i32
        %dma_wait3A_131 = tpu.memref_slice %arg10[%dma_wait3A_129, %dma_wait3A_130] : memref<10240x128xf32, #tpu.memory_space<vmem_shared>> -> memref<10240x128xf32, #tpu.memory_space<vmem_shared>>
        tpu.wait_indirect_dma semaphore(%run_scoped3A : memref<!tpu.dma_semaphore, #tpu.memory_space<semaphore_mem>>) src(%arg8 : memref<128x128xf32, #tpu.memory_space<vmem>>) dst(%dma_wait3A_131 : memref<10240x128xf32, #tpu.memory_space<vmem_shared>>)
        tpu.yield
      }) : () -> ()
      %scan3A_119 = arith.constant 0 : i32
      scf.yield %scan3A_119 : i32
    }
    %scan3A_71 = arith.constant 20 : i32
    %multiple_of3A = arith.constant 40 : i32
    %multiple_of3A_72 = tpu.assume_multiple %multiple_of3A, 8 : i32
    "tpu.region"() ({
      %run_scoped3A = tpu.sem_alloc : memref<!tpu.dma_semaphore, #tpu.memory_space<semaphore_mem>>
      %dma_start3A_90 = arith.constant 0 : i32
      %dma_start3A_91 = tpu.memref_slice %arg2[%add3A, %multiple_of3A_72, %dma_start3A_90] : memref<32x80x128xi32, #tpu.memory_space<hbm>> -> memref<1x40x128xi32, #tpu.memory_space<hbm>>
      %dma_start3A_92 = tpu.memref_squeeze %dma_start3A_91 : memref<1x40x128xi32, #tpu.memory_space<hbm>> -> memref<40x128xi32, #tpu.memory_space<hbm>>
      %dma_start3A_93 = arith.constant 0 : i32
      %dma_start3A_94 = tpu.memref_slice %arg2[%add3A, %multiple_of3A_72, %dma_start3A_93] : memref<32x80x128xi32, #tpu.memory_space<hbm>> -> memref<1x40x128xi32, #tpu.memory_space<hbm>>
      %dma_start3A_95 = tpu.memref_squeeze %dma_start3A_94 : memref<1x40x128xi32, #tpu.memory_space<hbm>> -> memref<40x128xi32, #tpu.memory_space<hbm>>
      tpu.enqueue_dma source(%dma_start3A_95 : memref<40x128xi32, #tpu.memory_space<hbm>>) target(%arg6 : memref<40x128xi32, #tpu.memory_space<vmem>>) target_semaphore(%run_scoped3A : memref<!tpu.dma_semaphore, #tpu.memory_space<semaphore_mem>>)
      %dma_wait3A_96 = arith.constant 0 : i32
      %dma_wait3A_97 = tpu.memref_slice %arg2[%add3A, %multiple_of3A_72, %dma_wait3A_96] : memref<32x80x128xi32, #tpu.memory_space<hbm>> -> memref<1x40x128xi32, #tpu.memory_space<hbm>>
      %dma_wait3A_98 = tpu.memref_squeeze %dma_wait3A_97 : memref<1x40x128xi32, #tpu.memory_space<hbm>> -> memref<40x128xi32, #tpu.memory_space<hbm>>
      %dma_wait3A_99 = arith.constant 0 : i32
      %dma_wait3A_100 = tpu.memref_slice %arg2[%add3A, %multiple_of3A_72, %dma_wait3A_99] : memref<32x80x128xi32, #tpu.memory_space<hbm>> -> memref<1x40x128xi32, #tpu.memory_space<hbm>>
      %dma_wait3A_101 = tpu.memref_squeeze %dma_wait3A_100 : memref<1x40x128xi32, #tpu.memory_space<hbm>> -> memref<40x128xi32, #tpu.memory_space<hbm>>
      tpu.wait_dma2 semaphore(%run_scoped3A : memref<!tpu.dma_semaphore, #tpu.memory_space<semaphore_mem>>) src(%dma_wait3A_101 : memref<40x128xi32, #tpu.memory_space<hbm>>) dst(%arg6 : memref<40x128xi32, #tpu.memory_space<vmem>>)
      tpu.yield
    }) : () -> ()
    "tpu.region"() ({
      %run_scoped3A = tpu.sem_alloc : memref<!tpu.dma_semaphore, #tpu.memory_space<semaphore_mem>>
      %dma_start3A_90 = arith.constant 0 : i32
      %dma_start3A_91 = tpu.memref_slice %arg3[%add3A, %multiple_of3A_72, %dma_start3A_90] : memref<32x80x128xi32, #tpu.memory_space<hbm>> -> memref<1x40x128xi32, #tpu.memory_space<hbm>>
      %dma_start3A_92 = tpu.memref_squeeze %dma_start3A_91 : memref<1x40x128xi32, #tpu.memory_space<hbm>> -> memref<40x128xi32, #tpu.memory_space<hbm>>
      %dma_start3A_93 = arith.constant 0 : i32
      %dma_start3A_94 = tpu.memref_slice %arg3[%add3A, %multiple_of3A_72, %dma_start3A_93] : memref<32x80x128xi32, #tpu.memory_space<hbm>> -> memref<1x40x128xi32, #tpu.memory_space<hbm>>
      %dma_start3A_95 = tpu.memref_squeeze %dma_start3A_94 : memref<1x40x128xi32, #tpu.memory_space<hbm>> -> memref<40x128xi32, #tpu.memory_space<hbm>>
      tpu.enqueue_dma source(%dma_start3A_95 : memref<40x128xi32, #tpu.memory_space<hbm>>) target(%arg7 : memref<40x128xi32, #tpu.memory_space<vmem>>) target_semaphore(%run_scoped3A : memref<!tpu.dma_semaphore, #tpu.memory_space<semaphore_mem>>)
      %dma_wait3A_96 = arith.constant 0 : i32
      %dma_wait3A_97 = tpu.memref_slice %arg3[%add3A, %multiple_of3A_72, %dma_wait3A_96] : memref<32x80x128xi32, #tpu.memory_space<hbm>> -> memref<1x40x128xi32, #tpu.memory_space<hbm>>
      %dma_wait3A_98 = tpu.memref_squeeze %dma_wait3A_97 : memref<1x40x128xi32, #tpu.memory_space<hbm>> -> memref<40x128xi32, #tpu.memory_space<hbm>>
      %dma_wait3A_99 = arith.constant 0 : i32
      %dma_wait3A_100 = tpu.memref_slice %arg3[%add3A, %multiple_of3A_72, %dma_wait3A_99] : memref<32x80x128xi32, #tpu.memory_space<hbm>> -> memref<1x40x128xi32, #tpu.memory_space<hbm>>
      %dma_wait3A_101 = tpu.memref_squeeze %dma_wait3A_100 : memref<1x40x128xi32, #tpu.memory_space<hbm>> -> memref<40x128xi32, #tpu.memory_space<hbm>>
      tpu.wait_dma2 semaphore(%run_scoped3A : memref<!tpu.dma_semaphore, #tpu.memory_space<semaphore_mem>>) src(%dma_wait3A_101 : memref<40x128xi32, #tpu.memory_space<hbm>>) dst(%arg7 : memref<40x128xi32, #tpu.memory_space<vmem>>)
      tpu.yield
    }) : () -> ()
    %dma_start3A_73 = arith.constant 0 : i32
    %dma_start3A_74 = arith.constant 0 : i32
    %dma_start3A_75 = tpu.memref_slice %arg6[%dma_start3A_73, %dma_start3A_74] : memref<40x128xi32, #tpu.memory_space<vmem>> -> memref<1x128xi32, #tpu.memory_space<vmem>>
    %dma_start3A_76 = tpu.memref_squeeze %dma_start3A_75 : memref<1x128xi32, #tpu.memory_space<vmem>> -> memref<128xi32, #tpu.memory_space<vmem>>
    %dma_start3A_77 = arith.constant 0 : i32
    %dma_start3A_78 = arith.constant 0 : i32
    %dma_start3A_79 = tpu.memref_slice %arg4[%dma_start3A_77, %dma_start3A_78] : memref<10000x128xf32, #tpu.memory_space<hbm>> -> memref<10000x128xf32, #tpu.memory_space<hbm>>
    tpu.enqueue_indirect_dma source(%dma_start3A_79 : memref<10000x128xf32, #tpu.memory_space<hbm>>) target(%arg9 : memref<128x128xf32, #tpu.memory_space<vmem>>) offsets(%dma_start3A_76 : memref<128xi32, #tpu.memory_space<vmem>>) semaphore(%arg11 : memref<!tpu.dma_semaphore, #tpu.memory_space<semaphore_mem>>)
    %scan3A_80 = arith.constant 0 : i32
    %scan3A_81 = arith.constant 0 : i32
    %scan3A_82 = arith.constant 20 : i32
    %scan3A_83 = arith.addi %scan3A_81, %scan3A_82 : i32
    %scan3A_84 = arith.constant 1 : i32
    %scan3A_85 = scf.for %scan3A_90 = %scan3A_81 to %scan3A_83 step %scan3A_84 iter_args(%scan3A_91 = %scan3A_80) -> (i32)  : i32 {
      %mul3A_92 = arith.constant 2 : i32
      %mul3A_93 = arith.muli %mul3A_92, %scan3A_90 : i32
      %add3A_94 = arith.constant 0 : i32
      %add3A_95 = arith.addi %mul3A_93, %add3A_94 : i32
      %lt3A = arith.constant 39 : i32
      %lt3A_96 = arith.cmpi slt, %add3A_95, %lt3A : i32
      %convert_element_type3A = arith.extui %lt3A_96 : i1 to i32
      %cond3A = arith.constant 0 : i32
      %cond3A_97 = arith.cmpi ne, %convert_element_type3A, %cond3A : i32
      scf.if %cond3A_97 {
        %add3A_120 = arith.constant 1 : i32
        %add3A_121 = arith.addi %add3A_95, %add3A_120 : i32
        %dma_start3A_122 = arith.constant 0 : i32
        %dma_start3A_123 = tpu.memref_slice %arg6[%add3A_121, %dma_start3A_122] : memref<40x128xi32, #tpu.memory_space<vmem>> -> memref<1x128xi32, #tpu.memory_space<vmem>>
        %dma_start3A_124 = tpu.memref_squeeze %dma_start3A_123 : memref<1x128xi32, #tpu.memory_space<vmem>> -> memref<128xi32, #tpu.memory_space<vmem>>
        %dma_start3A_125 = arith.constant 0 : i32
        %dma_start3A_126 = arith.constant 0 : i32
        %dma_start3A_127 = tpu.memref_slice %arg4[%dma_start3A_125, %dma_start3A_126] : memref<10000x128xf32, #tpu.memory_space<hbm>> -> memref<10000x128xf32, #tpu.memory_space<hbm>>
        tpu.enqueue_indirect_dma source(%dma_start3A_127 : memref<10000x128xf32, #tpu.memory_space<hbm>>) target(%arg8 : memref<128x128xf32, #tpu.memory_space<vmem>>) offsets(%dma_start3A_124 : memref<128xi32, #tpu.memory_space<vmem>>) semaphore(%arg12 : memref<!tpu.dma_semaphore, #tpu.memory_space<semaphore_mem>>)
      } else {
      }
      %dma_wait3A_98 = arith.constant 0 : i32
      %dma_wait3A_99 = tpu.memref_slice %arg6[%add3A_95, %dma_wait3A_98] : memref<40x128xi32, #tpu.memory_space<vmem>> -> memref<1x128xi32, #tpu.memory_space<vmem>>
      %dma_wait3A_100 = tpu.memref_squeeze %dma_wait3A_99 : memref<1x128xi32, #tpu.memory_space<vmem>> -> memref<128xi32, #tpu.memory_space<vmem>>
      %dma_wait3A_101 = arith.constant 0 : i32
      %dma_wait3A_102 = arith.constant 0 : i32
      %dma_wait3A_103 = tpu.memref_slice %arg4[%dma_wait3A_101, %dma_wait3A_102] : memref<10000x128xf32, #tpu.memory_space<hbm>> -> memref<10000x128xf32, #tpu.memory_space<hbm>>
      tpu.wait_indirect_dma semaphore(%arg11 : memref<!tpu.dma_semaphore, #tpu.memory_space<semaphore_mem>>) src(%dma_wait3A_103 : memref<10000x128xf32, #tpu.memory_space<hbm>>) dst(%arg9 : memref<128x128xf32, #tpu.memory_space<vmem>>)
      "tpu.region"() ({
        %run_scoped3A = tpu.sem_alloc : memref<!tpu.dma_semaphore, #tpu.memory_space<semaphore_mem>>
        %dma_start3A_120 = arith.constant 0 : i32
        %dma_start3A_121 = tpu.memref_slice %arg7[%add3A_95, %dma_start3A_120] : memref<40x128xi32, #tpu.memory_space<vmem>> -> memref<1x128xi32, #tpu.memory_space<vmem>>
        %dma_start3A_122 = tpu.memref_squeeze %dma_start3A_121 : memref<1x128xi32, #tpu.memory_space<vmem>> -> memref<128xi32, #tpu.memory_space<vmem>>
        %dma_start3A_123 = arith.constant 0 : i32
        %dma_start3A_124 = arith.constant 0 : i32
        %dma_start3A_125 = tpu.memref_slice %arg10[%dma_start3A_123, %dma_start3A_124] : memref<10240x128xf32, #tpu.memory_space<vmem_shared>> -> memref<10240x128xf32, #tpu.memory_space<vmem_shared>>
        tpu.enqueue_indirect_dma source(%arg9 : memref<128x128xf32, #tpu.memory_space<vmem>>) target(%dma_start3A_125 : memref<10240x128xf32, #tpu.memory_space<vmem_shared>>) offsets(%dma_start3A_122 : memref<128xi32, #tpu.memory_space<vmem>>) semaphore(%run_scoped3A : memref<!tpu.dma_semaphore, #tpu.memory_space<semaphore_mem>>) {add = true}
        %dma_wait3A_126 = arith.constant 0 : i32
        %dma_wait3A_127 = tpu.memref_slice %arg7[%add3A_95, %dma_wait3A_126] : memref<40x128xi32, #tpu.memory_space<vmem>> -> memref<1x128xi32, #tpu.memory_space<vmem>>
        %dma_wait3A_128 = tpu.memref_squeeze %dma_wait3A_127 : memref<1x128xi32, #tpu.memory_space<vmem>> -> memref<128xi32, #tpu.memory_space<vmem>>
        %dma_wait3A_129 = arith.constant 0 : i32
        %dma_wait3A_130 = arith.constant 0 : i32
        %dma_wait3A_131 = tpu.memref_slice %arg10[%dma_wait3A_129, %dma_wait3A_130] : memref<10240x128xf32, #tpu.memory_space<vmem_shared>> -> memref<10240x128xf32, #tpu.memory_space<vmem_shared>>
        tpu.wait_indirect_dma semaphore(%run_scoped3A : memref<!tpu.dma_semaphore, #tpu.memory_space<semaphore_mem>>) src(%arg9 : memref<128x128xf32, #tpu.memory_space<vmem>>) dst(%dma_wait3A_131 : memref<10240x128xf32, #tpu.memory_space<vmem_shared>>)
        tpu.yield
      }) : () -> ()
      %mul3A_104 = arith.constant 2 : i32
      %mul3A_105 = arith.muli %mul3A_104, %scan3A_90 : i32
      %add3A_106 = arith.constant 1 : i32
      %add3A_107 = arith.addi %mul3A_105, %add3A_106 : i32
      %lt3A_108 = arith.constant 39 : i32
      %lt3A_109 = arith.cmpi slt, %add3A_107, %lt3A_108 : i32
      %convert_element_type3A_110 = arith.extui %lt3A_109 : i1 to i32
      %cond3A_111 = arith.constant 0 : i32
      %cond3A_112 = arith.cmpi ne, %convert_element_type3A_110, %cond3A_111 : i32
      scf.if %cond3A_112 {
        %add3A_120 = arith.constant 1 : i32
        %add3A_121 = arith.addi %add3A_107, %add3A_120 : i32
        %dma_start3A_122 = arith.constant 0 : i32
        %dma_start3A_123 = tpu.memref_slice %arg6[%add3A_121, %dma_start3A_122] : memref<40x128xi32, #tpu.memory_space<vmem>> -> memref<1x128xi32, #tpu.memory_space<vmem>>
        %dma_start3A_124 = tpu.memref_squeeze %dma_start3A_123 : memref<1x128xi32, #tpu.memory_space<vmem>> -> memref<128xi32, #tpu.memory_space<vmem>>
        %dma_start3A_125 = arith.constant 0 : i32
        %dma_start3A_126 = arith.constant 0 : i32
        %dma_start3A_127 = tpu.memref_slice %arg4[%dma_start3A_125, %dma_start3A_126] : memref<10000x128xf32, #tpu.memory_space<hbm>> -> memref<10000x128xf32, #tpu.memory_space<hbm>>
        tpu.enqueue_indirect_dma source(%dma_start3A_127 : memref<10000x128xf32, #tpu.memory_space<hbm>>) target(%arg9 : memref<128x128xf32, #tpu.memory_space<vmem>>) offsets(%dma_start3A_124 : memref<128xi32, #tpu.memory_space<vmem>>) semaphore(%arg11 : memref<!tpu.dma_semaphore, #tpu.memory_space<semaphore_mem>>)
      } else {
      }
      %dma_wait3A_113 = arith.constant 0 : i32
      %dma_wait3A_114 = tpu.memref_slice %arg6[%add3A_107, %dma_wait3A_113] : memref<40x128xi32, #tpu.memory_space<vmem>> -> memref<1x128xi32, #tpu.memory_space<vmem>>
      %dma_wait3A_115 = tpu.memref_squeeze %dma_wait3A_114 : memref<1x128xi32, #tpu.memory_space<vmem>> -> memref<128xi32, #tpu.memory_space<vmem>>
      %dma_wait3A_116 = arith.constant 0 : i32
      %dma_wait3A_117 = arith.constant 0 : i32
      %dma_wait3A_118 = tpu.memref_slice %arg4[%dma_wait3A_116, %dma_wait3A_117] : memref<10000x128xf32, #tpu.memory_space<hbm>> -> memref<10000x128xf32, #tpu.memory_space<hbm>>
      tpu.wait_indirect_dma semaphore(%arg12 : memref<!tpu.dma_semaphore, #tpu.memory_space<semaphore_mem>>) src(%dma_wait3A_118 : memref<10000x128xf32, #tpu.memory_space<hbm>>) dst(%arg8 : memref<128x128xf32, #tpu.memory_space<vmem>>)
      "tpu.region"() ({
        %run_scoped3A = tpu.sem_alloc : memref<!tpu.dma_semaphore, #tpu.memory_space<semaphore_mem>>
        %dma_start3A_120 = arith.constant 0 : i32
        %dma_start3A_121 = tpu.memref_slice %arg7[%add3A_107, %dma_start3A_120] : memref<40x128xi32, #tpu.memory_space<vmem>> -> memref<1x128xi32, #tpu.memory_space<vmem>>
        %dma_start3A_122 = tpu.memref_squeeze %dma_start3A_121 : memref<1x128xi32, #tpu.memory_space<vmem>> -> memref<128xi32, #tpu.memory_space<vmem>>
        %dma_start3A_123 = arith.constant 0 : i32
        %dma_start3A_124 = arith.constant 0 : i32
        %dma_start3A_125 = tpu.memref_slice %arg10[%dma_start3A_123, %dma_start3A_124] : memref<10240x128xf32, #tpu.memory_space<vmem_shared>> -> memref<10240x128xf32, #tpu.memory_space<vmem_shared>>
        tpu.enqueue_indirect_dma source(%arg8 : memref<128x128xf32, #tpu.memory_space<vmem>>) target(%dma_start3A_125 : memref<10240x128xf32, #tpu.memory_space<vmem_shared>>) offsets(%dma_start3A_122 : memref<128xi32, #tpu.memory_space<vmem>>) semaphore(%run_scoped3A : memref<!tpu.dma_semaphore, #tpu.memory_space<semaphore_mem>>) {add = true}
        %dma_wait3A_126 = arith.constant 0 : i32
        %dma_wait3A_127 = tpu.memref_slice %arg7[%add3A_107, %dma_wait3A_126] : memref<40x128xi32, #tpu.memory_space<vmem>> -> memref<1x128xi32, #tpu.memory_space<vmem>>
        %dma_wait3A_128 = tpu.memref_squeeze %dma_wait3A_127 : memref<1x128xi32, #tpu.memory_space<vmem>> -> memref<128xi32, #tpu.memory_space<vmem>>
        %dma_wait3A_129 = arith.constant 0 : i32
        %dma_wait3A_130 = arith.constant 0 : i32
        %dma_wait3A_131 = tpu.memref_slice %arg10[%dma_wait3A_129, %dma_wait3A_130] : memref<10240x128xf32, #tpu.memory_space<vmem_shared>> -> memref<10240x128xf32, #tpu.memory_space<vmem_shared>>
        tpu.wait_indirect_dma semaphore(%run_scoped3A : memref<!tpu.dma_semaphore, #tpu.memory_space<semaphore_mem>>) src(%arg8 : memref<128x128xf32, #tpu.memory_space<vmem>>) dst(%dma_wait3A_131 : memref<10240x128xf32, #tpu.memory_space<vmem_shared>>)
        tpu.yield
      }) : () -> ()
      %scan3A_119 = arith.constant 0 : i32
      scf.yield %scan3A_119 : i32
    }
    %scan3A_86 = arith.constant 20 : i32
    %barrier3A_87 = arith.constant 0 : index
    tpu.barrier barrier_id(%barrier3A_87)
    %mul3A_88 = arith.constant 640 : i32
    %mul3A_89 = arith.muli %arg1, %mul3A_88 : i32
    "tpu.region"() ({
      %run_scoped3A = tpu.sem_alloc : memref<!tpu.dma_semaphore, #tpu.memory_space<semaphore_mem>>
      %dma_start3A_90 = arith.constant 0 : i32
      %dma_start3A_91 = tpu.memref_slice %arg5[%arg0, %mul3A_89, %dma_start3A_90] : memref<2x10240x128xf32, #tpu.memory_space<hbm>> -> memref<1x640x128xf32, #tpu.memory_space<hbm>>
      %dma_start3A_92 = tpu.memref_squeeze %dma_start3A_91 : memref<1x640x128xf32, #tpu.memory_space<hbm>> -> memref<640x128xf32, #tpu.memory_space<hbm>>
      %dma_start3A_93 = arith.constant 0 : i32
      %dma_start3A_94 = tpu.memref_slice %arg10[%mul3A_89, %dma_start3A_93] : memref<10240x128xf32, #tpu.memory_space<vmem_shared>> -> memref<640x128xf32, #tpu.memory_space<vmem_shared>>
      tpu.enqueue_dma source(%dma_start3A_94 : memref<640x128xf32, #tpu.memory_space<vmem_shared>>) target(%dma_start3A_92 : memref<640x128xf32, #tpu.memory_space<hbm>>) target_semaphore(%run_scoped3A : memref<!tpu.dma_semaphore, #tpu.memory_space<semaphore_mem>>)
      %dma_wait3A_95 = arith.constant 0 : i32
      %dma_wait3A_96 = tpu.memref_slice %arg5[%arg0, %mul3A_89, %dma_wait3A_95] : memref<2x10240x128xf32, #tpu.memory_space<hbm>> -> memref<1x640x128xf32, #tpu.memory_space<hbm>>
      %dma_wait3A_97 = tpu.memref_squeeze %dma_wait3A_96 : memref<1x640x128xf32, #tpu.memory_space<hbm>> -> memref<640x128xf32, #tpu.memory_space<hbm>>
      %dma_wait3A_98 = arith.constant 0 : i32
      %dma_wait3A_99 = tpu.memref_slice %arg10[%mul3A_89, %dma_wait3A_98] : memref<10240x128xf32, #tpu.memory_space<vmem_shared>> -> memref<640x128xf32, #tpu.memory_space<vmem_shared>>
      tpu.wait_dma2 semaphore(%run_scoped3A : memref<!tpu.dma_semaphore, #tpu.memory_space<semaphore_mem>>) src(%dma_wait3A_99 : memref<640x128xf32, #tpu.memory_space<vmem_shared>>) dst(%dma_wait3A_97 : memref<640x128xf32, #tpu.memory_space<hbm>>)
      tpu.yield
    }) : () -> ()
    return
  }
}

#map = affine_map<(d0, d1) -> (0, 0, 0)>
#map1 = affine_map<(d0, d1) -> (0, 0)>
module attributes {stable_mosaic.version = 14 : i64} {
  func.func @_conv_pass(%arg0: i32, %arg1: i32, %arg2: memref<32x80x128xi32, #tpu.memory_space<hbm>>, %arg3: memref<32x80x128xi32, #tpu.memory_space<hbm>>, %arg4: memref<10000x128xf32, #tpu.memory_space<hbm>>, %arg5: memref<2x10240x128xf32, #tpu.memory_space<hbm>>, %arg6: memref<40x128xi32, #tpu.memory_space<vmem>>, %arg7: memref<40x128xi32, #tpu.memory_space<vmem>>, %arg8: memref<128x128xf32, #tpu.memory_space<vmem>>, %arg9: memref<128x128xf32, #tpu.memory_space<vmem>>, %arg10: memref<10240x128xf32, #tpu.memory_space<vmem_shared>>, %arg11: memref<!tpu.dma_semaphore, #tpu.memory_space<semaphore_mem>>, %arg12: memref<!tpu.dma_semaphore, #tpu.memory_space<semaphore_mem>>) attributes {dimension_semantics = [#tpu.dimension_semantics<core_parallel>, #tpu.dimension_semantics<subcore_parallel>], iteration_bounds = array<i64: 2, 16>, scalar_prefetch = 0 : i64, scratch_operands = 7 : i64, tpu.core_type = #tpu.core_type<sc_vector_subcore>, window_params = [{transform_indices = #map}, {transform_indices = #map}, {transform_indices = #map1}, {transform_indices = #map}]} {
    %mul3A = arith.constant 16 : i32
    %mul3A_0 = arith.muli %arg0, %mul3A : i32
    %add3A = arith.addi %mul3A_0, %arg1 : i32
    %dma_start3A = arith.constant 0 : i32
    %dma_start3A_1 = arith.constant 0 : i32
    %dma_start3A_2 = tpu.memref_slice %arg2[%add3A, %dma_start3A, %dma_start3A_1] : memref<32x80x128xi32, #tpu.memory_space<hbm>> -> memref<1x40x128xi32, #tpu.memory_space<hbm>>
    %dma_start3A_3 = tpu.memref_squeeze %dma_start3A_2 : memref<1x40x128xi32, #tpu.memory_space<hbm>> -> memref<40x128xi32, #tpu.memory_space<hbm>>
    %dma_start3A_4 = arith.constant 0 : i32
    %dma_start3A_5 = arith.constant 0 : i32
    %dma_start3A_6 = tpu.memref_slice %arg2[%add3A, %dma_start3A_4, %dma_start3A_5] : memref<32x80x128xi32, #tpu.memory_space<hbm>> -> memref<1x40x128xi32, #tpu.memory_space<hbm>>
    %dma_start3A_7 = tpu.memref_squeeze %dma_start3A_6 : memref<1x40x128xi32, #tpu.memory_space<hbm>> -> memref<40x128xi32, #tpu.memory_space<hbm>>
    tpu.enqueue_dma source(%dma_start3A_7 : memref<40x128xi32, #tpu.memory_space<hbm>>) target(%arg6 : memref<40x128xi32, #tpu.memory_space<vmem>>) target_semaphore(%arg11 : memref<!tpu.dma_semaphore, #tpu.memory_space<semaphore_mem>>)
    %dma_start3A_8 = arith.constant 0 : i32
    %dma_start3A_9 = arith.constant 0 : i32
    %dma_start3A_10 = tpu.memref_slice %arg3[%add3A, %dma_start3A_8, %dma_start3A_9] : memref<32x80x128xi32, #tpu.memory_space<hbm>> -> memref<1x40x128xi32, #tpu.memory_space<hbm>>
    %dma_start3A_11 = tpu.memref_squeeze %dma_start3A_10 : memref<1x40x128xi32, #tpu.memory_space<hbm>> -> memref<40x128xi32, #tpu.memory_space<hbm>>
    %dma_start3A_12 = arith.constant 0 : i32
    %dma_start3A_13 = arith.constant 0 : i32
    %dma_start3A_14 = tpu.memref_slice %arg3[%add3A, %dma_start3A_12, %dma_start3A_13] : memref<32x80x128xi32, #tpu.memory_space<hbm>> -> memref<1x40x128xi32, #tpu.memory_space<hbm>>
    %dma_start3A_15 = tpu.memref_squeeze %dma_start3A_14 : memref<1x40x128xi32, #tpu.memory_space<hbm>> -> memref<40x128xi32, #tpu.memory_space<hbm>>
    tpu.enqueue_dma source(%dma_start3A_15 : memref<40x128xi32, #tpu.memory_space<hbm>>) target(%arg7 : memref<40x128xi32, #tpu.memory_space<vmem>>) target_semaphore(%arg12 : memref<!tpu.dma_semaphore, #tpu.memory_space<semaphore_mem>>)
    %broadcast_in_dim3A = arith.constant 0.000000e+00 : f32
    %broadcast_in_dim3A_16 = vector.broadcast %broadcast_in_dim3A : f32 to vector<16xf32>
    %scan3A = arith.constant 0 : i32
    %scan3A_17 = arith.constant 0 : i32
    %scan3A_18 = arith.constant 128 : i32
    %scan3A_19 = arith.addi %scan3A_17, %scan3A_18 : i32
    %scan3A_20 = arith.constant 1 : i32
    %scan3A_21 = scf.for %scan3A_90 = %scan3A_17 to %scan3A_19 step %scan3A_20 iter_args(%scan3A_91 = %scan3A) -> (i32)  : i32 {
      %swap3A = arith.index_cast %scan3A_90 : i32 to index
      %swap3A_92 = arith.constant 0 : index
      %swap3A_93 = tpu.vector_load %arg8[%swap3A, %swap3A_92] {strides = array<i32>} : memref<128x128xf32, #tpu.memory_space<vmem>>, vector<1x16xf32>,
      %swap3A_94 = vector.shape_cast %swap3A_93 : vector<1x16xf32> to vector<16xf32>
      %swap3A_95 = vector.shape_cast %broadcast_in_dim3A_16 : vector<16xf32> to vector<1x16xf32>
      tpu.vector_store %arg8[%swap3A, %swap3A_92], %swap3A_95 {strides = array<i32>} : memref<128x128xf32, #tpu.memory_space<vmem>>, vector<1x16xf32>,
      %swap3A_96 = arith.index_cast %scan3A_90 : i32 to index
      %swap3A_97 = arith.constant 16 : index
      %swap3A_98 = tpu.vector_load %arg8[%swap3A_96, %swap3A_97] {strides = array<i32>} : memref<128x128xf32, #tpu.memory_space<vmem>>, vector<1x16xf32>,
      %swap3A_99 = vector.shape_cast %swap3A_98 : vector<1x16xf32> to vector<16xf32>
      %swap3A_100 = vector.shape_cast %broadcast_in_dim3A_16 : vector<16xf32> to vector<1x16xf32>
      tpu.vector_store %arg8[%swap3A_96, %swap3A_97], %swap3A_100 {strides = array<i32>} : memref<128x128xf32, #tpu.memory_space<vmem>>, vector<1x16xf32>,
      %swap3A_101 = arith.index_cast %scan3A_90 : i32 to index
      %swap3A_102 = arith.constant 32 : index
      %swap3A_103 = tpu.vector_load %arg8[%swap3A_101, %swap3A_102] {strides = array<i32>} : memref<128x128xf32, #tpu.memory_space<vmem>>, vector<1x16xf32>,
      %swap3A_104 = vector.shape_cast %swap3A_103 : vector<1x16xf32> to vector<16xf32>
      %swap3A_105 = vector.shape_cast %broadcast_in_dim3A_16 : vector<16xf32> to vector<1x16xf32>
      tpu.vector_store %arg8[%swap3A_101, %swap3A_102], %swap3A_105 {strides = array<i32>} : memref<128x128xf32, #tpu.memory_space<vmem>>, vector<1x16xf32>,
      %swap3A_106 = arith.index_cast %scan3A_90 : i32 to index
      %swap3A_107 = arith.constant 48 : index
      %swap3A_108 = tpu.vector_load %arg8[%swap3A_106, %swap3A_107] {strides = array<i32>} : memref<128x128xf32, #tpu.memory_space<vmem>>, vector<1x16xf32>,
      %swap3A_109 = vector.shape_cast %swap3A_108 : vector<1x16xf32> to vector<16xf32>
      %swap3A_110 = vector.shape_cast %broadcast_in_dim3A_16 : vector<16xf32> to vector<1x16xf32>
      tpu.vector_store %arg8[%swap3A_106, %swap3A_107], %swap3A_110 {strides = array<i32>} : memref<128x128xf32, #tpu.memory_space<vmem>>, vector<1x16xf32>,
      %swap3A_111 = arith.index_cast %scan3A_90 : i32 to index
      %swap3A_112 = arith.constant 64 : index
      %swap3A_113 = tpu.vector_load %arg8[%swap3A_111, %swap3A_112] {strides = array<i32>} : memref<128x128xf32, #tpu.memory_space<vmem>>, vector<1x16xf32>,
      %swap3A_114 = vector.shape_cast %swap3A_113 : vector<1x16xf32> to vector<16xf32>
      %swap3A_115 = vector.shape_cast %broadcast_in_dim3A_16 : vector<16xf32> to vector<1x16xf32>
      tpu.vector_store %arg8[%swap3A_111, %swap3A_112], %swap3A_115 {strides = array<i32>} : memref<128x128xf32, #tpu.memory_space<vmem>>, vector<1x16xf32>,
      %swap3A_116 = arith.index_cast %scan3A_90 : i32 to index
      %swap3A_117 = arith.constant 80 : index
      %swap3A_118 = tpu.vector_load %arg8[%swap3A_116, %swap3A_117] {strides = array<i32>} : memref<128x128xf32, #tpu.memory_space<vmem>>, vector<1x16xf32>,
      %swap3A_119 = vector.shape_cast %swap3A_118 : vector<1x16xf32> to vector<16xf32>
      %swap3A_120 = vector.shape_cast %broadcast_in_dim3A_16 : vector<16xf32> to vector<1x16xf32>
      tpu.vector_store %arg8[%swap3A_116, %swap3A_117], %swap3A_120 {strides = array<i32>} : memref<128x128xf32, #tpu.memory_space<vmem>>, vector<1x16xf32>,
      %swap3A_121 = arith.index_cast %scan3A_90 : i32 to index
      %swap3A_122 = arith.constant 96 : index
      %swap3A_123 = tpu.vector_load %arg8[%swap3A_121, %swap3A_122] {strides = array<i32>} : memref<128x128xf32, #tpu.memory_space<vmem>>, vector<1x16xf32>,
      %swap3A_124 = vector.shape_cast %swap3A_123 : vector<1x16xf32> to vector<16xf32>
      %swap3A_125 = vector.shape_cast %broadcast_in_dim3A_16 : vector<16xf32> to vector<1x16xf32>
      tpu.vector_store %arg8[%swap3A_121, %swap3A_122], %swap3A_125 {strides = array<i32>} : memref<128x128xf32, #tpu.memory_space<vmem>>, vector<1x16xf32>,
      %swap3A_126 = arith.index_cast %scan3A_90 : i32 to index
      %swap3A_127 = arith.constant 112 : index
      %swap3A_128 = tpu.vector_load %arg8[%swap3A_126, %swap3A_127] {strides = array<i32>} : memref<128x128xf32, #tpu.memory_space<vmem>>, vector<1x16xf32>,
      %swap3A_129 = vector.shape_cast %swap3A_128 : vector<1x16xf32> to vector<16xf32>
      %swap3A_130 = vector.shape_cast %broadcast_in_dim3A_16 : vector<16xf32> to vector<1x16xf32>
      tpu.vector_store %arg8[%swap3A_126, %swap3A_127], %swap3A_130 {strides = array<i32>} : memref<128x128xf32, #tpu.memory_space<vmem>>, vector<1x16xf32>,
      %scan3A_131 = arith.constant 0 : i32
      scf.yield %scan3A_131 : i32
    }
    %scan3A_22 = arith.constant 128 : i32
    %dma_wait3A = arith.constant 0 : i32
    %dma_wait3A_23 = arith.constant 0 : i32
    %dma_wait3A_24 = tpu.memref_slice %arg2[%add3A, %dma_wait3A, %dma_wait3A_23] : memref<32x80x128xi32, #tpu.memory_space<hbm>> -> memref<1x40x128xi32, #tpu.memory_space<hbm>>
    %dma_wait3A_25 = tpu.memref_squeeze %dma_wait3A_24 : memref<1x40x128xi32, #tpu.memory_space<hbm>> -> memref<40x128xi32, #tpu.memory_space<hbm>>
    %dma_wait3A_26 = arith.constant 0 : i32
    %dma_wait3A_27 = arith.constant 0 : i32
    %dma_wait3A_28 = tpu.memref_slice %arg2[%add3A, %dma_wait3A_26, %dma_wait3A_27] : memref<32x80x128xi32, #tpu.memory_space<hbm>> -> memref<1x40x128xi32, #tpu.memory_space<hbm>>
    %dma_wait3A_29 = tpu.memref_squeeze %dma_wait3A_28 : memref<1x40x128xi32, #tpu.memory_space<hbm>> -> memref<40x128xi32, #tpu.memory_space<hbm>>
    tpu.wait_dma2 semaphore(%arg11 : memref<!tpu.dma_semaphore, #tpu.memory_space<semaphore_mem>>) src(%dma_wait3A_29 : memref<40x128xi32, #tpu.memory_space<hbm>>) dst(%arg6 : memref<40x128xi32, #tpu.memory_space<vmem>>)
    %dma_start3A_30 = arith.constant 0 : i32
    %dma_start3A_31 = arith.constant 0 : i32
    %dma_start3A_32 = tpu.memref_slice %arg6[%dma_start3A_30, %dma_start3A_31] : memref<40x128xi32, #tpu.memory_space<vmem>> -> memref<1x128xi32, #tpu.memory_space<vmem>>
    %dma_start3A_33 = tpu.memref_squeeze %dma_start3A_32 : memref<1x128xi32, #tpu.memory_space<vmem>> -> memref<128xi32, #tpu.memory_space<vmem>>
    %dma_start3A_34 = arith.constant 0 : i32
    %dma_start3A_35 = arith.constant 0 : i32
    %dma_start3A_36 = tpu.memref_slice %arg4[%dma_start3A_34, %dma_start3A_35] : memref<10000x128xf32, #tpu.memory_space<hbm>> -> memref<10000x128xf32, #tpu.memory_space<hbm>>
    tpu.enqueue_indirect_dma source(%dma_start3A_36 : memref<10000x128xf32, #tpu.memory_space<hbm>>) target(%arg9 : memref<128x128xf32, #tpu.memory_space<vmem>>) offsets(%dma_start3A_33 : memref<128xi32, #tpu.memory_space<vmem>>) semaphore(%arg11 : memref<!tpu.dma_semaphore, #tpu.memory_space<semaphore_mem>>)
    %mul3A_37 = arith.constant 640 : i32
    %mul3A_38 = arith.muli %arg1, %mul3A_37 : i32
    %add3A_39 = arith.constant 0 : i32
    %add3A_40 = arith.addi %mul3A_38, %add3A_39 : i32
    "tpu.region"() ({
      %run_scoped3A = tpu.sem_alloc : memref<!tpu.dma_semaphore, #tpu.memory_space<semaphore_mem>>
      %dma_start3A_90 = arith.constant 0 : i32
      %dma_start3A_91 = tpu.memref_slice %arg10[%add3A_40, %dma_start3A_90] : memref<10240x128xf32, #tpu.memory_space<vmem_shared>> -> memref<128x128xf32, #tpu.memory_space<vmem_shared>>
      %dma_start3A_92 = arith.constant 0 : i32
      %dma_start3A_93 = tpu.memref_slice %arg10[%add3A_40, %dma_start3A_92] : memref<10240x128xf32, #tpu.memory_space<vmem_shared>> -> memref<128x128xf32, #tpu.memory_space<vmem_shared>>
      tpu.enqueue_dma source(%arg8 : memref<128x128xf32, #tpu.memory_space<vmem>>) target(%dma_start3A_93 : memref<128x128xf32, #tpu.memory_space<vmem_shared>>) target_semaphore(%run_scoped3A : memref<!tpu.dma_semaphore, #tpu.memory_space<semaphore_mem>>)
      %dma_wait3A_94 = arith.constant 0 : i32
      %dma_wait3A_95 = tpu.memref_slice %arg10[%add3A_40, %dma_wait3A_94] : memref<10240x128xf32, #tpu.memory_space<vmem_shared>> -> memref<128x128xf32, #tpu.memory_space<vmem_shared>>
      %dma_wait3A_96 = arith.constant 0 : i32
      %dma_wait3A_97 = tpu.memref_slice %arg10[%add3A_40, %dma_wait3A_96] : memref<10240x128xf32, #tpu.memory_space<vmem_shared>> -> memref<128x128xf32, #tpu.memory_space<vmem_shared>>
      tpu.wait_dma2 semaphore(%run_scoped3A : memref<!tpu.dma_semaphore, #tpu.memory_space<semaphore_mem>>) src(%arg8 : memref<128x128xf32, #tpu.memory_space<vmem>>) dst(%dma_wait3A_97 : memref<128x128xf32, #tpu.memory_space<vmem_shared>>)
      tpu.yield
    }) : () -> ()
    %mul3A_41 = arith.constant 640 : i32
    %mul3A_42 = arith.muli %arg1, %mul3A_41 : i32
    %add3A_43 = arith.constant 128 : i32
    %add3A_44 = arith.addi %mul3A_42, %add3A_43 : i32
    "tpu.region"() ({
      %run_scoped3A = tpu.sem_alloc : memref<!tpu.dma_semaphore, #tpu.memory_space<semaphore_mem>>
      %dma_start3A_90 = arith.constant 0 : i32
      %dma_start3A_91 = tpu.memref_slice %arg10[%add3A_44, %dma_start3A_90] : memref<10240x128xf32, #tpu.memory_space<vmem_shared>> -> memref<128x128xf32, #tpu.memory_space<vmem_shared>>
      %dma_start3A_92 = arith.constant 0 : i32
      %dma_start3A_93 = tpu.memref_slice %arg10[%add3A_44, %dma_start3A_92] : memref<10240x128xf32, #tpu.memory_space<vmem_shared>> -> memref<128x128xf32, #tpu.memory_space<vmem_shared>>
      tpu.enqueue_dma source(%arg8 : memref<128x128xf32, #tpu.memory_space<vmem>>) target(%dma_start3A_93 : memref<128x128xf32, #tpu.memory_space<vmem_shared>>) target_semaphore(%run_scoped3A : memref<!tpu.dma_semaphore, #tpu.memory_space<semaphore_mem>>)
      %dma_wait3A_94 = arith.constant 0 : i32
      %dma_wait3A_95 = tpu.memref_slice %arg10[%add3A_44, %dma_wait3A_94] : memref<10240x128xf32, #tpu.memory_space<vmem_shared>> -> memref<128x128xf32, #tpu.memory_space<vmem_shared>>
      %dma_wait3A_96 = arith.constant 0 : i32
      %dma_wait3A_97 = tpu.memref_slice %arg10[%add3A_44, %dma_wait3A_96] : memref<10240x128xf32, #tpu.memory_space<vmem_shared>> -> memref<128x128xf32, #tpu.memory_space<vmem_shared>>
      tpu.wait_dma2 semaphore(%run_scoped3A : memref<!tpu.dma_semaphore, #tpu.memory_space<semaphore_mem>>) src(%arg8 : memref<128x128xf32, #tpu.memory_space<vmem>>) dst(%dma_wait3A_97 : memref<128x128xf32, #tpu.memory_space<vmem_shared>>)
      tpu.yield
    }) : () -> ()
    %mul3A_45 = arith.constant 640 : i32
    %mul3A_46 = arith.muli %arg1, %mul3A_45 : i32
    %add3A_47 = arith.constant 256 : i32
    %add3A_48 = arith.addi %mul3A_46, %add3A_47 : i32
    "tpu.region"() ({
      %run_scoped3A = tpu.sem_alloc : memref<!tpu.dma_semaphore, #tpu.memory_space<semaphore_mem>>
      %dma_start3A_90 = arith.constant 0 : i32
      %dma_start3A_91 = tpu.memref_slice %arg10[%add3A_48, %dma_start3A_90] : memref<10240x128xf32, #tpu.memory_space<vmem_shared>> -> memref<128x128xf32, #tpu.memory_space<vmem_shared>>
      %dma_start3A_92 = arith.constant 0 : i32
      %dma_start3A_93 = tpu.memref_slice %arg10[%add3A_48, %dma_start3A_92] : memref<10240x128xf32, #tpu.memory_space<vmem_shared>> -> memref<128x128xf32, #tpu.memory_space<vmem_shared>>
      tpu.enqueue_dma source(%arg8 : memref<128x128xf32, #tpu.memory_space<vmem>>) target(%dma_start3A_93 : memref<128x128xf32, #tpu.memory_space<vmem_shared>>) target_semaphore(%run_scoped3A : memref<!tpu.dma_semaphore, #tpu.memory_space<semaphore_mem>>)
      %dma_wait3A_94 = arith.constant 0 : i32
      %dma_wait3A_95 = tpu.memref_slice %arg10[%add3A_48, %dma_wait3A_94] : memref<10240x128xf32, #tpu.memory_space<vmem_shared>> -> memref<128x128xf32, #tpu.memory_space<vmem_shared>>
      %dma_wait3A_96 = arith.constant 0 : i32
      %dma_wait3A_97 = tpu.memref_slice %arg10[%add3A_48, %dma_wait3A_96] : memref<10240x128xf32, #tpu.memory_space<vmem_shared>> -> memref<128x128xf32, #tpu.memory_space<vmem_shared>>
      tpu.wait_dma2 semaphore(%run_scoped3A : memref<!tpu.dma_semaphore, #tpu.memory_space<semaphore_mem>>) src(%arg8 : memref<128x128xf32, #tpu.memory_space<vmem>>) dst(%dma_wait3A_97 : memref<128x128xf32, #tpu.memory_space<vmem_shared>>)
      tpu.yield
    }) : () -> ()
    %mul3A_49 = arith.constant 640 : i32
    %mul3A_50 = arith.muli %arg1, %mul3A_49 : i32
    %add3A_51 = arith.constant 384 : i32
    %add3A_52 = arith.addi %mul3A_50, %add3A_51 : i32
    "tpu.region"() ({
      %run_scoped3A = tpu.sem_alloc : memref<!tpu.dma_semaphore, #tpu.memory_space<semaphore_mem>>
      %dma_start3A_90 = arith.constant 0 : i32
      %dma_start3A_91 = tpu.memref_slice %arg10[%add3A_52, %dma_start3A_90] : memref<10240x128xf32, #tpu.memory_space<vmem_shared>> -> memref<128x128xf32, #tpu.memory_space<vmem_shared>>
      %dma_start3A_92 = arith.constant 0 : i32
      %dma_start3A_93 = tpu.memref_slice %arg10[%add3A_52, %dma_start3A_92] : memref<10240x128xf32, #tpu.memory_space<vmem_shared>> -> memref<128x128xf32, #tpu.memory_space<vmem_shared>>
      tpu.enqueue_dma source(%arg8 : memref<128x128xf32, #tpu.memory_space<vmem>>) target(%dma_start3A_93 : memref<128x128xf32, #tpu.memory_space<vmem_shared>>) target_semaphore(%run_scoped3A : memref<!tpu.dma_semaphore, #tpu.memory_space<semaphore_mem>>)
      %dma_wait3A_94 = arith.constant 0 : i32
      %dma_wait3A_95 = tpu.memref_slice %arg10[%add3A_52, %dma_wait3A_94] : memref<10240x128xf32, #tpu.memory_space<vmem_shared>> -> memref<128x128xf32, #tpu.memory_space<vmem_shared>>
      %dma_wait3A_96 = arith.constant 0 : i32
      %dma_wait3A_97 = tpu.memref_slice %arg10[%add3A_52, %dma_wait3A_96] : memref<10240x128xf32, #tpu.memory_space<vmem_shared>> -> memref<128x128xf32, #tpu.memory_space<vmem_shared>>
      tpu.wait_dma2 semaphore(%run_scoped3A : memref<!tpu.dma_semaphore, #tpu.memory_space<semaphore_mem>>) src(%arg8 : memref<128x128xf32, #tpu.memory_space<vmem>>) dst(%dma_wait3A_97 : memref<128x128xf32, #tpu.memory_space<vmem_shared>>)
      tpu.yield
    }) : () -> ()
    %mul3A_53 = arith.constant 640 : i32
    %mul3A_54 = arith.muli %arg1, %mul3A_53 : i32
    %add3A_55 = arith.constant 512 : i32
    %add3A_56 = arith.addi %mul3A_54, %add3A_55 : i32
    "tpu.region"() ({
      %run_scoped3A = tpu.sem_alloc : memref<!tpu.dma_semaphore, #tpu.memory_space<semaphore_mem>>
      %dma_start3A_90 = arith.constant 0 : i32
      %dma_start3A_91 = tpu.memref_slice %arg10[%add3A_56, %dma_start3A_90] : memref<10240x128xf32, #tpu.memory_space<vmem_shared>> -> memref<128x128xf32, #tpu.memory_space<vmem_shared>>
      %dma_start3A_92 = arith.constant 0 : i32
      %dma_start3A_93 = tpu.memref_slice %arg10[%add3A_56, %dma_start3A_92] : memref<10240x128xf32, #tpu.memory_space<vmem_shared>> -> memref<128x128xf32, #tpu.memory_space<vmem_shared>>
      tpu.enqueue_dma source(%arg8 : memref<128x128xf32, #tpu.memory_space<vmem>>) target(%dma_start3A_93 : memref<128x128xf32, #tpu.memory_space<vmem_shared>>) target_semaphore(%run_scoped3A : memref<!tpu.dma_semaphore, #tpu.memory_space<semaphore_mem>>)
      %dma_wait3A_94 = arith.constant 0 : i32
      %dma_wait3A_95 = tpu.memref_slice %arg10[%add3A_56, %dma_wait3A_94] : memref<10240x128xf32, #tpu.memory_space<vmem_shared>> -> memref<128x128xf32, #tpu.memory_space<vmem_shared>>
      %dma_wait3A_96 = arith.constant 0 : i32
      %dma_wait3A_97 = tpu.memref_slice %arg10[%add3A_56, %dma_wait3A_96] : memref<10240x128xf32, #tpu.memory_space<vmem_shared>> -> memref<128x128xf32, #tpu.memory_space<vmem_shared>>
      tpu.wait_dma2 semaphore(%run_scoped3A : memref<!tpu.dma_semaphore, #tpu.memory_space<semaphore_mem>>) src(%arg8 : memref<128x128xf32, #tpu.memory_space<vmem>>) dst(%dma_wait3A_97 : memref<128x128xf32, #tpu.memory_space<vmem_shared>>)
      tpu.yield
    }) : () -> ()
    %dma_wait3A_57 = arith.constant 0 : i32
    %dma_wait3A_58 = arith.constant 0 : i32
    %dma_wait3A_59 = tpu.memref_slice %arg3[%add3A, %dma_wait3A_57, %dma_wait3A_58] : memref<32x80x128xi32, #tpu.memory_space<hbm>> -> memref<1x40x128xi32, #tpu.memory_space<hbm>>
    %dma_wait3A_60 = tpu.memref_squeeze %dma_wait3A_59 : memref<1x40x128xi32, #tpu.memory_space<hbm>> -> memref<40x128xi32, #tpu.memory_space<hbm>>
    %dma_wait3A_61 = arith.constant 0 : i32
    %dma_wait3A_62 = arith.constant 0 : i32
    %dma_wait3A_63 = tpu.memref_slice %arg3[%add3A, %dma_wait3A_61, %dma_wait3A_62] : memref<32x80x128xi32, #tpu.memory_space<hbm>> -> memref<1x40x128xi32, #tpu.memory_space<hbm>>
    %dma_wait3A_64 = tpu.memref_squeeze %dma_wait3A_63 : memref<1x40x128xi32, #tpu.memory_space<hbm>> -> memref<40x128xi32, #tpu.memory_space<hbm>>
    tpu.wait_dma2 semaphore(%arg12 : memref<!tpu.dma_semaphore, #tpu.memory_space<semaphore_mem>>) src(%dma_wait3A_64 : memref<40x128xi32, #tpu.memory_space<hbm>>) dst(%arg7 : memref<40x128xi32, #tpu.memory_space<vmem>>)
    %barrier3A = arith.constant 0 : index
    tpu.barrier barrier_id(%barrier3A)
    %scan3A_65 = arith.constant 0 : i32
    %scan3A_66 = arith.constant 0 : i32
    %scan3A_67 = arith.constant 20 : i32
    %scan3A_68 = arith.addi %scan3A_66, %scan3A_67 : i32
    %scan3A_69 = arith.constant 1 : i32
    %scan3A_70 = scf.for %scan3A_90 = %scan3A_66 to %scan3A_68 step %scan3A_69 iter_args(%scan3A_91 = %scan3A_65) -> (i32)  : i32 {
      %mul3A_92 = arith.constant 2 : i32
      %mul3A_93 = arith.muli %mul3A_92, %scan3A_90 : i32
      %add3A_94 = arith.constant 0 : i32
      %add3A_95 = arith.addi %mul3A_93, %add3A_94 : i32
      %lt3A = arith.constant 39 : i32
      %lt3A_96 = arith.cmpi slt, %add3A_95, %lt3A : i32
      %convert_element_type3A = arith.extui %lt3A_96 : i1 to i32
      %cond3A = arith.constant 0 : i32
      %cond3A_97 = arith.cmpi ne, %convert_element_type3A, %cond3A : i32
      scf.if %cond3A_97 {
        %add3A_120 = arith.constant 1 : i32
        %add3A_121 = arith.addi %add3A_95, %add3A_120 : i32
        %dma_start3A_122 = arith.constant 0 : i32
        %dma_start3A_123 = tpu.memref_slice %arg6[%add3A_121, %dma_start3A_122] : memref<40x128xi32, #tpu.memory_space<vmem>> -> memref<1x128xi32, #tpu.memory_space<vmem>>
        %dma_start3A_124 = tpu.memref_squeeze %dma_start3A_123 : memref<1x128xi32, #tpu.memory_space<vmem>> -> memref<128xi32, #tpu.memory_space<vmem>>
        %dma_start3A_125 = arith.constant 0 : i32
        %dma_start3A_126 = arith.constant 0 : i32
        %dma_start3A_127 = tpu.memref_slice %arg4[%dma_start3A_125, %dma_start3A_126] : memref<10000x128xf32, #tpu.memory_space<hbm>> -> memref<10000x128xf32, #tpu.memory_space<hbm>>
        tpu.enqueue_indirect_dma source(%dma_start3A_127 : memref<10000x128xf32, #tpu.memory_space<hbm>>) target(%arg8 : memref<128x128xf32, #tpu.memory_space<vmem>>) offsets(%dma_start3A_124 : memref<128xi32, #tpu.memory_space<vmem>>) semaphore(%arg12 : memref<!tpu.dma_semaphore, #tpu.memory_space<semaphore_mem>>)
      } else {
      }
      %dma_wait3A_98 = arith.constant 0 : i32
      %dma_wait3A_99 = tpu.memref_slice %arg6[%add3A_95, %dma_wait3A_98] : memref<40x128xi32, #tpu.memory_space<vmem>> -> memref<1x128xi32, #tpu.memory_space<vmem>>
      %dma_wait3A_100 = tpu.memref_squeeze %dma_wait3A_99 : memref<1x128xi32, #tpu.memory_space<vmem>> -> memref<128xi32, #tpu.memory_space<vmem>>
      %dma_wait3A_101 = arith.constant 0 : i32
      %dma_wait3A_102 = arith.constant 0 : i32
      %dma_wait3A_103 = tpu.memref_slice %arg4[%dma_wait3A_101, %dma_wait3A_102] : memref<10000x128xf32, #tpu.memory_space<hbm>> -> memref<10000x128xf32, #tpu.memory_space<hbm>>
      tpu.wait_indirect_dma semaphore(%arg11 : memref<!tpu.dma_semaphore, #tpu.memory_space<semaphore_mem>>) src(%dma_wait3A_103 : memref<10000x128xf32, #tpu.memory_space<hbm>>) dst(%arg9 : memref<128x128xf32, #tpu.memory_space<vmem>>)
      "tpu.region"() ({
        %run_scoped3A = tpu.sem_alloc : memref<!tpu.dma_semaphore, #tpu.memory_space<semaphore_mem>>
        %dma_start3A_120 = arith.constant 0 : i32
        %dma_start3A_121 = tpu.memref_slice %arg7[%add3A_95, %dma_start3A_120] : memref<40x128xi32, #tpu.memory_space<vmem>> -> memref<1x128xi32, #tpu.memory_space<vmem>>
        %dma_start3A_122 = tpu.memref_squeeze %dma_start3A_121 : memref<1x128xi32, #tpu.memory_space<vmem>> -> memref<128xi32, #tpu.memory_space<vmem>>
        %dma_start3A_123 = arith.constant 0 : i32
        %dma_start3A_124 = arith.constant 0 : i32
        %dma_start3A_125 = tpu.memref_slice %arg10[%dma_start3A_123, %dma_start3A_124] : memref<10240x128xf32, #tpu.memory_space<vmem_shared>> -> memref<10240x128xf32, #tpu.memory_space<vmem_shared>>
        tpu.enqueue_indirect_dma source(%arg9 : memref<128x128xf32, #tpu.memory_space<vmem>>) target(%dma_start3A_125 : memref<10240x128xf32, #tpu.memory_space<vmem_shared>>) offsets(%dma_start3A_122 : memref<128xi32, #tpu.memory_space<vmem>>) semaphore(%run_scoped3A : memref<!tpu.dma_semaphore, #tpu.memory_space<semaphore_mem>>) {add = true}
        %dma_wait3A_126 = arith.constant 0 : i32
        %dma_wait3A_127 = tpu.memref_slice %arg7[%add3A_95, %dma_wait3A_126] : memref<40x128xi32, #tpu.memory_space<vmem>> -> memref<1x128xi32, #tpu.memory_space<vmem>>
        %dma_wait3A_128 = tpu.memref_squeeze %dma_wait3A_127 : memref<1x128xi32, #tpu.memory_space<vmem>> -> memref<128xi32, #tpu.memory_space<vmem>>
        %dma_wait3A_129 = arith.constant 0 : i32
        %dma_wait3A_130 = arith.constant 0 : i32
        %dma_wait3A_131 = tpu.memref_slice %arg10[%dma_wait3A_129, %dma_wait3A_130] : memref<10240x128xf32, #tpu.memory_space<vmem_shared>> -> memref<10240x128xf32, #tpu.memory_space<vmem_shared>>
        tpu.wait_indirect_dma semaphore(%run_scoped3A : memref<!tpu.dma_semaphore, #tpu.memory_space<semaphore_mem>>) src(%arg9 : memref<128x128xf32, #tpu.memory_space<vmem>>) dst(%dma_wait3A_131 : memref<10240x128xf32, #tpu.memory_space<vmem_shared>>)
        tpu.yield
      }) : () -> ()
      %mul3A_104 = arith.constant 2 : i32
      %mul3A_105 = arith.muli %mul3A_104, %scan3A_90 : i32
      %add3A_106 = arith.constant 1 : i32
      %add3A_107 = arith.addi %mul3A_105, %add3A_106 : i32
      %lt3A_108 = arith.constant 39 : i32
      %lt3A_109 = arith.cmpi slt, %add3A_107, %lt3A_108 : i32
      %convert_element_type3A_110 = arith.extui %lt3A_109 : i1 to i32
      %cond3A_111 = arith.constant 0 : i32
      %cond3A_112 = arith.cmpi ne, %convert_element_type3A_110, %cond3A_111 : i32
      scf.if %cond3A_112 {
        %add3A_120 = arith.constant 1 : i32
        %add3A_121 = arith.addi %add3A_107, %add3A_120 : i32
        %dma_start3A_122 = arith.constant 0 : i32
        %dma_start3A_123 = tpu.memref_slice %arg6[%add3A_121, %dma_start3A_122] : memref<40x128xi32, #tpu.memory_space<vmem>> -> memref<1x128xi32, #tpu.memory_space<vmem>>
        %dma_start3A_124 = tpu.memref_squeeze %dma_start3A_123 : memref<1x128xi32, #tpu.memory_space<vmem>> -> memref<128xi32, #tpu.memory_space<vmem>>
        %dma_start3A_125 = arith.constant 0 : i32
        %dma_start3A_126 = arith.constant 0 : i32
        %dma_start3A_127 = tpu.memref_slice %arg4[%dma_start3A_125, %dma_start3A_126] : memref<10000x128xf32, #tpu.memory_space<hbm>> -> memref<10000x128xf32, #tpu.memory_space<hbm>>
        tpu.enqueue_indirect_dma source(%dma_start3A_127 : memref<10000x128xf32, #tpu.memory_space<hbm>>) target(%arg9 : memref<128x128xf32, #tpu.memory_space<vmem>>) offsets(%dma_start3A_124 : memref<128xi32, #tpu.memory_space<vmem>>) semaphore(%arg11 : memref<!tpu.dma_semaphore, #tpu.memory_space<semaphore_mem>>)
      } else {
      }
      %dma_wait3A_113 = arith.constant 0 : i32
      %dma_wait3A_114 = tpu.memref_slice %arg6[%add3A_107, %dma_wait3A_113] : memref<40x128xi32, #tpu.memory_space<vmem>> -> memref<1x128xi32, #tpu.memory_space<vmem>>
      %dma_wait3A_115 = tpu.memref_squeeze %dma_wait3A_114 : memref<1x128xi32, #tpu.memory_space<vmem>> -> memref<128xi32, #tpu.memory_space<vmem>>
      %dma_wait3A_116 = arith.constant 0 : i32
      %dma_wait3A_117 = arith.constant 0 : i32
      %dma_wait3A_118 = tpu.memref_slice %arg4[%dma_wait3A_116, %dma_wait3A_117] : memref<10000x128xf32, #tpu.memory_space<hbm>> -> memref<10000x128xf32, #tpu.memory_space<hbm>>
      tpu.wait_indirect_dma semaphore(%arg12 : memref<!tpu.dma_semaphore, #tpu.memory_space<semaphore_mem>>) src(%dma_wait3A_118 : memref<10000x128xf32, #tpu.memory_space<hbm>>) dst(%arg8 : memref<128x128xf32, #tpu.memory_space<vmem>>)
      "tpu.region"() ({
        %run_scoped3A = tpu.sem_alloc : memref<!tpu.dma_semaphore, #tpu.memory_space<semaphore_mem>>
        %dma_start3A_120 = arith.constant 0 : i32
        %dma_start3A_121 = tpu.memref_slice %arg7[%add3A_107, %dma_start3A_120] : memref<40x128xi32, #tpu.memory_space<vmem>> -> memref<1x128xi32, #tpu.memory_space<vmem>>
        %dma_start3A_122 = tpu.memref_squeeze %dma_start3A_121 : memref<1x128xi32, #tpu.memory_space<vmem>> -> memref<128xi32, #tpu.memory_space<vmem>>
        %dma_start3A_123 = arith.constant 0 : i32
        %dma_start3A_124 = arith.constant 0 : i32
        %dma_start3A_125 = tpu.memref_slice %arg10[%dma_start3A_123, %dma_start3A_124] : memref<10240x128xf32, #tpu.memory_space<vmem_shared>> -> memref<10240x128xf32, #tpu.memory_space<vmem_shared>>
        tpu.enqueue_indirect_dma source(%arg8 : memref<128x128xf32, #tpu.memory_space<vmem>>) target(%dma_start3A_125 : memref<10240x128xf32, #tpu.memory_space<vmem_shared>>) offsets(%dma_start3A_122 : memref<128xi32, #tpu.memory_space<vmem>>) semaphore(%run_scoped3A : memref<!tpu.dma_semaphore, #tpu.memory_space<semaphore_mem>>) {add = true}
        %dma_wait3A_126 = arith.constant 0 : i32
        %dma_wait3A_127 = tpu.memref_slice %arg7[%add3A_107, %dma_wait3A_126] : memref<40x128xi32, #tpu.memory_space<vmem>> -> memref<1x128xi32, #tpu.memory_space<vmem>>
        %dma_wait3A_128 = tpu.memref_squeeze %dma_wait3A_127 : memref<1x128xi32, #tpu.memory_space<vmem>> -> memref<128xi32, #tpu.memory_space<vmem>>
        %dma_wait3A_129 = arith.constant 0 : i32
        %dma_wait3A_130 = arith.constant 0 : i32
        %dma_wait3A_131 = tpu.memref_slice %arg10[%dma_wait3A_129, %dma_wait3A_130] : memref<10240x128xf32, #tpu.memory_space<vmem_shared>> -> memref<10240x128xf32, #tpu.memory_space<vmem_shared>>
        tpu.wait_indirect_dma semaphore(%run_scoped3A : memref<!tpu.dma_semaphore, #tpu.memory_space<semaphore_mem>>) src(%arg8 : memref<128x128xf32, #tpu.memory_space<vmem>>) dst(%dma_wait3A_131 : memref<10240x128xf32, #tpu.memory_space<vmem_shared>>)
        tpu.yield
      }) : () -> ()
      %scan3A_119 = arith.constant 0 : i32
      scf.yield %scan3A_119 : i32
    }
    %scan3A_71 = arith.constant 20 : i32
    %multiple_of3A = arith.constant 40 : i32
    %multiple_of3A_72 = tpu.assume_multiple %multiple_of3A, 8 : i32
    "tpu.region"() ({
      %run_scoped3A = tpu.sem_alloc : memref<!tpu.dma_semaphore, #tpu.memory_space<semaphore_mem>>
      %dma_start3A_90 = arith.constant 0 : i32
      %dma_start3A_91 = tpu.memref_slice %arg2[%add3A, %multiple_of3A_72, %dma_start3A_90] : memref<32x80x128xi32, #tpu.memory_space<hbm>> -> memref<1x40x128xi32, #tpu.memory_space<hbm>>
      %dma_start3A_92 = tpu.memref_squeeze %dma_start3A_91 : memref<1x40x128xi32, #tpu.memory_space<hbm>> -> memref<40x128xi32, #tpu.memory_space<hbm>>
      %dma_start3A_93 = arith.constant 0 : i32
      %dma_start3A_94 = tpu.memref_slice %arg2[%add3A, %multiple_of3A_72, %dma_start3A_93] : memref<32x80x128xi32, #tpu.memory_space<hbm>> -> memref<1x40x128xi32, #tpu.memory_space<hbm>>
      %dma_start3A_95 = tpu.memref_squeeze %dma_start3A_94 : memref<1x40x128xi32, #tpu.memory_space<hbm>> -> memref<40x128xi32, #tpu.memory_space<hbm>>
      tpu.enqueue_dma source(%dma_start3A_95 : memref<40x128xi32, #tpu.memory_space<hbm>>) target(%arg6 : memref<40x128xi32, #tpu.memory_space<vmem>>) target_semaphore(%run_scoped3A : memref<!tpu.dma_semaphore, #tpu.memory_space<semaphore_mem>>)
      %dma_wait3A_96 = arith.constant 0 : i32
      %dma_wait3A_97 = tpu.memref_slice %arg2[%add3A, %multiple_of3A_72, %dma_wait3A_96] : memref<32x80x128xi32, #tpu.memory_space<hbm>> -> memref<1x40x128xi32, #tpu.memory_space<hbm>>
      %dma_wait3A_98 = tpu.memref_squeeze %dma_wait3A_97 : memref<1x40x128xi32, #tpu.memory_space<hbm>> -> memref<40x128xi32, #tpu.memory_space<hbm>>
      %dma_wait3A_99 = arith.constant 0 : i32
      %dma_wait3A_100 = tpu.memref_slice %arg2[%add3A, %multiple_of3A_72, %dma_wait3A_99] : memref<32x80x128xi32, #tpu.memory_space<hbm>> -> memref<1x40x128xi32, #tpu.memory_space<hbm>>
      %dma_wait3A_101 = tpu.memref_squeeze %dma_wait3A_100 : memref<1x40x128xi32, #tpu.memory_space<hbm>> -> memref<40x128xi32, #tpu.memory_space<hbm>>
      tpu.wait_dma2 semaphore(%run_scoped3A : memref<!tpu.dma_semaphore, #tpu.memory_space<semaphore_mem>>) src(%dma_wait3A_101 : memref<40x128xi32, #tpu.memory_space<hbm>>) dst(%arg6 : memref<40x128xi32, #tpu.memory_space<vmem>>)
      tpu.yield
    }) : () -> ()
    "tpu.region"() ({
      %run_scoped3A = tpu.sem_alloc : memref<!tpu.dma_semaphore, #tpu.memory_space<semaphore_mem>>
      %dma_start3A_90 = arith.constant 0 : i32
      %dma_start3A_91 = tpu.memref_slice %arg3[%add3A, %multiple_of3A_72, %dma_start3A_90] : memref<32x80x128xi32, #tpu.memory_space<hbm>> -> memref<1x40x128xi32, #tpu.memory_space<hbm>>
      %dma_start3A_92 = tpu.memref_squeeze %dma_start3A_91 : memref<1x40x128xi32, #tpu.memory_space<hbm>> -> memref<40x128xi32, #tpu.memory_space<hbm>>
      %dma_start3A_93 = arith.constant 0 : i32
      %dma_start3A_94 = tpu.memref_slice %arg3[%add3A, %multiple_of3A_72, %dma_start3A_93] : memref<32x80x128xi32, #tpu.memory_space<hbm>> -> memref<1x40x128xi32, #tpu.memory_space<hbm>>
      %dma_start3A_95 = tpu.memref_squeeze %dma_start3A_94 : memref<1x40x128xi32, #tpu.memory_space<hbm>> -> memref<40x128xi32, #tpu.memory_space<hbm>>
      tpu.enqueue_dma source(%dma_start3A_95 : memref<40x128xi32, #tpu.memory_space<hbm>>) target(%arg7 : memref<40x128xi32, #tpu.memory_space<vmem>>) target_semaphore(%run_scoped3A : memref<!tpu.dma_semaphore, #tpu.memory_space<semaphore_mem>>)
      %dma_wait3A_96 = arith.constant 0 : i32
      %dma_wait3A_97 = tpu.memref_slice %arg3[%add3A, %multiple_of3A_72, %dma_wait3A_96] : memref<32x80x128xi32, #tpu.memory_space<hbm>> -> memref<1x40x128xi32, #tpu.memory_space<hbm>>
      %dma_wait3A_98 = tpu.memref_squeeze %dma_wait3A_97 : memref<1x40x128xi32, #tpu.memory_space<hbm>> -> memref<40x128xi32, #tpu.memory_space<hbm>>
      %dma_wait3A_99 = arith.constant 0 : i32
      %dma_wait3A_100 = tpu.memref_slice %arg3[%add3A, %multiple_of3A_72, %dma_wait3A_99] : memref<32x80x128xi32, #tpu.memory_space<hbm>> -> memref<1x40x128xi32, #tpu.memory_space<hbm>>
      %dma_wait3A_101 = tpu.memref_squeeze %dma_wait3A_100 : memref<1x40x128xi32, #tpu.memory_space<hbm>> -> memref<40x128xi32, #tpu.memory_space<hbm>>
      tpu.wait_dma2 semaphore(%run_scoped3A : memref<!tpu.dma_semaphore, #tpu.memory_space<semaphore_mem>>) src(%dma_wait3A_101 : memref<40x128xi32, #tpu.memory_space<hbm>>) dst(%arg7 : memref<40x128xi32, #tpu.memory_space<vmem>>)
      tpu.yield
    }) : () -> ()
    %dma_start3A_73 = arith.constant 0 : i32
    %dma_start3A_74 = arith.constant 0 : i32
    %dma_start3A_75 = tpu.memref_slice %arg6[%dma_start3A_73, %dma_start3A_74] : memref<40x128xi32, #tpu.memory_space<vmem>> -> memref<1x128xi32, #tpu.memory_space<vmem>>
    %dma_start3A_76 = tpu.memref_squeeze %dma_start3A_75 : memref<1x128xi32, #tpu.memory_space<vmem>> -> memref<128xi32, #tpu.memory_space<vmem>>
    %dma_start3A_77 = arith.constant 0 : i32
    %dma_start3A_78 = arith.constant 0 : i32
    %dma_start3A_79 = tpu.memref_slice %arg4[%dma_start3A_77, %dma_start3A_78] : memref<10000x128xf32, #tpu.memory_space<hbm>> -> memref<10000x128xf32, #tpu.memory_space<hbm>>
    tpu.enqueue_indirect_dma source(%dma_start3A_79 : memref<10000x128xf32, #tpu.memory_space<hbm>>) target(%arg9 : memref<128x128xf32, #tpu.memory_space<vmem>>) offsets(%dma_start3A_76 : memref<128xi32, #tpu.memory_space<vmem>>) semaphore(%arg11 : memref<!tpu.dma_semaphore, #tpu.memory_space<semaphore_mem>>)
    %scan3A_80 = arith.constant 0 : i32
    %scan3A_81 = arith.constant 0 : i32
    %scan3A_82 = arith.constant 20 : i32
    %scan3A_83 = arith.addi %scan3A_81, %scan3A_82 : i32
    %scan3A_84 = arith.constant 1 : i32
    %scan3A_85 = scf.for %scan3A_90 = %scan3A_81 to %scan3A_83 step %scan3A_84 iter_args(%scan3A_91 = %scan3A_80) -> (i32)  : i32 {
      %mul3A_92 = arith.constant 2 : i32
      %mul3A_93 = arith.muli %mul3A_92, %scan3A_90 : i32
      %add3A_94 = arith.constant 0 : i32
      %add3A_95 = arith.addi %mul3A_93, %add3A_94 : i32
      %lt3A = arith.constant 39 : i32
      %lt3A_96 = arith.cmpi slt, %add3A_95, %lt3A : i32
      %convert_element_type3A = arith.extui %lt3A_96 : i1 to i32
      %cond3A = arith.constant 0 : i32
      %cond3A_97 = arith.cmpi ne, %convert_element_type3A, %cond3A : i32
      scf.if %cond3A_97 {
        %add3A_120 = arith.constant 1 : i32
        %add3A_121 = arith.addi %add3A_95, %add3A_120 : i32
        %dma_start3A_122 = arith.constant 0 : i32
        %dma_start3A_123 = tpu.memref_slice %arg6[%add3A_121, %dma_start3A_122] : memref<40x128xi32, #tpu.memory_space<vmem>> -> memref<1x128xi32, #tpu.memory_space<vmem>>
        %dma_start3A_124 = tpu.memref_squeeze %dma_start3A_123 : memref<1x128xi32, #tpu.memory_space<vmem>> -> memref<128xi32, #tpu.memory_space<vmem>>
        %dma_start3A_125 = arith.constant 0 : i32
        %dma_start3A_126 = arith.constant 0 : i32
        %dma_start3A_127 = tpu.memref_slice %arg4[%dma_start3A_125, %dma_start3A_126] : memref<10000x128xf32, #tpu.memory_space<hbm>> -> memref<10000x128xf32, #tpu.memory_space<hbm>>
        tpu.enqueue_indirect_dma source(%dma_start3A_127 : memref<10000x128xf32, #tpu.memory_space<hbm>>) target(%arg8 : memref<128x128xf32, #tpu.memory_space<vmem>>) offsets(%dma_start3A_124 : memref<128xi32, #tpu.memory_space<vmem>>) semaphore(%arg12 : memref<!tpu.dma_semaphore, #tpu.memory_space<semaphore_mem>>)
      } else {
      }
      %dma_wait3A_98 = arith.constant 0 : i32
      %dma_wait3A_99 = tpu.memref_slice %arg6[%add3A_95, %dma_wait3A_98] : memref<40x128xi32, #tpu.memory_space<vmem>> -> memref<1x128xi32, #tpu.memory_space<vmem>>
      %dma_wait3A_100 = tpu.memref_squeeze %dma_wait3A_99 : memref<1x128xi32, #tpu.memory_space<vmem>> -> memref<128xi32, #tpu.memory_space<vmem>>
      %dma_wait3A_101 = arith.constant 0 : i32
      %dma_wait3A_102 = arith.constant 0 : i32
      %dma_wait3A_103 = tpu.memref_slice %arg4[%dma_wait3A_101, %dma_wait3A_102] : memref<10000x128xf32, #tpu.memory_space<hbm>> -> memref<10000x128xf32, #tpu.memory_space<hbm>>
      tpu.wait_indirect_dma semaphore(%arg11 : memref<!tpu.dma_semaphore, #tpu.memory_space<semaphore_mem>>) src(%dma_wait3A_103 : memref<10000x128xf32, #tpu.memory_space<hbm>>) dst(%arg9 : memref<128x128xf32, #tpu.memory_space<vmem>>)
      "tpu.region"() ({
        %run_scoped3A = tpu.sem_alloc : memref<!tpu.dma_semaphore, #tpu.memory_space<semaphore_mem>>
        %dma_start3A_120 = arith.constant 0 : i32
        %dma_start3A_121 = tpu.memref_slice %arg7[%add3A_95, %dma_start3A_120] : memref<40x128xi32, #tpu.memory_space<vmem>> -> memref<1x128xi32, #tpu.memory_space<vmem>>
        %dma_start3A_122 = tpu.memref_squeeze %dma_start3A_121 : memref<1x128xi32, #tpu.memory_space<vmem>> -> memref<128xi32, #tpu.memory_space<vmem>>
        %dma_start3A_123 = arith.constant 0 : i32
        %dma_start3A_124 = arith.constant 0 : i32
        %dma_start3A_125 = tpu.memref_slice %arg10[%dma_start3A_123, %dma_start3A_124] : memref<10240x128xf32, #tpu.memory_space<vmem_shared>> -> memref<10240x128xf32, #tpu.memory_space<vmem_shared>>
        tpu.enqueue_indirect_dma source(%arg9 : memref<128x128xf32, #tpu.memory_space<vmem>>) target(%dma_start3A_125 : memref<10240x128xf32, #tpu.memory_space<vmem_shared>>) offsets(%dma_start3A_122 : memref<128xi32, #tpu.memory_space<vmem>>) semaphore(%run_scoped3A : memref<!tpu.dma_semaphore, #tpu.memory_space<semaphore_mem>>) {add = true}
        %dma_wait3A_126 = arith.constant 0 : i32
        %dma_wait3A_127 = tpu.memref_slice %arg7[%add3A_95, %dma_wait3A_126] : memref<40x128xi32, #tpu.memory_space<vmem>> -> memref<1x128xi32, #tpu.memory_space<vmem>>
        %dma_wait3A_128 = tpu.memref_squeeze %dma_wait3A_127 : memref<1x128xi32, #tpu.memory_space<vmem>> -> memref<128xi32, #tpu.memory_space<vmem>>
        %dma_wait3A_129 = arith.constant 0 : i32
        %dma_wait3A_130 = arith.constant 0 : i32
        %dma_wait3A_131 = tpu.memref_slice %arg10[%dma_wait3A_129, %dma_wait3A_130] : memref<10240x128xf32, #tpu.memory_space<vmem_shared>> -> memref<10240x128xf32, #tpu.memory_space<vmem_shared>>
        tpu.wait_indirect_dma semaphore(%run_scoped3A : memref<!tpu.dma_semaphore, #tpu.memory_space<semaphore_mem>>) src(%arg9 : memref<128x128xf32, #tpu.memory_space<vmem>>) dst(%dma_wait3A_131 : memref<10240x128xf32, #tpu.memory_space<vmem_shared>>)
        tpu.yield
      }) : () -> ()
      %mul3A_104 = arith.constant 2 : i32
      %mul3A_105 = arith.muli %mul3A_104, %scan3A_90 : i32
      %add3A_106 = arith.constant 1 : i32
      %add3A_107 = arith.addi %mul3A_105, %add3A_106 : i32
      %lt3A_108 = arith.constant 39 : i32
      %lt3A_109 = arith.cmpi slt, %add3A_107, %lt3A_108 : i32
      %convert_element_type3A_110 = arith.extui %lt3A_109 : i1 to i32
      %cond3A_111 = arith.constant 0 : i32
      %cond3A_112 = arith.cmpi ne, %convert_element_type3A_110, %cond3A_111 : i32
      scf.if %cond3A_112 {
        %add3A_120 = arith.constant 1 : i32
        %add3A_121 = arith.addi %add3A_107, %add3A_120 : i32
        %dma_start3A_122 = arith.constant 0 : i32
        %dma_start3A_123 = tpu.memref_slice %arg6[%add3A_121, %dma_start3A_122] : memref<40x128xi32, #tpu.memory_space<vmem>> -> memref<1x128xi32, #tpu.memory_space<vmem>>
        %dma_start3A_124 = tpu.memref_squeeze %dma_start3A_123 : memref<1x128xi32, #tpu.memory_space<vmem>> -> memref<128xi32, #tpu.memory_space<vmem>>
        %dma_start3A_125 = arith.constant 0 : i32
        %dma_start3A_126 = arith.constant 0 : i32
        %dma_start3A_127 = tpu.memref_slice %arg4[%dma_start3A_125, %dma_start3A_126] : memref<10000x128xf32, #tpu.memory_space<hbm>> -> memref<10000x128xf32, #tpu.memory_space<hbm>>
        tpu.enqueue_indirect_dma source(%dma_start3A_127 : memref<10000x128xf32, #tpu.memory_space<hbm>>) target(%arg9 : memref<128x128xf32, #tpu.memory_space<vmem>>) offsets(%dma_start3A_124 : memref<128xi32, #tpu.memory_space<vmem>>) semaphore(%arg11 : memref<!tpu.dma_semaphore, #tpu.memory_space<semaphore_mem>>)
      } else {
      }
      %dma_wait3A_113 = arith.constant 0 : i32
      %dma_wait3A_114 = tpu.memref_slice %arg6[%add3A_107, %dma_wait3A_113] : memref<40x128xi32, #tpu.memory_space<vmem>> -> memref<1x128xi32, #tpu.memory_space<vmem>>
      %dma_wait3A_115 = tpu.memref_squeeze %dma_wait3A_114 : memref<1x128xi32, #tpu.memory_space<vmem>> -> memref<128xi32, #tpu.memory_space<vmem>>
      %dma_wait3A_116 = arith.constant 0 : i32
      %dma_wait3A_117 = arith.constant 0 : i32
      %dma_wait3A_118 = tpu.memref_slice %arg4[%dma_wait3A_116, %dma_wait3A_117] : memref<10000x128xf32, #tpu.memory_space<hbm>> -> memref<10000x128xf32, #tpu.memory_space<hbm>>
      tpu.wait_indirect_dma semaphore(%arg12 : memref<!tpu.dma_semaphore, #tpu.memory_space<semaphore_mem>>) src(%dma_wait3A_118 : memref<10000x128xf32, #tpu.memory_space<hbm>>) dst(%arg8 : memref<128x128xf32, #tpu.memory_space<vmem>>)
      "tpu.region"() ({
        %run_scoped3A = tpu.sem_alloc : memref<!tpu.dma_semaphore, #tpu.memory_space<semaphore_mem>>
        %dma_start3A_120 = arith.constant 0 : i32
        %dma_start3A_121 = tpu.memref_slice %arg7[%add3A_107, %dma_start3A_120] : memref<40x128xi32, #tpu.memory_space<vmem>> -> memref<1x128xi32, #tpu.memory_space<vmem>>
        %dma_start3A_122 = tpu.memref_squeeze %dma_start3A_121 : memref<1x128xi32, #tpu.memory_space<vmem>> -> memref<128xi32, #tpu.memory_space<vmem>>
        %dma_start3A_123 = arith.constant 0 : i32
        %dma_start3A_124 = arith.constant 0 : i32
        %dma_start3A_125 = tpu.memref_slice %arg10[%dma_start3A_123, %dma_start3A_124] : memref<10240x128xf32, #tpu.memory_space<vmem_shared>> -> memref<10240x128xf32, #tpu.memory_space<vmem_shared>>
        tpu.enqueue_indirect_dma source(%arg8 : memref<128x128xf32, #tpu.memory_space<vmem>>) target(%dma_start3A_125 : memref<10240x128xf32, #tpu.memory_space<vmem_shared>>) offsets(%dma_start3A_122 : memref<128xi32, #tpu.memory_space<vmem>>) semaphore(%run_scoped3A : memref<!tpu.dma_semaphore, #tpu.memory_space<semaphore_mem>>) {add = true}
        %dma_wait3A_126 = arith.constant 0 : i32
        %dma_wait3A_127 = tpu.memref_slice %arg7[%add3A_107, %dma_wait3A_126] : memref<40x128xi32, #tpu.memory_space<vmem>> -> memref<1x128xi32, #tpu.memory_space<vmem>>
        %dma_wait3A_128 = tpu.memref_squeeze %dma_wait3A_127 : memref<1x128xi32, #tpu.memory_space<vmem>> -> memref<128xi32, #tpu.memory_space<vmem>>
        %dma_wait3A_129 = arith.constant 0 : i32
        %dma_wait3A_130 = arith.constant 0 : i32
        %dma_wait3A_131 = tpu.memref_slice %arg10[%dma_wait3A_129, %dma_wait3A_130] : memref<10240x128xf32, #tpu.memory_space<vmem_shared>> -> memref<10240x128xf32, #tpu.memory_space<vmem_shared>>
        tpu.wait_indirect_dma semaphore(%run_scoped3A : memref<!tpu.dma_semaphore, #tpu.memory_space<semaphore_mem>>) src(%arg8 : memref<128x128xf32, #tpu.memory_space<vmem>>) dst(%dma_wait3A_131 : memref<10240x128xf32, #tpu.memory_space<vmem_shared>>)
        tpu.yield
      }) : () -> ()
      %scan3A_119 = arith.constant 0 : i32
      scf.yield %scan3A_119 : i32
    }
    %scan3A_86 = arith.constant 20 : i32
    %barrier3A_87 = arith.constant 0 : index
    tpu.barrier barrier_id(%barrier3A_87)
    %mul3A_88 = arith.constant 640 : i32
    %mul3A_89 = arith.muli %arg1, %mul3A_88 : i32
    "tpu.region"() ({
      %run_scoped3A = tpu.sem_alloc : memref<!tpu.dma_semaphore, #tpu.memory_space<semaphore_mem>>
      %dma_start3A_90 = arith.constant 0 : i32
      %dma_start3A_91 = tpu.memref_slice %arg5[%arg0, %mul3A_89, %dma_start3A_90] : memref<2x10240x128xf32, #tpu.memory_space<hbm>> -> memref<1x640x128xf32, #tpu.memory_space<hbm>>
      %dma_start3A_92 = tpu.memref_squeeze %dma_start3A_91 : memref<1x640x128xf32, #tpu.memory_space<hbm>> -> memref<640x128xf32, #tpu.memory_space<hbm>>
      %dma_start3A_93 = arith.constant 0 : i32
      %dma_start3A_94 = tpu.memref_slice %arg10[%mul3A_89, %dma_start3A_93] : memref<10240x128xf32, #tpu.memory_space<vmem_shared>> -> memref<640x128xf32, #tpu.memory_space<vmem_shared>>
      tpu.enqueue_dma source(%dma_start3A_94 : memref<640x128xf32, #tpu.memory_space<vmem_shared>>) target(%dma_start3A_92 : memref<640x128xf32, #tpu.memory_space<hbm>>) target_semaphore(%run_scoped3A : memref<!tpu.dma_semaphore, #tpu.memory_space<semaphore_mem>>)
      %dma_wait3A_95 = arith.constant 0 : i32
      %dma_wait3A_96 = tpu.memref_slice %arg5[%arg0, %mul3A_89, %dma_wait3A_95] : memref<2x10240x128xf32, #tpu.memory_space<hbm>> -> memref<1x640x128xf32, #tpu.memory_space<hbm>>
      %dma_wait3A_97 = tpu.memref_squeeze %dma_wait3A_96 : memref<1x640x128xf32, #tpu.memory_space<hbm>> -> memref<640x128xf32, #tpu.memory_space<hbm>>
      %dma_wait3A_98 = arith.constant 0 : i32
      %dma_wait3A_99 = tpu.memref_slice %arg10[%mul3A_89, %dma_wait3A_98] : memref<10240x128xf32, #tpu.memory_space<vmem_shared>> -> memref<640x128xf32, #tpu.memory_space<vmem_shared>>
      tpu.wait_dma2 semaphore(%run_scoped3A : memref<!tpu.dma_semaphore, #tpu.memory_space<semaphore_mem>>) src(%dma_wait3A_99 : memref<640x128xf32, #tpu.memory_space<vmem_shared>>) dst(%dma_wait3A_97 : memref<640x128xf32, #tpu.memory_space<hbm>>)
      tpu.yield
    }) : () -> ()
    return
  }
}

#map = affine_map<(d0, d1) -> (0, 0)>
#map1 = affine_map<(d0, d1) -> (0)>
module attributes {stable_mosaic.version = 14 : i64} {
  func.func @_pool_pass(%arg0: i32, %arg1: i32, %arg2: memref<10000x128xf32, #tpu.memory_space<hbm>>, %arg3: memref<10000xi32, #tpu.memory_space<hbm>>, %arg4: memref<256x128xf32, #tpu.memory_space<hbm>>, %arg5: memref<256x128xf32, #tpu.memory_space<hbm>>, %arg6: memref<80xi32, #tpu.memory_space<vmem>>, %arg7: memref<80x128xf32, #tpu.memory_space<vmem>>, %arg8: memref<80x128xf32, #tpu.memory_space<vmem>>, %arg9: memref<256x128xf32, #tpu.memory_space<vmem_shared>>, %arg10: memref<256x128xf32, #tpu.memory_space<vmem_shared>>) attributes {dimension_semantics = [#tpu.dimension_semantics<core_parallel>, #tpu.dimension_semantics<subcore_parallel>], iteration_bounds = array<i64: 2, 16>, scalar_prefetch = 0 : i64, scratch_operands = 5 : i64, tpu.core_type = #tpu.core_type<sc_vector_subcore>, window_params = [{transform_indices = #map}, {transform_indices = #map1}, {transform_indices = #map}, {transform_indices = #map}]} {
    %sub3A = arith.constant 125 : i32
    %sub3A_0 = arith.subi %sub3A, %arg1 : i32
    %add3A = arith.constant 16 : i32
    %add3A_1 = arith.addi %sub3A_0, %add3A : i32
    %sub3A_2 = arith.constant 1 : i32
    %sub3A_3 = arith.subi %add3A_1, %sub3A_2 : i32
    %jit3A = arith.constant 16 : i32
    %div3A = arith.divsi %sub3A_3, %jit3A : i32
    %sign3A = arith.constant 0 : i32
    %sign3A_4 = arith.cmpi sgt, %sub3A_3, %sign3A : i32
    %sign3A_5 = arith.extui %sign3A_4 : i1 to i32
    %sign3A_6 = arith.constant 0 : i32
    %sign3A_7 = arith.cmpi slt, %sub3A_3, %sign3A_6 : i32
    %sign3A_8 = arith.extui %sign3A_7 : i1 to i32
    %sign3A_9 = arith.subi %sign3A_5, %sign3A_8 : i32
    %sign3A_10 = arith.constant 0 : i32
    %sign3A_11 = arith.cmpi sgt, %jit3A, %sign3A_10 : i32
    %sign3A_12 = arith.extui %sign3A_11 : i1 to i32
    %sign3A_13 = arith.constant 0 : i32
    %sign3A_14 = arith.cmpi slt, %jit3A, %sign3A_13 : i32
    %sign3A_15 = arith.extui %sign3A_14 : i1 to i32
    %sign3A_16 = arith.subi %sign3A_12, %sign3A_15 : i32
    %ne3A = arith.cmpi ne, %sign3A_9, %sign3A_16 : i32
    %rem3A = arith.remsi %sub3A_3, %jit3A : i32
    %ne3A_17 = arith.constant 0 : i32
    %ne3A_18 = arith.cmpi ne, %rem3A, %ne3A_17 : i32
    %and3A = arith.andi %ne3A, %ne3A_18 : i1
    %sub3A_19 = arith.constant 1 : i32
    %sub3A_20 = arith.subi %div3A, %sub3A_19 : i32
    %select_n3A = arith.select %and3A, %sub3A_20, %div3A : i32
    %eq3A = arith.constant 0 : i32
    %eq3A_21 = arith.cmpi eq, %arg0, %eq3A : i32
    %convert_element_type3A = arith.extui %eq3A_21 : i1 to i32
    %cond3A = arith.constant 0 : i32
    %cond3A_22 = arith.cmpi ne, %convert_element_type3A, %cond3A : i32
    scf.if %cond3A_22 {
      %broadcast_in_dim3A = arith.constant 0.000000e+00 : f32
      %broadcast_in_dim3A_28 = vector.broadcast %broadcast_in_dim3A : f32 to vector<16xf32>
      %scan3A = arith.constant 0 : i32
      %scan3A_29 = arith.constant 0 : i32
      %scan3A_30 = arith.constant 16 : i32
      %scan3A_31 = arith.addi %scan3A_29, %scan3A_30 : i32
      %scan3A_32 = arith.constant 1 : i32
      %scan3A_33 = scf.for %scan3A_52 = %scan3A_29 to %scan3A_31 step %scan3A_32 iter_args(%scan3A_53 = %scan3A) -> (i32)  : i32 {
        %swap3A = arith.index_cast %scan3A_52 : i32 to index
        %swap3A_54 = arith.constant 0 : index
        %swap3A_55 = tpu.vector_load %arg7[%swap3A, %swap3A_54] {strides = array<i32>} : memref<80x128xf32, #tpu.memory_space<vmem>>, vector<1x16xf32>,
        %swap3A_56 = vector.shape_cast %swap3A_55 : vector<1x16xf32> to vector<16xf32>
        %swap3A_57 = vector.shape_cast %broadcast_in_dim3A_28 : vector<16xf32> to vector<1x16xf32>
        tpu.vector_store %arg7[%swap3A, %swap3A_54], %swap3A_57 {strides = array<i32>} : memref<80x128xf32, #tpu.memory_space<vmem>>, vector<1x16xf32>,
        %swap3A_58 = arith.index_cast %scan3A_52 : i32 to index
        %swap3A_59 = arith.constant 16 : index
        %swap3A_60 = tpu.vector_load %arg7[%swap3A_58, %swap3A_59] {strides = array<i32>} : memref<80x128xf32, #tpu.memory_space<vmem>>, vector<1x16xf32>,
        %swap3A_61 = vector.shape_cast %swap3A_60 : vector<1x16xf32> to vector<16xf32>
        %swap3A_62 = vector.shape_cast %broadcast_in_dim3A_28 : vector<16xf32> to vector<1x16xf32>
        tpu.vector_store %arg7[%swap3A_58, %swap3A_59], %swap3A_62 {strides = array<i32>} : memref<80x128xf32, #tpu.memory_space<vmem>>, vector<1x16xf32>,
        %swap3A_63 = arith.index_cast %scan3A_52 : i32 to index
        %swap3A_64 = arith.constant 32 : index
        %swap3A_65 = tpu.vector_load %arg7[%swap3A_63, %swap3A_64] {strides = array<i32>} : memref<80x128xf32, #tpu.memory_space<vmem>>, vector<1x16xf32>,
        %swap3A_66 = vector.shape_cast %swap3A_65 : vector<1x16xf32> to vector<16xf32>
        %swap3A_67 = vector.shape_cast %broadcast_in_dim3A_28 : vector<16xf32> to vector<1x16xf32>
        tpu.vector_store %arg7[%swap3A_63, %swap3A_64], %swap3A_67 {strides = array<i32>} : memref<80x128xf32, #tpu.memory_space<vmem>>, vector<1x16xf32>,
        %swap3A_68 = arith.index_cast %scan3A_52 : i32 to index
        %swap3A_69 = arith.constant 48 : index
        %swap3A_70 = tpu.vector_load %arg7[%swap3A_68, %swap3A_69] {strides = array<i32>} : memref<80x128xf32, #tpu.memory_space<vmem>>, vector<1x16xf32>,
        %swap3A_71 = vector.shape_cast %swap3A_70 : vector<1x16xf32> to vector<16xf32>
        %swap3A_72 = vector.shape_cast %broadcast_in_dim3A_28 : vector<16xf32> to vector<1x16xf32>
        tpu.vector_store %arg7[%swap3A_68, %swap3A_69], %swap3A_72 {strides = array<i32>} : memref<80x128xf32, #tpu.memory_space<vmem>>, vector<1x16xf32>,
        %swap3A_73 = arith.index_cast %scan3A_52 : i32 to index
        %swap3A_74 = arith.constant 64 : index
        %swap3A_75 = tpu.vector_load %arg7[%swap3A_73, %swap3A_74] {strides = array<i32>} : memref<80x128xf32, #tpu.memory_space<vmem>>, vector<1x16xf32>,
        %swap3A_76 = vector.shape_cast %swap3A_75 : vector<1x16xf32> to vector<16xf32>
        %swap3A_77 = vector.shape_cast %broadcast_in_dim3A_28 : vector<16xf32> to vector<1x16xf32>
        tpu.vector_store %arg7[%swap3A_73, %swap3A_74], %swap3A_77 {strides = array<i32>} : memref<80x128xf32, #tpu.memory_space<vmem>>, vector<1x16xf32>,
        %swap3A_78 = arith.index_cast %scan3A_52 : i32 to index
        %swap3A_79 = arith.constant 80 : index
        %swap3A_80 = tpu.vector_load %arg7[%swap3A_78, %swap3A_79] {strides = array<i32>} : memref<80x128xf32, #tpu.memory_space<vmem>>, vector<1x16xf32>,
        %swap3A_81 = vector.shape_cast %swap3A_80 : vector<1x16xf32> to vector<16xf32>
        %swap3A_82 = vector.shape_cast %broadcast_in_dim3A_28 : vector<16xf32> to vector<1x16xf32>
        tpu.vector_store %arg7[%swap3A_78, %swap3A_79], %swap3A_82 {strides = array<i32>} : memref<80x128xf32, #tpu.memory_space<vmem>>, vector<1x16xf32>,
        %swap3A_83 = arith.index_cast %scan3A_52 : i32 to index
        %swap3A_84 = arith.constant 96 : index
        %swap3A_85 = tpu.vector_load %arg7[%swap3A_83, %swap3A_84] {strides = array<i32>} : memref<80x128xf32, #tpu.memory_space<vmem>>, vector<1x16xf32>,
        %swap3A_86 = vector.shape_cast %swap3A_85 : vector<1x16xf32> to vector<16xf32>
        %swap3A_87 = vector.shape_cast %broadcast_in_dim3A_28 : vector<16xf32> to vector<1x16xf32>
        tpu.vector_store %arg7[%swap3A_83, %swap3A_84], %swap3A_87 {strides = array<i32>} : memref<80x128xf32, #tpu.memory_space<vmem>>, vector<1x16xf32>,
        %swap3A_88 = arith.index_cast %scan3A_52 : i32 to index
        %swap3A_89 = arith.constant 112 : index
        %swap3A_90 = tpu.vector_load %arg7[%swap3A_88, %swap3A_89] {strides = array<i32>} : memref<80x128xf32, #tpu.memory_space<vmem>>, vector<1x16xf32>,
        %swap3A_91 = vector.shape_cast %swap3A_90 : vector<1x16xf32> to vector<16xf32>
        %swap3A_92 = vector.shape_cast %broadcast_in_dim3A_28 : vector<16xf32> to vector<1x16xf32>
        tpu.vector_store %arg7[%swap3A_88, %swap3A_89], %swap3A_92 {strides = array<i32>} : memref<80x128xf32, #tpu.memory_space<vmem>>, vector<1x16xf32>,
        %scan3A_93 = arith.constant 0 : i32
        scf.yield %scan3A_93 : i32
      }
      %scan3A_34 = arith.constant 16 : i32
      %mul3A = arith.constant 16 : i32
      %mul3A_35 = arith.muli %arg1, %mul3A : i32
      "tpu.region"() ({
        %run_scoped3A = tpu.sem_alloc : memref<!tpu.dma_semaphore, #tpu.memory_space<semaphore_mem>>
        %dma_start3A = arith.constant 0 : i32
        %dma_start3A_52 = arith.constant 0 : i32
        %dma_start3A_53 = tpu.memref_slice %arg7[%dma_start3A, %dma_start3A_52] : memref<80x128xf32, #tpu.memory_space<vmem>> -> memref<16x128xf32, #tpu.memory_space<vmem>>
        %dma_start3A_54 = arith.constant 0 : i32
        %dma_start3A_55 = tpu.memref_slice %arg9[%mul3A_35, %dma_start3A_54] : memref<256x128xf32, #tpu.memory_space<vmem_shared>> -> memref<16x128xf32, #tpu.memory_space<vmem_shared>>
        %dma_start3A_56 = arith.constant 0 : i32
        %dma_start3A_57 = tpu.memref_slice %arg9[%mul3A_35, %dma_start3A_56] : memref<256x128xf32, #tpu.memory_space<vmem_shared>> -> memref<16x128xf32, #tpu.memory_space<vmem_shared>>
        %dma_start3A_58 = arith.constant 0 : i32
        %dma_start3A_59 = arith.constant 0 : i32
        %dma_start3A_60 = tpu.memref_slice %arg7[%dma_start3A_58, %dma_start3A_59] : memref<80x128xf32, #tpu.memory_space<vmem>> -> memref<16x128xf32, #tpu.memory_space<vmem>>
        tpu.enqueue_dma source(%dma_start3A_60 : memref<16x128xf32, #tpu.memory_space<vmem>>) target(%dma_start3A_57 : memref<16x128xf32, #tpu.memory_space<vmem_shared>>) target_semaphore(%run_scoped3A : memref<!tpu.dma_semaphore, #tpu.memory_space<semaphore_mem>>)
        %dma_wait3A = arith.constant 0 : i32
        %dma_wait3A_61 = arith.constant 0 : i32
        %dma_wait3A_62 = tpu.memref_slice %arg7[%dma_wait3A, %dma_wait3A_61] : memref<80x128xf32, #tpu.memory_space<vmem>> -> memref<16x128xf32, #tpu.memory_space<vmem>>
        %dma_wait3A_63 = arith.constant 0 : i32
        %dma_wait3A_64 = tpu.memref_slice %arg9[%mul3A_35, %dma_wait3A_63] : memref<256x128xf32, #tpu.memory_space<vmem_shared>> -> memref<16x128xf32, #tpu.memory_space<vmem_shared>>
        %dma_wait3A_65 = arith.constant 0 : i32
        %dma_wait3A_66 = tpu.memref_slice %arg9[%mul3A_35, %dma_wait3A_65] : memref<256x128xf32, #tpu.memory_space<vmem_shared>> -> memref<16x128xf32, #tpu.memory_space<vmem_shared>>
        %dma_wait3A_67 = arith.constant 0 : i32
        %dma_wait3A_68 = arith.constant 0 : i32
        %dma_wait3A_69 = tpu.memref_slice %arg7[%dma_wait3A_67, %dma_wait3A_68] : memref<80x128xf32, #tpu.memory_space<vmem>> -> memref<16x128xf32, #tpu.memory_space<vmem>>
        tpu.wait_dma2 semaphore(%run_scoped3A : memref<!tpu.dma_semaphore, #tpu.memory_space<semaphore_mem>>) src(%dma_wait3A_69 : memref<16x128xf32, #tpu.memory_space<vmem>>) dst(%dma_wait3A_66 : memref<16x128xf32, #tpu.memory_space<vmem_shared>>)
        tpu.yield
      }) : () -> ()
      %barrier3A = arith.constant 0 : index
      tpu.barrier barrier_id(%barrier3A)
      %while3A = arith.constant 0 : i32
      %while3A_36 = arith.constant 0 : i32
      %while3A_37 = arith.subi %select_n3A, %while3A : i32
      %while3A_38 = arith.addi %while3A, %while3A_37 : i32
      %while3A_39 = arith.constant 1 : i32
      %while3A_40 = arith.divsi %while3A_37, %while3A_39 : i32
      %while3A_41 = arith.muli %while3A_40, %while3A_39 : i32
      %while3A_42 = arith.addi %while3A, %while3A_41 : i32
      %while3A_43 = arith.constant 1 : i32
      %while3A_44 = scf.for %while3A_52 = %while3A to %while3A_42 step %while3A_43 iter_args(%while3A_53 = %while3A_36) -> (i32)  : i32 {
        %mul3A_54 = arith.constant 16 : i32
        %mul3A_55 = arith.muli %while3A_52, %mul3A_54 : i32
        %add3A_56 = arith.addi %arg1, %mul3A_55 : i32
        %mul3A_57 = arith.constant 80 : i32
        %mul3A_58 = arith.muli %add3A_56, %mul3A_57 : i32
        %multiple_of3A = tpu.assume_multiple %mul3A_58, 80 : i32
        "tpu.region"() ({
          %run_scoped3A = tpu.sem_alloc : memref<!tpu.dma_semaphore, #tpu.memory_space<semaphore_mem>>
          %dma_start3A = tpu.memref_slice %arg3[%multiple_of3A] : memref<10000xi32, #tpu.memory_space<hbm>> -> memref<80xi32, #tpu.memory_space<hbm>>
          %dma_start3A_60 = tpu.memref_slice %arg3[%multiple_of3A] : memref<10000xi32, #tpu.memory_space<hbm>> -> memref<80xi32, #tpu.memory_space<hbm>>
          tpu.enqueue_dma source(%dma_start3A_60 : memref<80xi32, #tpu.memory_space<hbm>>) target(%arg6 : memref<80xi32, #tpu.memory_space<vmem>>) target_semaphore(%run_scoped3A : memref<!tpu.dma_semaphore, #tpu.memory_space<semaphore_mem>>)
          %dma_wait3A = tpu.memref_slice %arg3[%multiple_of3A] : memref<10000xi32, #tpu.memory_space<hbm>> -> memref<80xi32, #tpu.memory_space<hbm>>
          %dma_wait3A_61 = tpu.memref_slice %arg3[%multiple_of3A] : memref<10000xi32, #tpu.memory_space<hbm>> -> memref<80xi32, #tpu.memory_space<hbm>>
          tpu.wait_dma2 semaphore(%run_scoped3A : memref<!tpu.dma_semaphore, #tpu.memory_space<semaphore_mem>>) src(%dma_wait3A_61 : memref<80xi32, #tpu.memory_space<hbm>>) dst(%arg6 : memref<80xi32, #tpu.memory_space<vmem>>)
          tpu.yield
        }) : () -> ()
        "tpu.region"() ({
          %run_scoped3A = tpu.sem_alloc : memref<!tpu.dma_semaphore, #tpu.memory_space<semaphore_mem>>
          %dma_start3A = arith.constant 0 : i32
          %dma_start3A_60 = tpu.memref_slice %arg2[%multiple_of3A, %dma_start3A] : memref<10000x128xf32, #tpu.memory_space<hbm>> -> memref<80x128xf32, #tpu.memory_space<hbm>>
          %dma_start3A_61 = arith.constant 0 : i32
          %dma_start3A_62 = tpu.memref_slice %arg2[%multiple_of3A, %dma_start3A_61] : memref<10000x128xf32, #tpu.memory_space<hbm>> -> memref<80x128xf32, #tpu.memory_space<hbm>>
          tpu.enqueue_dma source(%dma_start3A_62 : memref<80x128xf32, #tpu.memory_space<hbm>>) target(%arg7 : memref<80x128xf32, #tpu.memory_space<vmem>>) target_semaphore(%run_scoped3A : memref<!tpu.dma_semaphore, #tpu.memory_space<semaphore_mem>>)
          %dma_wait3A = arith.constant 0 : i32
          %dma_wait3A_63 = tpu.memref_slice %arg2[%multiple_of3A, %dma_wait3A] : memref<10000x128xf32, #tpu.memory_space<hbm>> -> memref<80x128xf32, #tpu.memory_space<hbm>>
          %dma_wait3A_64 = arith.constant 0 : i32
          %dma_wait3A_65 = tpu.memref_slice %arg2[%multiple_of3A, %dma_wait3A_64] : memref<10000x128xf32, #tpu.memory_space<hbm>> -> memref<80x128xf32, #tpu.memory_space<hbm>>
          tpu.wait_dma2 semaphore(%run_scoped3A : memref<!tpu.dma_semaphore, #tpu.memory_space<semaphore_mem>>) src(%dma_wait3A_65 : memref<80x128xf32, #tpu.memory_space<hbm>>) dst(%arg7 : memref<80x128xf32, #tpu.memory_space<vmem>>)
          tpu.yield
        }) : () -> ()
        "tpu.region"() ({
          %run_scoped3A = tpu.sem_alloc : memref<!tpu.dma_semaphore, #tpu.memory_space<semaphore_mem>>
          %dma_start3A = arith.constant 0 : i32
          %dma_start3A_60 = arith.constant 0 : i32
          %dma_start3A_61 = tpu.memref_slice %arg9[%dma_start3A, %dma_start3A_60] : memref<256x128xf32, #tpu.memory_space<vmem_shared>> -> memref<256x128xf32, #tpu.memory_space<vmem_shared>>
          tpu.enqueue_indirect_dma source(%arg7 : memref<80x128xf32, #tpu.memory_space<vmem>>) target(%dma_start3A_61 : memref<256x128xf32, #tpu.memory_space<vmem_shared>>) offsets(%arg6 : memref<80xi32, #tpu.memory_space<vmem>>) semaphore(%run_scoped3A : memref<!tpu.dma_semaphore, #tpu.memory_space<semaphore_mem>>) {add = true}
          %dma_wait3A = arith.constant 0 : i32
          %dma_wait3A_62 = arith.constant 0 : i32
          %dma_wait3A_63 = tpu.memref_slice %arg9[%dma_wait3A, %dma_wait3A_62] : memref<256x128xf32, #tpu.memory_space<vmem_shared>> -> memref<256x128xf32, #tpu.memory_space<vmem_shared>>
          tpu.wait_indirect_dma semaphore(%run_scoped3A : memref<!tpu.dma_semaphore, #tpu.memory_space<semaphore_mem>>) src(%arg7 : memref<80x128xf32, #tpu.memory_space<vmem>>) dst(%dma_wait3A_63 : memref<256x128xf32, #tpu.memory_space<vmem_shared>>)
          tpu.yield
        }) : () -> ()
        %while3A_59 = arith.constant 0 : i32
        scf.yield %while3A_59 : i32
      }
      %while3A_45 = arith.constant 1 : i32
      %while3A_46 = scf.for %while3A_52 = %while3A_42 to %while3A_38 step %while3A_45 iter_args(%while3A_53 = %while3A_44) -> (i32)  : i32 {
        %mul3A_54 = arith.constant 16 : i32
        %mul3A_55 = arith.muli %while3A_52, %mul3A_54 : i32
        %add3A_56 = arith.addi %arg1, %mul3A_55 : i32
        %mul3A_57 = arith.constant 80 : i32
        %mul3A_58 = arith.muli %add3A_56, %mul3A_57 : i32
        %multiple_of3A = tpu.assume_multiple %mul3A_58, 80 : i32
        "tpu.region"() ({
          %run_scoped3A = tpu.sem_alloc : memref<!tpu.dma_semaphore, #tpu.memory_space<semaphore_mem>>
          %dma_start3A = tpu.memref_slice %arg3[%multiple_of3A] : memref<10000xi32, #tpu.memory_space<hbm>> -> memref<80xi32, #tpu.memory_space<hbm>>
          %dma_start3A_60 = tpu.memref_slice %arg3[%multiple_of3A] : memref<10000xi32, #tpu.memory_space<hbm>> -> memref<80xi32, #tpu.memory_space<hbm>>
          tpu.enqueue_dma source(%dma_start3A_60 : memref<80xi32, #tpu.memory_space<hbm>>) target(%arg6 : memref<80xi32, #tpu.memory_space<vmem>>) target_semaphore(%run_scoped3A : memref<!tpu.dma_semaphore, #tpu.memory_space<semaphore_mem>>)
          %dma_wait3A = tpu.memref_slice %arg3[%multiple_of3A] : memref<10000xi32, #tpu.memory_space<hbm>> -> memref<80xi32, #tpu.memory_space<hbm>>
          %dma_wait3A_61 = tpu.memref_slice %arg3[%multiple_of3A] : memref<10000xi32, #tpu.memory_space<hbm>> -> memref<80xi32, #tpu.memory_space<hbm>>
          tpu.wait_dma2 semaphore(%run_scoped3A : memref<!tpu.dma_semaphore, #tpu.memory_space<semaphore_mem>>) src(%dma_wait3A_61 : memref<80xi32, #tpu.memory_space<hbm>>) dst(%arg6 : memref<80xi32, #tpu.memory_space<vmem>>)
          tpu.yield
        }) : () -> ()
        "tpu.region"() ({
          %run_scoped3A = tpu.sem_alloc : memref<!tpu.dma_semaphore, #tpu.memory_space<semaphore_mem>>
          %dma_start3A = arith.constant 0 : i32
          %dma_start3A_60 = tpu.memref_slice %arg2[%multiple_of3A, %dma_start3A] : memref<10000x128xf32, #tpu.memory_space<hbm>> -> memref<80x128xf32, #tpu.memory_space<hbm>>
          %dma_start3A_61 = arith.constant 0 : i32
          %dma_start3A_62 = tpu.memref_slice %arg2[%multiple_of3A, %dma_start3A_61] : memref<10000x128xf32, #tpu.memory_space<hbm>> -> memref<80x128xf32, #tpu.memory_space<hbm>>
          tpu.enqueue_dma source(%dma_start3A_62 : memref<80x128xf32, #tpu.memory_space<hbm>>) target(%arg7 : memref<80x128xf32, #tpu.memory_space<vmem>>) target_semaphore(%run_scoped3A : memref<!tpu.dma_semaphore, #tpu.memory_space<semaphore_mem>>)
          %dma_wait3A = arith.constant 0 : i32
          %dma_wait3A_63 = tpu.memref_slice %arg2[%multiple_of3A, %dma_wait3A] : memref<10000x128xf32, #tpu.memory_space<hbm>> -> memref<80x128xf32, #tpu.memory_space<hbm>>
          %dma_wait3A_64 = arith.constant 0 : i32
          %dma_wait3A_65 = tpu.memref_slice %arg2[%multiple_of3A, %dma_wait3A_64] : memref<10000x128xf32, #tpu.memory_space<hbm>> -> memref<80x128xf32, #tpu.memory_space<hbm>>
          tpu.wait_dma2 semaphore(%run_scoped3A : memref<!tpu.dma_semaphore, #tpu.memory_space<semaphore_mem>>) src(%dma_wait3A_65 : memref<80x128xf32, #tpu.memory_space<hbm>>) dst(%arg7 : memref<80x128xf32, #tpu.memory_space<vmem>>)
          tpu.yield
        }) : () -> ()
        "tpu.region"() ({
          %run_scoped3A = tpu.sem_alloc : memref<!tpu.dma_semaphore, #tpu.memory_space<semaphore_mem>>
          %dma_start3A = arith.constant 0 : i32
          %dma_start3A_60 = arith.constant 0 : i32
          %dma_start3A_61 = tpu.memref_slice %arg9[%dma_start3A, %dma_start3A_60] : memref<256x128xf32, #tpu.memory_space<vmem_shared>> -> memref<256x128xf32, #tpu.memory_space<vmem_shared>>
          tpu.enqueue_indirect_dma source(%arg7 : memref<80x128xf32, #tpu.memory_space<vmem>>) target(%dma_start3A_61 : memref<256x128xf32, #tpu.memory_space<vmem_shared>>) offsets(%arg6 : memref<80xi32, #tpu.memory_space<vmem>>) semaphore(%run_scoped3A : memref<!tpu.dma_semaphore, #tpu.memory_space<semaphore_mem>>) {add = true}
          %dma_wait3A = arith.constant 0 : i32
          %dma_wait3A_62 = arith.constant 0 : i32
          %dma_wait3A_63 = tpu.memref_slice %arg9[%dma_wait3A, %dma_wait3A_62] : memref<256x128xf32, #tpu.memory_space<vmem_shared>> -> memref<256x128xf32, #tpu.memory_space<vmem_shared>>
          tpu.wait_indirect_dma semaphore(%run_scoped3A : memref<!tpu.dma_semaphore, #tpu.memory_space<semaphore_mem>>) src(%arg7 : memref<80x128xf32, #tpu.memory_space<vmem>>) dst(%dma_wait3A_63 : memref<256x128xf32, #tpu.memory_space<vmem_shared>>)
          tpu.yield
        }) : () -> ()
        %while3A_59 = arith.constant 0 : i32
        scf.yield %while3A_59 : i32
      }
      %barrier3A_47 = arith.constant 0 : index
      tpu.barrier barrier_id(%barrier3A_47)
      %mul3A_48 = arith.constant 16 : i32
      %mul3A_49 = arith.muli %arg1, %mul3A_48 : i32
      %mul3A_50 = arith.constant 16 : i32
      %mul3A_51 = arith.muli %arg1, %mul3A_50 : i32
      "tpu.region"() ({
        %run_scoped3A = tpu.sem_alloc : memref<!tpu.dma_semaphore, #tpu.memory_space<semaphore_mem>>
        %dma_start3A = arith.constant 0 : i32
        %dma_start3A_52 = tpu.memref_slice %arg4[%mul3A_51, %dma_start3A] : memref<256x128xf32, #tpu.memory_space<hbm>> -> memref<16x128xf32, #tpu.memory_space<hbm>>
        %dma_start3A_53 = arith.constant 0 : i32
        %dma_start3A_54 = tpu.memref_slice %arg9[%mul3A_49, %dma_start3A_53] : memref<256x128xf32, #tpu.memory_space<vmem_shared>> -> memref<16x128xf32, #tpu.memory_space<vmem_shared>>
        tpu.enqueue_dma source(%dma_start3A_54 : memref<16x128xf32, #tpu.memory_space<vmem_shared>>) target(%dma_start3A_52 : memref<16x128xf32, #tpu.memory_space<hbm>>) target_semaphore(%run_scoped3A : memref<!tpu.dma_semaphore, #tpu.memory_space<semaphore_mem>>)
        %dma_wait3A = arith.constant 0 : i32
        %dma_wait3A_55 = tpu.memref_slice %arg4[%mul3A_51, %dma_wait3A] : memref<256x128xf32, #tpu.memory_space<hbm>> -> memref<16x128xf32, #tpu.memory_space<hbm>>
        %dma_wait3A_56 = arith.constant 0 : i32
        %dma_wait3A_57 = tpu.memref_slice %arg9[%mul3A_49, %dma_wait3A_56] : memref<256x128xf32, #tpu.memory_space<vmem_shared>> -> memref<16x128xf32, #tpu.memory_space<vmem_shared>>
        tpu.wait_dma2 semaphore(%run_scoped3A : memref<!tpu.dma_semaphore, #tpu.memory_space<semaphore_mem>>) src(%dma_wait3A_57 : memref<16x128xf32, #tpu.memory_space<vmem_shared>>) dst(%dma_wait3A_55 : memref<16x128xf32, #tpu.memory_space<hbm>>)
        tpu.yield
      }) : () -> ()
    } else {
    }
    %eq3A_23 = arith.constant 1 : i32
    %eq3A_24 = arith.cmpi eq, %arg0, %eq3A_23 : i32
    %convert_element_type3A_25 = arith.extui %eq3A_24 : i1 to i32
    %cond3A_26 = arith.constant 0 : i32
    %cond3A_27 = arith.cmpi ne, %convert_element_type3A_25, %cond3A_26 : i32
    scf.if %cond3A_27 {
      %broadcast_in_dim3A = arith.constant 0.000000e+00 : f32
      %broadcast_in_dim3A_28 = vector.broadcast %broadcast_in_dim3A : f32 to vector<16xf32>
      %scan3A = arith.constant 0 : i32
      %scan3A_29 = arith.constant 0 : i32
      %scan3A_30 = arith.constant 16 : i32
      %scan3A_31 = arith.addi %scan3A_29, %scan3A_30 : i32
      %scan3A_32 = arith.constant 1 : i32
      %scan3A_33 = scf.for %scan3A_61 = %scan3A_29 to %scan3A_31 step %scan3A_32 iter_args(%scan3A_62 = %scan3A) -> (i32)  : i32 {
        %swap3A = arith.index_cast %scan3A_61 : i32 to index
        %swap3A_63 = arith.constant 0 : index
        %swap3A_64 = tpu.vector_load %arg8[%swap3A, %swap3A_63] {strides = array<i32>} : memref<80x128xf32, #tpu.memory_space<vmem>>, vector<1x16xf32>,
        %swap3A_65 = vector.shape_cast %swap3A_64 : vector<1x16xf32> to vector<16xf32>
        %swap3A_66 = vector.shape_cast %broadcast_in_dim3A_28 : vector<16xf32> to vector<1x16xf32>
        tpu.vector_store %arg8[%swap3A, %swap3A_63], %swap3A_66 {strides = array<i32>} : memref<80x128xf32, #tpu.memory_space<vmem>>, vector<1x16xf32>,
        %swap3A_67 = arith.index_cast %scan3A_61 : i32 to index
        %swap3A_68 = arith.constant 16 : index
        %swap3A_69 = tpu.vector_load %arg8[%swap3A_67, %swap3A_68] {strides = array<i32>} : memref<80x128xf32, #tpu.memory_space<vmem>>, vector<1x16xf32>,
        %swap3A_70 = vector.shape_cast %swap3A_69 : vector<1x16xf32> to vector<16xf32>
        %swap3A_71 = vector.shape_cast %broadcast_in_dim3A_28 : vector<16xf32> to vector<1x16xf32>
        tpu.vector_store %arg8[%swap3A_67, %swap3A_68], %swap3A_71 {strides = array<i32>} : memref<80x128xf32, #tpu.memory_space<vmem>>, vector<1x16xf32>,
        %swap3A_72 = arith.index_cast %scan3A_61 : i32 to index
        %swap3A_73 = arith.constant 32 : index
        %swap3A_74 = tpu.vector_load %arg8[%swap3A_72, %swap3A_73] {strides = array<i32>} : memref<80x128xf32, #tpu.memory_space<vmem>>, vector<1x16xf32>,
        %swap3A_75 = vector.shape_cast %swap3A_74 : vector<1x16xf32> to vector<16xf32>
        %swap3A_76 = vector.shape_cast %broadcast_in_dim3A_28 : vector<16xf32> to vector<1x16xf32>
        tpu.vector_store %arg8[%swap3A_72, %swap3A_73], %swap3A_76 {strides = array<i32>} : memref<80x128xf32, #tpu.memory_space<vmem>>, vector<1x16xf32>,
        %swap3A_77 = arith.index_cast %scan3A_61 : i32 to index
        %swap3A_78 = arith.constant 48 : index
        %swap3A_79 = tpu.vector_load %arg8[%swap3A_77, %swap3A_78] {strides = array<i32>} : memref<80x128xf32, #tpu.memory_space<vmem>>, vector<1x16xf32>,
        %swap3A_80 = vector.shape_cast %swap3A_79 : vector<1x16xf32> to vector<16xf32>
        %swap3A_81 = vector.shape_cast %broadcast_in_dim3A_28 : vector<16xf32> to vector<1x16xf32>
        tpu.vector_store %arg8[%swap3A_77, %swap3A_78], %swap3A_81 {strides = array<i32>} : memref<80x128xf32, #tpu.memory_space<vmem>>, vector<1x16xf32>,
        %swap3A_82 = arith.index_cast %scan3A_61 : i32 to index
        %swap3A_83 = arith.constant 64 : index
        %swap3A_84 = tpu.vector_load %arg8[%swap3A_82, %swap3A_83] {strides = array<i32>} : memref<80x128xf32, #tpu.memory_space<vmem>>, vector<1x16xf32>,
        %swap3A_85 = vector.shape_cast %swap3A_84 : vector<1x16xf32> to vector<16xf32>
        %swap3A_86 = vector.shape_cast %broadcast_in_dim3A_28 : vector<16xf32> to vector<1x16xf32>
        tpu.vector_store %arg8[%swap3A_82, %swap3A_83], %swap3A_86 {strides = array<i32>} : memref<80x128xf32, #tpu.memory_space<vmem>>, vector<1x16xf32>,
        %swap3A_87 = arith.index_cast %scan3A_61 : i32 to index
        %swap3A_88 = arith.constant 80 : index
        %swap3A_89 = tpu.vector_load %arg8[%swap3A_87, %swap3A_88] {strides = array<i32>} : memref<80x128xf32, #tpu.memory_space<vmem>>, vector<1x16xf32>,
        %swap3A_90 = vector.shape_cast %swap3A_89 : vector<1x16xf32> to vector<16xf32>
        %swap3A_91 = vector.shape_cast %broadcast_in_dim3A_28 : vector<16xf32> to vector<1x16xf32>
        tpu.vector_store %arg8[%swap3A_87, %swap3A_88], %swap3A_91 {strides = array<i32>} : memref<80x128xf32, #tpu.memory_space<vmem>>, vector<1x16xf32>,
        %swap3A_92 = arith.index_cast %scan3A_61 : i32 to index
        %swap3A_93 = arith.constant 96 : index
        %swap3A_94 = tpu.vector_load %arg8[%swap3A_92, %swap3A_93] {strides = array<i32>} : memref<80x128xf32, #tpu.memory_space<vmem>>, vector<1x16xf32>,
        %swap3A_95 = vector.shape_cast %swap3A_94 : vector<1x16xf32> to vector<16xf32>
        %swap3A_96 = vector.shape_cast %broadcast_in_dim3A_28 : vector<16xf32> to vector<1x16xf32>
        tpu.vector_store %arg8[%swap3A_92, %swap3A_93], %swap3A_96 {strides = array<i32>} : memref<80x128xf32, #tpu.memory_space<vmem>>, vector<1x16xf32>,
        %swap3A_97 = arith.index_cast %scan3A_61 : i32 to index
        %swap3A_98 = arith.constant 112 : index
        %swap3A_99 = tpu.vector_load %arg8[%swap3A_97, %swap3A_98] {strides = array<i32>} : memref<80x128xf32, #tpu.memory_space<vmem>>, vector<1x16xf32>,
        %swap3A_100 = vector.shape_cast %swap3A_99 : vector<1x16xf32> to vector<16xf32>
        %swap3A_101 = vector.shape_cast %broadcast_in_dim3A_28 : vector<16xf32> to vector<1x16xf32>
        tpu.vector_store %arg8[%swap3A_97, %swap3A_98], %swap3A_101 {strides = array<i32>} : memref<80x128xf32, #tpu.memory_space<vmem>>, vector<1x16xf32>,
        %scan3A_102 = arith.constant 0 : i32
        scf.yield %scan3A_102 : i32
      }
      %scan3A_34 = arith.constant 16 : i32
      %mul3A = arith.constant 16 : i32
      %mul3A_35 = arith.muli %arg1, %mul3A : i32
      "tpu.region"() ({
        %run_scoped3A = tpu.sem_alloc : memref<!tpu.dma_semaphore, #tpu.memory_space<semaphore_mem>>
        %dma_start3A = arith.constant 0 : i32
        %dma_start3A_61 = arith.constant 0 : i32
        %dma_start3A_62 = tpu.memref_slice %arg8[%dma_start3A, %dma_start3A_61] : memref<80x128xf32, #tpu.memory_space<vmem>> -> memref<16x128xf32, #tpu.memory_space<vmem>>
        %dma_start3A_63 = arith.constant 0 : i32
        %dma_start3A_64 = tpu.memref_slice %arg10[%mul3A_35, %dma_start3A_63] : memref<256x128xf32, #tpu.memory_space<vmem_shared>> -> memref<16x128xf32, #tpu.memory_space<vmem_shared>>
        %dma_start3A_65 = arith.constant 0 : i32
        %dma_start3A_66 = tpu.memref_slice %arg10[%mul3A_35, %dma_start3A_65] : memref<256x128xf32, #tpu.memory_space<vmem_shared>> -> memref<16x128xf32, #tpu.memory_space<vmem_shared>>
        %dma_start3A_67 = arith.constant 0 : i32
        %dma_start3A_68 = arith.constant 0 : i32
        %dma_start3A_69 = tpu.memref_slice %arg8[%dma_start3A_67, %dma_start3A_68] : memref<80x128xf32, #tpu.memory_space<vmem>> -> memref<16x128xf32, #tpu.memory_space<vmem>>
        tpu.enqueue_dma source(%dma_start3A_69 : memref<16x128xf32, #tpu.memory_space<vmem>>) target(%dma_start3A_66 : memref<16x128xf32, #tpu.memory_space<vmem_shared>>) target_semaphore(%run_scoped3A : memref<!tpu.dma_semaphore, #tpu.memory_space<semaphore_mem>>)
        %dma_wait3A = arith.constant 0 : i32
        %dma_wait3A_70 = arith.constant 0 : i32
        %dma_wait3A_71 = tpu.memref_slice %arg8[%dma_wait3A, %dma_wait3A_70] : memref<80x128xf32, #tpu.memory_space<vmem>> -> memref<16x128xf32, #tpu.memory_space<vmem>>
        %dma_wait3A_72 = arith.constant 0 : i32
        %dma_wait3A_73 = tpu.memref_slice %arg10[%mul3A_35, %dma_wait3A_72] : memref<256x128xf32, #tpu.memory_space<vmem_shared>> -> memref<16x128xf32, #tpu.memory_space<vmem_shared>>
        %dma_wait3A_74 = arith.constant 0 : i32
        %dma_wait3A_75 = tpu.memref_slice %arg10[%mul3A_35, %dma_wait3A_74] : memref<256x128xf32, #tpu.memory_space<vmem_shared>> -> memref<16x128xf32, #tpu.memory_space<vmem_shared>>
        %dma_wait3A_76 = arith.constant 0 : i32
        %dma_wait3A_77 = arith.constant 0 : i32
        %dma_wait3A_78 = tpu.memref_slice %arg8[%dma_wait3A_76, %dma_wait3A_77] : memref<80x128xf32, #tpu.memory_space<vmem>> -> memref<16x128xf32, #tpu.memory_space<vmem>>
        tpu.wait_dma2 semaphore(%run_scoped3A : memref<!tpu.dma_semaphore, #tpu.memory_space<semaphore_mem>>) src(%dma_wait3A_78 : memref<16x128xf32, #tpu.memory_space<vmem>>) dst(%dma_wait3A_75 : memref<16x128xf32, #tpu.memory_space<vmem_shared>>)
        tpu.yield
      }) : () -> ()
      %broadcast_in_dim3A_36 = arith.constant 1.000000e+00 : f32
      %broadcast_in_dim3A_37 = vector.broadcast %broadcast_in_dim3A_36 : f32 to vector<16xf32>
      %scan3A_38 = arith.constant 0 : i32
      %scan3A_39 = arith.constant 0 : i32
      %scan3A_40 = arith.constant 80 : i32
      %scan3A_41 = arith.addi %scan3A_39, %scan3A_40 : i32
      %scan3A_42 = arith.constant 1 : i32
      %scan3A_43 = scf.for %scan3A_61 = %scan3A_39 to %scan3A_41 step %scan3A_42 iter_args(%scan3A_62 = %scan3A_38) -> (i32)  : i32 {
        %swap3A = arith.index_cast %scan3A_61 : i32 to index
        %swap3A_63 = arith.constant 0 : index
        %swap3A_64 = tpu.vector_load %arg8[%swap3A, %swap3A_63] {strides = array<i32>} : memref<80x128xf32, #tpu.memory_space<vmem>>, vector<1x16xf32>,
        %swap3A_65 = vector.shape_cast %swap3A_64 : vector<1x16xf32> to vector<16xf32>
        %swap3A_66 = vector.shape_cast %broadcast_in_dim3A_37 : vector<16xf32> to vector<1x16xf32>
        tpu.vector_store %arg8[%swap3A, %swap3A_63], %swap3A_66 {strides = array<i32>} : memref<80x128xf32, #tpu.memory_space<vmem>>, vector<1x16xf32>,
        %swap3A_67 = arith.index_cast %scan3A_61 : i32 to index
        %swap3A_68 = arith.constant 16 : index
        %swap3A_69 = tpu.vector_load %arg8[%swap3A_67, %swap3A_68] {strides = array<i32>} : memref<80x128xf32, #tpu.memory_space<vmem>>, vector<1x16xf32>,
        %swap3A_70 = vector.shape_cast %swap3A_69 : vector<1x16xf32> to vector<16xf32>
        %swap3A_71 = vector.shape_cast %broadcast_in_dim3A_37 : vector<16xf32> to vector<1x16xf32>
        tpu.vector_store %arg8[%swap3A_67, %swap3A_68], %swap3A_71 {strides = array<i32>} : memref<80x128xf32, #tpu.memory_space<vmem>>, vector<1x16xf32>,
        %swap3A_72 = arith.index_cast %scan3A_61 : i32 to index
        %swap3A_73 = arith.constant 32 : index
        %swap3A_74 = tpu.vector_load %arg8[%swap3A_72, %swap3A_73] {strides = array<i32>} : memref<80x128xf32, #tpu.memory_space<vmem>>, vector<1x16xf32>,
        %swap3A_75 = vector.shape_cast %swap3A_74 : vector<1x16xf32> to vector<16xf32>
        %swap3A_76 = vector.shape_cast %broadcast_in_dim3A_37 : vector<16xf32> to vector<1x16xf32>
        tpu.vector_store %arg8[%swap3A_72, %swap3A_73], %swap3A_76 {strides = array<i32>} : memref<80x128xf32, #tpu.memory_space<vmem>>, vector<1x16xf32>,
        %swap3A_77 = arith.index_cast %scan3A_61 : i32 to index
        %swap3A_78 = arith.constant 48 : index
        %swap3A_79 = tpu.vector_load %arg8[%swap3A_77, %swap3A_78] {strides = array<i32>} : memref<80x128xf32, #tpu.memory_space<vmem>>, vector<1x16xf32>,
        %swap3A_80 = vector.shape_cast %swap3A_79 : vector<1x16xf32> to vector<16xf32>
        %swap3A_81 = vector.shape_cast %broadcast_in_dim3A_37 : vector<16xf32> to vector<1x16xf32>
        tpu.vector_store %arg8[%swap3A_77, %swap3A_78], %swap3A_81 {strides = array<i32>} : memref<80x128xf32, #tpu.memory_space<vmem>>, vector<1x16xf32>,
        %swap3A_82 = arith.index_cast %scan3A_61 : i32 to index
        %swap3A_83 = arith.constant 64 : index
        %swap3A_84 = tpu.vector_load %arg8[%swap3A_82, %swap3A_83] {strides = array<i32>} : memref<80x128xf32, #tpu.memory_space<vmem>>, vector<1x16xf32>,
        %swap3A_85 = vector.shape_cast %swap3A_84 : vector<1x16xf32> to vector<16xf32>
        %swap3A_86 = vector.shape_cast %broadcast_in_dim3A_37 : vector<16xf32> to vector<1x16xf32>
        tpu.vector_store %arg8[%swap3A_82, %swap3A_83], %swap3A_86 {strides = array<i32>} : memref<80x128xf32, #tpu.memory_space<vmem>>, vector<1x16xf32>,
        %swap3A_87 = arith.index_cast %scan3A_61 : i32 to index
        %swap3A_88 = arith.constant 80 : index
        %swap3A_89 = tpu.vector_load %arg8[%swap3A_87, %swap3A_88] {strides = array<i32>} : memref<80x128xf32, #tpu.memory_space<vmem>>, vector<1x16xf32>,
        %swap3A_90 = vector.shape_cast %swap3A_89 : vector<1x16xf32> to vector<16xf32>
        %swap3A_91 = vector.shape_cast %broadcast_in_dim3A_37 : vector<16xf32> to vector<1x16xf32>
        tpu.vector_store %arg8[%swap3A_87, %swap3A_88], %swap3A_91 {strides = array<i32>} : memref<80x128xf32, #tpu.memory_space<vmem>>, vector<1x16xf32>,
        %swap3A_92 = arith.index_cast %scan3A_61 : i32 to index
        %swap3A_93 = arith.constant 96 : index
        %swap3A_94 = tpu.vector_load %arg8[%swap3A_92, %swap3A_93] {strides = array<i32>} : memref<80x128xf32, #tpu.memory_space<vmem>>, vector<1x16xf32>,
        %swap3A_95 = vector.shape_cast %swap3A_94 : vector<1x16xf32> to vector<16xf32>
        %swap3A_96 = vector.shape_cast %broadcast_in_dim3A_37 : vector<16xf32> to vector<1x16xf32>
        tpu.vector_store %arg8[%swap3A_92, %swap3A_93], %swap3A_96 {strides = array<i32>} : memref<80x128xf32, #tpu.memory_space<vmem>>, vector<1x16xf32>,
        %swap3A_97 = arith.index_cast %scan3A_61 : i32 to index
        %swap3A_98 = arith.constant 112 : index
        %swap3A_99 = tpu.vector_load %arg8[%swap3A_97, %swap3A_98] {strides = array<i32>} : memref<80x128xf32, #tpu.memory_space<vmem>>, vector<1x16xf32>,
        %swap3A_100 = vector.shape_cast %swap3A_99 : vector<1x16xf32> to vector<16xf32>
        %swap3A_101 = vector.shape_cast %broadcast_in_dim3A_37 : vector<16xf32> to vector<1x16xf32>
        tpu.vector_store %arg8[%swap3A_97, %swap3A_98], %swap3A_101 {strides = array<i32>} : memref<80x128xf32, #tpu.memory_space<vmem>>, vector<1x16xf32>,
        %scan3A_102 = arith.constant 0 : i32
        scf.yield %scan3A_102 : i32
      }
      %scan3A_44 = arith.constant 80 : i32
      %barrier3A = arith.constant 0 : index
      tpu.barrier barrier_id(%barrier3A)
      %while3A = arith.constant 0 : i32
      %while3A_45 = arith.constant 0 : i32
      %while3A_46 = arith.subi %select_n3A, %while3A : i32
      %while3A_47 = arith.addi %while3A, %while3A_46 : i32
      %while3A_48 = arith.constant 1 : i32
      %while3A_49 = arith.divsi %while3A_46, %while3A_48 : i32
      %while3A_50 = arith.muli %while3A_49, %while3A_48 : i32
      %while3A_51 = arith.addi %while3A, %while3A_50 : i32
      %while3A_52 = arith.constant 1 : i32
      %while3A_53 = scf.for %while3A_61 = %while3A to %while3A_51 step %while3A_52 iter_args(%while3A_62 = %while3A_45) -> (i32)  : i32 {
        %mul3A_63 = arith.constant 16 : i32
        %mul3A_64 = arith.muli %while3A_61, %mul3A_63 : i32
        %add3A_65 = arith.addi %arg1, %mul3A_64 : i32
        %mul3A_66 = arith.constant 80 : i32
        %mul3A_67 = arith.muli %add3A_65, %mul3A_66 : i32
        %multiple_of3A = tpu.assume_multiple %mul3A_67, 80 : i32
        "tpu.region"() ({
          %run_scoped3A = tpu.sem_alloc : memref<!tpu.dma_semaphore, #tpu.memory_space<semaphore_mem>>
          %dma_start3A = tpu.memref_slice %arg3[%multiple_of3A] : memref<10000xi32, #tpu.memory_space<hbm>> -> memref<80xi32, #tpu.memory_space<hbm>>
          %dma_start3A_69 = tpu.memref_slice %arg3[%multiple_of3A] : memref<10000xi32, #tpu.memory_space<hbm>> -> memref<80xi32, #tpu.memory_space<hbm>>
          tpu.enqueue_dma source(%dma_start3A_69 : memref<80xi32, #tpu.memory_space<hbm>>) target(%arg6 : memref<80xi32, #tpu.memory_space<vmem>>) target_semaphore(%run_scoped3A : memref<!tpu.dma_semaphore, #tpu.memory_space<semaphore_mem>>)
          %dma_wait3A = tpu.memref_slice %arg3[%multiple_of3A] : memref<10000xi32, #tpu.memory_space<hbm>> -> memref<80xi32, #tpu.memory_space<hbm>>
          %dma_wait3A_70 = tpu.memref_slice %arg3[%multiple_of3A] : memref<10000xi32, #tpu.memory_space<hbm>> -> memref<80xi32, #tpu.memory_space<hbm>>
          tpu.wait_dma2 semaphore(%run_scoped3A : memref<!tpu.dma_semaphore, #tpu.memory_space<semaphore_mem>>) src(%dma_wait3A_70 : memref<80xi32, #tpu.memory_space<hbm>>) dst(%arg6 : memref<80xi32, #tpu.memory_space<vmem>>)
          tpu.yield
        }) : () -> ()
        "tpu.region"() ({
          %run_scoped3A = tpu.sem_alloc : memref<!tpu.dma_semaphore, #tpu.memory_space<semaphore_mem>>
          %dma_start3A = arith.constant 0 : i32
          %dma_start3A_69 = arith.constant 0 : i32
          %dma_start3A_70 = tpu.memref_slice %arg10[%dma_start3A, %dma_start3A_69] : memref<256x128xf32, #tpu.memory_space<vmem_shared>> -> memref<256x128xf32, #tpu.memory_space<vmem_shared>>
          tpu.enqueue_indirect_dma source(%arg8 : memref<80x128xf32, #tpu.memory_space<vmem>>) target(%dma_start3A_70 : memref<256x128xf32, #tpu.memory_space<vmem_shared>>) offsets(%arg6 : memref<80xi32, #tpu.memory_space<vmem>>) semaphore(%run_scoped3A : memref<!tpu.dma_semaphore, #tpu.memory_space<semaphore_mem>>) {add = true}
          %dma_wait3A = arith.constant 0 : i32
          %dma_wait3A_71 = arith.constant 0 : i32
          %dma_wait3A_72 = tpu.memref_slice %arg10[%dma_wait3A, %dma_wait3A_71] : memref<256x128xf32, #tpu.memory_space<vmem_shared>> -> memref<256x128xf32, #tpu.memory_space<vmem_shared>>
          tpu.wait_indirect_dma semaphore(%run_scoped3A : memref<!tpu.dma_semaphore, #tpu.memory_space<semaphore_mem>>) src(%arg8 : memref<80x128xf32, #tpu.memory_space<vmem>>) dst(%dma_wait3A_72 : memref<256x128xf32, #tpu.memory_space<vmem_shared>>)
          tpu.yield
        }) : () -> ()
        %while3A_68 = arith.constant 0 : i32
        scf.yield %while3A_68 : i32
      }
      %while3A_54 = arith.constant 1 : i32
      %while3A_55 = scf.for %while3A_61 = %while3A_51 to %while3A_47 step %while3A_54 iter_args(%while3A_62 = %while3A_53) -> (i32)  : i32 {
        %mul3A_63 = arith.constant 16 : i32
        %mul3A_64 = arith.muli %while3A_61, %mul3A_63 : i32
        %add3A_65 = arith.addi %arg1, %mul3A_64 : i32
        %mul3A_66 = arith.constant 80 : i32
        %mul3A_67 = arith.muli %add3A_65, %mul3A_66 : i32
        %multiple_of3A = tpu.assume_multiple %mul3A_67, 80 : i32
        "tpu.region"() ({
          %run_scoped3A = tpu.sem_alloc : memref<!tpu.dma_semaphore, #tpu.memory_space<semaphore_mem>>
          %dma_start3A = tpu.memref_slice %arg3[%multiple_of3A] : memref<10000xi32, #tpu.memory_space<hbm>> -> memref<80xi32, #tpu.memory_space<hbm>>
          %dma_start3A_69 = tpu.memref_slice %arg3[%multiple_of3A] : memref<10000xi32, #tpu.memory_space<hbm>> -> memref<80xi32, #tpu.memory_space<hbm>>
          tpu.enqueue_dma source(%dma_start3A_69 : memref<80xi32, #tpu.memory_space<hbm>>) target(%arg6 : memref<80xi32, #tpu.memory_space<vmem>>) target_semaphore(%run_scoped3A : memref<!tpu.dma_semaphore, #tpu.memory_space<semaphore_mem>>)
          %dma_wait3A = tpu.memref_slice %arg3[%multiple_of3A] : memref<10000xi32, #tpu.memory_space<hbm>> -> memref<80xi32, #tpu.memory_space<hbm>>
          %dma_wait3A_70 = tpu.memref_slice %arg3[%multiple_of3A] : memref<10000xi32, #tpu.memory_space<hbm>> -> memref<80xi32, #tpu.memory_space<hbm>>
          tpu.wait_dma2 semaphore(%run_scoped3A : memref<!tpu.dma_semaphore, #tpu.memory_space<semaphore_mem>>) src(%dma_wait3A_70 : memref<80xi32, #tpu.memory_space<hbm>>) dst(%arg6 : memref<80xi32, #tpu.memory_space<vmem>>)
          tpu.yield
        }) : () -> ()
        "tpu.region"() ({
          %run_scoped3A = tpu.sem_alloc : memref<!tpu.dma_semaphore, #tpu.memory_space<semaphore_mem>>
          %dma_start3A = arith.constant 0 : i32
          %dma_start3A_69 = arith.constant 0 : i32
          %dma_start3A_70 = tpu.memref_slice %arg10[%dma_start3A, %dma_start3A_69] : memref<256x128xf32, #tpu.memory_space<vmem_shared>> -> memref<256x128xf32, #tpu.memory_space<vmem_shared>>
          tpu.enqueue_indirect_dma source(%arg8 : memref<80x128xf32, #tpu.memory_space<vmem>>) target(%dma_start3A_70 : memref<256x128xf32, #tpu.memory_space<vmem_shared>>) offsets(%arg6 : memref<80xi32, #tpu.memory_space<vmem>>) semaphore(%run_scoped3A : memref<!tpu.dma_semaphore, #tpu.memory_space<semaphore_mem>>) {add = true}
          %dma_wait3A = arith.constant 0 : i32
          %dma_wait3A_71 = arith.constant 0 : i32
          %dma_wait3A_72 = tpu.memref_slice %arg10[%dma_wait3A, %dma_wait3A_71] : memref<256x128xf32, #tpu.memory_space<vmem_shared>> -> memref<256x128xf32, #tpu.memory_space<vmem_shared>>
          tpu.wait_indirect_dma semaphore(%run_scoped3A : memref<!tpu.dma_semaphore, #tpu.memory_space<semaphore_mem>>) src(%arg8 : memref<80x128xf32, #tpu.memory_space<vmem>>) dst(%dma_wait3A_72 : memref<256x128xf32, #tpu.memory_space<vmem_shared>>)
          tpu.yield
        }) : () -> ()
        %while3A_68 = arith.constant 0 : i32
        scf.yield %while3A_68 : i32
      }
      %barrier3A_56 = arith.constant 0 : index
      tpu.barrier barrier_id(%barrier3A_56)
      %mul3A_57 = arith.constant 16 : i32
      %mul3A_58 = arith.muli %arg1, %mul3A_57 : i32
      %mul3A_59 = arith.constant 16 : i32
      %mul3A_60 = arith.muli %arg1, %mul3A_59 : i32
      "tpu.region"() ({
        %run_scoped3A = tpu.sem_alloc : memref<!tpu.dma_semaphore, #tpu.memory_space<semaphore_mem>>
        %dma_start3A = arith.constant 0 : i32
        %dma_start3A_61 = tpu.memref_slice %arg5[%mul3A_60, %dma_start3A] : memref<256x128xf32, #tpu.memory_space<hbm>> -> memref<16x128xf32, #tpu.memory_space<hbm>>
        %dma_start3A_62 = arith.constant 0 : i32
        %dma_start3A_63 = tpu.memref_slice %arg10[%mul3A_58, %dma_start3A_62] : memref<256x128xf32, #tpu.memory_space<vmem_shared>> -> memref<16x128xf32, #tpu.memory_space<vmem_shared>>
        tpu.enqueue_dma source(%dma_start3A_63 : memref<16x128xf32, #tpu.memory_space<vmem_shared>>) target(%dma_start3A_61 : memref<16x128xf32, #tpu.memory_space<hbm>>) target_semaphore(%run_scoped3A : memref<!tpu.dma_semaphore, #tpu.memory_space<semaphore_mem>>)
        %dma_wait3A = arith.constant 0 : i32
        %dma_wait3A_64 = tpu.memref_slice %arg5[%mul3A_60, %dma_wait3A] : memref<256x128xf32, #tpu.memory_space<hbm>> -> memref<16x128xf32, #tpu.memory_space<hbm>>
        %dma_wait3A_65 = arith.constant 0 : i32
        %dma_wait3A_66 = tpu.memref_slice %arg10[%mul3A_58, %dma_wait3A_65] : memref<256x128xf32, #tpu.memory_space<vmem_shared>> -> memref<16x128xf32, #tpu.memory_space<vmem_shared>>
        tpu.wait_dma2 semaphore(%run_scoped3A : memref<!tpu.dma_semaphore, #tpu.memory_space<semaphore_mem>>) src(%dma_wait3A_66 : memref<16x128xf32, #tpu.memory_space<vmem_shared>>) dst(%dma_wait3A_64 : memref<16x128xf32, #tpu.memory_space<hbm>>)
        tpu.yield
      }) : () -> ()
    } else {
    }
    return
  }
}

module attributes {stable_mosaic.version = 14 : i64} {
  func.func @_embed_body(%arg0: i32, %arg1: memref<2000x9xi32, #tpu.memory_space<vmem>>, %arg2: memref<9x64x128xf32, #tpu.memory_space<vmem>>, %arg3: memref<128x128xf32, #tpu.memory_space<vmem>>, %arg4: memref<2000x128xf32, #tpu.memory_space<vmem>>) attributes {dimension_semantics = [#tpu.dimension_semantics<arbitrary>], iteration_bounds = array<i64: 5>, scalar_prefetch = 0 : i64, scratch_operands = 0 : i64, tpu.core_type = #tpu.core_type<tc>, window_params = [{transform_indices = @transform_0, window_bounds = array<i64: 2000, 9>}, {pipeline_mode = #tpu.pipeline_mode<synchronous>, transform_indices = @transform_1, window_bounds = array<i64: 9, 64, 128>}, {pipeline_mode = #tpu.pipeline_mode<synchronous>, transform_indices = @transform_2, window_bounds = array<i64: 128, 128>}, {transform_indices = @transform_3, window_bounds = array<i64: 2000, 128>}]} {
    %broadcast_in_dim3A = arith.constant 0.000000e+00 : f32
    %broadcast_in_dim3A_0 = vector.broadcast %broadcast_in_dim3A : f32 to vector<2000x128xf32>
    %get3A = arith.constant 0 : index
    %get3A_1 = arith.constant 0 : index
    %get3A_2 = vector.load %arg1[%get3A, %get3A_1] : memref<2000x9xi32, #tpu.memory_space<vmem>>, vector<2000x1xi32>
    %iota3A = tpu.iota {dimensions = array<i32: 1>} : vector<2000x64xi32>
    %eq3A = vector.broadcast %get3A_2 : vector<2000x1xi32> to vector<2000x64xi32>
    %eq3A_3 = arith.cmpi eq, %eq3A, %iota3A : vector<2000x64xi32>
    %convert_element_type3A = arith.extui %eq3A_3 : vector<2000x64xi1> to vector<2000x64xi32>
    %convert_element_type3A_4 = arith.sitofp %convert_element_type3A : vector<2000x64xi32> to vector<2000x64xf32>
    %get3A_5 = arith.constant 0 : index
    %get3A_6 = arith.constant 0 : index
    %get3A_7 = arith.constant 0 : index
    %get3A_8 = vector.load %arg2[%get3A_5, %get3A_6, %get3A_7] : memref<9x64x128xf32, #tpu.memory_space<vmem>>, vector<1x64x128xf32>
    %get3A_9 = vector.shape_cast %get3A_8 : vector<1x64x128xf32> to vector<64x128xf32>
    %dot_general3A = arith.constant dense<0.000000e+00> : vector<2000x128xf32>
    %dot_general3A_10 = tpu.matmul %convert_element_type3A_4, %get3A_9, %dot_general3A {dimension_numbers = #tpu.dot_dimension_numbers<[1], [0], [0], [1], [0, 0, 1, 1], [], []>, transpose_lhs_hint = false} : vector<2000x64xf32>, vector<64x128xf32>, vector<2000x128xf32> -> vector<2000x128xf32>
    %add3A = arith.addf %broadcast_in_dim3A_0, %dot_general3A_10 : vector<2000x128xf32>
    %get3A_11 = arith.constant 0 : index
    %get3A_12 = arith.constant 1 : index
    %get3A_13 = vector.load %arg1[%get3A_11, %get3A_12] : memref<2000x9xi32, #tpu.memory_space<vmem>>, vector<2000x1xi32>
    %iota3A_14 = tpu.iota {dimensions = array<i32: 1>} : vector<2000x64xi32>
    %eq3A_15 = vector.broadcast %get3A_13 : vector<2000x1xi32> to vector<2000x64xi32>
    %eq3A_16 = arith.cmpi eq, %eq3A_15, %iota3A_14 : vector<2000x64xi32>
    %convert_element_type3A_17 = arith.extui %eq3A_16 : vector<2000x64xi1> to vector<2000x64xi32>
    %convert_element_type3A_18 = arith.sitofp %convert_element_type3A_17 : vector<2000x64xi32> to vector<2000x64xf32>
    %get3A_19 = arith.constant 1 : index
    %get3A_20 = arith.constant 0 : index
    %get3A_21 = arith.constant 0 : index
    %get3A_22 = vector.load %arg2[%get3A_19, %get3A_20, %get3A_21] : memref<9x64x128xf32, #tpu.memory_space<vmem>>, vector<1x64x128xf32>
    %get3A_23 = vector.shape_cast %get3A_22 : vector<1x64x128xf32> to vector<64x128xf32>
    %dot_general3A_24 = arith.constant dense<0.000000e+00> : vector<2000x128xf32>
    %dot_general3A_25 = tpu.matmul %convert_element_type3A_18, %get3A_23, %dot_general3A_24 {dimension_numbers = #tpu.dot_dimension_numbers<[1], [0], [0], [1], [0, 0, 1, 1], [], []>, transpose_lhs_hint = false} : vector<2000x64xf32>, vector<64x128xf32>, vector<2000x128xf32> -> vector<2000x128xf32>
    %add3A_26 = arith.addf %add3A, %dot_general3A_25 : vector<2000x128xf32>
    %get3A_27 = arith.constant 0 : index
    %get3A_28 = arith.constant 2 : index
    %get3A_29 = vector.load %arg1[%get3A_27, %get3A_28] : memref<2000x9xi32, #tpu.memory_space<vmem>>, vector<2000x1xi32>
    %iota3A_30 = tpu.iota {dimensions = array<i32: 1>} : vector<2000x64xi32>
    %eq3A_31 = vector.broadcast %get3A_29 : vector<2000x1xi32> to vector<2000x64xi32>
    %eq3A_32 = arith.cmpi eq, %eq3A_31, %iota3A_30 : vector<2000x64xi32>
    %convert_element_type3A_33 = arith.extui %eq3A_32 : vector<2000x64xi1> to vector<2000x64xi32>
    %convert_element_type3A_34 = arith.sitofp %convert_element_type3A_33 : vector<2000x64xi32> to vector<2000x64xf32>
    %get3A_35 = arith.constant 2 : index
    %get3A_36 = arith.constant 0 : index
    %get3A_37 = arith.constant 0 : index
    %get3A_38 = vector.load %arg2[%get3A_35, %get3A_36, %get3A_37] : memref<9x64x128xf32, #tpu.memory_space<vmem>>, vector<1x64x128xf32>
    %get3A_39 = vector.shape_cast %get3A_38 : vector<1x64x128xf32> to vector<64x128xf32>
    %dot_general3A_40 = arith.constant dense<0.000000e+00> : vector<2000x128xf32>
    %dot_general3A_41 = tpu.matmul %convert_element_type3A_34, %get3A_39, %dot_general3A_40 {dimension_numbers = #tpu.dot_dimension_numbers<[1], [0], [0], [1], [0, 0, 1, 1], [], []>, transpose_lhs_hint = false} : vector<2000x64xf32>, vector<64x128xf32>, vector<2000x128xf32> -> vector<2000x128xf32>
    %add3A_42 = arith.addf %add3A_26, %dot_general3A_41 : vector<2000x128xf32>
    %get3A_43 = arith.constant 0 : index
    %get3A_44 = arith.constant 3 : index
    %get3A_45 = vector.load %arg1[%get3A_43, %get3A_44] : memref<2000x9xi32, #tpu.memory_space<vmem>>, vector<2000x1xi32>
    %iota3A_46 = tpu.iota {dimensions = array<i32: 1>} : vector<2000x64xi32>
    %eq3A_47 = vector.broadcast %get3A_45 : vector<2000x1xi32> to vector<2000x64xi32>
    %eq3A_48 = arith.cmpi eq, %eq3A_47, %iota3A_46 : vector<2000x64xi32>
    %convert_element_type3A_49 = arith.extui %eq3A_48 : vector<2000x64xi1> to vector<2000x64xi32>
    %convert_element_type3A_50 = arith.sitofp %convert_element_type3A_49 : vector<2000x64xi32> to vector<2000x64xf32>
    %get3A_51 = arith.constant 3 : index
    %get3A_52 = arith.constant 0 : index
    %get3A_53 = arith.constant 0 : index
    %get3A_54 = vector.load %arg2[%get3A_51, %get3A_52, %get3A_53] : memref<9x64x128xf32, #tpu.memory_space<vmem>>, vector<1x64x128xf32>
    %get3A_55 = vector.shape_cast %get3A_54 : vector<1x64x128xf32> to vector<64x128xf32>
    %dot_general3A_56 = arith.constant dense<0.000000e+00> : vector<2000x128xf32>
    %dot_general3A_57 = tpu.matmul %convert_element_type3A_50, %get3A_55, %dot_general3A_56 {dimension_numbers = #tpu.dot_dimension_numbers<[1], [0], [0], [1], [0, 0, 1, 1], [], []>, transpose_lhs_hint = false} : vector<2000x64xf32>, vector<64x128xf32>, vector<2000x128xf32> -> vector<2000x128xf32>
    %add3A_58 = arith.addf %add3A_42, %dot_general3A_57 : vector<2000x128xf32>
    %get3A_59 = arith.constant 0 : index
    %get3A_60 = arith.constant 4 : index
    %get3A_61 = vector.load %arg1[%get3A_59, %get3A_60] : memref<2000x9xi32, #tpu.memory_space<vmem>>, vector<2000x1xi32>
    %iota3A_62 = tpu.iota {dimensions = array<i32: 1>} : vector<2000x64xi32>
    %eq3A_63 = vector.broadcast %get3A_61 : vector<2000x1xi32> to vector<2000x64xi32>
    %eq3A_64 = arith.cmpi eq, %eq3A_63, %iota3A_62 : vector<2000x64xi32>
    %convert_element_type3A_65 = arith.extui %eq3A_64 : vector<2000x64xi1> to vector<2000x64xi32>
    %convert_element_type3A_66 = arith.sitofp %convert_element_type3A_65 : vector<2000x64xi32> to vector<2000x64xf32>
    %get3A_67 = arith.constant 4 : index
    %get3A_68 = arith.constant 0 : index
    %get3A_69 = arith.constant 0 : index
    %get3A_70 = vector.load %arg2[%get3A_67, %get3A_68, %get3A_69] : memref<9x64x128xf32, #tpu.memory_space<vmem>>, vector<1x64x128xf32>
    %get3A_71 = vector.shape_cast %get3A_70 : vector<1x64x128xf32> to vector<64x128xf32>
    %dot_general3A_72 = arith.constant dense<0.000000e+00> : vector<2000x128xf32>
    %dot_general3A_73 = tpu.matmul %convert_element_type3A_66, %get3A_71, %dot_general3A_72 {dimension_numbers = #tpu.dot_dimension_numbers<[1], [0], [0], [1], [0, 0, 1, 1], [], []>, transpose_lhs_hint = false} : vector<2000x64xf32>, vector<64x128xf32>, vector<2000x128xf32> -> vector<2000x128xf32>
    %add3A_74 = arith.addf %add3A_58, %dot_general3A_73 : vector<2000x128xf32>
    %get3A_75 = arith.constant 0 : index
    %get3A_76 = arith.constant 5 : index
    %get3A_77 = vector.load %arg1[%get3A_75, %get3A_76] : memref<2000x9xi32, #tpu.memory_space<vmem>>, vector<2000x1xi32>
    %iota3A_78 = tpu.iota {dimensions = array<i32: 1>} : vector<2000x64xi32>
    %eq3A_79 = vector.broadcast %get3A_77 : vector<2000x1xi32> to vector<2000x64xi32>
    %eq3A_80 = arith.cmpi eq, %eq3A_79, %iota3A_78 : vector<2000x64xi32>
    %convert_element_type3A_81 = arith.extui %eq3A_80 : vector<2000x64xi1> to vector<2000x64xi32>
    %convert_element_type3A_82 = arith.sitofp %convert_element_type3A_81 : vector<2000x64xi32> to vector<2000x64xf32>
    %get3A_83 = arith.constant 5 : index
    %get3A_84 = arith.constant 0 : index
    %get3A_85 = arith.constant 0 : index
    %get3A_86 = vector.load %arg2[%get3A_83, %get3A_84, %get3A_85] : memref<9x64x128xf32, #tpu.memory_space<vmem>>, vector<1x64x128xf32>
    %get3A_87 = vector.shape_cast %get3A_86 : vector<1x64x128xf32> to vector<64x128xf32>
    %dot_general3A_88 = arith.constant dense<0.000000e+00> : vector<2000x128xf32>
    %dot_general3A_89 = tpu.matmul %convert_element_type3A_82, %get3A_87, %dot_general3A_88 {dimension_numbers = #tpu.dot_dimension_numbers<[1], [0], [0], [1], [0, 0, 1, 1], [], []>, transpose_lhs_hint = false} : vector<2000x64xf32>, vector<64x128xf32>, vector<2000x128xf32> -> vector<2000x128xf32>
    %add3A_90 = arith.addf %add3A_74, %dot_general3A_89 : vector<2000x128xf32>
    %get3A_91 = arith.constant 0 : index
    %get3A_92 = arith.constant 6 : index
    %get3A_93 = vector.load %arg1[%get3A_91, %get3A_92] : memref<2000x9xi32, #tpu.memory_space<vmem>>, vector<2000x1xi32>
    %iota3A_94 = tpu.iota {dimensions = array<i32: 1>} : vector<2000x64xi32>
    %eq3A_95 = vector.broadcast %get3A_93 : vector<2000x1xi32> to vector<2000x64xi32>
    %eq3A_96 = arith.cmpi eq, %eq3A_95, %iota3A_94 : vector<2000x64xi32>
    %convert_element_type3A_97 = arith.extui %eq3A_96 : vector<2000x64xi1> to vector<2000x64xi32>
    %convert_element_type3A_98 = arith.sitofp %convert_element_type3A_97 : vector<2000x64xi32> to vector<2000x64xf32>
    %get3A_99 = arith.constant 6 : index
    %get3A_100 = arith.constant 0 : index
    %get3A_101 = arith.constant 0 : index
    %get3A_102 = vector.load %arg2[%get3A_99, %get3A_100, %get3A_101] : memref<9x64x128xf32, #tpu.memory_space<vmem>>, vector<1x64x128xf32>
    %get3A_103 = vector.shape_cast %get3A_102 : vector<1x64x128xf32> to vector<64x128xf32>
    %dot_general3A_104 = arith.constant dense<0.000000e+00> : vector<2000x128xf32>
    %dot_general3A_105 = tpu.matmul %convert_element_type3A_98, %get3A_103, %dot_general3A_104 {dimension_numbers = #tpu.dot_dimension_numbers<[1], [0], [0], [1], [0, 0, 1, 1], [], []>, transpose_lhs_hint = false} : vector<2000x64xf32>, vector<64x128xf32>, vector<2000x128xf32> -> vector<2000x128xf32>
    %add3A_106 = arith.addf %add3A_90, %dot_general3A_105 : vector<2000x128xf32>
    %get3A_107 = arith.constant 0 : index
    %get3A_108 = arith.constant 7 : index
    %get3A_109 = vector.load %arg1[%get3A_107, %get3A_108] : memref<2000x9xi32, #tpu.memory_space<vmem>>, vector<2000x1xi32>
    %iota3A_110 = tpu.iota {dimensions = array<i32: 1>} : vector<2000x64xi32>
    %eq3A_111 = vector.broadcast %get3A_109 : vector<2000x1xi32> to vector<2000x64xi32>
    %eq3A_112 = arith.cmpi eq, %eq3A_111, %iota3A_110 : vector<2000x64xi32>
    %convert_element_type3A_113 = arith.extui %eq3A_112 : vector<2000x64xi1> to vector<2000x64xi32>
    %convert_element_type3A_114 = arith.sitofp %convert_element_type3A_113 : vector<2000x64xi32> to vector<2000x64xf32>
    %get3A_115 = arith.constant 7 : index
    %get3A_116 = arith.constant 0 : index
    %get3A_117 = arith.constant 0 : index
    %get3A_118 = vector.load %arg2[%get3A_115, %get3A_116, %get3A_117] : memref<9x64x128xf32, #tpu.memory_space<vmem>>, vector<1x64x128xf32>
    %get3A_119 = vector.shape_cast %get3A_118 : vector<1x64x128xf32> to vector<64x128xf32>
    %dot_general3A_120 = arith.constant dense<0.000000e+00> : vector<2000x128xf32>
    %dot_general3A_121 = tpu.matmul %convert_element_type3A_114, %get3A_119, %dot_general3A_120 {dimension_numbers = #tpu.dot_dimension_numbers<[1], [0], [0], [1], [0, 0, 1, 1], [], []>, transpose_lhs_hint = false} : vector<2000x64xf32>, vector<64x128xf32>, vector<2000x128xf32> -> vector<2000x128xf32>
    %add3A_122 = arith.addf %add3A_106, %dot_general3A_121 : vector<2000x128xf32>
    %get3A_123 = arith.constant 0 : index
    %get3A_124 = arith.constant 8 : index
    %get3A_125 = vector.load %arg1[%get3A_123, %get3A_124] : memref<2000x9xi32, #tpu.memory_space<vmem>>, vector<2000x1xi32>
    %iota3A_126 = tpu.iota {dimensions = array<i32: 1>} : vector<2000x64xi32>
    %eq3A_127 = vector.broadcast %get3A_125 : vector<2000x1xi32> to vector<2000x64xi32>
    %eq3A_128 = arith.cmpi eq, %eq3A_127, %iota3A_126 : vector<2000x64xi32>
    %convert_element_type3A_129 = arith.extui %eq3A_128 : vector<2000x64xi1> to vector<2000x64xi32>
    %convert_element_type3A_130 = arith.sitofp %convert_element_type3A_129 : vector<2000x64xi32> to vector<2000x64xf32>
    %get3A_131 = arith.constant 8 : index
    %get3A_132 = arith.constant 0 : index
    %get3A_133 = arith.constant 0 : index
    %get3A_134 = vector.load %arg2[%get3A_131, %get3A_132, %get3A_133] : memref<9x64x128xf32, #tpu.memory_space<vmem>>, vector<1x64x128xf32>
    %get3A_135 = vector.shape_cast %get3A_134 : vector<1x64x128xf32> to vector<64x128xf32>
    %dot_general3A_136 = arith.constant dense<0.000000e+00> : vector<2000x128xf32>
    %dot_general3A_137 = tpu.matmul %convert_element_type3A_130, %get3A_135, %dot_general3A_136 {dimension_numbers = #tpu.dot_dimension_numbers<[1], [0], [0], [1], [0, 0, 1, 1], [], []>, transpose_lhs_hint = false} : vector<2000x64xf32>, vector<64x128xf32>, vector<2000x128xf32> -> vector<2000x128xf32>
    %add3A_138 = arith.addf %add3A_122, %dot_general3A_137 : vector<2000x128xf32>
    %get3A_139 = arith.constant 0 : index
    %get3A_140 = arith.constant 0 : index
    %get3A_141 = vector.load %arg3[%get3A_139, %get3A_140] : memref<128x128xf32, #tpu.memory_space<vmem>>, vector<128x128xf32>
    %dot_general3A_142 = arith.constant dense<0.000000e+00> : vector<2000x128xf32>
    %dot_general3A_143 = tpu.matmul %add3A_138, %get3A_141, %dot_general3A_142 {dimension_numbers = #tpu.dot_dimension_numbers<[1], [0], [0], [1], [0, 0, 1, 1], [], []>, transpose_lhs_hint = false} : vector<2000x128xf32>, vector<128x128xf32>, vector<2000x128xf32> -> vector<2000x128xf32>
    %swap3A = arith.constant 0 : index
    %swap3A_144 = arith.constant 0 : index
    %swap3A_145 = vector.load %arg4[%swap3A, %swap3A_144] : memref<2000x128xf32, #tpu.memory_space<vmem>>, vector<2000x128xf32>
    tpu.vector_store %arg4[%swap3A, %swap3A_144], %dot_general3A_143 {strides = array<i32>} : memref<2000x128xf32, #tpu.memory_space<vmem>>, vector<2000x128xf32>,
    return
  }
  func.func @transform_0(%arg0: i32) -> (i32, i32) {
    %c0_i32 = arith.constant 0 : i32
    %c0_i32_0 = arith.constant 0 : i32
    return %arg0, %c0_i32 : i32, i32
  }
  func.func @transform_1(%arg0: i32) -> (i32, i32, i32) {
    %c0_i32 = arith.constant 0 : i32
    %c0_i32_0 = arith.constant 0 : i32
    %c0_i32_1 = arith.constant 0 : i32
    %c0_i32_2 = arith.constant 0 : i32
    return %c0_i32, %c0_i32_0, %c0_i32_1 : i32, i32, i32
  }
  func.func @transform_2(%arg0: i32) -> (i32, i32) {
    %c0_i32 = arith.constant 0 : i32
    %c0_i32_0 = arith.constant 0 : i32
    %c0_i32_1 = arith.constant 0 : i32
    return %c0_i32, %c0_i32_0 : i32, i32
  }
  func.func @transform_3(%arg0: i32) -> (i32, i32) {
    %c0_i32 = arith.constant 0 : i32
    %c0_i32_0 = arith.constant 0 : i32
    return %arg0, %c0_i32 : i32, i32
  }
}

module attributes {stable_mosaic.version = 14 : i64} {
  func.func @_scale_body(%arg0: i32, %arg1: memref<2000x128xf32, #tpu.memory_space<vmem>>, %arg2: memref<1x2000x128xf32, #tpu.memory_space<vmem>>, %arg3: memref<1x2000x128xf32, #tpu.memory_space<vmem>>, %arg4: memref<2000x128xf32, #tpu.memory_space<vmem>>) attributes {dimension_semantics = [#tpu.dimension_semantics<arbitrary>], iteration_bounds = array<i64: 5>, scalar_prefetch = 0 : i64, scratch_operands = 0 : i64, tpu.core_type = #tpu.core_type<tc>, window_params = [{transform_indices = @transform_0, window_bounds = array<i64: 2000, 128>}, {transform_indices = @transform_1, window_bounds = array<i64: 1, 2000, 128>}, {transform_indices = @transform_2, window_bounds = array<i64: 1, 2000, 128>}, {transform_indices = @transform_3, window_bounds = array<i64: 2000, 128>}]} {
    %get3A = arith.constant 0 : index
    %get3A_0 = arith.constant 0 : index
    %get3A_1 = vector.load %arg1[%get3A, %get3A_0] : memref<2000x128xf32, #tpu.memory_space<vmem>>, vector<2000x128xf32>
    %get3A_2 = arith.constant 0 : index
    %get3A_3 = arith.constant 0 : index
    %get3A_4 = arith.constant 0 : index
    %get3A_5 = vector.load %arg2[%get3A_2, %get3A_3, %get3A_4] : memref<1x2000x128xf32, #tpu.memory_space<vmem>>, vector<1x2000x1xf32>
    %get3A_6 = vector.shape_cast %get3A_5 : vector<1x2000x1xf32> to vector<2000x1xf32>
    %get3A_7 = arith.constant 0 : index
    %get3A_8 = arith.constant 0 : index
    %get3A_9 = arith.constant 0 : index
    %get3A_10 = vector.load %arg3[%get3A_7, %get3A_8, %get3A_9] : memref<1x2000x128xf32, #tpu.memory_space<vmem>>, vector<1x2000x1xf32>
    %get3A_11 = vector.shape_cast %get3A_10 : vector<1x2000x1xf32> to vector<2000x1xf32>
    %add3A = arith.addf %get3A_6, %get3A_11 : vector<2000x1xf32>
    %add3A_12 = arith.constant 1.000000e+00 : f32
    %add3A_13 = vector.broadcast %add3A_12 : f32 to vector<2000x1xf32>
    %add3A_14 = arith.addf %add3A, %add3A_13 : vector<2000x1xf32>
    %rsqrt3A = math.rsqrt %add3A_14 : vector<2000x1xf32>
    %mul3A = vector.broadcast %rsqrt3A : vector<2000x1xf32> to vector<2000x128xf32>
    %mul3A_15 = arith.mulf %get3A_1, %mul3A : vector<2000x128xf32>
    %swap3A = arith.constant 0 : index
    %swap3A_16 = arith.constant 0 : index
    %swap3A_17 = vector.load %arg4[%swap3A, %swap3A_16] : memref<2000x128xf32, #tpu.memory_space<vmem>>, vector<2000x128xf32>
    tpu.vector_store %arg4[%swap3A, %swap3A_16], %mul3A_15 {strides = array<i32>} : memref<2000x128xf32, #tpu.memory_space<vmem>>, vector<2000x128xf32>,
    return
  }
  func.func @transform_0(%arg0: i32) -> (i32, i32) {
    %c0_i32 = arith.constant 0 : i32
    %c0_i32_0 = arith.constant 0 : i32
    return %arg0, %c0_i32 : i32, i32
  }
  func.func @transform_1(%arg0: i32) -> (i32, i32, i32) {
    %c0_i32 = arith.constant 0 : i32
    %c0_i32_0 = arith.constant 0 : i32
    %c0_i32_1 = arith.constant 0 : i32
    return %c0_i32, %arg0, %c0_i32_0 : i32, i32, i32
  }
  func.func @transform_2(%arg0: i32) -> (i32, i32, i32) {
    %c1_i32 = arith.constant 1 : i32
    %c0_i32 = arith.constant 0 : i32
    %c0_i32_0 = arith.constant 0 : i32
    return %c1_i32, %arg0, %c0_i32 : i32, i32, i32
  }
  func.func @transform_3(%arg0: i32) -> (i32, i32) {
    %c0_i32 = arith.constant 0 : i32
    %c0_i32_0 = arith.constant 0 : i32
    return %arg0, %c0_i32 : i32, i32
  }
}

module attributes {stable_mosaic.version = 14 : i64} {
  func.func @_tcl_body(%arg0: i32, %arg1: memref<1x2000x128xf32, #tpu.memory_space<vmem>>, %arg2: memref<1x2000x128xf32, #tpu.memory_space<vmem>>, %arg3: memref<2000x128xf32, #tpu.memory_space<vmem>>, %arg4: memref<1x2000x128xf32, #tpu.memory_space<vmem>>, %arg5: memref<1x2000x128xf32, #tpu.memory_space<vmem>>, %arg6: memref<1x128xf32, #tpu.memory_space<vmem>>, %arg7: memref<128x128xf32, #tpu.memory_space<vmem>>, %arg8: memref<2000x128xf32, #tpu.memory_space<vmem>>) attributes {dimension_semantics = [#tpu.dimension_semantics<arbitrary>], iteration_bounds = array<i64: 5>, scalar_prefetch = 0 : i64, scratch_operands = 0 : i64, tpu.core_type = #tpu.core_type<tc>, window_params = [{transform_indices = @transform_0, window_bounds = array<i64: 1, 2000, 128>}, {transform_indices = @transform_1, window_bounds = array<i64: 1, 2000, 128>}, {transform_indices = @transform_2, window_bounds = array<i64: 2000, 128>}, {transform_indices = @transform_3, window_bounds = array<i64: 1, 2000, 128>}, {transform_indices = @transform_4, window_bounds = array<i64: 1, 2000, 128>}, {pipeline_mode = #tpu.pipeline_mode<synchronous>, transform_indices = @transform_5, window_bounds = array<i64: 1, 128>}, {pipeline_mode = #tpu.pipeline_mode<synchronous>, transform_indices = @transform_6, window_bounds = array<i64: 128, 128>}, {transform_indices = @transform_7, window_bounds = array<i64: 2000, 128>}]} {
    %get3A = arith.constant 0 : index
    %get3A_0 = arith.constant 0 : index
    %get3A_1 = arith.constant 0 : index
    %get3A_2 = vector.load %arg4[%get3A, %get3A_0, %get3A_1] : memref<1x2000x128xf32, #tpu.memory_space<vmem>>, vector<1x2000x1xf32>
    %get3A_3 = vector.shape_cast %get3A_2 : vector<1x2000x1xf32> to vector<2000x1xf32>
    %get3A_4 = arith.constant 0 : index
    %get3A_5 = arith.constant 0 : index
    %get3A_6 = arith.constant 0 : index
    %get3A_7 = vector.load %arg5[%get3A_4, %get3A_5, %get3A_6] : memref<1x2000x128xf32, #tpu.memory_space<vmem>>, vector<1x2000x1xf32>
    %get3A_8 = vector.shape_cast %get3A_7 : vector<1x2000x1xf32> to vector<2000x1xf32>
    %add3A = arith.addf %get3A_3, %get3A_8 : vector<2000x1xf32>
    %add3A_9 = arith.constant 1.000000e+00 : f32
    %add3A_10 = vector.broadcast %add3A_9 : f32 to vector<2000x1xf32>
    %add3A_11 = arith.addf %add3A, %add3A_10 : vector<2000x1xf32>
    %rsqrt3A = math.rsqrt %add3A_11 : vector<2000x1xf32>
    %get3A_12 = arith.constant 0 : index
    %get3A_13 = arith.constant 0 : index
    %get3A_14 = arith.constant 0 : index
    %get3A_15 = vector.load %arg1[%get3A_12, %get3A_13, %get3A_14] : memref<1x2000x128xf32, #tpu.memory_space<vmem>>, vector<1x2000x128xf32>
    %get3A_16 = vector.shape_cast %get3A_15 : vector<1x2000x128xf32> to vector<2000x128xf32>
    %get3A_17 = arith.constant 0 : index
    %get3A_18 = arith.constant 0 : index
    %get3A_19 = arith.constant 0 : index
    %get3A_20 = vector.load %arg2[%get3A_17, %get3A_18, %get3A_19] : memref<1x2000x128xf32, #tpu.memory_space<vmem>>, vector<1x2000x128xf32>
    %get3A_21 = vector.shape_cast %get3A_20 : vector<1x2000x128xf32> to vector<2000x128xf32>
    %add3A_22 = arith.addf %get3A_16, %get3A_21 : vector<2000x128xf32>
    %get3A_23 = arith.constant 0 : index
    %get3A_24 = arith.constant 0 : index
    %get3A_25 = vector.load %arg3[%get3A_23, %get3A_24] : memref<2000x128xf32, #tpu.memory_space<vmem>>, vector<2000x128xf32>
    %add3A_26 = arith.addf %add3A_22, %get3A_25 : vector<2000x128xf32>
    %mul3A = vector.broadcast %rsqrt3A : vector<2000x1xf32> to vector<2000x128xf32>
    %mul3A_27 = arith.mulf %add3A_26, %mul3A : vector<2000x128xf32>
    %get3A_28 = arith.constant 0 : index
    %get3A_29 = arith.constant 0 : index
    %get3A_30 = vector.load %arg6[%get3A_28, %get3A_29] : memref<1x128xf32, #tpu.memory_space<vmem>>, vector<1x128xf32>
    %add3A_31 = vector.broadcast %get3A_30 : vector<1x128xf32> to vector<2000x128xf32>
    %add3A_32 = arith.addf %mul3A_27, %add3A_31 : vector<2000x128xf32>
    %max3A = arith.constant 0.000000e+00 : f32
    %max3A_33 = vector.broadcast %max3A : f32 to vector<2000x128xf32>
    %max3A_34 = arith.maximumf %add3A_32, %max3A_33 : vector<2000x128xf32>
    %get3A_35 = arith.constant 0 : index
    %get3A_36 = arith.constant 0 : index
    %get3A_37 = vector.load %arg7[%get3A_35, %get3A_36] : memref<128x128xf32, #tpu.memory_space<vmem>>, vector<128x128xf32>
    %dot_general3A = arith.constant dense<0.000000e+00> : vector<2000x128xf32>
    %dot_general3A_38 = tpu.matmul %max3A_34, %get3A_37, %dot_general3A {dimension_numbers = #tpu.dot_dimension_numbers<[1], [0], [0], [1], [0, 0, 1, 1], [], []>, transpose_lhs_hint = false} : vector<2000x128xf32>, vector<128x128xf32>, vector<2000x128xf32> -> vector<2000x128xf32>
    %mul3A_39 = vector.broadcast %rsqrt3A : vector<2000x1xf32> to vector<2000x128xf32>
    %mul3A_40 = arith.mulf %dot_general3A_38, %mul3A_39 : vector<2000x128xf32>
    %swap3A = arith.constant 0 : index
    %swap3A_41 = arith.constant 0 : index
    %swap3A_42 = vector.load %arg8[%swap3A, %swap3A_41] : memref<2000x128xf32, #tpu.memory_space<vmem>>, vector<2000x128xf32>
    tpu.vector_store %arg8[%swap3A, %swap3A_41], %mul3A_40 {strides = array<i32>} : memref<2000x128xf32, #tpu.memory_space<vmem>>, vector<2000x128xf32>,
    return
  }
  func.func @transform_0(%arg0: i32) -> (i32, i32, i32) {
    %c0_i32 = arith.constant 0 : i32
    %c0_i32_0 = arith.constant 0 : i32
    %c0_i32_1 = arith.constant 0 : i32
    return %c0_i32, %arg0, %c0_i32_0 : i32, i32, i32
  }
  func.func @transform_1(%arg0: i32) -> (i32, i32, i32) {
    %c1_i32 = arith.constant 1 : i32
    %c0_i32 = arith.constant 0 : i32
    %c0_i32_0 = arith.constant 0 : i32
    return %c1_i32, %arg0, %c0_i32 : i32, i32, i32
  }
  func.func @transform_2(%arg0: i32) -> (i32, i32) {
    %c0_i32 = arith.constant 0 : i32
    %c0_i32_0 = arith.constant 0 : i32
    return %arg0, %c0_i32 : i32, i32
  }
  func.func @transform_3(%arg0: i32) -> (i32, i32, i32) {
    %c0_i32 = arith.constant 0 : i32
    %c0_i32_0 = arith.constant 0 : i32
    %c0_i32_1 = arith.constant 0 : i32
    return %c0_i32, %arg0, %c0_i32_0 : i32, i32, i32
  }
  func.func @transform_4(%arg0: i32) -> (i32, i32, i32) {
    %c1_i32 = arith.constant 1 : i32
    %c0_i32 = arith.constant 0 : i32
    %c0_i32_0 = arith.constant 0 : i32
    return %c1_i32, %arg0, %c0_i32 : i32, i32, i32
  }
  func.func @transform_5(%arg0: i32) -> (i32, i32) {
    %c0_i32 = arith.constant 0 : i32
    %c0_i32_0 = arith.constant 0 : i32
    %c0_i32_1 = arith.constant 0 : i32
    return %c0_i32, %c0_i32_0 : i32, i32
  }
  func.func @transform_6(%arg0: i32) -> (i32, i32) {
    %c0_i32 = arith.constant 0 : i32
    %c0_i32_0 = arith.constant 0 : i32
    %c0_i32_1 = arith.constant 0 : i32
    return %c0_i32, %c0_i32_0 : i32, i32
  }
  func.func @transform_7(%arg0: i32) -> (i32, i32) {
    %c0_i32 = arith.constant 0 : i32
    %c0_i32_0 = arith.constant 0 : i32
    return %arg0, %c0_i32 : i32, i32
  }
}

module attributes {stable_mosaic.version = 14 : i64} {
  func.func @_tc3_body(%arg0: i32, %arg1: memref<1x2000x128xf32, #tpu.memory_space<vmem>>, %arg2: memref<1x2000x128xf32, #tpu.memory_space<vmem>>, %arg3: memref<2000x128xf32, #tpu.memory_space<vmem>>, %arg4: memref<1x2000x128xf32, #tpu.memory_space<vmem>>, %arg5: memref<1x2000x128xf32, #tpu.memory_space<vmem>>, %arg6: memref<1x128xf32, #tpu.memory_space<vmem>>, %arg7: memref<2000x128xf32, #tpu.memory_space<vmem>>) attributes {dimension_semantics = [#tpu.dimension_semantics<arbitrary>], iteration_bounds = array<i64: 5>, scalar_prefetch = 0 : i64, scratch_operands = 0 : i64, tpu.core_type = #tpu.core_type<tc>, window_params = [{transform_indices = @transform_0, window_bounds = array<i64: 1, 2000, 128>}, {transform_indices = @transform_1, window_bounds = array<i64: 1, 2000, 128>}, {transform_indices = @transform_2, window_bounds = array<i64: 2000, 128>}, {transform_indices = @transform_3, window_bounds = array<i64: 1, 2000, 128>}, {transform_indices = @transform_4, window_bounds = array<i64: 1, 2000, 128>}, {pipeline_mode = #tpu.pipeline_mode<synchronous>, transform_indices = @transform_5, window_bounds = array<i64: 1, 128>}, {transform_indices = @transform_6, window_bounds = array<i64: 2000, 128>}]} {
    %get3A = arith.constant 0 : index
    %get3A_0 = arith.constant 0 : index
    %get3A_1 = arith.constant 0 : index
    %get3A_2 = vector.load %arg4[%get3A, %get3A_0, %get3A_1] : memref<1x2000x128xf32, #tpu.memory_space<vmem>>, vector<1x2000x1xf32>
    %get3A_3 = vector.shape_cast %get3A_2 : vector<1x2000x1xf32> to vector<2000x1xf32>
    %get3A_4 = arith.constant 0 : index
    %get3A_5 = arith.constant 0 : index
    %get3A_6 = arith.constant 0 : index
    %get3A_7 = vector.load %arg5[%get3A_4, %get3A_5, %get3A_6] : memref<1x2000x128xf32, #tpu.memory_space<vmem>>, vector<1x2000x1xf32>
    %get3A_8 = vector.shape_cast %get3A_7 : vector<1x2000x1xf32> to vector<2000x1xf32>
    %add3A = arith.addf %get3A_3, %get3A_8 : vector<2000x1xf32>
    %add3A_9 = arith.constant 1.000000e+00 : f32
    %add3A_10 = vector.broadcast %add3A_9 : f32 to vector<2000x1xf32>
    %add3A_11 = arith.addf %add3A, %add3A_10 : vector<2000x1xf32>
    %rsqrt3A = math.rsqrt %add3A_11 : vector<2000x1xf32>
    %get3A_12 = arith.constant 0 : index
    %get3A_13 = arith.constant 0 : index
    %get3A_14 = arith.constant 0 : index
    %get3A_15 = vector.load %arg1[%get3A_12, %get3A_13, %get3A_14] : memref<1x2000x128xf32, #tpu.memory_space<vmem>>, vector<1x2000x128xf32>
    %get3A_16 = vector.shape_cast %get3A_15 : vector<1x2000x128xf32> to vector<2000x128xf32>
    %get3A_17 = arith.constant 0 : index
    %get3A_18 = arith.constant 0 : index
    %get3A_19 = arith.constant 0 : index
    %get3A_20 = vector.load %arg2[%get3A_17, %get3A_18, %get3A_19] : memref<1x2000x128xf32, #tpu.memory_space<vmem>>, vector<1x2000x128xf32>
    %get3A_21 = vector.shape_cast %get3A_20 : vector<1x2000x128xf32> to vector<2000x128xf32>
    %add3A_22 = arith.addf %get3A_16, %get3A_21 : vector<2000x128xf32>
    %get3A_23 = arith.constant 0 : index
    %get3A_24 = arith.constant 0 : index
    %get3A_25 = vector.load %arg3[%get3A_23, %get3A_24] : memref<2000x128xf32, #tpu.memory_space<vmem>>, vector<2000x128xf32>
    %add3A_26 = arith.addf %add3A_22, %get3A_25 : vector<2000x128xf32>
    %mul3A = vector.broadcast %rsqrt3A : vector<2000x1xf32> to vector<2000x128xf32>
    %mul3A_27 = arith.mulf %add3A_26, %mul3A : vector<2000x128xf32>
    %get3A_28 = arith.constant 0 : index
    %get3A_29 = arith.constant 0 : index
    %get3A_30 = vector.load %arg6[%get3A_28, %get3A_29] : memref<1x128xf32, #tpu.memory_space<vmem>>, vector<1x128xf32>
    %add3A_31 = vector.broadcast %get3A_30 : vector<1x128xf32> to vector<2000x128xf32>
    %add3A_32 = arith.addf %mul3A_27, %add3A_31 : vector<2000x128xf32>
    %swap3A = arith.constant 0 : index
    %swap3A_33 = arith.constant 0 : index
    %swap3A_34 = vector.load %arg7[%swap3A, %swap3A_33] : memref<2000x128xf32, #tpu.memory_space<vmem>>, vector<2000x128xf32>
    tpu.vector_store %arg7[%swap3A, %swap3A_33], %add3A_32 {strides = array<i32>} : memref<2000x128xf32, #tpu.memory_space<vmem>>, vector<2000x128xf32>,
    return
  }
  func.func @transform_0(%arg0: i32) -> (i32, i32, i32) {
    %c0_i32 = arith.constant 0 : i32
    %c0_i32_0 = arith.constant 0 : i32
    %c0_i32_1 = arith.constant 0 : i32
    return %c0_i32, %arg0, %c0_i32_0 : i32, i32, i32
  }
  func.func @transform_1(%arg0: i32) -> (i32, i32, i32) {
    %c1_i32 = arith.constant 1 : i32
    %c0_i32 = arith.constant 0 : i32
    %c0_i32_0 = arith.constant 0 : i32
    return %c1_i32, %arg0, %c0_i32 : i32, i32, i32
  }
  func.func @transform_2(%arg0: i32) -> (i32, i32) {
    %c0_i32 = arith.constant 0 : i32
    %c0_i32_0 = arith.constant 0 : i32
    return %arg0, %c0_i32 : i32, i32
  }
  func.func @transform_3(%arg0: i32) -> (i32, i32, i32) {
    %c0_i32 = arith.constant 0 : i32
    %c0_i32_0 = arith.constant 0 : i32
    %c0_i32_1 = arith.constant 0 : i32
    return %c0_i32, %arg0, %c0_i32_0 : i32, i32, i32
  }
  func.func @transform_4(%arg0: i32) -> (i32, i32, i32) {
    %c1_i32 = arith.constant 1 : i32
    %c0_i32 = arith.constant 0 : i32
    %c0_i32_0 = arith.constant 0 : i32
    return %c1_i32, %arg0, %c0_i32 : i32, i32, i32
  }
  func.func @transform_5(%arg0: i32) -> (i32, i32) {
    %c0_i32 = arith.constant 0 : i32
    %c0_i32_0 = arith.constant 0 : i32
    %c0_i32_1 = arith.constant 0 : i32
    return %c0_i32, %c0_i32_0 : i32, i32
  }
  func.func @transform_6(%arg0: i32) -> (i32, i32) {
    %c0_i32 = arith.constant 0 : i32
    %c0_i32_0 = arith.constant 0 : i32
    return %arg0, %c0_i32 : i32, i32
  }
}

module attributes {stable_mosaic.version = 14 : i64} {
  func.func @_tc4_body(%arg0: memref<256x128xf32, #tpu.memory_space<vmem>>, %arg1: memref<256x128xf32, #tpu.memory_space<vmem>>, %arg2: memref<1x128xf32, #tpu.memory_space<vmem>>, %arg3: memref<1x1xf32, #tpu.memory_space<vmem>>, %arg4: memref<256x1xf32, #tpu.memory_space<vmem>>) attributes {dimension_semantics = [], scalar_prefetch = 0 : i64, scratch_operands = 0 : i64, tpu.core_type = #tpu.core_type<tc>} {
    %get3A = arith.constant 0 : index
    %get3A_0 = arith.constant 0 : index
    %get3A_1 = vector.load %arg1[%get3A, %get3A_0] : memref<256x128xf32, #tpu.memory_space<vmem>>, vector<256x1xf32>
    %max3A = arith.constant 1.000000e+00 : f32
    %max3A_2 = vector.broadcast %max3A : f32 to vector<256x1xf32>
    %max3A_3 = arith.maximumf %get3A_1, %max3A_2 : vector<256x1xf32>
    %get3A_4 = arith.constant 0 : index
    %get3A_5 = arith.constant 0 : index
    %get3A_6 = vector.load %arg0[%get3A_4, %get3A_5] : memref<256x128xf32, #tpu.memory_space<vmem>>, vector<256x128xf32>
    %div3A = vector.broadcast %max3A_3 : vector<256x1xf32> to vector<256x128xf32>
    %div3A_7 = arith.divf %get3A_6, %div3A : vector<256x128xf32>
    %get3A_8 = arith.constant 0 : index
    %get3A_9 = arith.constant 0 : index
    %get3A_10 = vector.load %arg2[%get3A_8, %get3A_9] : memref<1x128xf32, #tpu.memory_space<vmem>>, vector<1x128xf32>
    %mul3A = vector.broadcast %get3A_10 : vector<1x128xf32> to vector<256x128xf32>
    %mul3A_11 = arith.mulf %div3A_7, %mul3A : vector<256x128xf32>
    %reduce_sum3A = arith.constant dense<0.000000e+00> : vector<256xf32>
    %reduce_sum3A_12 = vector.multi_reduction <add>, %mul3A_11, %reduce_sum3A [1] : vector<256x128xf32> to vector<256xf32>
    %broadcast_in_dim3A = vector.shape_cast %reduce_sum3A_12 : vector<256xf32> to vector<256x1xf32>
    %get3A_13 = arith.constant 0 : index
    %get3A_14 = arith.constant 0 : index
    %get3A_15 = vector.load %arg3[%get3A_13, %get3A_14] : memref<1x1xf32, #tpu.memory_space<vmem>>, vector<1x1xf32>
    %get3A_16 = vector.extract %get3A_15[0, 0] : f32 from vector<1x1xf32>
    %add3A = vector.broadcast %get3A_16 : f32 to vector<256x1xf32>
    %add3A_17 = arith.addf %broadcast_in_dim3A, %add3A : vector<256x1xf32>
    %logistic3A = arith.negf %add3A_17 : vector<256x1xf32>
    %logistic3A_18 = math.exp %logistic3A : vector<256x1xf32>
    %logistic3A_19 = arith.constant 1.000000e+00 : f32
    %logistic3A_20 = vector.broadcast %logistic3A_19 : f32 to vector<256x1xf32>
    %logistic3A_21 = arith.addf %logistic3A_20, %logistic3A_18 : vector<256x1xf32>
    %logistic3A_22 = arith.divf %logistic3A_20, %logistic3A_21 : vector<256x1xf32>
    %swap3A = arith.constant 0 : index
    %swap3A_23 = arith.constant 0 : index
    %swap3A_24 = vector.load %arg4[%swap3A, %swap3A_23] : memref<256x1xf32, #tpu.memory_space<vmem>>, vector<256x1xf32>
    tpu.vector_store %arg4[%swap3A, %swap3A_23], %logistic3A_22 {strides = array<i32>} : memref<256x1xf32, #tpu.memory_space<vmem>>, vector<256x1xf32>,
    return
  }
}

</mosaic_0001>

<sc_bundles>
// kernel: kernel.13.cloned.1.call-start
scs
__scs_entry_jumppad:
0x0: {  	(pc) =	sbr.rel $0x88, $3  }
0x1: {  	(tag) =	ssettag $0x0;
	lr =	simm.s32 $0x1  }
0x2: {  	[smem:$0x3F95] =	sst lr;
	_ =	strace $0xD0000000  }
0x3: {  	_ = 	snop  }
0x4: {  	_ = 	snop  }
0x5: {  	_ = 	snop  }
0x6: {  	_ = 	snop  }
0x7: {  	_ = 	snop  }
__scs_overlays_trampoline_lowered:
0x8: {  	[smem:$0x3FA4] =	sst s0  }
0x9: {  	[smem:$0x3FA5] =	sst s1  }
0xa: {  	[smem:$0x3FA6] =	sst s2  }
0xb: {  	[smem:$0x3FA7] =	sst s3  }
0xc: {  	[smem:$0x3FA8] =	sst s4  }
0xd: {  	[smem:$0x3FA9] =	sst s5  }
0xe: {  	[smem:$0x3FAA] =	sst s6  }
0xf: {  	[smem:$0x3FAB] =	sst s7  }
0x10: {  	[smem:$0x3FAC] =	sst s8  }
0x11: {  	[smem:$0x3FAD] =	sst s9;
	s0 =	simm.s32 @!p0 $0x0  }
0x12: {  	s1 =	sld [smem:$0x3F93];
	s0 =	simm.s32 @p0 $0x1  }
0x13: {  	[smem:$0x3FAE] =	sst s0;
	s0 =	simm.s32 @!p1 $0x0  }
0x14: {  	s2 =	sld [smem:$0x3F92];
	s0 =	simm.s32 @p1 $0x1  }
0x15: {  	[smem:$0x3FAF] =	sst s0;
	s0 =	simm.s32 @!p2 $0x0  }
0x16: {  	s3 =	sld [smem:$0x3FDB];
	s0 =	simm.s32 @p2 $0x1  }
0x17: {  	s4 =	simm.s32 $0x1BF5;
	[smem:$0x3FB1] =	sst s0  }
0x18: {  	s0 =	sld [smem:$0x3F94];
	_ =	swait.ge [sflag:s4], $0x0  }
0x19: {  	s7 =	sld [smem:$0x3F95]  }
0x1a: {  	s8 =	sadd.s32 $0xFFFFE003, lr  }
0x1b: {  	s9 =	sadd.s32 $0xFFFFFEF7, lr;
	s5 =	simm.s32 $0xFFFFFFFF;
	p2 =	slt.u32 s8, $0xFFFFF086  }
0x1c: {  	p1 =	slt.u32 s9, $0xF7A;
	s5 =	simm.s32 @!p2 $0x0  }
0x1d: {  	s5 =	simm.s32 @p1 $0x1;
	p0 =	seq.s32 s7, s2  }
0x1e: {  	s7 =	smul.u32 @!p0 $0xF7A, s2;
	p2 =	seq.s32 @!p0 s5, $0x0  }
0x1f: {  	s9 =	smul.u32 $0xF7A, s1;
	s8 =	simm.s32 @!p0 $0x1BF5;
	p2 =	por !p2, p0  }
0x20: {  	[sflag:s8] =	ssyncset.s32 @!p0 $0xFFFFF086;
	s6 =	sadd.s32 @!p0 s3, s7;
	s7 =	simm.s32 @!p0 $0x108  }
0x21: {  	s3 =	sadd.s32 s3, s9;
	s6 =	sadd.s32 @!p0 $0x88, s6;
	s7 =	simm.s32 @p2 $0x1082  }
0x22: {  	[simem:s7], [sflag:s8] =	dma.local @!p0 [hbm:s6], $0xF7A  }
0x23: {  	s9 =	sor.u32 $0xD0000000, s2;
	s6 =	simm.s32 $0x108;
	_ =	swait.ge @!p0 [sflag:s8], $0x0  }
0x24: {  	s3 =	sadd.s32 $0x88, s3;
	s6 =	simm.s32 @!p1 $0x1082;
	[sflag:s4] =	ssyncset.s32 $0xFFFFF086  }
0x25: {  	[simem:s6], [sflag:s4] =	dma.local [hbm:s3], $0xF7A  }
0x26: {  	[smem:$0x3F95] =	sst s1;
	(tag) =	ssettag s2;
	_ =	strace s9  }
0x27: {  	s1 =	sld [smem:$0x3FA5]  }
0x28: {  	s2 =	sld [smem:$0x3FA6]  }
0x29: {  	s4 =	sld [smem:$0x3FA8]  }
0x2a: {  	p0 =	seq.s32 s5, $0x0;
	s5 =	sld [smem:$0x3FA9]  }
0x2b: {  	s6 =	sld [smem:$0x3FAA]  }
0x2c: {  	s7 =	sld [smem:$0x3FAB]  }
0x2d: {  	s3 =	simm.s32 $0x108;
	s8 =	sld [smem:$0x3FAC]  }
0x2e: {  	s3 =	simm.s32 @!p0 $0x1082;
	s9 =	sld [smem:$0x3FAD]  }
0x2f: {  	lr =	sadd.s32 s0, s3;
	s0 =	sld [smem:$0x3FA4]  }
0x30: {  	s3 =	sld [smem:$0x3FA7]  }
0x31: {  	[smem:$0x3FB0] =	sst s10  }
0x32: {  	s10 =	sld [smem:$0x3FAE];
	_ =	sdelay $0x3  }
0x33: {  	p0 =	seq.s32 s10, $0x1;
	s10 =	sld [smem:$0x3FB0];
	_ =	sdelay $0x3  }
0x34: {  	[smem:$0x3FB0] =	sst s10  }
0x35: {  	s10 =	sld [smem:$0x3FAF];
	_ =	sdelay $0x3  }
0x36: {  	p1 =	seq.s32 s10, $0x1;
	s10 =	sld [smem:$0x3FB0];
	_ =	sdelay $0x3  }
0x37: {  	[smem:$0x3FB0] =	sst s10  }
0x38: {  	s10 =	sld [smem:$0x3FB1]  }
0x39: {  	_ = 	snop;
	(pc) =	sbr.ind lr, $3  }
0x3a: {  	_ = 	snop  }
0x3b: {  	_ = 	snop  }
0x3c: {  	p2 =	seq.s32 s10, $0x1;
	s10 =	sld [smem:$0x3FB0]  }
0x3d: {  	_ =	shalt  }
0x3e: {  	_ =	shalt  }
0x3f: {  	_ =	shalt  }
0x40: {  	_ =	shalt  }
0x41: {  	_ =	shalt  }
0x42: {  	_ =	shalt  }
0x43: {  	_ =	shalt  }
0x44: {  	_ =	shalt  }
0x45: {  	_ =	shalt  }
0x46: {  	_ =	shalt  }
0x47: {  	_ =	shalt  }
0x48: {  	_ =	shalt  }
0x49: {  	_ =	shalt  }
0x4a: {  	_ =	shalt  }
0x4b: {  	_ =	shalt  }
0x4c: {  	_ =	shalt  }
0x4d: {  	_ =	shalt  }
0x4e: {  	_ =	shalt  }
0x4f: {  	_ =	shalt  }
0x50: {  	_ =	shalt  }
0x51: {  	_ =	shalt  }
0x52: {  	_ =	shalt  }
0x53: {  	_ =	shalt  }
0x54: {  	_ =	shalt  }
0x55: {  	_ =	shalt  }
0x56: {  	_ =	shalt  }
0x57: {  	_ =	shalt  }
0x58: {  	_ =	shalt  }
0x59: {  	_ =	shalt  }
0x5a: {  	_ =	shalt  }
0x5b: {  	_ =	shalt  }
0x5c: {  	_ =	shalt  }
0x5d: {  	_ =	shalt  }
0x5e: {  	_ =	shalt  }
0x5f: {  	_ =	shalt  }
0x60: {  	_ =	shalt  }
0x61: {  	_ =	shalt  }
0x62: {  	_ =	shalt  }
0x63: {  	_ =	shalt  }
0x64: {  	_ =	shalt  }
0x65: {  	_ =	shalt  }
0x66: {  	_ =	shalt  }
0x67: {  	_ =	shalt  }
0x68: {  	_ =	shalt  }
0x69: {  	_ =	shalt  }
0x6a: {  	_ =	shalt  }
0x6b: {  	_ =	shalt  }
0x6c: {  	_ =	shalt  }
0x6d: {  	_ =	shalt  }
0x6e: {  	_ =	shalt  }
0x6f: {  	_ =	shalt  }
0x70: {  	_ =	shalt  }
0x71: {  	_ =	shalt  }
0x72: {  	_ =	shalt  }
0x73: {  	_ =	shalt  }
0x74: {  	_ =	shalt  }
0x75: {  	_ =	shalt  }
0x76: {  	_ =	shalt  }
0x77: {  	_ =	shalt  }
0x78: {  	_ =	shalt  }
0x79: {  	_ =	shalt  }
0x7a: {  	_ =	shalt  }
0x7b: {  	_ =	shalt  }
0x7c: {  	_ =	shalt  }
0x7d: {  	_ =	shalt  }
0x7e: {  	_ =	shalt  }
0x7f: {  	_ =	shalt  }
0x80: {  	_ =	shalt  }
0x81: {  	_ =	shalt  }
0x82: {  	_ =	shalt  }
0x83: {  	_ =	shalt  }
0x84: {  	_ =	shalt  }
0x85: {  	_ =	shalt  }
0x86: {  	_ =	shalt  }
0x87: {  	_ =	shalt  }
.Lfunc_end0:
.L_simem_size_0:
called_computation_lowered:
.L_overlay_start_0:
0x88: {  	s2 =	sld [smem:$0x3FD9]  }
0x89: {  	s3 =	sld [smem:$0x3FFE];
	_ =	sdelay $0x1  }
0x8a: {  	s1 =	srdreg.scid  }
0x8b: {  	s0 =	sand.u32 $0x1, s1  }
0x8c: {  	s16 =	sshll.u32 s0, $0xA;
	s2 =	sadd.s32 s3, s2  }
0x8d: {  	s2 =	sadd.s32 s2, s16  }
0x8e: {  	[smem:$0x3FBC] =	sst s2  }
0x8f: {  	_ = 	snop  }
0x90: {  	(tm) =	ssettm $0x1  }
0x91: {  	s17 =	sld [smem:$0x3FFB];
	_ =	sdelay $0x3  }
0x92: {  	_ =	strace s17  }
0x93: {  	s2 =	sld [smem:$0x3FFC];
	_ =	sdelay $0x3  }
0x94: {  	_ =	strace s2  }
0x95: {  	s2 =	sld [smem:$0x3FFD];
	_ =	sdelay $0x3  }
0x96: {  	_ =	strace s2  }
0x97: {  	_ =	strace $0x8FFFFFFF  }
0x98: {  	s18 =	sld [smem:$0x3FDB];
	_ =	sdelay $0x1  }
0x99: {  	s19 =	simm.s32 $_scs_section_size  }
0x9a: {  	s4 =	simm.s32 $_size__tile_overlayer_lowered;
	s5 =	simm.s32 $_tile_overlayer_lowered  }
0x9b: {  	s22 =	simm.s32 $0x1BFF;
	s21 =	sshll.u32 s5, $0x1;
	s2 =	sadd.s32 s19, s18  }
0x9c: {  	s6 =	simm.s32 $0x0;
	s20 =	sshll.u32 s4, $0x1;
	s4 =	sadd.s32 s21, s2  }
0x9d: {  	[timem:s6], [sflag:s22] =	dma.local [hbm:s4], s20  }
0x9e: {  	_ =	swait.ge [sflag:s22], s20  }
0x9f: {  	s3 =	ssub.s32 $0x0, s20;
	[sflag:s22] =	ssyncset.done $0x0  }
0xa0: {  	[sflag:s22] =	ssyncadd.s32 s3;
	_ =	sdelay $0x1  }
0xa1: {  	s23 =	simm.s32 $0x1B8B  }
0xa2: {  	_ =	swait.ge [sflag:s23], $0x1  }
0xa3: {  	[sflag:s23] =	ssyncset.done $0x0  }
0xa4: {  	s25 =	simm.s32 $0x1B8E;
	s24 =	sld [smem:$0x3FFE];
	[sflag:s23] =	ssyncadd.s32 $0xFFFFFFFF  }
0xa5: {  	s26 =	simm.s32 $execute0_lowered;
	[smem:$0x3FD2] =	sst s25  }
0xa6: {  	s4 =	sshll.u32 s26, $0x1;
	_ =	strace $0x80000046;
	[dreg:$0x1] =	wrdreg $0xFFFFFFFF  }
0xa7: {  	s28 =	simm.s32 $_size_execute0_lowered;
	s2 =	sadd.s32 s2, s4;
	[dreg:$0x0] =	wrdreg $0x0  }
0xa8: {  	s4 =	sshll.u32 s28, $0x1;
	[dreg:$0x2] =	wrdreg s2  }
0xa9: {  	[dreg:$0x3] =	wrdreg s4  }
0xaa: {  	[dreg:$0x4] =	wrdreg $0xC0  }
0xab: {  	_ =	task [dreg:s6], $0x5FFFF  }
0xac: {  	[dreg:$0x1] =	wrdreg $0xFFFFFFFF  }
0xad: {  	[dreg:$0x0] =	wrdreg $0x60  }
0xae: {  	[dreg:$0x2] =	wrdreg s24  }
0xaf: {  	[dreg:$0x3] =	wrdreg $0x40800  }
0xb0: {  	[dreg:$0x4] =	wrdreg $0x9  }
0xb1: {  	_ =	task.clear_ibuf [dreg:s6], $0x5FFFF;
	_ =	strace $0x90000046  }
0xb2: {  	s29 =	simm.s32 $0x9;
	_ =	strace $0x80000048  }
0xb3: {  	_ =	swait.ge [sflag:s29], $0x1  }
0xb4: {  	[sflag:s29] =	ssyncadd.s32 $0xFFFFFFFF  }
0xb5: {  	_ =	strace $0x90000048  }
0xb6: {  	_ =	sfence  }
0xb7: {  	s30 =	sld [smem:$0x0];
	_ =	sdelay $0x2  }
0xb8: {  	s31 =	sshll.u32 s1, $0xD;
	s1 =	sshrl.u32 s1, $0x2  }
0xb9: {  	s3 =	sand.u32 $0x4000, s31;
	s1 =	sadd.s32 s1, s30  }
0xba: {  	s0 =	sor.u32 s3, s0;
	s1 =	sshll.u32 s1, $0x11  }
0xbb: {  	s0 =	sor.u32 s1, s0  }
0xbc: {  	s0 =	sadd.s32 $0x8F2B, s0  }
0xbd: {  	[sflag:s0] =	ssyncadd.remote.s32 $0x1  }
0xbe: {  	_ =	sfence.sel $0xFFFF  }
0xbf: {  	[dreg:$0x0] =	wrdreg $0xFFFFFFFF;
	(pc) =	sbr.abs _section_cstart, $3  }
0xc0: {  	[dreg:$0x1] =	wrdreg $0xFFFFFFFF  }
0xc1: {  	_ =	task.clear_ibuf [dreg:s6], $0x2FFFF;
	_ =	strace $0x9FFFFFFF  }
0xc2: {  	(tm) =	ssettm $0x7FFFFFFF  }
0xc3: {  	_ =	shalt  }
tec
execute0_lowered:
.L_overlay_start_1:
0x0: {  	(tag) =	ssettag $0x1  }
0x1: {  	s4 =	rddreg [dreg:$0x0]  }
0x2: {  	s0 =	srdreg.scid;
	s2 =	rddreg [dreg:$0x1]  }
0x3: {  	s1 =	rddreg [dreg:$0x2];
	s5 =	sand.u32 $0x1, s0  }
0x4: {  	s0 =	stileid.u32;
	s6 =	smul.u32 $0x140000, s5  }
0x5: {  	s3 =	simm.s32 $0x0;
	s13 =	simm.s32 $0x1;
	s7 =	smul.u32 $0x14000, s0  }
0x6: {  	s16 =	simm.s32 $0x0;
	[smem:$0x7FF] =	sst s3;
	s8 =	smul.u32 $0x5000, s5  }
0x7: {  	s29 =	smul.u32 $0x50000, s0;
	_ =	strace $0x80000047;
	s5 =	ssub.s32 $0x2, s5  }
0x8: {  	s11 =	smul.u32 $0x500, s0;
	s14 =	sshll.u32 s0, $0x6;
	s31 =	sshrl.u32 s5, $0x1  }
0x9: {  	s14 =	sor.u32 $0x1C01, s14;
	s6 =	sadd.s32 s7, s6;
	s9 =	sadd.s32 s8, s4  }
0xa: {  	s30 =	sshrl.u32 s29, $0x2;
	s12 =	ssub.s32 s5, s31;
	s6 =	sshrl.u32 s6, $0x3  }
0xb: {  	s11 =	sadd.s32 s11, s9;
	s10 =	sadd.s32 s6, s4;
	s4 =	sadd.s32 s30, s2  }
0xc: {  	s11 =	sadd.s32 $0xE400, s11;
	s5 =	sadd.s32 $0x4000, s4;
	s6 =	sadd.s32 $0x8000, s4  }
0xd: {  	s7 =	sadd.s32 $0xC000, s4;
	s8 =	sadd.s32 $0x10000, s4;
	s9 =	sadd.s32 $0x18400, s10  }
0xe: {  	v0 =	vimm.f32 $0.0e+00;
	v1 =	vimm.f32 $1.000000000e+00;
	s10 =	smax.u32 s12, $0x1;
	s12 =	simm.s32 $0x80;
	s15 =	sshrl.u32 s4, $0x3  }
.LBB2_1:
0xf: {  	s17 =	simm.s32 $0x0;
	s18 =	simm.s32 $0x200  }
.LBB2_2:
0x10: {  	p0 =	sne.s32 s18, $0xFE00;
	[tilespmem:s17+$0xF0] =	vst v0  }
0x11: {  	[tilespmem:s17+$0x80] =	vst v0  }
0x12: {  	[tilespmem:s17+$0x90] =	vst v0  }
.Ltmp0:
0x13: {  	[tilespmem:s17+$0xA0] =	vst v0;
	(pc) =	sbr.rel @p0 .LBB2_2-.Ltmp0, $4  }
0x14: {  	[tilespmem:s17+$0xB0] =	vst v0  }
0x15: {  	[tilespmem:s17+$0xC0] =	vst v0  }
0x16: {  	[tilespmem:s17+$0xD0] =	vst v0  }
0x17: {  	[tilespmem:s17+$0xE0] =	vst v0;
	s17 =	sshra.s32 s18, $0x2;
	s18 =	sadd.s32 $0x200, s18  }
0x18: {  	[tilespmem:s17+$0xF0] =	vst v0  }
0x19: {  	[tilespmem:s17+$0x80] =	vst v0  }
0x1a: {  	[tilespmem:s17+$0x90] =	vst v0  }
0x1b: {  	[tilespmem:s17+$0xA0] =	vst v0  }
0x1c: {  	[tilespmem:s17+$0xB0] =	vst v0  }
0x1d: {  	[tilespmem:s17+$0xC0] =	vst v0  }
0x1e: {  	[tilespmem:s17+$0xD0] =	vst v0  }
0x1f: {  	[tilespmem:s17+$0xE0] =	vst v0  }
0x20: {  	[spmem:s4] =	stream.linear.scatter [tilespmem:s12], [sflag:$0x1], $0x4000, $0x38;
	[tilespmem:$0x18080] =	vst v63  }
0x21: {  	_ =	swait.ge [sflag:s13], $0x4000  }
0x22: {  	[sflag:s13] =	ssyncset.done $0x0  }
0x23: {  	[sflag:s13] =	ssyncadd.s32 $0xFFFFC000  }
0x24: {  	[spmem:s5] =	stream.linear.scatter [tilespmem:s12], [sflag:$0x1], $0x4000, $0x38;
	[tilespmem:$0x18080] =	vst v63  }
0x25: {  	_ =	swait.ge [sflag:s13], $0x4000  }
0x26: {  	[sflag:s13] =	ssyncset.done $0x0  }
0x27: {  	[sflag:s13] =	ssyncadd.s32 $0xFFFFC000  }
0x28: {  	[spmem:s6] =	stream.linear.scatter [tilespmem:s12], [sflag:$0x1], $0x4000, $0x38;
	[tilespmem:$0x18080] =	vst v63  }
0x29: {  	_ =	swait.ge [sflag:s13], $0x4000  }
0x2a: {  	[sflag:s13] =	ssyncset.done $0x0  }
0x2b: {  	[sflag:s13] =	ssyncadd.s32 $0xFFFFC000  }
0x2c: {  	[spmem:s7] =	stream.linear.scatter [tilespmem:s12], [sflag:$0x1], $0x4000, $0x38;
	[tilespmem:$0x18080] =	vst v63  }
0x2d: {  	_ =	swait.ge [sflag:s13], $0x4000  }
0x2e: {  	[sflag:s13] =	ssyncset.done $0x0  }
0x2f: {  	[sflag:s13] =	ssyncadd.s32 $0xFFFFC000  }
0x30: {  	[spmem:s8] =	stream.linear.scatter [tilespmem:s12], [sflag:$0x1], $0x4000, $0x38;
	[tilespmem:$0x18080] =	vst v63  }
0x31: {  	_ =	swait.ge [sflag:s13], $0x4000  }
0x32: {  	[sflag:s13] =	ssyncset.done $0x0  }
0x33: {  	s17 =	simm.s32 $0x0;
	s18 =	simm.s32 $0x200;
	[sflag:s13] =	ssyncadd.s32 $0xFFFFC000  }
.LBB2_4:
0x34: {  	p0 =	sne.s32 s18, $0xFE00;
	[tilespmem:s17+$0xF0] =	vst v1  }
0x35: {  	[tilespmem:s17+$0x80] =	vst v1  }
0x36: {  	[tilespmem:s17+$0x90] =	vst v1  }
.Ltmp1:
0x37: {  	[tilespmem:s17+$0xA0] =	vst v1;
	(pc) =	sbr.rel @p0 .LBB2_4-.Ltmp1, $4  }
0x38: {  	[tilespmem:s17+$0xB0] =	vst v1  }
0x39: {  	[tilespmem:s17+$0xC0] =	vst v1  }
0x3a: {  	[tilespmem:s17+$0xD0] =	vst v1  }
0x3b: {  	[tilespmem:s17+$0xE0] =	vst v1;
	s17 =	sshra.s32 s18, $0x2;
	s18 =	sadd.s32 $0x200, s18  }
0x3c: {  	[tilespmem:s17+$0xF0] =	vst v1  }
0x3d: {  	[tilespmem:s17+$0x80] =	vst v1  }
0x3e: {  	[tilespmem:s17+$0x90] =	vst v1  }
0x3f: {  	[tilespmem:s17+$0xA0] =	vst v1  }
0x40: {  	[tilespmem:s17+$0xB0] =	vst v1  }
0x41: {  	[tilespmem:s17+$0xC0] =	vst v1  }
0x42: {  	[tilespmem:s17+$0xD0] =	vst v1  }
0x43: {  	[tilespmem:s17+$0xE0] =	vst v1  }
0x44: {  	s31 =	sadd.s32 $0x0, s11;
	[bflag:$0x0] =	sbarrier.arrive $0xFFFF  }
0x45: {  	[tilespmem:s3], [sflag:$0x1] =	stream.linear.gather [hbm4b:s31+s3], $0x80, $0x38;
	[tilespmem:$0x18080] =	vst v63  }
0x46: {  	_ =	swait.ge [sflag:s13], $0x80  }
0x47: {  	[sflag:s13] =	ssyncset.done $0x0  }
0x48: {  	[sflag:s13] =	ssyncadd.s32 $0xFFFFFF80  }
0x49: {  	[spmem:s2] =	stream.indirect.scatter.add.f32 [tilespmem:s12], [sflag:$0x1], $0x80, s3, s12, $0xb8;
	[tilespmem:$0x18080] =	vst v63  }
0x4a: {  	_ =	swait.ge [sflag:s13], $0x4000  }
0x4b: {  	s17 =	simm.s32 $0x10;
	s18 =	simm.s32 $0x20;
	[sflag:s13] =	ssyncset.done $0x0  }
.LBB2_6:
0x4c: {  	s19 =	sadd.s32 s17, s11  }
0x4d: {  	[sflag:s13] =	ssyncadd.s32 $0xFFFFC000;
	s17 =	smov.u32 s18;
	s20 =	sadd.s32 $0x10, s18  }
0x4e: {  	[tilespmem:s3], [sflag:$0x1] =	stream.linear.gather [hbm4b:s19+s3], $0x80, $0x38;
	[tilespmem:$0x18080] =	vst v63  }
0x4f: {  	p0 =	sne.s32 s18, $0x4F0;
	_ =	swait.ge [sflag:s13], $0x80  }
.Ltmp2:
0x50: {  	[sflag:s13] =	ssyncset.done $0x0;
	(pc) =	sbr.rel @p0 .LBB2_6-.Ltmp2, $4  }
0x51: {  	[sflag:s13] =	ssyncadd.s32 $0xFFFFFF80  }
0x52: {  	[spmem:s2] =	stream.indirect.scatter.add.f32 [tilespmem:s12], [sflag:$0x1], $0x80, s3, s12, $0xb8;
	[tilespmem:$0x18080] =	vst v63  }
0x53: {  	_ =	swait.ge [sflag:s13], $0x4000  }
0x54: {  	s18 =	smov.u32 s20;
	[sflag:s13] =	ssyncset.done $0x0  }
0x55: {  	s17 =	sadd.s32 s17, s11;
	[sflag:s13] =	ssyncadd.s32 $0xFFFFC000  }
0x56: {  	[tilespmem:s3], [sflag:$0x1] =	stream.linear.gather [hbm4b:s17+s3], $0x80, $0x38;
	[tilespmem:$0x18080] =	vst v63  }
0x57: {  	_ =	swait.ge [sflag:s13], $0x80  }
0x58: {  	[sflag:s13] =	ssyncset.done $0x0  }
0x59: {  	[sflag:s13] =	ssyncadd.s32 $0xFFFFFF80  }
0x5a: {  	[spmem:s2] =	stream.indirect.scatter.add.f32 [tilespmem:s12], [sflag:$0x1], $0x80, s3, s12, $0xb8;
	[tilespmem:$0x18080] =	vst v63  }
0x5b: {  	_ =	swait.ge [sflag:s13], $0x4000  }
0x5c: {  	s16 =	sadd.s32 $0x1, s16;
	[sflag:s13] =	ssyncset.done $0x0  }
0x5d: {  	p0 =	sne.s32 s16, s10;
	[sflag:s13] =	ssyncadd.s32 $0xFFFFC000  }
.Ltmp3:
0x5e: {  	[bflag:$0x0] =	sbarrier.arrive $0xFFFF;
	(pc) =	sbr.rel @p0 .LBB2_1-.Ltmp3, $4  }
0x5f: {  	[hbm:s9], [sflag:s14] =	dma.local [spmem:s15], $0x2800  }
0x60: {  	_ =	swait.ge [sflag:s13], $0x2800  }
0x61: {  	[sflag:s13] =	ssyncset.done $0x0  }
0x62: {  	[sflag:s13] =	ssyncadd.s32 $0xFFFFD800  }
0x63: {  	_ =	sfence.sel $0x180000  }
0x64: {  	[bflag:$0x0] =	sbarrier.arrive $0xFFFF  }
0x65: {  	p0 =	sne.s32 s0, $0x0;
	_ =	strace $0x90000047  }
0x66: {  	s0 =	sadd.s32 @!p0 $0x100000, s1;
	[bflag:$0x2] =	sbarrier.arrive $0xFFFF  }
0x67: {  	[sflag:s0] =	ssyncadd.tile.s32 @!p0 $0x1;
	_ =	shalt  }
.Lfunc_end2:
_tile_overlayer_lowered:
.L_overlay_start_2:
0x68: {  	(tag) =	ssettag $0x2  }
0x69: {  	s0 =	rddreg [dreg:$0x0];
	s2 =	stileid.u32  }
0x6a: {  	s1 =	rddreg [dreg:$0x1];
	p0 =	sne.s32 s2, $0x0  }
0x6b: {  	s3 =	rddreg [dreg:$0x2];
	[bflag:$0x3] =	sbarrier.arrive $0xFFFF;
	s2 =	simm.s32 @!p0 $0x1C01  }
0x6c: {  	[timem:s3], [sflag:s2] =	dma.local @!p0 [hbm:s0], s1  }
0x6d: {  	s0 =	simm.s32 @!p0 $0x1  }
0x6e: {  	_ =	swait.ge @!p0 [sflag:s0], s1  }
0x6f: {  	s1 =	ssub.s32 @!p0 $0x0, s1;
	[sflag:s0] =	ssyncset.done @!p0 $0x0  }
0x70: {  	[sflag:s0] =	ssyncadd.s32 @!p0 s1  }
0x71: {  	[bflag:$0x3] =	sbarrier.arrive $0xFFFF  }
0x72: {  	_ =	shalt  }

// kernel: kernel.16.cloned.1.call-start
scs
__scs_entry_jumppad:
0x0: {  	(pc) =	sbr.rel $0x88, $3  }
0x1: {  	(tag) =	ssettag $0x0;
	lr =	simm.s32 $0x1  }
0x2: {  	[smem:$0x3F95] =	sst lr;
	_ =	strace $0xD0000000  }
0x3: {  	_ = 	snop  }
0x4: {  	_ = 	snop  }
0x5: {  	_ = 	snop  }
0x6: {  	_ = 	snop  }
0x7: {  	_ = 	snop  }
__scs_overlays_trampoline_lowered:
0x8: {  	[smem:$0x3FA4] =	sst s0  }
0x9: {  	[smem:$0x3FA5] =	sst s1  }
0xa: {  	[smem:$0x3FA6] =	sst s2  }
0xb: {  	[smem:$0x3FA7] =	sst s3  }
0xc: {  	[smem:$0x3FA8] =	sst s4  }
0xd: {  	[smem:$0x3FA9] =	sst s5  }
0xe: {  	[smem:$0x3FAA] =	sst s6  }
0xf: {  	[smem:$0x3FAB] =	sst s7  }
0x10: {  	[smem:$0x3FAC] =	sst s8  }
0x11: {  	[smem:$0x3FAD] =	sst s9;
	s0 =	simm.s32 @!p0 $0x0  }
0x12: {  	s1 =	sld [smem:$0x3F93];
	s0 =	simm.s32 @p0 $0x1  }
0x13: {  	[smem:$0x3FAE] =	sst s0;
	s0 =	simm.s32 @!p1 $0x0  }
0x14: {  	s2 =	sld [smem:$0x3F92];
	s0 =	simm.s32 @p1 $0x1  }
0x15: {  	[smem:$0x3FAF] =	sst s0;
	s0 =	simm.s32 @!p2 $0x0  }
0x16: {  	s3 =	sld [smem:$0x3FDB];
	s0 =	simm.s32 @p2 $0x1  }
0x17: {  	s4 =	simm.s32 $0x1BF5;
	[smem:$0x3FB1] =	sst s0  }
0x18: {  	s0 =	sld [smem:$0x3F94];
	_ =	swait.ge [sflag:s4], $0x0  }
0x19: {  	s7 =	sld [smem:$0x3F95]  }
0x1a: {  	s8 =	sadd.s32 $0xFFFFE003, lr  }
0x1b: {  	s9 =	sadd.s32 $0xFFFFFEF7, lr;
	s5 =	simm.s32 $0xFFFFFFFF;
	p2 =	slt.u32 s8, $0xFFFFF086  }
0x1c: {  	p1 =	slt.u32 s9, $0xF7A;
	s5 =	simm.s32 @!p2 $0x0  }
0x1d: {  	s5 =	simm.s32 @p1 $0x1;
	p0 =	seq.s32 s7, s2  }
0x1e: {  	s7 =	smul.u32 @!p0 $0xF7A, s2;
	p2 =	seq.s32 @!p0 s5, $0x0  }
0x1f: {  	s9 =	smul.u32 $0xF7A, s1;
	s8 =	simm.s32 @!p0 $0x1BF5;
	p2 =	por !p2, p0  }
0x20: {  	[sflag:s8] =	ssyncset.s32 @!p0 $0xFFFFF086;
	s6 =	sadd.s32 @!p0 s3, s7;
	s7 =	simm.s32 @!p0 $0x108  }
0x21: {  	s3 =	sadd.s32 s3, s9;
	s6 =	sadd.s32 @!p0 $0x88, s6;
	s7 =	simm.s32 @p2 $0x1082  }
0x22: {  	[simem:s7], [sflag:s8] =	dma.local @!p0 [hbm:s6], $0xF7A  }
0x23: {  	s9 =	sor.u32 $0xD0000000, s2;
	s6 =	simm.s32 $0x108;
	_ =	swait.ge @!p0 [sflag:s8], $0x0  }
0x24: {  	s3 =	sadd.s32 $0x88, s3;
	s6 =	simm.s32 @!p1 $0x1082;
	[sflag:s4] =	ssyncset.s32 $0xFFFFF086  }
0x25: {  	[simem:s6], [sflag:s4] =	dma.local [hbm:s3], $0xF7A  }
0x26: {  	[smem:$0x3F95] =	sst s1;
	(tag) =	ssettag s2;
	_ =	strace s9  }
0x27: {  	s1 =	sld [smem:$0x3FA5]  }
0x28: {  	s2 =	sld [smem:$0x3FA6]  }
0x29: {  	s4 =	sld [smem:$0x3FA8]  }
0x2a: {  	p0 =	seq.s32 s5, $0x0;
	s5 =	sld [smem:$0x3FA9]  }
0x2b: {  	s6 =	sld [smem:$0x3FAA]  }
0x2c: {  	s7 =	sld [smem:$0x3FAB]  }
0x2d: {  	s3 =	simm.s32 $0x108;
	s8 =	sld [smem:$0x3FAC]  }
0x2e: {  	s3 =	simm.s32 @!p0 $0x1082;
	s9 =	sld [smem:$0x3FAD]  }
0x2f: {  	lr =	sadd.s32 s0, s3;
	s0 =	sld [smem:$0x3FA4]  }
0x30: {  	s3 =	sld [smem:$0x3FA7]  }
0x31: {  	[smem:$0x3FB0] =	sst s10  }
0x32: {  	s10 =	sld [smem:$0x3FAE];
	_ =	sdelay $0x3  }
0x33: {  	p0 =	seq.s32 s10, $0x1;
	s10 =	sld [smem:$0x3FB0];
	_ =	sdelay $0x3  }
0x34: {  	[smem:$0x3FB0] =	sst s10  }
0x35: {  	s10 =	sld [smem:$0x3FAF];
	_ =	sdelay $0x3  }
0x36: {  	p1 =	seq.s32 s10, $0x1;
	s10 =	sld [smem:$0x3FB0];
	_ =	sdelay $0x3  }
0x37: {  	[smem:$0x3FB0] =	sst s10  }
0x38: {  	s10 =	sld [smem:$0x3FB1]  }
0x39: {  	_ = 	snop;
	(pc) =	sbr.ind lr, $3  }
0x3a: {  	_ = 	snop  }
0x3b: {  	_ = 	snop  }
0x3c: {  	p2 =	seq.s32 s10, $0x1;
	s10 =	sld [smem:$0x3FB0]  }
0x3d: {  	_ =	shalt  }
0x3e: {  	_ =	shalt  }
0x3f: {  	_ =	shalt  }
0x40: {  	_ =	shalt  }
0x41: {  	_ =	shalt  }
0x42: {  	_ =	shalt  }
0x43: {  	_ =	shalt  }
0x44: {  	_ =	shalt  }
0x45: {  	_ =	shalt  }
0x46: {  	_ =	shalt  }
0x47: {  	_ =	shalt  }
0x48: {  	_ =	shalt  }
0x49: {  	_ =	shalt  }
0x4a: {  	_ =	shalt  }
0x4b: {  	_ =	shalt  }
0x4c: {  	_ =	shalt  }
0x4d: {  	_ =	shalt  }
0x4e: {  	_ =	shalt  }
0x4f: {  	_ =	shalt  }
0x50: {  	_ =	shalt  }
0x51: {  	_ =	shalt  }
0x52: {  	_ =	shalt  }
0x53: {  	_ =	shalt  }
0x54: {  	_ =	shalt  }
0x55: {  	_ =	shalt  }
0x56: {  	_ =	shalt  }
0x57: {  	_ =	shalt  }
0x58: {  	_ =	shalt  }
0x59: {  	_ =	shalt  }
0x5a: {  	_ =	shalt  }
0x5b: {  	_ =	shalt  }
0x5c: {  	_ =	shalt  }
0x5d: {  	_ =	shalt  }
0x5e: {  	_ =	shalt  }
0x5f: {  	_ =	shalt  }
0x60: {  	_ =	shalt  }
0x61: {  	_ =	shalt  }
0x62: {  	_ =	shalt  }
0x63: {  	_ =	shalt  }
0x64: {  	_ =	shalt  }
0x65: {  	_ =	shalt  }
0x66: {  	_ =	shalt  }
0x67: {  	_ =	shalt  }
0x68: {  	_ =	shalt  }
0x69: {  	_ =	shalt  }
0x6a: {  	_ =	shalt  }
0x6b: {  	_ =	shalt  }
0x6c: {  	_ =	shalt  }
0x6d: {  	_ =	shalt  }
0x6e: {  	_ =	shalt  }
0x6f: {  	_ =	shalt  }
0x70: {  	_ =	shalt  }
0x71: {  	_ =	shalt  }
0x72: {  	_ =	shalt  }
0x73: {  	_ =	shalt  }
0x74: {  	_ =	shalt  }
0x75: {  	_ =	shalt  }
0x76: {  	_ =	shalt  }
0x77: {  	_ =	shalt  }
0x78: {  	_ =	shalt  }
0x79: {  	_ =	shalt  }
0x7a: {  	_ =	shalt  }
0x7b: {  	_ =	shalt  }
0x7c: {  	_ =	shalt  }
0x7d: {  	_ =	shalt  }
0x7e: {  	_ =	shalt  }
0x7f: {  	_ =	shalt  }
0x80: {  	_ =	shalt  }
0x81: {  	_ =	shalt  }
0x82: {  	_ =	shalt  }
0x83: {  	_ =	shalt  }
0x84: {  	_ =	shalt  }
0x85: {  	_ =	shalt  }
0x86: {  	_ =	shalt  }
0x87: {  	_ =	shalt  }
.Lfunc_end0:
.L_simem_size_0:
called_computation.1_lowered:
.L_overlay_start_0:
0x88: {  	s2 =	sld [smem:$0x3FD9]  }
0x89: {  	s3 =	sld [smem:$0x3FFE];
	_ =	sdelay $0x1  }
0x8a: {  	s1 =	srdreg.scid  }
0x8b: {  	s0 =	sand.u32 $0x1, s1  }
0x8c: {  	s16 =	sshll.u32 s0, $0xA;
	s2 =	sadd.s32 s3, s2  }
0x8d: {  	s2 =	sadd.s32 s2, s16  }
0x8e: {  	[smem:$0x3FBC] =	sst s2  }
0x8f: {  	_ = 	snop  }
0x90: {  	(tm) =	ssettm $0x1  }
0x91: {  	s17 =	sld [smem:$0x3FFB];
	_ =	sdelay $0x3  }
0x92: {  	_ =	strace s17  }
0x93: {  	s2 =	sld [smem:$0x3FFC];
	_ =	sdelay $0x3  }
0x94: {  	_ =	strace s2  }
0x95: {  	s2 =	sld [smem:$0x3FFD];
	_ =	sdelay $0x3  }
0x96: {  	_ =	strace s2  }
0x97: {  	_ =	strace $0x8FFFFFFF  }
0x98: {  	s18 =	sld [smem:$0x3FDB];
	_ =	sdelay $0x1  }
0x99: {  	s19 =	simm.s32 $_scs_section_size  }
0x9a: {  	s4 =	simm.s32 $_size__tile_overlayer_lowered;
	s5 =	simm.s32 $_tile_overlayer_lowered  }
0x9b: {  	s22 =	simm.s32 $0x1BFF;
	s21 =	sshll.u32 s5, $0x1;
	s2 =	sadd.s32 s19, s18  }
0x9c: {  	s6 =	simm.s32 $0x0;
	s20 =	sshll.u32 s4, $0x1;
	s4 =	sadd.s32 s21, s2  }
0x9d: {  	[timem:s6], [sflag:s22] =	dma.local [hbm:s4], s20  }
0x9e: {  	_ =	swait.ge [sflag:s22], s20  }
0x9f: {  	s3 =	ssub.s32 $0x0, s20;
	[sflag:s22] =	ssyncset.done $0x0  }
0xa0: {  	[sflag:s22] =	ssyncadd.s32 s3;
	_ =	sdelay $0x1  }
0xa1: {  	s23 =	simm.s32 $0x1B8B  }
0xa2: {  	_ =	swait.ge [sflag:s23], $0x1  }
0xa3: {  	[sflag:s23] =	ssyncset.done $0x0  }
0xa4: {  	s25 =	simm.s32 $0x1B8E;
	s24 =	sld [smem:$0x3FFE];
	[sflag:s23] =	ssyncadd.s32 $0xFFFFFFFF  }
0xa5: {  	s26 =	simm.s32 $execute0_lowered;
	[smem:$0x3FD2] =	sst s25  }
0xa6: {  	s4 =	sshll.u32 s26, $0x1;
	_ =	strace $0x80000049;
	[dreg:$0x1] =	wrdreg $0xFFFFFFFF  }
0xa7: {  	s28 =	simm.s32 $_size_execute0_lowered;
	s2 =	sadd.s32 s2, s4;
	[dreg:$0x0] =	wrdreg $0x0  }
0xa8: {  	s4 =	sshll.u32 s28, $0x1;
	[dreg:$0x2] =	wrdreg s2  }
0xa9: {  	[dreg:$0x3] =	wrdreg s4  }
0xaa: {  	[dreg:$0x4] =	wrdreg $0xC0  }
0xab: {  	_ =	task [dreg:s6], $0x5FFFF  }
0xac: {  	[dreg:$0x1] =	wrdreg $0xFFFFFFFF  }
0xad: {  	[dreg:$0x0] =	wrdreg $0x60  }
0xae: {  	[dreg:$0x2] =	wrdreg s24  }
0xaf: {  	[dreg:$0x3] =	wrdreg $0xA8000  }
0xb0: {  	[dreg:$0x4] =	wrdreg $0x9  }
0xb1: {  	_ =	task.clear_ibuf [dreg:s6], $0x5FFFF;
	_ =	strace $0x90000049  }
0xb2: {  	s29 =	simm.s32 $0x9;
	_ =	strace $0x8000004B  }
0xb3: {  	_ =	swait.ge [sflag:s29], $0x1  }
0xb4: {  	[sflag:s29] =	ssyncadd.s32 $0xFFFFFFFF  }
0xb5: {  	_ =	strace $0x9000004B  }
0xb6: {  	_ =	sfence  }
0xb7: {  	s30 =	sld [smem:$0x0];
	_ =	sdelay $0x2  }
0xb8: {  	s31 =	sshll.u32 s1, $0xD;
	s1 =	sshrl.u32 s1, $0x2  }
0xb9: {  	s3 =	sand.u32 $0x4000, s31;
	s1 =	sadd.s32 s1, s30  }
0xba: {  	s0 =	sor.u32 s3, s0;
	s1 =	sshll.u32 s1, $0x11  }
0xbb: {  	s0 =	sor.u32 s1, s0  }
0xbc: {  	s0 =	sadd.s32 $0x8F2B, s0  }
0xbd: {  	[sflag:s0] =	ssyncadd.remote.s32 $0x1  }
0xbe: {  	_ =	sfence.sel $0xFFFF  }
0xbf: {  	[dreg:$0x0] =	wrdreg $0xFFFFFFFF;
	(pc) =	sbr.abs _section_cstart, $3  }
0xc0: {  	[dreg:$0x1] =	wrdreg $0xFFFFFFFF  }
0xc1: {  	_ =	task.clear_ibuf [dreg:s6], $0x2FFFF;
	_ =	strace $0x9FFFFFFF  }
0xc2: {  	(tm) =	ssettm $0x7FFFFFFF  }
0xc3: {  	_ =	shalt  }
tec
execute0_lowered:
.L_overlay_start_1:
0x0: {  	(tag) =	ssettag $0x1  }
0x1: {  	s5 =	rddreg [dreg:$0x0]  }
0x2: {  	s1 =	rddreg [dreg:$0x1];
	s2 =	srdreg.scid  }
0x3: {  	s3 =	simm.s32 $0x0;
	s17 =	simm.s32 $0x1;
	s18 =	simm.s32 $0x80  }
0x4: {  	s19 =	simm.s32 $0x6800;
	s20 =	simm.s32 $0x2800;
	s21 =	simm.s32 $0x3  }
0x5: {  	s22 =	simm.s32 $0x2;
	s23 =	simm.s32 $0x1380;
	s24 =	simm.s32 $0x2700  }
0x6: {  	s25 =	simm.s32 $0x2780;
	s6 =	sand.u32 $0x1, s2;
	s2 =	stileid.u32  }
0x7: {  	s26 =	simm.s32 $0x0;
	[smem:$0x7FF] =	sst s3;
	s4 =	smul.u32 $0x140000, s6  }
0x8: {  	s12 =	sadd.s32 $0x4400, s5;
	s13 =	sadd.s32 $0xE400, s5;
	s7 =	smul.u32 $0x14000, s2  }
0x9: {  	s8 =	sshll.u32 s6, $0x4;
	s9 =	smul.u32 $0x50000, s2;
	s30 =	ssub.s32 $0x2, s6  }
0xa: {  	_ =	strace $0x8000004A;
	s8 =	sor.u32 s2, s8;
	s6 =	sshrl.u32 s30, $0x1  }
0xb: {  	s4 =	sadd.s32 s7, s4;
	s28 =	smul.u32 $0x2800, s8;
	s31 =	sshrl.u32 s9, $0x2  }
0xc: {  	s16 =	ssub.s32 s30, s6;
	s29 =	sshrl.u32 s4, $0x3;
	s4 =	sadd.s32 $0x68400, s5  }
0xd: {  	s6 =	sadd.s32 s31, s1;
	s14 =	sadd.s32 s29, s5;
	s15 =	sshrl.u32 s28, $0x3  }
0xe: {  	s8 =	sadd.s32 $0x4000, s6;
	s9 =	sadd.s32 $0x8000, s6;
	s10 =	sadd.s32 $0xC000, s6  }
0xf: {  	s5 =	sadd.s32 s12, s15;
	s7 =	sadd.s32 s13, s15;
	s15 =	sadd.s32 $0x280, s15  }
0x10: {  	s11 =	sadd.s32 $0x10000, s6;
	s14 =	sadd.s32 $0x8F600, s14;
	s12 =	sadd.s32 s12, s15  }
0x11: {  	v0 =	vimm.f32 $0.0e+00;
	s13 =	sadd.s32 s13, s15;
	s15 =	smax.u32 s16, $0x1;
	s16 =	simm.s32 $0x1400  }
.LBB2_1:
0x12: {  	[tilespmem:s3], [sflag:$0x1] =	stream.linear.gather [hbm4b:s5+s3], $0x1400, $0x38;
	[tilespmem:$0x1E800] =	vst v63  }
0x13: {  	s28 =	simm.s32 $0x0;
	s29 =	simm.s32 $0x200  }
0x14: {  	[tilespmem:s16], [sflag:$0x2] =	stream.linear.gather [hbm4b:s7+s3], $0x1400, $0x38;
	[tilespmem:$0x1E800] =	vst v63  }
.LBB2_2:
0x15: {  	p0 =	sne.s32 s29, $0xFE00;
	[tilespmem:s28+$0x2870] =	vst v0  }
0x16: {  	[tilespmem:s28+$0x2800] =	vst v0  }
0x17: {  	[tilespmem:s28+$0x2810] =	vst v0  }
.Ltmp0:
0x18: {  	[tilespmem:s28+$0x2820] =	vst v0;
	(pc) =	sbr.rel @p0 .LBB2_2-.Ltmp0, $4  }
0x19: {  	[tilespmem:s28+$0x2830] =	vst v0  }
0x1a: {  	[tilespmem:s28+$0x2840] =	vst v0  }
0x1b: {  	[tilespmem:s28+$0x2850] =	vst v0  }
0x1c: {  	[tilespmem:s28+$0x2860] =	vst v0;
	s28 =	sshra.s32 s29, $0x2;
	s29 =	sadd.s32 $0x200, s29  }
0x1d: {  	[tilespmem:s28+$0x2870] =	vst v0  }
0x1e: {  	[tilespmem:s28+$0x2800] =	vst v0  }
0x1f: {  	[tilespmem:s28+$0x2810] =	vst v0  }
0x20: {  	[tilespmem:s28+$0x2820] =	vst v0  }
0x21: {  	[tilespmem:s28+$0x2830] =	vst v0  }
0x22: {  	[tilespmem:s28+$0x2840] =	vst v0  }
0x23: {  	[tilespmem:s28+$0x2850] =	vst v0  }
0x24: {  	[tilespmem:s28+$0x2860] =	vst v0  }
0x25: {  	_ =	swait.ge [sflag:s17], $0x1400  }
0x26: {  	[sflag:s17] =	ssyncset.done $0x0  }
0x27: {  	s28 =	simm.s32 $0x0;
	[sflag:s17] =	ssyncadd.s32 $0xFFFFEC00  }
0x28: {  	[tilespmem:s19], [sflag:$0x1] =	stream.indirect.gather [hbm4b:s4+s18], $0x80, s28, s18, $0xb8;
	[tilespmem:$0x1E800] =	vst v63  }
0x29: {  	_ = 	snop  }
0x2a: {  	[spmem:s6] =	stream.linear.scatter [tilespmem:s20], [sflag:$0x3], $0x4000, $0x38;
	[tilespmem:$0x1E800] =	vst v63  }
0x2b: {  	_ =	swait.ge [sflag:s21], $0x4000  }
0x2c: {  	[sflag:s21] =	ssyncset.done $0x0  }
0x2d: {  	[sflag:s21] =	ssyncadd.s32 $0xFFFFC000  }
0x2e: {  	[spmem:s8] =	stream.linear.scatter [tilespmem:s20], [sflag:$0x3], $0x4000, $0x38;
	[tilespmem:$0x1E800] =	vst v63  }
0x2f: {  	_ =	swait.ge [sflag:s21], $0x4000  }
0x30: {  	[sflag:s21] =	ssyncset.done $0x0  }
0x31: {  	[sflag:s21] =	ssyncadd.s32 $0xFFFFC000  }
0x32: {  	[spmem:s9] =	stream.linear.scatter [tilespmem:s20], [sflag:$0x3], $0x4000, $0x38;
	[tilespmem:$0x1E800] =	vst v63  }
0x33: {  	_ =	swait.ge [sflag:s21], $0x4000  }
0x34: {  	[sflag:s21] =	ssyncset.done $0x0  }
0x35: {  	[sflag:s21] =	ssyncadd.s32 $0xFFFFC000  }
0x36: {  	[spmem:s10] =	stream.linear.scatter [tilespmem:s20], [sflag:$0x3], $0x4000, $0x38;
	[tilespmem:$0x1E800] =	vst v63  }
0x37: {  	_ =	swait.ge [sflag:s21], $0x4000  }
0x38: {  	[sflag:s21] =	ssyncset.done $0x0  }
0x39: {  	[sflag:s21] =	ssyncadd.s32 $0xFFFFC000  }
0x3a: {  	[spmem:s11] =	stream.linear.scatter [tilespmem:s20], [sflag:$0x3], $0x4000, $0x38;
	[tilespmem:$0x1E800] =	vst v63  }
0x3b: {  	_ =	swait.ge [sflag:s21], $0x4000  }
0x3c: {  	[sflag:s21] =	ssyncset.done $0x0  }
0x3d: {  	[sflag:s21] =	ssyncadd.s32 $0xFFFFC000  }
0x3e: {  	_ =	swait.ge [sflag:s22], $0x1400  }
0x3f: {  	[sflag:s22] =	ssyncset.done $0x0  }
0x40: {  	[sflag:s22] =	ssyncadd.s32 $0xFFFFEC00  }
0x41: {  	s28 =	simm.s32 $0x80;
	[bflag:$0x0] =	sbarrier.arrive $0xFFFF  }
0x42: {  	[tilespmem:s20], [sflag:$0x2] =	stream.indirect.gather [hbm4b:s4+s18], $0x80, s28, s18, $0xb8;
	[tilespmem:$0x1E800] =	vst v63  }
0x43: {  	_ =	swait.ge [sflag:s17], $0x4000  }
0x44: {  	[sflag:s17] =	ssyncset.done $0x0  }
0x45: {  	s28 =	simm.s32 $0x1400;
	[sflag:s17] =	ssyncadd.s32 $0xFFFFC000  }
0x46: {  	[spmem:s1] =	stream.indirect.scatter.add.f32 [tilespmem:s19], [sflag:$0x3], $0x80, s28, s18, $0xb8;
	[tilespmem:$0x1E800] =	vst v63  }
0x47: {  	_ =	swait.ge [sflag:s21], $0x4000  }
0x48: {  	[sflag:s21] =	ssyncset.done $0x0  }
0x49: {  	s28 =	simm.s32 $0x100;
	[sflag:s21] =	ssyncadd.s32 $0xFFFFC000  }
0x4a: {  	[tilespmem:s19], [sflag:$0x1] =	stream.indirect.gather [hbm4b:s4+s18], $0x80, s28, s18, $0xb8;
	[tilespmem:$0x1E800] =	vst v63  }
0x4b: {  	_ =	swait.ge [sflag:s22], $0x4000  }
0x4c: {  	[sflag:s22] =	ssyncset.done $0x0  }
0x4d: {  	s28 =	simm.s32 $0x1480;
	[sflag:s22] =	ssyncadd.s32 $0xFFFFC000  }
0x4e: {  	[spmem:s1] =	stream.indirect.scatter.add.f32 [tilespmem:s20], [sflag:$0x3], $0x80, s28, s18, $0xb8;
	[tilespmem:$0x1E800] =	vst v63  }
0x4f: {  	_ =	swait.ge [sflag:s21], $0x4000  }
0x50: {  	s29 =	simm.s32 $0x800;
	s28 =	simm.s32 $0x100;
	[sflag:s21] =	ssyncset.done $0x0  }
.LBB2_4:
0x51: {  	s30 =	sadd.s32 $0x80, s28  }
0x52: {  	[sflag:s21] =	ssyncadd.s32 $0xFFFFC000;
	s31 =	smov.u32 s29;
	s0 =	sadd.s32 $0x400, s29  }
0x53: {  	[tilespmem:s20], [sflag:$0x2] =	stream.indirect.gather [hbm4b:s4+s18], $0x80, s30, s18, $0xb8;
	[tilespmem:$0x1E800] =	vst v63  }
0x54: {  	p0 =	sne.s32 s29, $0x4800;
	_ =	swait.ge [sflag:s17], $0x4000  }
0x55: {  	[sflag:s17] =	ssyncset.done $0x0  }
0x56: {  	s29 =	sadd.s32 $0x1400, s28;
	[sflag:s17] =	ssyncadd.s32 $0xFFFFC000  }
0x57: {  	[spmem:s1] =	stream.indirect.scatter.add.f32 [tilespmem:s19], [sflag:$0x3], $0x80, s29, s18, $0xb8;
	[tilespmem:$0x1E800] =	vst v63  }
0x58: {  	_ =	swait.ge [sflag:s21], $0x4000  }
0x59: {  	[sflag:s21] =	ssyncset.done $0x0  }
0x5a: {  	s29 =	sadd.s32 $0x100, s28;
	[sflag:s21] =	ssyncadd.s32 $0xFFFFC000  }
0x5b: {  	[tilespmem:s19], [sflag:$0x1] =	stream.indirect.gather [hbm4b:s4+s18], $0x80, s29, s18, $0xb8;
	[tilespmem:$0x1E800] =	vst v63  }
0x5c: {  	_ =	swait.ge [sflag:s22], $0x4000  }
.Ltmp1:
0x5d: {  	[sflag:s22] =	ssyncset.done $0x0;
	(pc) =	sbr.rel @p0 .LBB2_4-.Ltmp1, $4  }
0x5e: {  	s28 =	sadd.s32 $0x1480, s28;
	[sflag:s22] =	ssyncadd.s32 $0xFFFFC000  }
0x5f: {  	[spmem:s1] =	stream.indirect.scatter.add.f32 [tilespmem:s20], [sflag:$0x3], $0x80, s28, s18, $0xb8;
	[tilespmem:$0x1E800] =	vst v63  }
0x60: {  	_ =	swait.ge [sflag:s21], $0x4000  }
0x61: {  	s29 =	smov.u32 s0;
	s28 =	sshra.s32 s31, $0x2;
	[sflag:s21] =	ssyncset.done $0x0  }
0x62: {  	s0 =	sadd.s32 $0x80, s28;
	[sflag:s21] =	ssyncadd.s32 $0xFFFFC000  }
0x63: {  	[tilespmem:s20], [sflag:$0x2] =	stream.indirect.gather [hbm4b:s4+s18], $0x80, s0, s18, $0xb8;
	[tilespmem:$0x1E800] =	vst v63  }
0x64: {  	_ =	swait.ge [sflag:s17], $0x4000  }
0x65: {  	[sflag:s17] =	ssyncset.done $0x0  }
0x66: {  	s30 =	sadd.s32 $0x1400, s28;
	[sflag:s17] =	ssyncadd.s32 $0xFFFFC000  }
0x67: {  	[spmem:s1] =	stream.indirect.scatter.add.f32 [tilespmem:s19], [sflag:$0x3], $0x80, s30, s18, $0xb8;
	[tilespmem:$0x1E800] =	vst v63  }
0x68: {  	_ =	swait.ge [sflag:s21], $0x4000  }
0x69: {  	[sflag:s21] =	ssyncset.done $0x0  }
0x6a: {  	s31 =	sadd.s32 $0x100, s28;
	[sflag:s21] =	ssyncadd.s32 $0xFFFFC000  }
0x6b: {  	[tilespmem:s19], [sflag:$0x1] =	stream.indirect.gather [hbm4b:s4+s18], $0x80, s31, s18, $0xb8;
	[tilespmem:$0x1E800] =	vst v63  }
0x6c: {  	_ =	swait.ge [sflag:s22], $0x4000  }
0x6d: {  	[sflag:s22] =	ssyncset.done $0x0  }
0x6e: {  	s30 =	sadd.s32 $0x1480, s28;
	[sflag:s22] =	ssyncadd.s32 $0xFFFFC000  }
0x6f: {  	[spmem:s1] =	stream.indirect.scatter.add.f32 [tilespmem:s20], [sflag:$0x3], $0x80, s30, s18, $0xb8;
	[tilespmem:$0x1E800] =	vst v63  }
0x70: {  	_ =	swait.ge [sflag:s21], $0x4000  }
0x71: {  	[sflag:s21] =	ssyncset.done $0x0  }
0x72: {  	[sflag:s21] =	ssyncadd.s32 $0xFFFFC000  }
0x73: {  	[tilespmem:s20], [sflag:$0x2] =	stream.indirect.gather [hbm4b:s4+s18], $0x80, s23, s18, $0xb8;
	[tilespmem:$0x1E800] =	vst v63  }
0x74: {  	_ =	swait.ge [sflag:s17], $0x4000  }
0x75: {  	[sflag:s17] =	ssyncset.done $0x0  }
0x76: {  	[sflag:s17] =	ssyncadd.s32 $0xFFFFC000  }
0x77: {  	[spmem:s1] =	stream.indirect.scatter.add.f32 [tilespmem:s19], [sflag:$0x3], $0x80, s24, s18, $0xb8;
	[tilespmem:$0x1E800] =	vst v63  }
0x78: {  	_ =	swait.ge [sflag:s21], $0x4000  }
0x79: {  	[sflag:s21] =	ssyncset.done $0x0  }
0x7a: {  	[sflag:s21] =	ssyncadd.s32 $0xFFFFC000  }
0x7b: {  	_ =	swait.ge [sflag:s22], $0x4000  }
0x7c: {  	[sflag:s22] =	ssyncset.done $0x0  }
0x7d: {  	[sflag:s22] =	ssyncadd.s32 $0xFFFFC000  }
0x7e: {  	[spmem:s1] =	stream.indirect.scatter.add.f32 [tilespmem:s20], [sflag:$0x3], $0x80, s25, s18, $0xb8;
	[tilespmem:$0x1E800] =	vst v63  }
0x7f: {  	_ =	swait.ge [sflag:s21], $0x4000  }
0x80: {  	[sflag:s21] =	ssyncset.done $0x0  }
0x81: {  	s31 =	simm.s32 $0x0;
	[sflag:s21] =	ssyncadd.s32 $0xFFFFC000  }
0x82: {  	[tilespmem:s31], [sflag:$0x3] =	stream.linear.gather [hbm4b:s12+s31], $0x1400, $0x38;
	[tilespmem:$0x1E800] =	vst v63  }
0x83: {  	_ =	swait.ge [sflag:s21], $0x1400  }
0x84: {  	[sflag:s21] =	ssyncset.done $0x0  }
0x85: {  	[sflag:s21] =	ssyncadd.s32 $0xFFFFEC00  }
0x86: {  	[tilespmem:s16], [sflag:$0x3] =	stream.linear.gather [hbm4b:s13+s31], $0x1400, $0x38;
	[tilespmem:$0x1E800] =	vst v63  }
0x87: {  	_ =	swait.ge [sflag:s21], $0x1400  }
0x88: {  	[sflag:s21] =	ssyncset.done $0x0  }
0x89: {  	[sflag:s21] =	ssyncadd.s32 $0xFFFFEC00  }
0x8a: {  	[tilespmem:s19], [sflag:$0x1] =	stream.indirect.gather [hbm4b:s4+s18], $0x80, s31, s18, $0xb8;
	[tilespmem:$0x1E800] =	vst v63  }
0x8b: {  	s30 =	simm.s32 $0x80  }
0x8c: {  	[tilespmem:s20], [sflag:$0x2] =	stream.indirect.gather [hbm4b:s4+s18], $0x80, s30, s18, $0xb8;
	[tilespmem:$0x1E800] =	vst v63  }
0x8d: {  	_ =	swait.ge [sflag:s17], $0x4000  }
0x8e: {  	[sflag:s17] =	ssyncset.done $0x0  }
0x8f: {  	s31 =	simm.s32 $0x1400;
	[sflag:s17] =	ssyncadd.s32 $0xFFFFC000  }
0x90: {  	[spmem:s1] =	stream.indirect.scatter.add.f32 [tilespmem:s19], [sflag:$0x3], $0x80, s31, s18, $0xb8;
	[tilespmem:$0x1E800] =	vst v63  }
0x91: {  	_ =	swait.ge [sflag:s21], $0x4000  }
0x92: {  	[sflag:s21] =	ssyncset.done $0x0  }
0x93: {  	s30 =	simm.s32 $0x100;
	[sflag:s21] =	ssyncadd.s32 $0xFFFFC000  }
0x94: {  	[tilespmem:s19], [sflag:$0x1] =	stream.indirect.gather [hbm4b:s4+s18], $0x80, s30, s18, $0xb8;
	[tilespmem:$0x1E800] =	vst v63  }
0x95: {  	_ =	swait.ge [sflag:s22], $0x4000  }
0x96: {  	[sflag:s22] =	ssyncset.done $0x0  }
0x97: {  	s31 =	simm.s32 $0x1480;
	[sflag:s22] =	ssyncadd.s32 $0xFFFFC000  }
0x98: {  	[spmem:s1] =	stream.indirect.scatter.add.f32 [tilespmem:s20], [sflag:$0x3], $0x80, s31, s18, $0xb8;
	[tilespmem:$0x1E800] =	vst v63  }
0x99: {  	_ =	swait.ge [sflag:s21], $0x4000  }
0x9a: {  	s29 =	simm.s32 $0x800;
	s28 =	simm.s32 $0x100;
	[sflag:s21] =	ssyncset.done $0x0  }
.LBB2_6:
0x9b: {  	s0 =	sadd.s32 $0x80, s28  }
0x9c: {  	[sflag:s21] =	ssyncadd.s32 $0xFFFFC000;
	s30 =	smov.u32 s29;
	s31 =	sadd.s32 $0x400, s29  }
0x9d: {  	[tilespmem:s20], [sflag:$0x2] =	stream.indirect.gather [hbm4b:s4+s18], $0x80, s0, s18, $0xb8;
	[tilespmem:$0x1E800] =	vst v63  }
0x9e: {  	p0 =	sne.s32 s29, $0x4800;
	_ =	swait.ge [sflag:s17], $0x4000  }
0x9f: {  	[sflag:s17] =	ssyncset.done $0x0  }
0xa0: {  	s0 =	sadd.s32 $0x1400, s28;
	[sflag:s17] =	ssyncadd.s32 $0xFFFFC000  }
0xa1: {  	[spmem:s1] =	stream.indirect.scatter.add.f32 [tilespmem:s19], [sflag:$0x3], $0x80, s0, s18, $0xb8;
	[tilespmem:$0x1E800] =	vst v63  }
0xa2: {  	_ =	swait.ge [sflag:s21], $0x4000  }
0xa3: {  	[sflag:s21] =	ssyncset.done $0x0  }
0xa4: {  	s0 =	sadd.s32 $0x100, s28;
	[sflag:s21] =	ssyncadd.s32 $0xFFFFC000  }
0xa5: {  	[tilespmem:s19], [sflag:$0x1] =	stream.indirect.gather [hbm4b:s4+s18], $0x80, s0, s18, $0xb8;
	[tilespmem:$0x1E800] =	vst v63  }
0xa6: {  	_ =	swait.ge [sflag:s22], $0x4000  }
.Ltmp2:
0xa7: {  	[sflag:s22] =	ssyncset.done $0x0;
	(pc) =	sbr.rel @p0 .LBB2_6-.Ltmp2, $4  }
0xa8: {  	s0 =	sadd.s32 $0x1480, s28;
	[sflag:s22] =	ssyncadd.s32 $0xFFFFC000  }
0xa9: {  	[spmem:s1] =	stream.indirect.scatter.add.f32 [tilespmem:s20], [sflag:$0x3], $0x80, s0, s18, $0xb8;
	[tilespmem:$0x1E800] =	vst v63  }
0xaa: {  	_ =	swait.ge [sflag:s21], $0x4000  }
0xab: {  	s29 =	smov.u32 s31;
	s28 =	sshra.s32 s30, $0x2;
	[sflag:s21] =	ssyncset.done $0x0  }
0xac: {  	s0 =	sadd.s32 $0x80, s28;
	[sflag:s21] =	ssyncadd.s32 $0xFFFFC000  }
0xad: {  	[tilespmem:s20], [sflag:$0x2] =	stream.indirect.gather [hbm4b:s4+s18], $0x80, s0, s18, $0xb8;
	[tilespmem:$0x1E800] =	vst v63  }
0xae: {  	_ =	swait.ge [sflag:s17], $0x4000  }
0xaf: {  	[sflag:s17] =	ssyncset.done $0x0  }
0xb0: {  	s30 =	sadd.s32 $0x1400, s28;
	[sflag:s17] =	ssyncadd.s32 $0xFFFFC000  }
0xb1: {  	[spmem:s1] =	stream.indirect.scatter.add.f32 [tilespmem:s19], [sflag:$0x3], $0x80, s30, s18, $0xb8;
	[tilespmem:$0x1E800] =	vst v63  }
0xb2: {  	_ =	swait.ge [sflag:s21], $0x4000  }
0xb3: {  	[sflag:s21] =	ssyncset.done $0x0  }
0xb4: {  	s31 =	sadd.s32 $0x100, s28;
	[sflag:s21] =	ssyncadd.s32 $0xFFFFC000  }
0xb5: {  	[tilespmem:s19], [sflag:$0x1] =	stream.indirect.gather [hbm4b:s4+s18], $0x80, s31, s18, $0xb8;
	[tilespmem:$0x1E800] =	vst v63  }
0xb6: {  	_ =	swait.ge [sflag:s22], $0x4000  }
0xb7: {  	[sflag:s22] =	ssyncset.done $0x0  }
0xb8: {  	s29 =	sadd.s32 $0x1480, s28;
	[sflag:s22] =	ssyncadd.s32 $0xFFFFC000  }
0xb9: {  	[spmem:s1] =	stream.indirect.scatter.add.f32 [tilespmem:s20], [sflag:$0x3], $0x80, s29, s18, $0xb8;
	[tilespmem:$0x1E800] =	vst v63  }
0xba: {  	_ =	swait.ge [sflag:s21], $0x4000  }
0xbb: {  	[sflag:s21] =	ssyncset.done $0x0  }
0xbc: {  	[sflag:s21] =	ssyncadd.s32 $0xFFFFC000  }
0xbd: {  	[tilespmem:s20], [sflag:$0x2] =	stream.indirect.gather [hbm4b:s4+s18], $0x80, s23, s18, $0xb8;
	[tilespmem:$0x1E800] =	vst v63  }
0xbe: {  	_ =	swait.ge [sflag:s17], $0x4000  }
0xbf: {  	[sflag:s17] =	ssyncset.done $0x0  }
0xc0: {  	[sflag:s17] =	ssyncadd.s32 $0xFFFFC000  }
0xc1: {  	[spmem:s1] =	stream.indirect.scatter.add.f32 [tilespmem:s19], [sflag:$0x3], $0x80, s24, s18, $0xb8;
	[tilespmem:$0x1E800] =	vst v63  }
0xc2: {  	_ =	swait.ge [sflag:s21], $0x4000  }
0xc3: {  	[sflag:s21] =	ssyncset.done $0x0  }
0xc4: {  	[sflag:s21] =	ssyncadd.s32 $0xFFFFC000  }
0xc5: {  	_ =	swait.ge [sflag:s22], $0x4000  }
0xc6: {  	[sflag:s22] =	ssyncset.done $0x0  }
0xc7: {  	[sflag:s22] =	ssyncadd.s32 $0xFFFFC000  }
0xc8: {  	[spmem:s1] =	stream.indirect.scatter.add.f32 [tilespmem:s20], [sflag:$0x3], $0x80, s25, s18, $0xb8;
	[tilespmem:$0x1E800] =	vst v63  }
0xc9: {  	_ =	swait.ge [sflag:s21], $0x4000  }
0xca: {  	s26 =	sadd.s32 $0x1, s26;
	s30 =	sshll.u32 s2, $0x6;
	[sflag:s21] =	ssyncset.done $0x0  }
0xcb: {  	p0 =	sne.s32 s26, s15;
	s0 =	sor.u32 $0x1C03, s30;
	[sflag:s21] =	ssyncadd.s32 $0xFFFFC000  }
.Ltmp3:
0xcc: {  	s31 =	sshrl.u32 s6, $0x3;
	[bflag:$0x0] =	sbarrier.arrive $0xFFFF;
	(pc) =	sbr.rel @p0 .LBB2_1-.Ltmp3, $4  }
0xcd: {  	[hbm:s14], [sflag:s0] =	dma.local [spmem:s31], $0x2800  }
0xce: {  	_ =	swait.ge [sflag:s21], $0x2800  }
0xcf: {  	[sflag:s21] =	ssyncset.done $0x0  }
0xd0: {  	[sflag:s21] =	ssyncadd.s32 $0xFFFFD800  }
0xd1: {  	_ =	sfence.sel $0x180000  }
0xd2: {  	[bflag:$0x0] =	sbarrier.arrive $0xFFFF  }
0xd3: {  	_ =	strace $0x9000004A  }
0xd4: {  	[bflag:$0x2] =	sbarrier.arrive $0xFFFF  }
0xd5: {  	p0 =	sne.s32 s2, $0x0;
	s0 =	rddreg [dreg:$0x2]  }
0xd6: {  	s0 =	sadd.s32 @!p0 $0x100000, s0  }
0xd7: {  	[sflag:s0] =	ssyncadd.tile.s32 @!p0 $0x1;
	_ =	shalt  }
.Lfunc_end2:
_tile_overlayer_lowered:
.L_overlay_start_2:
0xd8: {  	(tag) =	ssettag $0x2  }
0xd9: {  	s0 =	rddreg [dreg:$0x0];
	s2 =	stileid.u32  }
0xda: {  	s1 =	rddreg [dreg:$0x1];
	p0 =	sne.s32 s2, $0x0  }
0xdb: {  	s3 =	rddreg [dreg:$0x2];
	[bflag:$0x3] =	sbarrier.arrive $0xFFFF;
	s2 =	simm.s32 @!p0 $0x1C03  }
0xdc: {  	[timem:s3], [sflag:s2] =	dma.local @!p0 [hbm:s0], s1  }
0xdd: {  	s0 =	simm.s32 @!p0 $0x3  }
0xde: {  	_ =	swait.ge @!p0 [sflag:s0], s1  }
0xdf: {  	s1 =	ssub.s32 @!p0 $0x0, s1;
	[sflag:s0] =	ssyncset.done @!p0 $0x0  }
0xe0: {  	[sflag:s0] =	ssyncadd.s32 @!p0 s1  }
0xe1: {  	[bflag:$0x3] =	sbarrier.arrive $0xFFFF  }
0xe2: {  	_ =	shalt  }

// kernel: kernel.19.cloned.1.call-start
scs
__scs_entry_jumppad:
0x0: {  	(pc) =	sbr.rel $0x88, $3  }
0x1: {  	(tag) =	ssettag $0x0;
	lr =	simm.s32 $0x1  }
0x2: {  	[smem:$0x3F95] =	sst lr;
	_ =	strace $0xD0000000  }
0x3: {  	_ = 	snop  }
0x4: {  	_ = 	snop  }
0x5: {  	_ = 	snop  }
0x6: {  	_ = 	snop  }
0x7: {  	_ = 	snop  }
__scs_overlays_trampoline_lowered:
0x8: {  	[smem:$0x3FA4] =	sst s0  }
0x9: {  	[smem:$0x3FA5] =	sst s1  }
0xa: {  	[smem:$0x3FA6] =	sst s2  }
0xb: {  	[smem:$0x3FA7] =	sst s3  }
0xc: {  	[smem:$0x3FA8] =	sst s4  }
0xd: {  	[smem:$0x3FA9] =	sst s5  }
0xe: {  	[smem:$0x3FAA] =	sst s6  }
0xf: {  	[smem:$0x3FAB] =	sst s7  }
0x10: {  	[smem:$0x3FAC] =	sst s8  }
0x11: {  	[smem:$0x3FAD] =	sst s9;
	s0 =	simm.s32 @!p0 $0x0  }
0x12: {  	s1 =	sld [smem:$0x3F93];
	s0 =	simm.s32 @p0 $0x1  }
0x13: {  	[smem:$0x3FAE] =	sst s0;
	s0 =	simm.s32 @!p1 $0x0  }
0x14: {  	s2 =	sld [smem:$0x3F92];
	s0 =	simm.s32 @p1 $0x1  }
0x15: {  	[smem:$0x3FAF] =	sst s0;
	s0 =	simm.s32 @!p2 $0x0  }
0x16: {  	s3 =	sld [smem:$0x3FDB];
	s0 =	simm.s32 @p2 $0x1  }
0x17: {  	s4 =	simm.s32 $0x1BF5;
	[smem:$0x3FB1] =	sst s0  }
0x18: {  	s0 =	sld [smem:$0x3F94];
	_ =	swait.ge [sflag:s4], $0x0  }
0x19: {  	s7 =	sld [smem:$0x3F95]  }
0x1a: {  	s8 =	sadd.s32 $0xFFFFE003, lr  }
0x1b: {  	s9 =	sadd.s32 $0xFFFFFEF7, lr;
	s5 =	simm.s32 $0xFFFFFFFF;
	p2 =	slt.u32 s8, $0xFFFFF086  }
0x1c: {  	p1 =	slt.u32 s9, $0xF7A;
	s5 =	simm.s32 @!p2 $0x0  }
0x1d: {  	s5 =	simm.s32 @p1 $0x1;
	p0 =	seq.s32 s7, s2  }
0x1e: {  	s7 =	smul.u32 @!p0 $0xF7A, s2;
	p2 =	seq.s32 @!p0 s5, $0x0  }
0x1f: {  	s9 =	smul.u32 $0xF7A, s1;
	s8 =	simm.s32 @!p0 $0x1BF5;
	p2 =	por !p2, p0  }
0x20: {  	[sflag:s8] =	ssyncset.s32 @!p0 $0xFFFFF086;
	s6 =	sadd.s32 @!p0 s3, s7;
	s7 =	simm.s32 @!p0 $0x108  }
0x21: {  	s3 =	sadd.s32 s3, s9;
	s6 =	sadd.s32 @!p0 $0x88, s6;
	s7 =	simm.s32 @p2 $0x1082  }
0x22: {  	[simem:s7], [sflag:s8] =	dma.local @!p0 [hbm:s6], $0xF7A  }
0x23: {  	s9 =	sor.u32 $0xD0000000, s2;
	s6 =	simm.s32 $0x108;
	_ =	swait.ge @!p0 [sflag:s8], $0x0  }
0x24: {  	s3 =	sadd.s32 $0x88, s3;
	s6 =	simm.s32 @!p1 $0x1082;
	[sflag:s4] =	ssyncset.s32 $0xFFFFF086  }
0x25: {  	[simem:s6], [sflag:s4] =	dma.local [hbm:s3], $0xF7A  }
0x26: {  	[smem:$0x3F95] =	sst s1;
	(tag) =	ssettag s2;
	_ =	strace s9  }
0x27: {  	s1 =	sld [smem:$0x3FA5]  }
0x28: {  	s2 =	sld [smem:$0x3FA6]  }
0x29: {  	s4 =	sld [smem:$0x3FA8]  }
0x2a: {  	p0 =	seq.s32 s5, $0x0;
	s5 =	sld [smem:$0x3FA9]  }
0x2b: {  	s6 =	sld [smem:$0x3FAA]  }
0x2c: {  	s7 =	sld [smem:$0x3FAB]  }
0x2d: {  	s3 =	simm.s32 $0x108;
	s8 =	sld [smem:$0x3FAC]  }
0x2e: {  	s3 =	simm.s32 @!p0 $0x1082;
	s9 =	sld [smem:$0x3FAD]  }
0x2f: {  	lr =	sadd.s32 s0, s3;
	s0 =	sld [smem:$0x3FA4]  }
0x30: {  	s3 =	sld [smem:$0x3FA7]  }
0x31: {  	[smem:$0x3FB0] =	sst s10  }
0x32: {  	s10 =	sld [smem:$0x3FAE];
	_ =	sdelay $0x3  }
0x33: {  	p0 =	seq.s32 s10, $0x1;
	s10 =	sld [smem:$0x3FB0];
	_ =	sdelay $0x3  }
0x34: {  	[smem:$0x3FB0] =	sst s10  }
0x35: {  	s10 =	sld [smem:$0x3FAF];
	_ =	sdelay $0x3  }
0x36: {  	p1 =	seq.s32 s10, $0x1;
	s10 =	sld [smem:$0x3FB0];
	_ =	sdelay $0x3  }
0x37: {  	[smem:$0x3FB0] =	sst s10  }
0x38: {  	s10 =	sld [smem:$0x3FB1]  }
0x39: {  	_ = 	snop;
	(pc) =	sbr.ind lr, $3  }
0x3a: {  	_ = 	snop  }
0x3b: {  	_ = 	snop  }
0x3c: {  	p2 =	seq.s32 s10, $0x1;
	s10 =	sld [smem:$0x3FB0]  }
0x3d: {  	_ =	shalt  }
0x3e: {  	_ =	shalt  }
0x3f: {  	_ =	shalt  }
0x40: {  	_ =	shalt  }
0x41: {  	_ =	shalt  }
0x42: {  	_ =	shalt  }
0x43: {  	_ =	shalt  }
0x44: {  	_ =	shalt  }
0x45: {  	_ =	shalt  }
0x46: {  	_ =	shalt  }
0x47: {  	_ =	shalt  }
0x48: {  	_ =	shalt  }
0x49: {  	_ =	shalt  }
0x4a: {  	_ =	shalt  }
0x4b: {  	_ =	shalt  }
0x4c: {  	_ =	shalt  }
0x4d: {  	_ =	shalt  }
0x4e: {  	_ =	shalt  }
0x4f: {  	_ =	shalt  }
0x50: {  	_ =	shalt  }
0x51: {  	_ =	shalt  }
0x52: {  	_ =	shalt  }
0x53: {  	_ =	shalt  }
0x54: {  	_ =	shalt  }
0x55: {  	_ =	shalt  }
0x56: {  	_ =	shalt  }
0x57: {  	_ =	shalt  }
0x58: {  	_ =	shalt  }
0x59: {  	_ =	shalt  }
0x5a: {  	_ =	shalt  }
0x5b: {  	_ =	shalt  }
0x5c: {  	_ =	shalt  }
0x5d: {  	_ =	shalt  }
0x5e: {  	_ =	shalt  }
0x5f: {  	_ =	shalt  }
0x60: {  	_ =	shalt  }
0x61: {  	_ =	shalt  }
0x62: {  	_ =	shalt  }
0x63: {  	_ =	shalt  }
0x64: {  	_ =	shalt  }
0x65: {  	_ =	shalt  }
0x66: {  	_ =	shalt  }
0x67: {  	_ =	shalt  }
0x68: {  	_ =	shalt  }
0x69: {  	_ =	shalt  }
0x6a: {  	_ =	shalt  }
0x6b: {  	_ =	shalt  }
0x6c: {  	_ =	shalt  }
0x6d: {  	_ =	shalt  }
0x6e: {  	_ =	shalt  }
0x6f: {  	_ =	shalt  }
0x70: {  	_ =	shalt  }
0x71: {  	_ =	shalt  }
0x72: {  	_ =	shalt  }
0x73: {  	_ =	shalt  }
0x74: {  	_ =	shalt  }
0x75: {  	_ =	shalt  }
0x76: {  	_ =	shalt  }
0x77: {  	_ =	shalt  }
0x78: {  	_ =	shalt  }
0x79: {  	_ =	shalt  }
0x7a: {  	_ =	shalt  }
0x7b: {  	_ =	shalt  }
0x7c: {  	_ =	shalt  }
0x7d: {  	_ =	shalt  }
0x7e: {  	_ =	shalt  }
0x7f: {  	_ =	shalt  }
0x80: {  	_ =	shalt  }
0x81: {  	_ =	shalt  }
0x82: {  	_ =	shalt  }
0x83: {  	_ =	shalt  }
0x84: {  	_ =	shalt  }
0x85: {  	_ =	shalt  }
0x86: {  	_ =	shalt  }
0x87: {  	_ =	shalt  }
.Lfunc_end0:
.L_simem_size_0:
called_computation.2_lowered:
.L_overlay_start_0:
0x88: {  	s2 =	sld [smem:$0x3FD9]  }
0x89: {  	s3 =	sld [smem:$0x3FFE];
	_ =	sdelay $0x1  }
0x8a: {  	s1 =	srdreg.scid  }
0x8b: {  	s0 =	sand.u32 $0x1, s1  }
0x8c: {  	s16 =	sshll.u32 s0, $0xA;
	s2 =	sadd.s32 s3, s2  }
0x8d: {  	s2 =	sadd.s32 s2, s16  }
0x8e: {  	[smem:$0x3FBC] =	sst s2  }
0x8f: {  	_ = 	snop  }
0x90: {  	(tm) =	ssettm $0x1  }
0x91: {  	s17 =	sld [smem:$0x3FFB];
	_ =	sdelay $0x3  }
0x92: {  	_ =	strace s17  }
0x93: {  	s2 =	sld [smem:$0x3FFC];
	_ =	sdelay $0x3  }
0x94: {  	_ =	strace s2  }
0x95: {  	s2 =	sld [smem:$0x3FFD];
	_ =	sdelay $0x3  }
0x96: {  	_ =	strace s2  }
0x97: {  	_ =	strace $0x8FFFFFFF  }
0x98: {  	s18 =	sld [smem:$0x3FDB];
	_ =	sdelay $0x1  }
0x99: {  	s19 =	simm.s32 $_scs_section_size  }
0x9a: {  	s4 =	simm.s32 $_size__tile_overlayer_lowered;
	s5 =	simm.s32 $_tile_overlayer_lowered  }
0x9b: {  	s22 =	simm.s32 $0x1BFF;
	s21 =	sshll.u32 s5, $0x1;
	s2 =	sadd.s32 s19, s18  }
0x9c: {  	s6 =	simm.s32 $0x0;
	s20 =	sshll.u32 s4, $0x1;
	s4 =	sadd.s32 s21, s2  }
0x9d: {  	[timem:s6], [sflag:s22] =	dma.local [hbm:s4], s20  }
0x9e: {  	_ =	swait.ge [sflag:s22], s20  }
0x9f: {  	s3 =	ssub.s32 $0x0, s20;
	[sflag:s22] =	ssyncset.done $0x0  }
0xa0: {  	[sflag:s22] =	ssyncadd.s32 s3;
	_ =	sdelay $0x1  }
0xa1: {  	s23 =	simm.s32 $0x1B8B  }
0xa2: {  	_ =	swait.ge [sflag:s23], $0x1  }
0xa3: {  	[sflag:s23] =	ssyncset.done $0x0  }
0xa4: {  	s25 =	simm.s32 $0x1B8E;
	s24 =	sld [smem:$0x3FFE];
	[sflag:s23] =	ssyncadd.s32 $0xFFFFFFFF  }
0xa5: {  	s26 =	simm.s32 $execute0_lowered;
	[smem:$0x3FD2] =	sst s25  }
0xa6: {  	s4 =	sshll.u32 s26, $0x1;
	_ =	strace $0x8000004C;
	[dreg:$0x1] =	wrdreg $0xFFFFFFFF  }
0xa7: {  	s28 =	simm.s32 $_size_execute0_lowered;
	s2 =	sadd.s32 s2, s4;
	[dreg:$0x0] =	wrdreg $0x0  }
0xa8: {  	s4 =	sshll.u32 s28, $0x1;
	[dreg:$0x2] =	wrdreg s2  }
0xa9: {  	[dreg:$0x3] =	wrdreg s4  }
0xaa: {  	[dreg:$0x4] =	wrdreg $0xC0  }
0xab: {  	_ =	task [dreg:s6], $0x5FFFF  }
0xac: {  	[dreg:$0x1] =	wrdreg $0xFFFFFFFF  }
0xad: {  	[dreg:$0x0] =	wrdreg $0x60  }
0xae: {  	[dreg:$0x2] =	wrdreg s24  }
0xaf: {  	[dreg:$0x3] =	wrdreg $0xA8000  }
0xb0: {  	[dreg:$0x4] =	wrdreg $0x9  }
0xb1: {  	_ =	task.clear_ibuf [dreg:s6], $0x5FFFF;
	_ =	strace $0x9000004C  }
0xb2: {  	s29 =	simm.s32 $0x9;
	_ =	strace $0x8000004E  }
0xb3: {  	_ =	swait.ge [sflag:s29], $0x1  }
0xb4: {  	[sflag:s29] =	ssyncadd.s32 $0xFFFFFFFF  }
0xb5: {  	_ =	strace $0x9000004E  }
0xb6: {  	_ =	sfence  }
0xb7: {  	s30 =	sld [smem:$0x0];
	_ =	sdelay $0x2  }
0xb8: {  	s31 =	sshll.u32 s1, $0xD;
	s1 =	sshrl.u32 s1, $0x2  }
0xb9: {  	s3 =	sand.u32 $0x4000, s31;
	s1 =	sadd.s32 s1, s30  }
0xba: {  	s0 =	sor.u32 s3, s0;
	s1 =	sshll.u32 s1, $0x11  }
0xbb: {  	s0 =	sor.u32 s1, s0  }
0xbc: {  	s0 =	sadd.s32 $0x8F2B, s0  }
0xbd: {  	[sflag:s0] =	ssyncadd.remote.s32 $0x1  }
0xbe: {  	_ =	sfence.sel $0xFFFF  }
0xbf: {  	[dreg:$0x0] =	wrdreg $0xFFFFFFFF;
	(pc) =	sbr.abs _section_cstart, $3  }
0xc0: {  	[dreg:$0x1] =	wrdreg $0xFFFFFFFF  }
0xc1: {  	_ =	task.clear_ibuf [dreg:s6], $0x2FFFF;
	_ =	strace $0x9FFFFFFF  }
0xc2: {  	(tm) =	ssettm $0x7FFFFFFF  }
0xc3: {  	_ =	shalt  }
tec
execute0_lowered:
.L_overlay_start_1:
0x0: {  	(tag) =	ssettag $0x1  }
0x1: {  	s5 =	rddreg [dreg:$0x0]  }
0x2: {  	s1 =	rddreg [dreg:$0x1];
	s2 =	srdreg.scid  }
0x3: {  	s3 =	simm.s32 $0x0;
	s17 =	simm.s32 $0x1;
	s18 =	simm.s32 $0x80  }
0x4: {  	s19 =	simm.s32 $0x6800;
	s20 =	simm.s32 $0x2800;
	s21 =	simm.s32 $0x3  }
0x5: {  	s22 =	simm.s32 $0x2;
	s23 =	simm.s32 $0x1380;
	s24 =	simm.s32 $0x2700  }
0x6: {  	s25 =	simm.s32 $0x2780;
	s6 =	sand.u32 $0x1, s2;
	s2 =	stileid.u32  }
0x7: {  	s26 =	simm.s32 $0x0;
	[smem:$0x7FF] =	sst s3;
	s4 =	smul.u32 $0x140000, s6  }
0x8: {  	s12 =	sadd.s32 $0x4400, s5;
	s13 =	sadd.s32 $0xE400, s5;
	s7 =	smul.u32 $0x14000, s2  }
0x9: {  	s8 =	sshll.u32 s6, $0x4;
	s9 =	smul.u32 $0x50000, s2;
	s30 =	ssub.s32 $0x2, s6  }
0xa: {  	_ =	strace $0x8000004D;
	s8 =	sor.u32 s2, s8;
	s6 =	sshrl.u32 s30, $0x1  }
0xb: {  	s4 =	sadd.s32 s7, s4;
	s28 =	smul.u32 $0x2800, s8;
	s31 =	sshrl.u32 s9, $0x2  }
0xc: {  	s16 =	ssub.s32 s30, s6;
	s29 =	sshrl.u32 s4, $0x3;
	s4 =	sadd.s32 $0x68400, s5  }
0xd: {  	s6 =	sadd.s32 s31, s1;
	s14 =	sadd.s32 s29, s5;
	s15 =	sshrl.u32 s28, $0x3  }
0xe: {  	s8 =	sadd.s32 $0x4000, s6;
	s9 =	sadd.s32 $0x8000, s6;
	s10 =	sadd.s32 $0xC000, s6  }
0xf: {  	s5 =	sadd.s32 s12, s15;
	s7 =	sadd.s32 s13, s15;
	s15 =	sadd.s32 $0x280, s15  }
0x10: {  	s11 =	sadd.s32 $0x10000, s6;
	s14 =	sadd.s32 $0x8F600, s14;
	s12 =	sadd.s32 s12, s15  }
0x11: {  	v0 =	vimm.f32 $0.0e+00;
	s13 =	sadd.s32 s13, s15;
	s15 =	smax.u32 s16, $0x1;
	s16 =	simm.s32 $0x1400  }
.LBB2_1:
0x12: {  	[tilespmem:s3], [sflag:$0x1] =	stream.linear.gather [hbm4b:s5+s3], $0x1400, $0x38;
	[tilespmem:$0x1E800] =	vst v63  }
0x13: {  	s28 =	simm.s32 $0x0;
	s29 =	simm.s32 $0x200  }
0x14: {  	[tilespmem:s16], [sflag:$0x2] =	stream.linear.gather [hbm4b:s7+s3], $0x1400, $0x38;
	[tilespmem:$0x1E800] =	vst v63  }
.LBB2_2:
0x15: {  	p0 =	sne.s32 s29, $0xFE00;
	[tilespmem:s28+$0x2870] =	vst v0  }
0x16: {  	[tilespmem:s28+$0x2800] =	vst v0  }
0x17: {  	[tilespmem:s28+$0x2810] =	vst v0  }
.Ltmp0:
0x18: {  	[tilespmem:s28+$0x2820] =	vst v0;
	(pc) =	sbr.rel @p0 .LBB2_2-.Ltmp0, $4  }
0x19: {  	[tilespmem:s28+$0x2830] =	vst v0  }
0x1a: {  	[tilespmem:s28+$0x2840] =	vst v0  }
0x1b: {  	[tilespmem:s28+$0x2850] =	vst v0  }
0x1c: {  	[tilespmem:s28+$0x2860] =	vst v0;
	s28 =	sshra.s32 s29, $0x2;
	s29 =	sadd.s32 $0x200, s29  }
0x1d: {  	[tilespmem:s28+$0x2870] =	vst v0  }
0x1e: {  	[tilespmem:s28+$0x2800] =	vst v0  }
0x1f: {  	[tilespmem:s28+$0x2810] =	vst v0  }
0x20: {  	[tilespmem:s28+$0x2820] =	vst v0  }
0x21: {  	[tilespmem:s28+$0x2830] =	vst v0  }
0x22: {  	[tilespmem:s28+$0x2840] =	vst v0  }
0x23: {  	[tilespmem:s28+$0x2850] =	vst v0  }
0x24: {  	[tilespmem:s28+$0x2860] =	vst v0  }
0x25: {  	_ =	swait.ge [sflag:s17], $0x1400  }
0x26: {  	[sflag:s17] =	ssyncset.done $0x0  }
0x27: {  	s28 =	simm.s32 $0x0;
	[sflag:s17] =	ssyncadd.s32 $0xFFFFEC00  }
0x28: {  	[tilespmem:s19], [sflag:$0x1] =	stream.indirect.gather [hbm4b:s4+s18], $0x80, s28, s18, $0xb8;
	[tilespmem:$0x1E800] =	vst v63  }
0x29: {  	_ = 	snop  }
0x2a: {  	[spmem:s6] =	stream.linear.scatter [tilespmem:s20], [sflag:$0x3], $0x4000, $0x38;
	[tilespmem:$0x1E800] =	vst v63  }
0x2b: {  	_ =	swait.ge [sflag:s21], $0x4000  }
0x2c: {  	[sflag:s21] =	ssyncset.done $0x0  }
0x2d: {  	[sflag:s21] =	ssyncadd.s32 $0xFFFFC000  }
0x2e: {  	[spmem:s8] =	stream.linear.scatter [tilespmem:s20], [sflag:$0x3], $0x4000, $0x38;
	[tilespmem:$0x1E800] =	vst v63  }
0x2f: {  	_ =	swait.ge [sflag:s21], $0x4000  }
0x30: {  	[sflag:s21] =	ssyncset.done $0x0  }
0x31: {  	[sflag:s21] =	ssyncadd.s32 $0xFFFFC000  }
0x32: {  	[spmem:s9] =	stream.linear.scatter [tilespmem:s20], [sflag:$0x3], $0x4000, $0x38;
	[tilespmem:$0x1E800] =	vst v63  }
0x33: {  	_ =	swait.ge [sflag:s21], $0x4000  }
0x34: {  	[sflag:s21] =	ssyncset.done $0x0  }
0x35: {  	[sflag:s21] =	ssyncadd.s32 $0xFFFFC000  }
0x36: {  	[spmem:s10] =	stream.linear.scatter [tilespmem:s20], [sflag:$0x3], $0x4000, $0x38;
	[tilespmem:$0x1E800] =	vst v63  }
0x37: {  	_ =	swait.ge [sflag:s21], $0x4000  }
0x38: {  	[sflag:s21] =	ssyncset.done $0x0  }
0x39: {  	[sflag:s21] =	ssyncadd.s32 $0xFFFFC000  }
0x3a: {  	[spmem:s11] =	stream.linear.scatter [tilespmem:s20], [sflag:$0x3], $0x4000, $0x38;
	[tilespmem:$0x1E800] =	vst v63  }
0x3b: {  	_ =	swait.ge [sflag:s21], $0x4000  }
0x3c: {  	[sflag:s21] =	ssyncset.done $0x0  }
0x3d: {  	[sflag:s21] =	ssyncadd.s32 $0xFFFFC000  }
0x3e: {  	_ =	swait.ge [sflag:s22], $0x1400  }
0x3f: {  	[sflag:s22] =	ssyncset.done $0x0  }
0x40: {  	[sflag:s22] =	ssyncadd.s32 $0xFFFFEC00  }
0x41: {  	s28 =	simm.s32 $0x80;
	[bflag:$0x0] =	sbarrier.arrive $0xFFFF  }
0x42: {  	[tilespmem:s20], [sflag:$0x2] =	stream.indirect.gather [hbm4b:s4+s18], $0x80, s28, s18, $0xb8;
	[tilespmem:$0x1E800] =	vst v63  }
0x43: {  	_ =	swait.ge [sflag:s17], $0x4000  }
0x44: {  	[sflag:s17] =	ssyncset.done $0x0  }
0x45: {  	s28 =	simm.s32 $0x1400;
	[sflag:s17] =	ssyncadd.s32 $0xFFFFC000  }
0x46: {  	[spmem:s1] =	stream.indirect.scatter.add.f32 [tilespmem:s19], [sflag:$0x3], $0x80, s28, s18, $0xb8;
	[tilespmem:$0x1E800] =	vst v63  }
0x47: {  	_ =	swait.ge [sflag:s21], $0x4000  }
0x48: {  	[sflag:s21] =	ssyncset.done $0x0  }
0x49: {  	s28 =	simm.s32 $0x100;
	[sflag:s21] =	ssyncadd.s32 $0xFFFFC000  }
0x4a: {  	[tilespmem:s19], [sflag:$0x1] =	stream.indirect.gather [hbm4b:s4+s18], $0x80, s28, s18, $0xb8;
	[tilespmem:$0x1E800] =	vst v63  }
0x4b: {  	_ =	swait.ge [sflag:s22], $0x4000  }
0x4c: {  	[sflag:s22] =	ssyncset.done $0x0  }
0x4d: {  	s28 =	simm.s32 $0x1480;
	[sflag:s22] =	ssyncadd.s32 $0xFFFFC000  }
0x4e: {  	[spmem:s1] =	stream.indirect.scatter.add.f32 [tilespmem:s20], [sflag:$0x3], $0x80, s28, s18, $0xb8;
	[tilespmem:$0x1E800] =	vst v63  }
0x4f: {  	_ =	swait.ge [sflag:s21], $0x4000  }
0x50: {  	s29 =	simm.s32 $0x800;
	s28 =	simm.s32 $0x100;
	[sflag:s21] =	ssyncset.done $0x0  }
.LBB2_4:
0x51: {  	s30 =	sadd.s32 $0x80, s28  }
0x52: {  	[sflag:s21] =	ssyncadd.s32 $0xFFFFC000;
	s31 =	smov.u32 s29;
	s0 =	sadd.s32 $0x400, s29  }
0x53: {  	[tilespmem:s20], [sflag:$0x2] =	stream.indirect.gather [hbm4b:s4+s18], $0x80, s30, s18, $0xb8;
	[tilespmem:$0x1E800] =	vst v63  }
0x54: {  	p0 =	sne.s32 s29, $0x4800;
	_ =	swait.ge [sflag:s17], $0x4000  }
0x55: {  	[sflag:s17] =	ssyncset.done $0x0  }
0x56: {  	s29 =	sadd.s32 $0x1400, s28;
	[sflag:s17] =	ssyncadd.s32 $0xFFFFC000  }
0x57: {  	[spmem:s1] =	stream.indirect.scatter.add.f32 [tilespmem:s19], [sflag:$0x3], $0x80, s29, s18, $0xb8;
	[tilespmem:$0x1E800] =	vst v63  }
0x58: {  	_ =	swait.ge [sflag:s21], $0x4000  }
0x59: {  	[sflag:s21] =	ssyncset.done $0x0  }
0x5a: {  	s29 =	sadd.s32 $0x100, s28;
	[sflag:s21] =	ssyncadd.s32 $0xFFFFC000  }
0x5b: {  	[tilespmem:s19], [sflag:$0x1] =	stream.indirect.gather [hbm4b:s4+s18], $0x80, s29, s18, $0xb8;
	[tilespmem:$0x1E800] =	vst v63  }
0x5c: {  	_ =	swait.ge [sflag:s22], $0x4000  }
.Ltmp1:
0x5d: {  	[sflag:s22] =	ssyncset.done $0x0;
	(pc) =	sbr.rel @p0 .LBB2_4-.Ltmp1, $4  }
0x5e: {  	s28 =	sadd.s32 $0x1480, s28;
	[sflag:s22] =	ssyncadd.s32 $0xFFFFC000  }
0x5f: {  	[spmem:s1] =	stream.indirect.scatter.add.f32 [tilespmem:s20], [sflag:$0x3], $0x80, s28, s18, $0xb8;
	[tilespmem:$0x1E800] =	vst v63  }
0x60: {  	_ =	swait.ge [sflag:s21], $0x4000  }
0x61: {  	s29 =	smov.u32 s0;
	s28 =	sshra.s32 s31, $0x2;
	[sflag:s21] =	ssyncset.done $0x0  }
0x62: {  	s0 =	sadd.s32 $0x80, s28;
	[sflag:s21] =	ssyncadd.s32 $0xFFFFC000  }
0x63: {  	[tilespmem:s20], [sflag:$0x2] =	stream.indirect.gather [hbm4b:s4+s18], $0x80, s0, s18, $0xb8;
	[tilespmem:$0x1E800] =	vst v63  }
0x64: {  	_ =	swait.ge [sflag:s17], $0x4000  }
0x65: {  	[sflag:s17] =	ssyncset.done $0x0  }
0x66: {  	s30 =	sadd.s32 $0x1400, s28;
	[sflag:s17] =	ssyncadd.s32 $0xFFFFC000  }
0x67: {  	[spmem:s1] =	stream.indirect.scatter.add.f32 [tilespmem:s19], [sflag:$0x3], $0x80, s30, s18, $0xb8;
	[tilespmem:$0x1E800] =	vst v63  }
0x68: {  	_ =	swait.ge [sflag:s21], $0x4000  }
0x69: {  	[sflag:s21] =	ssyncset.done $0x0  }
0x6a: {  	s31 =	sadd.s32 $0x100, s28;
	[sflag:s21] =	ssyncadd.s32 $0xFFFFC000  }
0x6b: {  	[tilespmem:s19], [sflag:$0x1] =	stream.indirect.gather [hbm4b:s4+s18], $0x80, s31, s18, $0xb8;
	[tilespmem:$0x1E800] =	vst v63  }
0x6c: {  	_ =	swait.ge [sflag:s22], $0x4000  }
0x6d: {  	[sflag:s22] =	ssyncset.done $0x0  }
0x6e: {  	s30 =	sadd.s32 $0x1480, s28;
	[sflag:s22] =	ssyncadd.s32 $0xFFFFC000  }
0x6f: {  	[spmem:s1] =	stream.indirect.scatter.add.f32 [tilespmem:s20], [sflag:$0x3], $0x80, s30, s18, $0xb8;
	[tilespmem:$0x1E800] =	vst v63  }
0x70: {  	_ =	swait.ge [sflag:s21], $0x4000  }
0x71: {  	[sflag:s21] =	ssyncset.done $0x0  }
0x72: {  	[sflag:s21] =	ssyncadd.s32 $0xFFFFC000  }
0x73: {  	[tilespmem:s20], [sflag:$0x2] =	stream.indirect.gather [hbm4b:s4+s18], $0x80, s23, s18, $0xb8;
	[tilespmem:$0x1E800] =	vst v63  }
0x74: {  	_ =	swait.ge [sflag:s17], $0x4000  }
0x75: {  	[sflag:s17] =	ssyncset.done $0x0  }
0x76: {  	[sflag:s17] =	ssyncadd.s32 $0xFFFFC000  }
0x77: {  	[spmem:s1] =	stream.indirect.scatter.add.f32 [tilespmem:s19], [sflag:$0x3], $0x80, s24, s18, $0xb8;
	[tilespmem:$0x1E800] =	vst v63  }
0x78: {  	_ =	swait.ge [sflag:s21], $0x4000  }
0x79: {  	[sflag:s21] =	ssyncset.done $0x0  }
0x7a: {  	[sflag:s21] =	ssyncadd.s32 $0xFFFFC000  }
0x7b: {  	_ =	swait.ge [sflag:s22], $0x4000  }
0x7c: {  	[sflag:s22] =	ssyncset.done $0x0  }
0x7d: {  	[sflag:s22] =	ssyncadd.s32 $0xFFFFC000  }
0x7e: {  	[spmem:s1] =	stream.indirect.scatter.add.f32 [tilespmem:s20], [sflag:$0x3], $0x80, s25, s18, $0xb8;
	[tilespmem:$0x1E800] =	vst v63  }
0x7f: {  	_ =	swait.ge [sflag:s21], $0x4000  }
0x80: {  	[sflag:s21] =	ssyncset.done $0x0  }
0x81: {  	s31 =	simm.s32 $0x0;
	[sflag:s21] =	ssyncadd.s32 $0xFFFFC000  }
0x82: {  	[tilespmem:s31], [sflag:$0x3] =	stream.linear.gather [hbm4b:s12+s31], $0x1400, $0x38;
	[tilespmem:$0x1E800] =	vst v63  }
0x83: {  	_ =	swait.ge [sflag:s21], $0x1400  }
0x84: {  	[sflag:s21] =	ssyncset.done $0x0  }
0x85: {  	[sflag:s21] =	ssyncadd.s32 $0xFFFFEC00  }
0x86: {  	[tilespmem:s16], [sflag:$0x3] =	stream.linear.gather [hbm4b:s13+s31], $0x1400, $0x38;
	[tilespmem:$0x1E800] =	vst v63  }
0x87: {  	_ =	swait.ge [sflag:s21], $0x1400  }
0x88: {  	[sflag:s21] =	ssyncset.done $0x0  }
0x89: {  	[sflag:s21] =	ssyncadd.s32 $0xFFFFEC00  }
0x8a: {  	[tilespmem:s19], [sflag:$0x1] =	stream.indirect.gather [hbm4b:s4+s18], $0x80, s31, s18, $0xb8;
	[tilespmem:$0x1E800] =	vst v63  }
0x8b: {  	s30 =	simm.s32 $0x80  }
0x8c: {  	[tilespmem:s20], [sflag:$0x2] =	stream.indirect.gather [hbm4b:s4+s18], $0x80, s30, s18, $0xb8;
	[tilespmem:$0x1E800] =	vst v63  }
0x8d: {  	_ =	swait.ge [sflag:s17], $0x4000  }
0x8e: {  	[sflag:s17] =	ssyncset.done $0x0  }
0x8f: {  	s31 =	simm.s32 $0x1400;
	[sflag:s17] =	ssyncadd.s32 $0xFFFFC000  }
0x90: {  	[spmem:s1] =	stream.indirect.scatter.add.f32 [tilespmem:s19], [sflag:$0x3], $0x80, s31, s18, $0xb8;
	[tilespmem:$0x1E800] =	vst v63  }
0x91: {  	_ =	swait.ge [sflag:s21], $0x4000  }
0x92: {  	[sflag:s21] =	ssyncset.done $0x0  }
0x93: {  	s30 =	simm.s32 $0x100;
	[sflag:s21] =	ssyncadd.s32 $0xFFFFC000  }
0x94: {  	[tilespmem:s19], [sflag:$0x1] =	stream.indirect.gather [hbm4b:s4+s18], $0x80, s30, s18, $0xb8;
	[tilespmem:$0x1E800] =	vst v63  }
0x95: {  	_ =	swait.ge [sflag:s22], $0x4000  }
0x96: {  	[sflag:s22] =	ssyncset.done $0x0  }
0x97: {  	s31 =	simm.s32 $0x1480;
	[sflag:s22] =	ssyncadd.s32 $0xFFFFC000  }
0x98: {  	[spmem:s1] =	stream.indirect.scatter.add.f32 [tilespmem:s20], [sflag:$0x3], $0x80, s31, s18, $0xb8;
	[tilespmem:$0x1E800] =	vst v63  }
0x99: {  	_ =	swait.ge [sflag:s21], $0x4000  }
0x9a: {  	s29 =	simm.s32 $0x800;
	s28 =	simm.s32 $0x100;
	[sflag:s21] =	ssyncset.done $0x0  }
.LBB2_6:
0x9b: {  	s0 =	sadd.s32 $0x80, s28  }
0x9c: {  	[sflag:s21] =	ssyncadd.s32 $0xFFFFC000;
	s30 =	smov.u32 s29;
	s31 =	sadd.s32 $0x400, s29  }
0x9d: {  	[tilespmem:s20], [sflag:$0x2] =	stream.indirect.gather [hbm4b:s4+s18], $0x80, s0, s18, $0xb8;
	[tilespmem:$0x1E800] =	vst v63  }
0x9e: {  	p0 =	sne.s32 s29, $0x4800;
	_ =	swait.ge [sflag:s17], $0x4000  }
0x9f: {  	[sflag:s17] =	ssyncset.done $0x0  }
0xa0: {  	s0 =	sadd.s32 $0x1400, s28;
	[sflag:s17] =	ssyncadd.s32 $0xFFFFC000  }
0xa1: {  	[spmem:s1] =	stream.indirect.scatter.add.f32 [tilespmem:s19], [sflag:$0x3], $0x80, s0, s18, $0xb8;
	[tilespmem:$0x1E800] =	vst v63  }
0xa2: {  	_ =	swait.ge [sflag:s21], $0x4000  }
0xa3: {  	[sflag:s21] =	ssyncset.done $0x0  }
0xa4: {  	s0 =	sadd.s32 $0x100, s28;
	[sflag:s21] =	ssyncadd.s32 $0xFFFFC000  }
0xa5: {  	[tilespmem:s19], [sflag:$0x1] =	stream.indirect.gather [hbm4b:s4+s18], $0x80, s0, s18, $0xb8;
	[tilespmem:$0x1E800] =	vst v63  }
0xa6: {  	_ =	swait.ge [sflag:s22], $0x4000  }
.Ltmp2:
0xa7: {  	[sflag:s22] =	ssyncset.done $0x0;
	(pc) =	sbr.rel @p0 .LBB2_6-.Ltmp2, $4  }
0xa8: {  	s0 =	sadd.s32 $0x1480, s28;
	[sflag:s22] =	ssyncadd.s32 $0xFFFFC000  }
0xa9: {  	[spmem:s1] =	stream.indirect.scatter.add.f32 [tilespmem:s20], [sflag:$0x3], $0x80, s0, s18, $0xb8;
	[tilespmem:$0x1E800] =	vst v63  }
0xaa: {  	_ =	swait.ge [sflag:s21], $0x4000  }
0xab: {  	s29 =	smov.u32 s31;
	s28 =	sshra.s32 s30, $0x2;
	[sflag:s21] =	ssyncset.done $0x0  }
0xac: {  	s0 =	sadd.s32 $0x80, s28;
	[sflag:s21] =	ssyncadd.s32 $0xFFFFC000  }
0xad: {  	[tilespmem:s20], [sflag:$0x2] =	stream.indirect.gather [hbm4b:s4+s18], $0x80, s0, s18, $0xb8;
	[tilespmem:$0x1E800] =	vst v63  }
0xae: {  	_ =	swait.ge [sflag:s17], $0x4000  }
0xaf: {  	[sflag:s17] =	ssyncset.done $0x0  }
0xb0: {  	s30 =	sadd.s32 $0x1400, s28;
	[sflag:s17] =	ssyncadd.s32 $0xFFFFC000  }
0xb1: {  	[spmem:s1] =	stream.indirect.scatter.add.f32 [tilespmem:s19], [sflag:$0x3], $0x80, s30, s18, $0xb8;
	[tilespmem:$0x1E800] =	vst v63  }
0xb2: {  	_ =	swait.ge [sflag:s21], $0x4000  }
0xb3: {  	[sflag:s21] =	ssyncset.done $0x0  }
0xb4: {  	s31 =	sadd.s32 $0x100, s28;
	[sflag:s21] =	ssyncadd.s32 $0xFFFFC000  }
0xb5: {  	[tilespmem:s19], [sflag:$0x1] =	stream.indirect.gather [hbm4b:s4+s18], $0x80, s31, s18, $0xb8;
	[tilespmem:$0x1E800] =	vst v63  }
0xb6: {  	_ =	swait.ge [sflag:s22], $0x4000  }
0xb7: {  	[sflag:s22] =	ssyncset.done $0x0  }
0xb8: {  	s29 =	sadd.s32 $0x1480, s28;
	[sflag:s22] =	ssyncadd.s32 $0xFFFFC000  }
0xb9: {  	[spmem:s1] =	stream.indirect.scatter.add.f32 [tilespmem:s20], [sflag:$0x3], $0x80, s29, s18, $0xb8;
	[tilespmem:$0x1E800] =	vst v63  }
0xba: {  	_ =	swait.ge [sflag:s21], $0x4000  }
0xbb: {  	[sflag:s21] =	ssyncset.done $0x0  }
0xbc: {  	[sflag:s21] =	ssyncadd.s32 $0xFFFFC000  }
0xbd: {  	[tilespmem:s20], [sflag:$0x2] =	stream.indirect.gather [hbm4b:s4+s18], $0x80, s23, s18, $0xb8;
	[tilespmem:$0x1E800] =	vst v63  }
0xbe: {  	_ =	swait.ge [sflag:s17], $0x4000  }
0xbf: {  	[sflag:s17] =	ssyncset.done $0x0  }
0xc0: {  	[sflag:s17] =	ssyncadd.s32 $0xFFFFC000  }
0xc1: {  	[spmem:s1] =	stream.indirect.scatter.add.f32 [tilespmem:s19], [sflag:$0x3], $0x80, s24, s18, $0xb8;
	[tilespmem:$0x1E800] =	vst v63  }
0xc2: {  	_ =	swait.ge [sflag:s21], $0x4000  }
0xc3: {  	[sflag:s21] =	ssyncset.done $0x0  }
0xc4: {  	[sflag:s21] =	ssyncadd.s32 $0xFFFFC000  }
0xc5: {  	_ =	swait.ge [sflag:s22], $0x4000  }
0xc6: {  	[sflag:s22] =	ssyncset.done $0x0  }
0xc7: {  	[sflag:s22] =	ssyncadd.s32 $0xFFFFC000  }
0xc8: {  	[spmem:s1] =	stream.indirect.scatter.add.f32 [tilespmem:s20], [sflag:$0x3], $0x80, s25, s18, $0xb8;
	[tilespmem:$0x1E800] =	vst v63  }
0xc9: {  	_ =	swait.ge [sflag:s21], $0x4000  }
0xca: {  	s26 =	sadd.s32 $0x1, s26;
	s30 =	sshll.u32 s2, $0x6;
	[sflag:s21] =	ssyncset.done $0x0  }
0xcb: {  	p0 =	sne.s32 s26, s15;
	s0 =	sor.u32 $0x1C03, s30;
	[sflag:s21] =	ssyncadd.s32 $0xFFFFC000  }
.Ltmp3:
0xcc: {  	s31 =	sshrl.u32 s6, $0x3;
	[bflag:$0x0] =	sbarrier.arrive $0xFFFF;
	(pc) =	sbr.rel @p0 .LBB2_1-.Ltmp3, $4  }
0xcd: {  	[hbm:s14], [sflag:s0] =	dma.local [spmem:s31], $0x2800  }
0xce: {  	_ =	swait.ge [sflag:s21], $0x2800  }
0xcf: {  	[sflag:s21] =	ssyncset.done $0x0  }
0xd0: {  	[sflag:s21] =	ssyncadd.s32 $0xFFFFD800  }
0xd1: {  	_ =	sfence.sel $0x180000  }
0xd2: {  	[bflag:$0x0] =	sbarrier.arrive $0xFFFF  }
0xd3: {  	_ =	strace $0x9000004D  }
0xd4: {  	[bflag:$0x2] =	sbarrier.arrive $0xFFFF  }
0xd5: {  	p0 =	sne.s32 s2, $0x0;
	s0 =	rddreg [dreg:$0x2]  }
0xd6: {  	s0 =	sadd.s32 @!p0 $0x100000, s0  }
0xd7: {  	[sflag:s0] =	ssyncadd.tile.s32 @!p0 $0x1;
	_ =	shalt  }
.Lfunc_end2:
_tile_overlayer_lowered:
.L_overlay_start_2:
0xd8: {  	(tag) =	ssettag $0x2  }
0xd9: {  	s0 =	rddreg [dreg:$0x0];
	s2 =	stileid.u32  }
0xda: {  	s1 =	rddreg [dreg:$0x1];
	p0 =	sne.s32 s2, $0x0  }
0xdb: {  	s3 =	rddreg [dreg:$0x2];
	[bflag:$0x3] =	sbarrier.arrive $0xFFFF;
	s2 =	simm.s32 @!p0 $0x1C03  }
0xdc: {  	[timem:s3], [sflag:s2] =	dma.local @!p0 [hbm:s0], s1  }
0xdd: {  	s0 =	simm.s32 @!p0 $0x3  }
0xde: {  	_ =	swait.ge @!p0 [sflag:s0], s1  }
0xdf: {  	s1 =	ssub.s32 @!p0 $0x0, s1;
	[sflag:s0] =	ssyncset.done @!p0 $0x0  }
0xe0: {  	[sflag:s0] =	ssyncadd.s32 @!p0 s1  }
0xe1: {  	[bflag:$0x3] =	sbarrier.arrive $0xFFFF  }
0xe2: {  	_ =	shalt  }

// kernel: kernel.22.cloned.1.call-start
scs
__scs_entry_jumppad:
0x0: {  	(pc) =	sbr.rel $0x88, $3  }
0x1: {  	(tag) =	ssettag $0x0;
	lr =	simm.s32 $0x1  }
0x2: {  	[smem:$0x3F95] =	sst lr;
	_ =	strace $0xD0000000  }
0x3: {  	_ = 	snop  }
0x4: {  	_ = 	snop  }
0x5: {  	_ = 	snop  }
0x6: {  	_ = 	snop  }
0x7: {  	_ = 	snop  }
__scs_overlays_trampoline_lowered:
0x8: {  	[smem:$0x3FA4] =	sst s0  }
0x9: {  	[smem:$0x3FA5] =	sst s1  }
0xa: {  	[smem:$0x3FA6] =	sst s2  }
0xb: {  	[smem:$0x3FA7] =	sst s3  }
0xc: {  	[smem:$0x3FA8] =	sst s4  }
0xd: {  	[smem:$0x3FA9] =	sst s5  }
0xe: {  	[smem:$0x3FAA] =	sst s6  }
0xf: {  	[smem:$0x3FAB] =	sst s7  }
0x10: {  	[smem:$0x3FAC] =	sst s8  }
0x11: {  	[smem:$0x3FAD] =	sst s9;
	s0 =	simm.s32 @!p0 $0x0  }
0x12: {  	s1 =	sld [smem:$0x3F93];
	s0 =	simm.s32 @p0 $0x1  }
0x13: {  	[smem:$0x3FAE] =	sst s0;
	s0 =	simm.s32 @!p1 $0x0  }
0x14: {  	s2 =	sld [smem:$0x3F92];
	s0 =	simm.s32 @p1 $0x1  }
0x15: {  	[smem:$0x3FAF] =	sst s0;
	s0 =	simm.s32 @!p2 $0x0  }
0x16: {  	s3 =	sld [smem:$0x3FDB];
	s0 =	simm.s32 @p2 $0x1  }
0x17: {  	s4 =	simm.s32 $0x1BF5;
	[smem:$0x3FB1] =	sst s0  }
0x18: {  	s0 =	sld [smem:$0x3F94];
	_ =	swait.ge [sflag:s4], $0x0  }
0x19: {  	s7 =	sld [smem:$0x3F95]  }
0x1a: {  	s8 =	sadd.s32 $0xFFFFE003, lr  }
0x1b: {  	s9 =	sadd.s32 $0xFFFFFEF7, lr;
	s5 =	simm.s32 $0xFFFFFFFF;
	p2 =	slt.u32 s8, $0xFFFFF086  }
0x1c: {  	p1 =	slt.u32 s9, $0xF7A;
	s5 =	simm.s32 @!p2 $0x0  }
0x1d: {  	s5 =	simm.s32 @p1 $0x1;
	p0 =	seq.s32 s7, s2  }
0x1e: {  	s7 =	smul.u32 @!p0 $0xF7A, s2;
	p2 =	seq.s32 @!p0 s5, $0x0  }
0x1f: {  	s9 =	smul.u32 $0xF7A, s1;
	s8 =	simm.s32 @!p0 $0x1BF5;
	p2 =	por !p2, p0  }
0x20: {  	[sflag:s8] =	ssyncset.s32 @!p0 $0xFFFFF086;
	s6 =	sadd.s32 @!p0 s3, s7;
	s7 =	simm.s32 @!p0 $0x108  }
0x21: {  	s3 =	sadd.s32 s3, s9;
	s6 =	sadd.s32 @!p0 $0x88, s6;
	s7 =	simm.s32 @p2 $0x1082  }
0x22: {  	[simem:s7], [sflag:s8] =	dma.local @!p0 [hbm:s6], $0xF7A  }
0x23: {  	s9 =	sor.u32 $0xD0000000, s2;
	s6 =	simm.s32 $0x108;
	_ =	swait.ge @!p0 [sflag:s8], $0x0  }
0x24: {  	s3 =	sadd.s32 $0x88, s3;
	s6 =	simm.s32 @!p1 $0x1082;
	[sflag:s4] =	ssyncset.s32 $0xFFFFF086  }
0x25: {  	[simem:s6], [sflag:s4] =	dma.local [hbm:s3], $0xF7A  }
0x26: {  	[smem:$0x3F95] =	sst s1;
	(tag) =	ssettag s2;
	_ =	strace s9  }
0x27: {  	s1 =	sld [smem:$0x3FA5]  }
0x28: {  	s2 =	sld [smem:$0x3FA6]  }
0x29: {  	s4 =	sld [smem:$0x3FA8]  }
0x2a: {  	p0 =	seq.s32 s5, $0x0;
	s5 =	sld [smem:$0x3FA9]  }
0x2b: {  	s6 =	sld [smem:$0x3FAA]  }
0x2c: {  	s7 =	sld [smem:$0x3FAB]  }
0x2d: {  	s3 =	simm.s32 $0x108;
	s8 =	sld [smem:$0x3FAC]  }
0x2e: {  	s3 =	simm.s32 @!p0 $0x1082;
	s9 =	sld [smem:$0x3FAD]  }
0x2f: {  	lr =	sadd.s32 s0, s3;
	s0 =	sld [smem:$0x3FA4]  }
0x30: {  	s3 =	sld [smem:$0x3FA7]  }
0x31: {  	[smem:$0x3FB0] =	sst s10  }
0x32: {  	s10 =	sld [smem:$0x3FAE];
	_ =	sdelay $0x3  }
0x33: {  	p0 =	seq.s32 s10, $0x1;
	s10 =	sld [smem:$0x3FB0];
	_ =	sdelay $0x3  }
0x34: {  	[smem:$0x3FB0] =	sst s10  }
0x35: {  	s10 =	sld [smem:$0x3FAF];
	_ =	sdelay $0x3  }
0x36: {  	p1 =	seq.s32 s10, $0x1;
	s10 =	sld [smem:$0x3FB0];
	_ =	sdelay $0x3  }
0x37: {  	[smem:$0x3FB0] =	sst s10  }
0x38: {  	s10 =	sld [smem:$0x3FB1]  }
0x39: {  	_ = 	snop;
	(pc) =	sbr.ind lr, $3  }
0x3a: {  	_ = 	snop  }
0x3b: {  	_ = 	snop  }
0x3c: {  	p2 =	seq.s32 s10, $0x1;
	s10 =	sld [smem:$0x3FB0]  }
0x3d: {  	_ =	shalt  }
0x3e: {  	_ =	shalt  }
0x3f: {  	_ =	shalt  }
0x40: {  	_ =	shalt  }
0x41: {  	_ =	shalt  }
0x42: {  	_ =	shalt  }
0x43: {  	_ =	shalt  }
0x44: {  	_ =	shalt  }
0x45: {  	_ =	shalt  }
0x46: {  	_ =	shalt  }
0x47: {  	_ =	shalt  }
0x48: {  	_ =	shalt  }
0x49: {  	_ =	shalt  }
0x4a: {  	_ =	shalt  }
0x4b: {  	_ =	shalt  }
0x4c: {  	_ =	shalt  }
0x4d: {  	_ =	shalt  }
0x4e: {  	_ =	shalt  }
0x4f: {  	_ =	shalt  }
0x50: {  	_ =	shalt  }
0x51: {  	_ =	shalt  }
0x52: {  	_ =	shalt  }
0x53: {  	_ =	shalt  }
0x54: {  	_ =	shalt  }
0x55: {  	_ =	shalt  }
0x56: {  	_ =	shalt  }
0x57: {  	_ =	shalt  }
0x58: {  	_ =	shalt  }
0x59: {  	_ =	shalt  }
0x5a: {  	_ =	shalt  }
0x5b: {  	_ =	shalt  }
0x5c: {  	_ =	shalt  }
0x5d: {  	_ =	shalt  }
0x5e: {  	_ =	shalt  }
0x5f: {  	_ =	shalt  }
0x60: {  	_ =	shalt  }
0x61: {  	_ =	shalt  }
0x62: {  	_ =	shalt  }
0x63: {  	_ =	shalt  }
0x64: {  	_ =	shalt  }
0x65: {  	_ =	shalt  }
0x66: {  	_ =	shalt  }
0x67: {  	_ =	shalt  }
0x68: {  	_ =	shalt  }
0x69: {  	_ =	shalt  }
0x6a: {  	_ =	shalt  }
0x6b: {  	_ =	shalt  }
0x6c: {  	_ =	shalt  }
0x6d: {  	_ =	shalt  }
0x6e: {  	_ =	shalt  }
0x6f: {  	_ =	shalt  }
0x70: {  	_ =	shalt  }
0x71: {  	_ =	shalt  }
0x72: {  	_ =	shalt  }
0x73: {  	_ =	shalt  }
0x74: {  	_ =	shalt  }
0x75: {  	_ =	shalt  }
0x76: {  	_ =	shalt  }
0x77: {  	_ =	shalt  }
0x78: {  	_ =	shalt  }
0x79: {  	_ =	shalt  }
0x7a: {  	_ =	shalt  }
0x7b: {  	_ =	shalt  }
0x7c: {  	_ =	shalt  }
0x7d: {  	_ =	shalt  }
0x7e: {  	_ =	shalt  }
0x7f: {  	_ =	shalt  }
0x80: {  	_ =	shalt  }
0x81: {  	_ =	shalt  }
0x82: {  	_ =	shalt  }
0x83: {  	_ =	shalt  }
0x84: {  	_ =	shalt  }
0x85: {  	_ =	shalt  }
0x86: {  	_ =	shalt  }
0x87: {  	_ =	shalt  }
.Lfunc_end0:
.L_simem_size_0:
called_computation.3_lowered:
.L_overlay_start_0:
0x88: {  	s2 =	sld [smem:$0x3FD9]  }
0x89: {  	s3 =	sld [smem:$0x3FFE];
	_ =	sdelay $0x1  }
0x8a: {  	s1 =	srdreg.scid  }
0x8b: {  	s0 =	sand.u32 $0x1, s1  }
0x8c: {  	s16 =	sshll.u32 s0, $0xA;
	s2 =	sadd.s32 s3, s2  }
0x8d: {  	s2 =	sadd.s32 s2, s16  }
0x8e: {  	[smem:$0x3FBC] =	sst s2  }
0x8f: {  	_ = 	snop  }
0x90: {  	(tm) =	ssettm $0x1  }
0x91: {  	s17 =	sld [smem:$0x3FFB];
	_ =	sdelay $0x3  }
0x92: {  	_ =	strace s17  }
0x93: {  	s2 =	sld [smem:$0x3FFC];
	_ =	sdelay $0x3  }
0x94: {  	_ =	strace s2  }
0x95: {  	s2 =	sld [smem:$0x3FFD];
	_ =	sdelay $0x3  }
0x96: {  	_ =	strace s2  }
0x97: {  	_ =	strace $0x8FFFFFFF  }
0x98: {  	s18 =	sld [smem:$0x3FDB];
	_ =	sdelay $0x1  }
0x99: {  	s19 =	simm.s32 $_scs_section_size  }
0x9a: {  	s4 =	simm.s32 $_size__tile_overlayer_lowered;
	s5 =	simm.s32 $_tile_overlayer_lowered  }
0x9b: {  	s22 =	simm.s32 $0x1BFF;
	s21 =	sshll.u32 s5, $0x1;
	s2 =	sadd.s32 s19, s18  }
0x9c: {  	s6 =	simm.s32 $0x0;
	s20 =	sshll.u32 s4, $0x1;
	s4 =	sadd.s32 s21, s2  }
0x9d: {  	[timem:s6], [sflag:s22] =	dma.local [hbm:s4], s20  }
0x9e: {  	_ =	swait.ge [sflag:s22], s20  }
0x9f: {  	s3 =	ssub.s32 $0x0, s20;
	[sflag:s22] =	ssyncset.done $0x0  }
0xa0: {  	[sflag:s22] =	ssyncadd.s32 s3;
	_ =	sdelay $0x1  }
0xa1: {  	s23 =	simm.s32 $0x1B8B  }
0xa2: {  	_ =	swait.ge [sflag:s23], $0x1  }
0xa3: {  	[sflag:s23] =	ssyncset.done $0x0  }
0xa4: {  	s25 =	simm.s32 $0x1B8E;
	s24 =	sld [smem:$0x3FFE];
	[sflag:s23] =	ssyncadd.s32 $0xFFFFFFFF  }
0xa5: {  	s26 =	simm.s32 $execute0_lowered;
	[smem:$0x3FD2] =	sst s25  }
0xa6: {  	s4 =	sshll.u32 s26, $0x1;
	_ =	strace $0x8000004F;
	[dreg:$0x1] =	wrdreg $0xFFFFFFFF  }
0xa7: {  	s28 =	simm.s32 $_size_execute0_lowered;
	s2 =	sadd.s32 s2, s4;
	[dreg:$0x0] =	wrdreg $0x0  }
0xa8: {  	s4 =	sshll.u32 s28, $0x1;
	[dreg:$0x2] =	wrdreg s2  }
0xa9: {  	[dreg:$0x3] =	wrdreg s4  }
0xaa: {  	[dreg:$0x4] =	wrdreg $0xC0  }
0xab: {  	_ =	task [dreg:s6], $0x5FFFF  }
0xac: {  	[dreg:$0x1] =	wrdreg $0xFFFFFFFF  }
0xad: {  	[dreg:$0x0] =	wrdreg $0x60  }
0xae: {  	[dreg:$0x2] =	wrdreg s24  }
0xaf: {  	[dreg:$0x3] =	wrdreg $0xA8000  }
0xb0: {  	[dreg:$0x4] =	wrdreg $0x9  }
0xb1: {  	_ =	task.clear_ibuf [dreg:s6], $0x5FFFF;
	_ =	strace $0x9000004F  }
0xb2: {  	s29 =	simm.s32 $0x9;
	_ =	strace $0x80000051  }
0xb3: {  	_ =	swait.ge [sflag:s29], $0x1  }
0xb4: {  	[sflag:s29] =	ssyncadd.s32 $0xFFFFFFFF  }
0xb5: {  	_ =	strace $0x90000051  }
0xb6: {  	_ =	sfence  }
0xb7: {  	s30 =	sld [smem:$0x0];
	_ =	sdelay $0x2  }
0xb8: {  	s31 =	sshll.u32 s1, $0xD;
	s1 =	sshrl.u32 s1, $0x2  }
0xb9: {  	s3 =	sand.u32 $0x4000, s31;
	s1 =	sadd.s32 s1, s30  }
0xba: {  	s0 =	sor.u32 s3, s0;
	s1 =	sshll.u32 s1, $0x11  }
0xbb: {  	s0 =	sor.u32 s1, s0  }
0xbc: {  	s0 =	sadd.s32 $0x8F2B, s0  }
0xbd: {  	[sflag:s0] =	ssyncadd.remote.s32 $0x1  }
0xbe: {  	_ =	sfence.sel $0xFFFF  }
0xbf: {  	[dreg:$0x0] =	wrdreg $0xFFFFFFFF;
	(pc) =	sbr.abs _section_cstart, $3  }
0xc0: {  	[dreg:$0x1] =	wrdreg $0xFFFFFFFF  }
0xc1: {  	_ =	task.clear_ibuf [dreg:s6], $0x2FFFF;
	_ =	strace $0x9FFFFFFF  }
0xc2: {  	(tm) =	ssettm $0x7FFFFFFF  }
0xc3: {  	_ =	shalt  }
tec
execute0_lowered:
.L_overlay_start_1:
0x0: {  	(tag) =	ssettag $0x1  }
0x1: {  	s5 =	rddreg [dreg:$0x0]  }
0x2: {  	s1 =	rddreg [dreg:$0x1];
	s2 =	srdreg.scid  }
0x3: {  	s3 =	simm.s32 $0x0;
	s17 =	simm.s32 $0x1;
	s18 =	simm.s32 $0x80  }
0x4: {  	s19 =	simm.s32 $0x6800;
	s20 =	simm.s32 $0x2800;
	s21 =	simm.s32 $0x3  }
0x5: {  	s22 =	simm.s32 $0x2;
	s23 =	simm.s32 $0x1380;
	s24 =	simm.s32 $0x2700  }
0x6: {  	s25 =	simm.s32 $0x2780;
	s6 =	sand.u32 $0x1, s2;
	s2 =	stileid.u32  }
0x7: {  	s26 =	simm.s32 $0x0;
	[smem:$0x7FF] =	sst s3;
	s4 =	smul.u32 $0x140000, s6  }
0x8: {  	s12 =	sadd.s32 $0x4400, s5;
	s13 =	sadd.s32 $0xE400, s5;
	s7 =	smul.u32 $0x14000, s2  }
0x9: {  	s8 =	sshll.u32 s6, $0x4;
	s9 =	smul.u32 $0x50000, s2;
	s30 =	ssub.s32 $0x2, s6  }
0xa: {  	_ =	strace $0x80000050;
	s8 =	sor.u32 s2, s8;
	s6 =	sshrl.u32 s30, $0x1  }
0xb: {  	s4 =	sadd.s32 s7, s4;
	s28 =	smul.u32 $0x2800, s8;
	s31 =	sshrl.u32 s9, $0x2  }
0xc: {  	s16 =	ssub.s32 s30, s6;
	s29 =	sshrl.u32 s4, $0x3;
	s4 =	sadd.s32 $0x68400, s5  }
0xd: {  	s6 =	sadd.s32 s31, s1;
	s14 =	sadd.s32 s29, s5;
	s15 =	sshrl.u32 s28, $0x3  }
0xe: {  	s8 =	sadd.s32 $0x4000, s6;
	s9 =	sadd.s32 $0x8000, s6;
	s10 =	sadd.s32 $0xC000, s6  }
0xf: {  	s5 =	sadd.s32 s12, s15;
	s7 =	sadd.s32 s13, s15;
	s15 =	sadd.s32 $0x280, s15  }
0x10: {  	s11 =	sadd.s32 $0x10000, s6;
	s14 =	sadd.s32 $0x8F600, s14;
	s12 =	sadd.s32 s12, s15  }
0x11: {  	v0 =	vimm.f32 $0.0e+00;
	s13 =	sadd.s32 s13, s15;
	s15 =	smax.u32 s16, $0x1;
	s16 =	simm.s32 $0x1400  }
.LBB2_1:
0x12: {  	[tilespmem:s3], [sflag:$0x1] =	stream.linear.gather [hbm4b:s5+s3], $0x1400, $0x38;
	[tilespmem:$0x1E800] =	vst v63  }
0x13: {  	s28 =	simm.s32 $0x0;
	s29 =	simm.s32 $0x200  }
0x14: {  	[tilespmem:s16], [sflag:$0x2] =	stream.linear.gather [hbm4b:s7+s3], $0x1400, $0x38;
	[tilespmem:$0x1E800] =	vst v63  }
.LBB2_2:
0x15: {  	p0 =	sne.s32 s29, $0xFE00;
	[tilespmem:s28+$0x2870] =	vst v0  }
0x16: {  	[tilespmem:s28+$0x2800] =	vst v0  }
0x17: {  	[tilespmem:s28+$0x2810] =	vst v0  }
.Ltmp0:
0x18: {  	[tilespmem:s28+$0x2820] =	vst v0;
	(pc) =	sbr.rel @p0 .LBB2_2-.Ltmp0, $4  }
0x19: {  	[tilespmem:s28+$0x2830] =	vst v0  }
0x1a: {  	[tilespmem:s28+$0x2840] =	vst v0  }
0x1b: {  	[tilespmem:s28+$0x2850] =	vst v0  }
0x1c: {  	[tilespmem:s28+$0x2860] =	vst v0;
	s28 =	sshra.s32 s29, $0x2;
	s29 =	sadd.s32 $0x200, s29  }
0x1d: {  	[tilespmem:s28+$0x2870] =	vst v0  }
0x1e: {  	[tilespmem:s28+$0x2800] =	vst v0  }
0x1f: {  	[tilespmem:s28+$0x2810] =	vst v0  }
0x20: {  	[tilespmem:s28+$0x2820] =	vst v0  }
0x21: {  	[tilespmem:s28+$0x2830] =	vst v0  }
0x22: {  	[tilespmem:s28+$0x2840] =	vst v0  }
0x23: {  	[tilespmem:s28+$0x2850] =	vst v0  }
0x24: {  	[tilespmem:s28+$0x2860] =	vst v0  }
0x25: {  	_ =	swait.ge [sflag:s17], $0x1400  }
0x26: {  	[sflag:s17] =	ssyncset.done $0x0  }
0x27: {  	s28 =	simm.s32 $0x0;
	[sflag:s17] =	ssyncadd.s32 $0xFFFFEC00  }
0x28: {  	[tilespmem:s19], [sflag:$0x1] =	stream.indirect.gather [hbm4b:s4+s18], $0x80, s28, s18, $0xb8;
	[tilespmem:$0x1E800] =	vst v63  }
0x29: {  	_ = 	snop  }
0x2a: {  	[spmem:s6] =	stream.linear.scatter [tilespmem:s20], [sflag:$0x3], $0x4000, $0x38;
	[tilespmem:$0x1E800] =	vst v63  }
0x2b: {  	_ =	swait.ge [sflag:s21], $0x4000  }
0x2c: {  	[sflag:s21] =	ssyncset.done $0x0  }
0x2d: {  	[sflag:s21] =	ssyncadd.s32 $0xFFFFC000  }
0x2e: {  	[spmem:s8] =	stream.linear.scatter [tilespmem:s20], [sflag:$0x3], $0x4000, $0x38;
	[tilespmem:$0x1E800] =	vst v63  }
0x2f: {  	_ =	swait.ge [sflag:s21], $0x4000  }
0x30: {  	[sflag:s21] =	ssyncset.done $0x0  }
0x31: {  	[sflag:s21] =	ssyncadd.s32 $0xFFFFC000  }
0x32: {  	[spmem:s9] =	stream.linear.scatter [tilespmem:s20], [sflag:$0x3], $0x4000, $0x38;
	[tilespmem:$0x1E800] =	vst v63  }
0x33: {  	_ =	swait.ge [sflag:s21], $0x4000  }
0x34: {  	[sflag:s21] =	ssyncset.done $0x0  }
0x35: {  	[sflag:s21] =	ssyncadd.s32 $0xFFFFC000  }
0x36: {  	[spmem:s10] =	stream.linear.scatter [tilespmem:s20], [sflag:$0x3], $0x4000, $0x38;
	[tilespmem:$0x1E800] =	vst v63  }
0x37: {  	_ =	swait.ge [sflag:s21], $0x4000  }
0x38: {  	[sflag:s21] =	ssyncset.done $0x0  }
0x39: {  	[sflag:s21] =	ssyncadd.s32 $0xFFFFC000  }
0x3a: {  	[spmem:s11] =	stream.linear.scatter [tilespmem:s20], [sflag:$0x3], $0x4000, $0x38;
	[tilespmem:$0x1E800] =	vst v63  }
0x3b: {  	_ =	swait.ge [sflag:s21], $0x4000  }
0x3c: {  	[sflag:s21] =	ssyncset.done $0x0  }
0x3d: {  	[sflag:s21] =	ssyncadd.s32 $0xFFFFC000  }
0x3e: {  	_ =	swait.ge [sflag:s22], $0x1400  }
0x3f: {  	[sflag:s22] =	ssyncset.done $0x0  }
0x40: {  	[sflag:s22] =	ssyncadd.s32 $0xFFFFEC00  }
0x41: {  	s28 =	simm.s32 $0x80;
	[bflag:$0x0] =	sbarrier.arrive $0xFFFF  }
0x42: {  	[tilespmem:s20], [sflag:$0x2] =	stream.indirect.gather [hbm4b:s4+s18], $0x80, s28, s18, $0xb8;
	[tilespmem:$0x1E800] =	vst v63  }
0x43: {  	_ =	swait.ge [sflag:s17], $0x4000  }
0x44: {  	[sflag:s17] =	ssyncset.done $0x0  }
0x45: {  	s28 =	simm.s32 $0x1400;
	[sflag:s17] =	ssyncadd.s32 $0xFFFFC000  }
0x46: {  	[spmem:s1] =	stream.indirect.scatter.add.f32 [tilespmem:s19], [sflag:$0x3], $0x80, s28, s18, $0xb8;
	[tilespmem:$0x1E800] =	vst v63  }
0x47: {  	_ =	swait.ge [sflag:s21], $0x4000  }
0x48: {  	[sflag:s21] =	ssyncset.done $0x0  }
0x49: {  	s28 =	simm.s32 $0x100;
	[sflag:s21] =	ssyncadd.s32 $0xFFFFC000  }
0x4a: {  	[tilespmem:s19], [sflag:$0x1] =	stream.indirect.gather [hbm4b:s4+s18], $0x80, s28, s18, $0xb8;
	[tilespmem:$0x1E800] =	vst v63  }
0x4b: {  	_ =	swait.ge [sflag:s22], $0x4000  }
0x4c: {  	[sflag:s22] =	ssyncset.done $0x0  }
0x4d: {  	s28 =	simm.s32 $0x1480;
	[sflag:s22] =	ssyncadd.s32 $0xFFFFC000  }
0x4e: {  	[spmem:s1] =	stream.indirect.scatter.add.f32 [tilespmem:s20], [sflag:$0x3], $0x80, s28, s18, $0xb8;
	[tilespmem:$0x1E800] =	vst v63  }
0x4f: {  	_ =	swait.ge [sflag:s21], $0x4000  }
0x50: {  	s29 =	simm.s32 $0x800;
	s28 =	simm.s32 $0x100;
	[sflag:s21] =	ssyncset.done $0x0  }
.LBB2_4:
0x51: {  	s30 =	sadd.s32 $0x80, s28  }
0x52: {  	[sflag:s21] =	ssyncadd.s32 $0xFFFFC000;
	s31 =	smov.u32 s29;
	s0 =	sadd.s32 $0x400, s29  }
0x53: {  	[tilespmem:s20], [sflag:$0x2] =	stream.indirect.gather [hbm4b:s4+s18], $0x80, s30, s18, $0xb8;
	[tilespmem:$0x1E800] =	vst v63  }
0x54: {  	p0 =	sne.s32 s29, $0x4800;
	_ =	swait.ge [sflag:s17], $0x4000  }
0x55: {  	[sflag:s17] =	ssyncset.done $0x0  }
0x56: {  	s29 =	sadd.s32 $0x1400, s28;
	[sflag:s17] =	ssyncadd.s32 $0xFFFFC000  }
0x57: {  	[spmem:s1] =	stream.indirect.scatter.add.f32 [tilespmem:s19], [sflag:$0x3], $0x80, s29, s18, $0xb8;
	[tilespmem:$0x1E800] =	vst v63  }
0x58: {  	_ =	swait.ge [sflag:s21], $0x4000  }
0x59: {  	[sflag:s21] =	ssyncset.done $0x0  }
0x5a: {  	s29 =	sadd.s32 $0x100, s28;
	[sflag:s21] =	ssyncadd.s32 $0xFFFFC000  }
0x5b: {  	[tilespmem:s19], [sflag:$0x1] =	stream.indirect.gather [hbm4b:s4+s18], $0x80, s29, s18, $0xb8;
	[tilespmem:$0x1E800] =	vst v63  }
0x5c: {  	_ =	swait.ge [sflag:s22], $0x4000  }
.Ltmp1:
0x5d: {  	[sflag:s22] =	ssyncset.done $0x0;
	(pc) =	sbr.rel @p0 .LBB2_4-.Ltmp1, $4  }
0x5e: {  	s28 =	sadd.s32 $0x1480, s28;
	[sflag:s22] =	ssyncadd.s32 $0xFFFFC000  }
0x5f: {  	[spmem:s1] =	stream.indirect.scatter.add.f32 [tilespmem:s20], [sflag:$0x3], $0x80, s28, s18, $0xb8;
	[tilespmem:$0x1E800] =	vst v63  }
0x60: {  	_ =	swait.ge [sflag:s21], $0x4000  }
0x61: {  	s29 =	smov.u32 s0;
	s28 =	sshra.s32 s31, $0x2;
	[sflag:s21] =	ssyncset.done $0x0  }
0x62: {  	s0 =	sadd.s32 $0x80, s28;
	[sflag:s21] =	ssyncadd.s32 $0xFFFFC000  }
0x63: {  	[tilespmem:s20], [sflag:$0x2] =	stream.indirect.gather [hbm4b:s4+s18], $0x80, s0, s18, $0xb8;
	[tilespmem:$0x1E800] =	vst v63  }
0x64: {  	_ =	swait.ge [sflag:s17], $0x4000  }
0x65: {  	[sflag:s17] =	ssyncset.done $0x0  }
0x66: {  	s30 =	sadd.s32 $0x1400, s28;
	[sflag:s17] =	ssyncadd.s32 $0xFFFFC000  }
0x67: {  	[spmem:s1] =	stream.indirect.scatter.add.f32 [tilespmem:s19], [sflag:$0x3], $0x80, s30, s18, $0xb8;
	[tilespmem:$0x1E800] =	vst v63  }
0x68: {  	_ =	swait.ge [sflag:s21], $0x4000  }
0x69: {  	[sflag:s21] =	ssyncset.done $0x0  }
0x6a: {  	s31 =	sadd.s32 $0x100, s28;
	[sflag:s21] =	ssyncadd.s32 $0xFFFFC000  }
0x6b: {  	[tilespmem:s19], [sflag:$0x1] =	stream.indirect.gather [hbm4b:s4+s18], $0x80, s31, s18, $0xb8;
	[tilespmem:$0x1E800] =	vst v63  }
0x6c: {  	_ =	swait.ge [sflag:s22], $0x4000  }
0x6d: {  	[sflag:s22] =	ssyncset.done $0x0  }
0x6e: {  	s30 =	sadd.s32 $0x1480, s28;
	[sflag:s22] =	ssyncadd.s32 $0xFFFFC000  }
0x6f: {  	[spmem:s1] =	stream.indirect.scatter.add.f32 [tilespmem:s20], [sflag:$0x3], $0x80, s30, s18, $0xb8;
	[tilespmem:$0x1E800] =	vst v63  }
0x70: {  	_ =	swait.ge [sflag:s21], $0x4000  }
0x71: {  	[sflag:s21] =	ssyncset.done $0x0  }
0x72: {  	[sflag:s21] =	ssyncadd.s32 $0xFFFFC000  }
0x73: {  	[tilespmem:s20], [sflag:$0x2] =	stream.indirect.gather [hbm4b:s4+s18], $0x80, s23, s18, $0xb8;
	[tilespmem:$0x1E800] =	vst v63  }
0x74: {  	_ =	swait.ge [sflag:s17], $0x4000  }
0x75: {  	[sflag:s17] =	ssyncset.done $0x0  }
0x76: {  	[sflag:s17] =	ssyncadd.s32 $0xFFFFC000  }
0x77: {  	[spmem:s1] =	stream.indirect.scatter.add.f32 [tilespmem:s19], [sflag:$0x3], $0x80, s24, s18, $0xb8;
	[tilespmem:$0x1E800] =	vst v63  }
0x78: {  	_ =	swait.ge [sflag:s21], $0x4000  }
0x79: {  	[sflag:s21] =	ssyncset.done $0x0  }
0x7a: {  	[sflag:s21] =	ssyncadd.s32 $0xFFFFC000  }
0x7b: {  	_ =	swait.ge [sflag:s22], $0x4000  }
0x7c: {  	[sflag:s22] =	ssyncset.done $0x0  }
0x7d: {  	[sflag:s22] =	ssyncadd.s32 $0xFFFFC000  }
0x7e: {  	[spmem:s1] =	stream.indirect.scatter.add.f32 [tilespmem:s20], [sflag:$0x3], $0x80, s25, s18, $0xb8;
	[tilespmem:$0x1E800] =	vst v63  }
0x7f: {  	_ =	swait.ge [sflag:s21], $0x4000  }
0x80: {  	[sflag:s21] =	ssyncset.done $0x0  }
0x81: {  	s31 =	simm.s32 $0x0;
	[sflag:s21] =	ssyncadd.s32 $0xFFFFC000  }
0x82: {  	[tilespmem:s31], [sflag:$0x3] =	stream.linear.gather [hbm4b:s12+s31], $0x1400, $0x38;
	[tilespmem:$0x1E800] =	vst v63  }
0x83: {  	_ =	swait.ge [sflag:s21], $0x1400  }
0x84: {  	[sflag:s21] =	ssyncset.done $0x0  }
0x85: {  	[sflag:s21] =	ssyncadd.s32 $0xFFFFEC00  }
0x86: {  	[tilespmem:s16], [sflag:$0x3] =	stream.linear.gather [hbm4b:s13+s31], $0x1400, $0x38;
	[tilespmem:$0x1E800] =	vst v63  }
0x87: {  	_ =	swait.ge [sflag:s21], $0x1400  }
0x88: {  	[sflag:s21] =	ssyncset.done $0x0  }
0x89: {  	[sflag:s21] =	ssyncadd.s32 $0xFFFFEC00  }
0x8a: {  	[tilespmem:s19], [sflag:$0x1] =	stream.indirect.gather [hbm4b:s4+s18], $0x80, s31, s18, $0xb8;
	[tilespmem:$0x1E800] =	vst v63  }
0x8b: {  	s30 =	simm.s32 $0x80  }
0x8c: {  	[tilespmem:s20], [sflag:$0x2] =	stream.indirect.gather [hbm4b:s4+s18], $0x80, s30, s18, $0xb8;
	[tilespmem:$0x1E800] =	vst v63  }
0x8d: {  	_ =	swait.ge [sflag:s17], $0x4000  }
0x8e: {  	[sflag:s17] =	ssyncset.done $0x0  }
0x8f: {  	s31 =	simm.s32 $0x1400;
	[sflag:s17] =	ssyncadd.s32 $0xFFFFC000  }
0x90: {  	[spmem:s1] =	stream.indirect.scatter.add.f32 [tilespmem:s19], [sflag:$0x3], $0x80, s31, s18, $0xb8;
	[tilespmem:$0x1E800] =	vst v63  }
0x91: {  	_ =	swait.ge [sflag:s21], $0x4000  }
0x92: {  	[sflag:s21] =	ssyncset.done $0x0  }
0x93: {  	s30 =	simm.s32 $0x100;
	[sflag:s21] =	ssyncadd.s32 $0xFFFFC000  }
0x94: {  	[tilespmem:s19], [sflag:$0x1] =	stream.indirect.gather [hbm4b:s4+s18], $0x80, s30, s18, $0xb8;
	[tilespmem:$0x1E800] =	vst v63  }
0x95: {  	_ =	swait.ge [sflag:s22], $0x4000  }
0x96: {  	[sflag:s22] =	ssyncset.done $0x0  }
0x97: {  	s31 =	simm.s32 $0x1480;
	[sflag:s22] =	ssyncadd.s32 $0xFFFFC000  }
0x98: {  	[spmem:s1] =	stream.indirect.scatter.add.f32 [tilespmem:s20], [sflag:$0x3], $0x80, s31, s18, $0xb8;
	[tilespmem:$0x1E800] =	vst v63  }
0x99: {  	_ =	swait.ge [sflag:s21], $0x4000  }
0x9a: {  	s29 =	simm.s32 $0x800;
	s28 =	simm.s32 $0x100;
	[sflag:s21] =	ssyncset.done $0x0  }
.LBB2_6:
0x9b: {  	s0 =	sadd.s32 $0x80, s28  }
0x9c: {  	[sflag:s21] =	ssyncadd.s32 $0xFFFFC000;
	s30 =	smov.u32 s29;
	s31 =	sadd.s32 $0x400, s29  }
0x9d: {  	[tilespmem:s20], [sflag:$0x2] =	stream.indirect.gather [hbm4b:s4+s18], $0x80, s0, s18, $0xb8;
	[tilespmem:$0x1E800] =	vst v63  }
0x9e: {  	p0 =	sne.s32 s29, $0x4800;
	_ =	swait.ge [sflag:s17], $0x4000  }
0x9f: {  	[sflag:s17] =	ssyncset.done $0x0  }
0xa0: {  	s0 =	sadd.s32 $0x1400, s28;
	[sflag:s17] =	ssyncadd.s32 $0xFFFFC000  }
0xa1: {  	[spmem:s1] =	stream.indirect.scatter.add.f32 [tilespmem:s19], [sflag:$0x3], $0x80, s0, s18, $0xb8;
	[tilespmem:$0x1E800] =	vst v63  }
0xa2: {  	_ =	swait.ge [sflag:s21], $0x4000  }
0xa3: {  	[sflag:s21] =	ssyncset.done $0x0  }
0xa4: {  	s0 =	sadd.s32 $0x100, s28;
	[sflag:s21] =	ssyncadd.s32 $0xFFFFC000  }
0xa5: {  	[tilespmem:s19], [sflag:$0x1] =	stream.indirect.gather [hbm4b:s4+s18], $0x80, s0, s18, $0xb8;
	[tilespmem:$0x1E800] =	vst v63  }
0xa6: {  	_ =	swait.ge [sflag:s22], $0x4000  }
.Ltmp2:
0xa7: {  	[sflag:s22] =	ssyncset.done $0x0;
	(pc) =	sbr.rel @p0 .LBB2_6-.Ltmp2, $4  }
0xa8: {  	s0 =	sadd.s32 $0x1480, s28;
	[sflag:s22] =	ssyncadd.s32 $0xFFFFC000  }
0xa9: {  	[spmem:s1] =	stream.indirect.scatter.add.f32 [tilespmem:s20], [sflag:$0x3], $0x80, s0, s18, $0xb8;
	[tilespmem:$0x1E800] =	vst v63  }
0xaa: {  	_ =	swait.ge [sflag:s21], $0x4000  }
0xab: {  	s29 =	smov.u32 s31;
	s28 =	sshra.s32 s30, $0x2;
	[sflag:s21] =	ssyncset.done $0x0  }
0xac: {  	s0 =	sadd.s32 $0x80, s28;
	[sflag:s21] =	ssyncadd.s32 $0xFFFFC000  }
0xad: {  	[tilespmem:s20], [sflag:$0x2] =	stream.indirect.gather [hbm4b:s4+s18], $0x80, s0, s18, $0xb8;
	[tilespmem:$0x1E800] =	vst v63  }
0xae: {  	_ =	swait.ge [sflag:s17], $0x4000  }
0xaf: {  	[sflag:s17] =	ssyncset.done $0x0  }
0xb0: {  	s30 =	sadd.s32 $0x1400, s28;
	[sflag:s17] =	ssyncadd.s32 $0xFFFFC000  }
0xb1: {  	[spmem:s1] =	stream.indirect.scatter.add.f32 [tilespmem:s19], [sflag:$0x3], $0x80, s30, s18, $0xb8;
	[tilespmem:$0x1E800] =	vst v63  }
0xb2: {  	_ =	swait.ge [sflag:s21], $0x4000  }
0xb3: {  	[sflag:s21] =	ssyncset.done $0x0  }
0xb4: {  	s31 =	sadd.s32 $0x100, s28;
	[sflag:s21] =	ssyncadd.s32 $0xFFFFC000  }
0xb5: {  	[tilespmem:s19], [sflag:$0x1] =	stream.indirect.gather [hbm4b:s4+s18], $0x80, s31, s18, $0xb8;
	[tilespmem:$0x1E800] =	vst v63  }
0xb6: {  	_ =	swait.ge [sflag:s22], $0x4000  }
0xb7: {  	[sflag:s22] =	ssyncset.done $0x0  }
0xb8: {  	s29 =	sadd.s32 $0x1480, s28;
	[sflag:s22] =	ssyncadd.s32 $0xFFFFC000  }
0xb9: {  	[spmem:s1] =	stream.indirect.scatter.add.f32 [tilespmem:s20], [sflag:$0x3], $0x80, s29, s18, $0xb8;
	[tilespmem:$0x1E800] =	vst v63  }
0xba: {  	_ =	swait.ge [sflag:s21], $0x4000  }
0xbb: {  	[sflag:s21] =	ssyncset.done $0x0  }
0xbc: {  	[sflag:s21] =	ssyncadd.s32 $0xFFFFC000  }
0xbd: {  	[tilespmem:s20], [sflag:$0x2] =	stream.indirect.gather [hbm4b:s4+s18], $0x80, s23, s18, $0xb8;
	[tilespmem:$0x1E800] =	vst v63  }
0xbe: {  	_ =	swait.ge [sflag:s17], $0x4000  }
0xbf: {  	[sflag:s17] =	ssyncset.done $0x0  }
0xc0: {  	[sflag:s17] =	ssyncadd.s32 $0xFFFFC000  }
0xc1: {  	[spmem:s1] =	stream.indirect.scatter.add.f32 [tilespmem:s19], [sflag:$0x3], $0x80, s24, s18, $0xb8;
	[tilespmem:$0x1E800] =	vst v63  }
0xc2: {  	_ =	swait.ge [sflag:s21], $0x4000  }
0xc3: {  	[sflag:s21] =	ssyncset.done $0x0  }
0xc4: {  	[sflag:s21] =	ssyncadd.s32 $0xFFFFC000  }
0xc5: {  	_ =	swait.ge [sflag:s22], $0x4000  }
0xc6: {  	[sflag:s22] =	ssyncset.done $0x0  }
0xc7: {  	[sflag:s22] =	ssyncadd.s32 $0xFFFFC000  }
0xc8: {  	[spmem:s1] =	stream.indirect.scatter.add.f32 [tilespmem:s20], [sflag:$0x3], $0x80, s25, s18, $0xb8;
	[tilespmem:$0x1E800] =	vst v63  }
0xc9: {  	_ =	swait.ge [sflag:s21], $0x4000  }
0xca: {  	s26 =	sadd.s32 $0x1, s26;
	s30 =	sshll.u32 s2, $0x6;
	[sflag:s21] =	ssyncset.done $0x0  }
0xcb: {  	p0 =	sne.s32 s26, s15;
	s0 =	sor.u32 $0x1C03, s30;
	[sflag:s21] =	ssyncadd.s32 $0xFFFFC000  }
.Ltmp3:
0xcc: {  	s31 =	sshrl.u32 s6, $0x3;
	[bflag:$0x0] =	sbarrier.arrive $0xFFFF;
	(pc) =	sbr.rel @p0 .LBB2_1-.Ltmp3, $4  }
0xcd: {  	[hbm:s14], [sflag:s0] =	dma.local [spmem:s31], $0x2800  }
0xce: {  	_ =	swait.ge [sflag:s21], $0x2800  }
0xcf: {  	[sflag:s21] =	ssyncset.done $0x0  }
0xd0: {  	[sflag:s21] =	ssyncadd.s32 $0xFFFFD800  }
0xd1: {  	_ =	sfence.sel $0x180000  }
0xd2: {  	[bflag:$0x0] =	sbarrier.arrive $0xFFFF  }
0xd3: {  	_ =	strace $0x90000050  }
0xd4: {  	[bflag:$0x2] =	sbarrier.arrive $0xFFFF  }
0xd5: {  	p0 =	sne.s32 s2, $0x0;
	s0 =	rddreg [dreg:$0x2]  }
0xd6: {  	s0 =	sadd.s32 @!p0 $0x100000, s0  }
0xd7: {  	[sflag:s0] =	ssyncadd.tile.s32 @!p0 $0x1;
	_ =	shalt  }
.Lfunc_end2:
_tile_overlayer_lowered:
.L_overlay_start_2:
0xd8: {  	(tag) =	ssettag $0x2  }
0xd9: {  	s0 =	rddreg [dreg:$0x0];
	s2 =	stileid.u32  }
0xda: {  	s1 =	rddreg [dreg:$0x1];
	p0 =	sne.s32 s2, $0x0  }
0xdb: {  	s3 =	rddreg [dreg:$0x2];
	[bflag:$0x3] =	sbarrier.arrive $0xFFFF;
	s2 =	simm.s32 @!p0 $0x1C03  }
0xdc: {  	[timem:s3], [sflag:s2] =	dma.local @!p0 [hbm:s0], s1  }
0xdd: {  	s0 =	simm.s32 @!p0 $0x3  }
0xde: {  	_ =	swait.ge @!p0 [sflag:s0], s1  }
0xdf: {  	s1 =	ssub.s32 @!p0 $0x0, s1;
	[sflag:s0] =	ssyncset.done @!p0 $0x0  }
0xe0: {  	[sflag:s0] =	ssyncadd.s32 @!p0 s1  }
0xe1: {  	[bflag:$0x3] =	sbarrier.arrive $0xFFFF  }
0xe2: {  	_ =	shalt  }

// kernel: kernel.25.cloned.1.call-start
scs
__scs_entry_jumppad:
0x0: {  	(pc) =	sbr.rel $0x88, $3  }
0x1: {  	(tag) =	ssettag $0x0;
	lr =	simm.s32 $0x1  }
0x2: {  	[smem:$0x3F95] =	sst lr;
	_ =	strace $0xD0000000  }
0x3: {  	_ = 	snop  }
0x4: {  	_ = 	snop  }
0x5: {  	_ = 	snop  }
0x6: {  	_ = 	snop  }
0x7: {  	_ = 	snop  }
__scs_overlays_trampoline_lowered:
0x8: {  	[smem:$0x3FA4] =	sst s0  }
0x9: {  	[smem:$0x3FA5] =	sst s1  }
0xa: {  	[smem:$0x3FA6] =	sst s2  }
0xb: {  	[smem:$0x3FA7] =	sst s3  }
0xc: {  	[smem:$0x3FA8] =	sst s4  }
0xd: {  	[smem:$0x3FA9] =	sst s5  }
0xe: {  	[smem:$0x3FAA] =	sst s6  }
0xf: {  	[smem:$0x3FAB] =	sst s7  }
0x10: {  	[smem:$0x3FAC] =	sst s8  }
0x11: {  	[smem:$0x3FAD] =	sst s9;
	s0 =	simm.s32 @!p0 $0x0  }
0x12: {  	s1 =	sld [smem:$0x3F93];
	s0 =	simm.s32 @p0 $0x1  }
0x13: {  	[smem:$0x3FAE] =	sst s0;
	s0 =	simm.s32 @!p1 $0x0  }
0x14: {  	s2 =	sld [smem:$0x3F92];
	s0 =	simm.s32 @p1 $0x1  }
0x15: {  	[smem:$0x3FAF] =	sst s0;
	s0 =	simm.s32 @!p2 $0x0  }
0x16: {  	s3 =	sld [smem:$0x3FDB];
	s0 =	simm.s32 @p2 $0x1  }
0x17: {  	s4 =	simm.s32 $0x1BF5;
	[smem:$0x3FB1] =	sst s0  }
0x18: {  	s0 =	sld [smem:$0x3F94];
	_ =	swait.ge [sflag:s4], $0x0  }
0x19: {  	s7 =	sld [smem:$0x3F95]  }
0x1a: {  	s8 =	sadd.s32 $0xFFFFE003, lr  }
0x1b: {  	s9 =	sadd.s32 $0xFFFFFEF7, lr;
	s5 =	simm.s32 $0xFFFFFFFF;
	p2 =	slt.u32 s8, $0xFFFFF086  }
0x1c: {  	p1 =	slt.u32 s9, $0xF7A;
	s5 =	simm.s32 @!p2 $0x0  }
0x1d: {  	s5 =	simm.s32 @p1 $0x1;
	p0 =	seq.s32 s7, s2  }
0x1e: {  	s7 =	smul.u32 @!p0 $0xF7A, s2;
	p2 =	seq.s32 @!p0 s5, $0x0  }
0x1f: {  	s9 =	smul.u32 $0xF7A, s1;
	s8 =	simm.s32 @!p0 $0x1BF5;
	p2 =	por !p2, p0  }
0x20: {  	[sflag:s8] =	ssyncset.s32 @!p0 $0xFFFFF086;
	s6 =	sadd.s32 @!p0 s3, s7;
	s7 =	simm.s32 @!p0 $0x108  }
0x21: {  	s3 =	sadd.s32 s3, s9;
	s6 =	sadd.s32 @!p0 $0x88, s6;
	s7 =	simm.s32 @p2 $0x1082  }
0x22: {  	[simem:s7], [sflag:s8] =	dma.local @!p0 [hbm:s6], $0xF7A  }
0x23: {  	s9 =	sor.u32 $0xD0000000, s2;
	s6 =	simm.s32 $0x108;
	_ =	swait.ge @!p0 [sflag:s8], $0x0  }
0x24: {  	s3 =	sadd.s32 $0x88, s3;
	s6 =	simm.s32 @!p1 $0x1082;
	[sflag:s4] =	ssyncset.s32 $0xFFFFF086  }
0x25: {  	[simem:s6], [sflag:s4] =	dma.local [hbm:s3], $0xF7A  }
0x26: {  	[smem:$0x3F95] =	sst s1;
	(tag) =	ssettag s2;
	_ =	strace s9  }
0x27: {  	s1 =	sld [smem:$0x3FA5]  }
0x28: {  	s2 =	sld [smem:$0x3FA6]  }
0x29: {  	s4 =	sld [smem:$0x3FA8]  }
0x2a: {  	p0 =	seq.s32 s5, $0x0;
	s5 =	sld [smem:$0x3FA9]  }
0x2b: {  	s6 =	sld [smem:$0x3FAA]  }
0x2c: {  	s7 =	sld [smem:$0x3FAB]  }
0x2d: {  	s3 =	simm.s32 $0x108;
	s8 =	sld [smem:$0x3FAC]  }
0x2e: {  	s3 =	simm.s32 @!p0 $0x1082;
	s9 =	sld [smem:$0x3FAD]  }
0x2f: {  	lr =	sadd.s32 s0, s3;
	s0 =	sld [smem:$0x3FA4]  }
0x30: {  	s3 =	sld [smem:$0x3FA7]  }
0x31: {  	[smem:$0x3FB0] =	sst s10  }
0x32: {  	s10 =	sld [smem:$0x3FAE];
	_ =	sdelay $0x3  }
0x33: {  	p0 =	seq.s32 s10, $0x1;
	s10 =	sld [smem:$0x3FB0];
	_ =	sdelay $0x3  }
0x34: {  	[smem:$0x3FB0] =	sst s10  }
0x35: {  	s10 =	sld [smem:$0x3FAF];
	_ =	sdelay $0x3  }
0x36: {  	p1 =	seq.s32 s10, $0x1;
	s10 =	sld [smem:$0x3FB0];
	_ =	sdelay $0x3  }
0x37: {  	[smem:$0x3FB0] =	sst s10  }
0x38: {  	s10 =	sld [smem:$0x3FB1]  }
0x39: {  	_ = 	snop;
	(pc) =	sbr.ind lr, $3  }
0x3a: {  	_ = 	snop  }
0x3b: {  	_ = 	snop  }
0x3c: {  	p2 =	seq.s32 s10, $0x1;
	s10 =	sld [smem:$0x3FB0]  }
0x3d: {  	_ =	shalt  }
0x3e: {  	_ =	shalt  }
0x3f: {  	_ =	shalt  }
0x40: {  	_ =	shalt  }
0x41: {  	_ =	shalt  }
0x42: {  	_ =	shalt  }
0x43: {  	_ =	shalt  }
0x44: {  	_ =	shalt  }
0x45: {  	_ =	shalt  }
0x46: {  	_ =	shalt  }
0x47: {  	_ =	shalt  }
0x48: {  	_ =	shalt  }
0x49: {  	_ =	shalt  }
0x4a: {  	_ =	shalt  }
0x4b: {  	_ =	shalt  }
0x4c: {  	_ =	shalt  }
0x4d: {  	_ =	shalt  }
0x4e: {  	_ =	shalt  }
0x4f: {  	_ =	shalt  }
0x50: {  	_ =	shalt  }
0x51: {  	_ =	shalt  }
0x52: {  	_ =	shalt  }
0x53: {  	_ =	shalt  }
0x54: {  	_ =	shalt  }
0x55: {  	_ =	shalt  }
0x56: {  	_ =	shalt  }
0x57: {  	_ =	shalt  }
0x58: {  	_ =	shalt  }
0x59: {  	_ =	shalt  }
0x5a: {  	_ =	shalt  }
0x5b: {  	_ =	shalt  }
0x5c: {  	_ =	shalt  }
0x5d: {  	_ =	shalt  }
0x5e: {  	_ =	shalt  }
0x5f: {  	_ =	shalt  }
0x60: {  	_ =	shalt  }
0x61: {  	_ =	shalt  }
0x62: {  	_ =	shalt  }
0x63: {  	_ =	shalt  }
0x64: {  	_ =	shalt  }
0x65: {  	_ =	shalt  }
0x66: {  	_ =	shalt  }
0x67: {  	_ =	shalt  }
0x68: {  	_ =	shalt  }
0x69: {  	_ =	shalt  }
0x6a: {  	_ =	shalt  }
0x6b: {  	_ =	shalt  }
0x6c: {  	_ =	shalt  }
0x6d: {  	_ =	shalt  }
0x6e: {  	_ =	shalt  }
0x6f: {  	_ =	shalt  }
0x70: {  	_ =	shalt  }
0x71: {  	_ =	shalt  }
0x72: {  	_ =	shalt  }
0x73: {  	_ =	shalt  }
0x74: {  	_ =	shalt  }
0x75: {  	_ =	shalt  }
0x76: {  	_ =	shalt  }
0x77: {  	_ =	shalt  }
0x78: {  	_ =	shalt  }
0x79: {  	_ =	shalt  }
0x7a: {  	_ =	shalt  }
0x7b: {  	_ =	shalt  }
0x7c: {  	_ =	shalt  }
0x7d: {  	_ =	shalt  }
0x7e: {  	_ =	shalt  }
0x7f: {  	_ =	shalt  }
0x80: {  	_ =	shalt  }
0x81: {  	_ =	shalt  }
0x82: {  	_ =	shalt  }
0x83: {  	_ =	shalt  }
0x84: {  	_ =	shalt  }
0x85: {  	_ =	shalt  }
0x86: {  	_ =	shalt  }
0x87: {  	_ =	shalt  }
.Lfunc_end0:
.L_simem_size_0:
called_computation.4_lowered:
.L_overlay_start_0:
0x88: {  	s2 =	sld [smem:$0x3FD9]  }
0x89: {  	s3 =	sld [smem:$0x3FFE];
	_ =	sdelay $0x1  }
0x8a: {  	s1 =	srdreg.scid  }
0x8b: {  	s0 =	sand.u32 $0x1, s1  }
0x8c: {  	s17 =	sshll.u32 s0, $0xA;
	s2 =	sadd.s32 s3, s2  }
0x8d: {  	s2 =	sadd.s32 s2, s17  }
0x8e: {  	[smem:$0x3FBC] =	sst s2  }
0x8f: {  	_ = 	snop  }
0x90: {  	s2 =	sld [smem:$0x3FC7];
	(tm) =	ssettm $0x1  }
0x91: {  	s18 =	sld [smem:$0x3FFB];
	_ =	sdelay $0x3  }
0x92: {  	_ =	strace s18  }
0x93: {  	s3 =	sld [smem:$0x3FFC];
	_ =	sdelay $0x3  }
0x94: {  	_ =	strace s3  }
0x95: {  	s3 =	sld [smem:$0x3FFD];
	_ =	sdelay $0x3  }
0x96: {  	_ =	strace s3  }
0x97: {  	_ =	strace $0x8FFFFFFF  }
0x98: {  	s19 =	sld [smem:$0x3FDB];
	_ =	sdelay $0x1  }
0x99: {  	s4 =	simm.s32 $_scs_section_size  }
0x9a: {  	s5 =	simm.s32 $_size__tile_overlayer_lowered;
	s6 =	simm.s32 $_tile_overlayer_lowered  }
0x9b: {  	s22 =	simm.s32 $0x1BFF;
	s21 =	sshll.u32 s6, $0x1;
	s3 =	sadd.s32 s4, s19  }
0x9c: {  	s7 =	simm.s32 $0x0;
	s20 =	sshll.u32 s5, $0x1;
	s5 =	sadd.s32 s21, s3  }
0x9d: {  	[timem:s7], [sflag:s22] =	dma.local [hbm:s5], s20  }
0x9e: {  	_ =	swait.ge [sflag:s22], s20  }
0x9f: {  	s4 =	ssub.s32 $0x0, s20;
	[sflag:s22] =	ssyncset.done $0x0  }
0xa0: {  	[sflag:s22] =	ssyncadd.s32 s4;
	_ =	sdelay $0x1  }
0xa1: {  	s23 =	simm.s32 $0x1B8B  }
0xa2: {  	_ =	swait.ge [sflag:s23], $0x1  }
0xa3: {  	[sflag:s23] =	ssyncset.done $0x0  }
0xa4: {  	s25 =	simm.s32 $0x1B8E;
	s24 =	sld [smem:$0x3FFE];
	[sflag:s23] =	ssyncadd.s32 $0xFFFFFFFF  }
0xa5: {  	s26 =	simm.s32 $execute0_lowered;
	[smem:$0x3FD2] =	sst s25  }
0xa6: {  	s5 =	sshll.u32 s26, $0x1;
	_ =	strace $0x80000052;
	[dreg:$0x1] =	wrdreg $0xFFFFFFFF  }
0xa7: {  	s28 =	simm.s32 $_size_execute0_lowered;
	s3 =	sadd.s32 s3, s5;
	[dreg:$0x0] =	wrdreg $0x0  }
0xa8: {  	s5 =	sshll.u32 s28, $0x1;
	[dreg:$0x2] =	wrdreg s3  }
0xa9: {  	[dreg:$0x3] =	wrdreg s5  }
0xaa: {  	[dreg:$0x4] =	wrdreg $0xC0  }
0xab: {  	_ =	task [dreg:s7], $0x5FFFF  }
0xac: {  	[dreg:$0x1] =	wrdreg $0xFFFFFFFF  }
0xad: {  	[dreg:$0x0] =	wrdreg $0x60  }
0xae: {  	[dreg:$0x2] =	wrdreg s24  }
0xaf: {  	[dreg:$0x3] =	wrdreg s2  }
0xb0: {  	[dreg:$0x4] =	wrdreg $0x50800  }
0xb1: {  	[dreg:$0x5] =	wrdreg $0x58800  }
0xb2: {  	[dreg:$0x6] =	wrdreg $0x9  }
0xb3: {  	_ =	task.clear_ibuf [dreg:s7], $0x7FFFF;
	_ =	strace $0x90000052  }
0xb4: {  	s29 =	simm.s32 $0x9;
	_ =	strace $0x80000054  }
0xb5: {  	_ =	swait.ge [sflag:s29], $0x1  }
0xb6: {  	[sflag:s29] =	ssyncadd.s32 $0xFFFFFFFF  }
0xb7: {  	_ =	strace $0x90000054  }
0xb8: {  	_ =	sfence  }
0xb9: {  	s30 =	sld [smem:$0x0];
	_ =	sdelay $0x2  }
0xba: {  	s31 =	sshll.u32 s1, $0xD;
	s1 =	sshrl.u32 s1, $0x2  }
0xbb: {  	s3 =	sand.u32 $0x4000, s31;
	s1 =	sadd.s32 s1, s30  }
0xbc: {  	s0 =	sor.u32 s3, s0;
	s1 =	sshll.u32 s1, $0x11  }
0xbd: {  	s0 =	sor.u32 s1, s0  }
0xbe: {  	s0 =	sadd.s32 $0x8F2B, s0  }
0xbf: {  	[sflag:s0] =	ssyncadd.remote.s32 $0x1  }
0xc0: {  	_ =	sfence.sel $0xFFFF  }
0xc1: {  	[dreg:$0x0] =	wrdreg $0xFFFFFFFF;
	(pc) =	sbr.abs _section_cstart, $3  }
0xc2: {  	[dreg:$0x1] =	wrdreg $0xFFFFFFFF  }
0xc3: {  	_ =	task.clear_ibuf [dreg:s7], $0x2FFFF;
	_ =	strace $0x9FFFFFFF  }
0xc4: {  	(tm) =	ssettm $0x7FFFFFFF  }
0xc5: {  	_ =	shalt  }
tec
execute0_lowered:
.L_overlay_start_1:
0x0: {  	(tag) =	ssettag $0x1  }
0x1: {  	s6 =	rddreg [dreg:$0x0]  }
0x2: {  	s13 =	rddreg [dreg:$0x1]  }
0x3: {  	s2 =	rddreg [dreg:$0x2]  }
0x4: {  	s3 =	rddreg [dreg:$0x3]  }
0x5: {  	s0 =	rddreg [dreg:$0x4]  }
0x6: {  	s4 =	simm.s32 $0x0;
	s1 =	stileid.u32;
	s5 =	srdreg.scid  }
0x7: {  	s15 =	simm.s32 $0x1;
	s16 =	simm.s32 $0x50;
	s17 =	simm.s32 $0x80  }
0x8: {  	s18 =	simm.s32 $0x0;
	[smem:$0x7FF] =	sst s4;
	s7 =	smul.u32 $0x500, s1  }
0x9: {  	s8 =	sand.u32 $0x1, s5;
	s5 =	sadd.s32 $0x2B600, s6;
	s31 =	ssub.s32 $0x8C, s1  }
0xa: {  	s10 =	sshll.u32 s1, $0xB;
	s14 =	smul.u32 $0xA, s1;
	_ =	strace $0x80000053  }
.Ltmp0:
0xb: {  	s9 =	ssub.s32 $0x2, s8;
	p0 =	seq.s32 s8, $0x1;
	(pc) =	sbr.rel .LBB2_1-.Ltmp0, $4  }
0xc: {  	s8 =	sadd.s32 s10, s2;
	s10 =	sadd.s32 s10, s3;
	s12 =	sadd.s32 s7, s6  }
0xd: {  	s30 =	sshrl.u32 s9, $0x1;
	s6 =	sadd.s32 $0x2C600, s6;
	s7 =	sshrl.u32 s31, $0x4  }
0xe: {  	s13 =	sadd.s32 s14, s13;
	s14 =	simm.s32 $0x2880;
	s11 =	ssub.s32 s9, s30  }
0xf: {  	v0 =	vimm.f32 $0.0e+00;
	v1 =	vimm.f32 $1.000000000e+00;
	s9 =	sshll.u32 s1, $0x8;
	s12 =	sadd.s32 $0x4400, s12;
	s11 =	smax.u32 s11, $0x1  }
.LBB2_11:
0x10: {  	[sflag:s15] =	ssyncadd.s32 $0xFFFFD800;
	s20 =	smov.u32 s6;
	s19 =	smov.u32 s10  }
.LBB2_12:
0x11: {  	s20 =	sadd.s32 s20, s9;
	s18 =	sadd.s32 $0x1, s18  }
0x12: {  	s21 =	sshll.u32 s1, $0x6;
	[bflag:$0x0] =	sbarrier.arrive $0xFFFF;
	p1 =	sne.s32 s18, s11  }
.Ltmp1:
0x13: {  	s19 =	sshrl.u32 s19, $0x3;
	s21 =	sor.u32 $0x1C01, s21;
	(pc) =	sbr.rel @!p1 .LBB2_13-.Ltmp1, $4  }
0x14: {  	[hbm:s20], [sflag:s21] =	dma.local [spmem:s19], $0x100  }
0x15: {  	_ =	swait.ge [sflag:s15], $0x100  }
0x16: {  	[sflag:s15] =	ssyncset.done $0x0  }
0x17: {  	[sflag:s15] =	ssyncadd.s32 $0xFFFFFF00  }
.LBB2_1:
.Ltmp2:
0x18: {  	(pc) =	sbr.rel @!p0 .LBB2_2-.Ltmp2, $2  }
0x19: {  	_ =	sdelay $0x2  }
0x1a: {  	s19 =	sshra.s32 s4, $0x2;
	s20 =	sadd.s32 $0x200, s4  }
.LBB2_6:
0x1b: {  	p1 =	sne.s32 s20, $0x1E00;
	[tilespmem:s19+$0x28F0] =	vst v0  }
0x1c: {  	[tilespmem:s19+$0x2880] =	vst v0  }
0x1d: {  	[tilespmem:s19+$0x2890] =	vst v0  }
.Ltmp3:
0x1e: {  	[tilespmem:s19+$0x28A0] =	vst v0;
	(pc) =	sbr.rel @p1 .LBB2_6-.Ltmp3, $4  }
0x1f: {  	[tilespmem:s19+$0x28B0] =	vst v0  }
0x20: {  	[tilespmem:s19+$0x28C0] =	vst v0  }
0x21: {  	[tilespmem:s19+$0x28D0] =	vst v0  }
0x22: {  	[tilespmem:s19+$0x28E0] =	vst v0;
	s19 =	sshra.s32 s20, $0x2;
	s20 =	sadd.s32 $0x200, s20  }
0x23: {  	[tilespmem:s19+$0x28F0] =	vst v0  }
0x24: {  	[tilespmem:s19+$0x2880] =	vst v0  }
0x25: {  	[tilespmem:s19+$0x2890] =	vst v0  }
0x26: {  	[tilespmem:s19+$0x28A0] =	vst v0  }
0x27: {  	[tilespmem:s19+$0x28B0] =	vst v0  }
0x28: {  	[tilespmem:s19+$0x28C0] =	vst v0  }
0x29: {  	[tilespmem:s19+$0x28D0] =	vst v0  }
0x2a: {  	[tilespmem:s19+$0x28E0] =	vst v0  }
0x2b: {  	[spmem:s10] =	stream.linear.scatter [tilespmem:s14], [sflag:$0x1], $0x800, $0x38;
	[tilespmem:$0x6080] =	vst v63  }
0x2c: {  	_ =	swait.ge [sflag:s15], $0x800  }
0x2d: {  	[sflag:s15] =	ssyncset.done $0x0  }
0x2e: {  	s19 =	simm.s32 $0x0;
	s20 =	simm.s32 $0x200;
	[sflag:s15] =	ssyncadd.s32 $0xFFFFF800  }
.LBB2_8:
0x2f: {  	p1 =	sne.s32 s20, $0x9E00;
	[tilespmem:s19+$0x28F0] =	vst v1  }
0x30: {  	[tilespmem:s19+$0x2880] =	vst v1  }
0x31: {  	[tilespmem:s19+$0x2890] =	vst v1  }
.Ltmp4:
0x32: {  	[tilespmem:s19+$0x28A0] =	vst v1;
	(pc) =	sbr.rel @p1 .LBB2_8-.Ltmp4, $4  }
0x33: {  	[tilespmem:s19+$0x28B0] =	vst v1  }
0x34: {  	[tilespmem:s19+$0x28C0] =	vst v1  }
0x35: {  	[tilespmem:s19+$0x28D0] =	vst v1  }
0x36: {  	[tilespmem:s19+$0x28E0] =	vst v1;
	s19 =	sshra.s32 s20, $0x2;
	s20 =	sadd.s32 $0x200, s20  }
0x37: {  	[tilespmem:s19+$0x28F0] =	vst v1  }
0x38: {  	[tilespmem:s19+$0x2880] =	vst v1  }
0x39: {  	[tilespmem:s19+$0x2890] =	vst v1  }
0x3a: {  	[tilespmem:s19+$0x28A0] =	vst v1  }
0x3b: {  	[tilespmem:s19+$0x28B0] =	vst v1  }
0x3c: {  	[tilespmem:s19+$0x28C0] =	vst v1  }
0x3d: {  	[tilespmem:s19+$0x28D0] =	vst v1  }
0x3e: {  	[tilespmem:s19+$0x28E0] =	vst v1  }
0x3f: {  	[bflag:$0x0] =	sbarrier.arrive $0xFFFF  }
0x40: {  	[tilespmem:s4], [sflag:$0x1] =	stream.linear.gather [hbm4b:s13+s4], $0x50, $0x38;
	[tilespmem:$0x6080] =	vst v63  }
0x41: {  	p1 =	sne.s32 s7, $0x1;
	_ =	swait.ge [sflag:s15], $0x50  }
.Ltmp5:
0x42: {  	[sflag:s15] =	ssyncset.done $0x0;
	(pc) =	sbr.rel @!p1 .LBB2_11-.Ltmp5, $4  }
0x43: {  	[sflag:s15] =	ssyncadd.s32 $0xFFFFFFB0  }
0x44: {  	[spmem:s3] =	stream.indirect.scatter.add.f32 [tilespmem:s14], [sflag:$0x1], $0x80, s4, s16, $0xb8;
	[tilespmem:$0x6080] =	vst v63  }
0x45: {  	_ =	swait.ge [sflag:s15], $0x2800  }
0x46: {  	s19 =	sadd.s32 $0xFFFFFFFF, s7;
	s20 =	smov.u32 s13;
	[sflag:s15] =	ssyncset.done $0x0  }
.LBB2_10:
0x47: {  	p1 =	sne.s32 s19, $0x1;
	[sflag:s15] =	ssyncadd.s32 $0xFFFFD800;
	s20 =	sadd.s32 $0xA0, s20  }
0x48: {  	[tilespmem:s4], [sflag:$0x1] =	stream.linear.gather [hbm4b:s20+s4], $0x50, $0x38;
	[tilespmem:$0x6080] =	vst v63  }
0x49: {  	s19 =	sadd.s32 $0xFFFFFFFF, s19;
	_ =	swait.ge [sflag:s15], $0x50  }
.Ltmp6:
0x4a: {  	[sflag:s15] =	ssyncset.done $0x0;
	(pc) =	sbr.rel @p1 .LBB2_10-.Ltmp6, $4  }
0x4b: {  	[sflag:s15] =	ssyncadd.s32 $0xFFFFFFB0  }
0x4c: {  	[spmem:s3] =	stream.indirect.scatter.add.f32 [tilespmem:s14], [sflag:$0x1], $0x80, s4, s16, $0xb8;
	[tilespmem:$0x6080] =	vst v63  }
0x4d: {  	_ =	swait.ge [sflag:s15], $0x2800  }
0x4e: {  	[sflag:s15] =	ssyncset.done $0x0  }
.Ltmp7:
0x4f: {  	_ = 	snop;
	(pc) =	sbr.rel .LBB2_11-.Ltmp7, $1  }
0x50: {  	_ =	sdelay $0x3  }
.LBB2_2:
0x51: {  	p1 =	sne.s32 s20, $0x1E00;
	[tilespmem:s19+$0xF0] =	vst v0  }
0x52: {  	[tilespmem:s19+$0x80] =	vst v0  }
0x53: {  	[tilespmem:s19+$0x90] =	vst v0  }
.Ltmp8:
0x54: {  	[tilespmem:s19+$0xA0] =	vst v0;
	(pc) =	sbr.rel @p1 .LBB2_2-.Ltmp8, $4  }
0x55: {  	[tilespmem:s19+$0xB0] =	vst v0  }
0x56: {  	[tilespmem:s19+$0xC0] =	vst v0  }
0x57: {  	[tilespmem:s19+$0xD0] =	vst v0  }
0x58: {  	[tilespmem:s19+$0xE0] =	vst v0;
	s19 =	sshra.s32 s20, $0x2;
	s20 =	sadd.s32 $0x200, s20  }
0x59: {  	[tilespmem:s19+$0xF0] =	vst v0  }
0x5a: {  	[tilespmem:s19+$0x80] =	vst v0  }
0x5b: {  	[tilespmem:s19+$0x90] =	vst v0  }
0x5c: {  	[tilespmem:s19+$0xA0] =	vst v0  }
0x5d: {  	[tilespmem:s19+$0xB0] =	vst v0  }
0x5e: {  	[tilespmem:s19+$0xC0] =	vst v0  }
0x5f: {  	[tilespmem:s19+$0xD0] =	vst v0  }
0x60: {  	[tilespmem:s19+$0xE0] =	vst v0  }
0x61: {  	[spmem:s8] =	stream.linear.scatter [tilespmem:s17], [sflag:$0x1], $0x800, $0x38;
	[tilespmem:$0x6080] =	vst v63  }
0x62: {  	_ =	swait.ge [sflag:s15], $0x800  }
0x63: {  	[sflag:s15] =	ssyncset.done $0x0  }
0x64: {  	[sflag:s15] =	ssyncadd.s32 $0xFFFFF800  }
0x65: {  	[bflag:$0x0] =	sbarrier.arrive $0xFFFF  }
0x66: {  	[tilespmem:s4], [sflag:$0x1] =	stream.linear.gather [hbm4b:s13+s4], $0x50, $0x38;
	[tilespmem:$0x6080] =	vst v63  }
0x67: {  	_ =	swait.ge [sflag:s15], $0x50  }
0x68: {  	[sflag:s15] =	ssyncset.done $0x0  }
0x69: {  	[sflag:s15] =	ssyncadd.s32 $0xFFFFFFB0  }
0x6a: {  	[tilespmem:s17], [sflag:$0x1] =	stream.linear.gather [hbm4b:s12+s4], $0x2800, $0x38;
	[tilespmem:$0x6080] =	vst v63  }
0x6b: {  	p1 =	seq.s32 s7, $0x1;
	_ =	swait.ge [sflag:s15], $0x2800  }
.Ltmp9:
0x6c: {  	[sflag:s15] =	ssyncset.done $0x0;
	(pc) =	sbr.rel @p1 .LBB2_5-.Ltmp9, $4  }
0x6d: {  	[sflag:s15] =	ssyncadd.s32 $0xFFFFD800  }
0x6e: {  	[spmem:s2] =	stream.indirect.scatter.add.f32 [tilespmem:s17], [sflag:$0x1], $0x80, s4, s16, $0xb8;
	[tilespmem:$0x6080] =	vst v63  }
0x6f: {  	s19 =	sadd.s32 $0xFFFFFFFF, s7;
	_ =	swait.ge [sflag:s15], $0x2800  }
0x70: {  	s20 =	smov.u32 s12;
	s21 =	smov.u32 s13;
	[sflag:s15] =	ssyncset.done $0x0  }
.LBB2_4:
0x71: {  	[sflag:s15] =	ssyncadd.s32 $0xFFFFD800;
	s20 =	sadd.s32 $0x5000, s20;
	s21 =	sadd.s32 $0xA0, s21  }
0x72: {  	[tilespmem:s4], [sflag:$0x1] =	stream.linear.gather [hbm4b:s21+s4], $0x50, $0x38;
	[tilespmem:$0x6080] =	vst v63  }
0x73: {  	p1 =	seq.s32 s19, $0x1;
	s19 =	sadd.s32 $0xFFFFFFFF, s19;
	_ =	swait.ge [sflag:s15], $0x50  }
0x74: {  	[sflag:s15] =	ssyncset.done $0x0  }
0x75: {  	[sflag:s15] =	ssyncadd.s32 $0xFFFFFFB0  }
0x76: {  	[tilespmem:s17], [sflag:$0x1] =	stream.linear.gather [hbm4b:s20+s4], $0x2800, $0x38;
	[tilespmem:$0x6080] =	vst v63  }
0x77: {  	_ =	swait.ge [sflag:s15], $0x2800  }
.Ltmp10:
0x78: {  	[sflag:s15] =	ssyncset.done $0x0;
	(pc) =	sbr.rel @!p1 .LBB2_4-.Ltmp10, $4  }
0x79: {  	[sflag:s15] =	ssyncadd.s32 $0xFFFFD800  }
0x7a: {  	[spmem:s2] =	stream.indirect.scatter.add.f32 [tilespmem:s17], [sflag:$0x1], $0x80, s4, s16, $0xb8;
	[tilespmem:$0x6080] =	vst v63  }
0x7b: {  	_ =	swait.ge [sflag:s15], $0x2800  }
0x7c: {  	[sflag:s15] =	ssyncset.done $0x0  }
.LBB2_5:
.Ltmp11:
0x7d: {  	(pc) =	sbr.rel .LBB2_12-.Ltmp11, $2  }
0x7e: {  	_ =	sdelay $0x2  }
0x7f: {  	[sflag:s15] =	ssyncadd.s32 $0xFFFFD800;
	s20 =	smov.u32 s5;
	s19 =	smov.u32 s8  }
.LBB2_13:
0x80: {  	_ =	sfence.sel $0x180000  }
0x81: {  	[bflag:$0x0] =	sbarrier.arrive $0xFFFF  }
0x82: {  	p0 =	sne.s32 s1, $0x0;
	_ =	strace $0x90000053  }
0x83: {  	s0 =	sadd.s32 @!p0 $0x100000, s0;
	[bflag:$0x2] =	sbarrier.arrive $0xFFFF  }
0x84: {  	[sflag:s0] =	ssyncadd.tile.s32 @!p0 $0x1;
	_ =	shalt  }
.Lfunc_end2:
_tile_overlayer_lowered:
.L_overlay_start_2:
0x85: {  	(tag) =	ssettag $0x2  }
0x86: {  	s0 =	rddreg [dreg:$0x0];
	s2 =	stileid.u32  }
0x87: {  	s1 =	rddreg [dreg:$0x1];
	p0 =	sne.s32 s2, $0x0  }
0x88: {  	s3 =	rddreg [dreg:$0x2];
	[bflag:$0x3] =	sbarrier.arrive $0xFFFF;
	s2 =	simm.s32 @!p0 $0x1C01  }
0x89: {  	[timem:s3], [sflag:s2] =	dma.local @!p0 [hbm:s0], s1  }
0x8a: {  	s0 =	simm.s32 @!p0 $0x1  }
0x8b: {  	_ =	swait.ge @!p0 [sflag:s0], s1  }
0x8c: {  	s1 =	ssub.s32 @!p0 $0x0, s1;
	[sflag:s0] =	ssyncset.done @!p0 $0x0  }
0x8d: {  	[sflag:s0] =	ssyncadd.s32 @!p0 s1  }
0x8e: {  	[bflag:$0x3] =	sbarrier.arrive $0xFFFF  }
0x8f: {  	_ =	shalt  }

</sc_bundles>
